<compile_context>
chip_gen: v7x
topology: tpu7x:2x2x1
jax: 0.10.2.dev20260603
libtpu: 0.0.44.dev20260713+nightly
codegen_flags: <defaults>
</compile_context>

<pallas_src>
import functools

import jax
import jax.numpy as jnp
import numpy as np
from jax import lax
from jax.experimental import pallas as pl
from jax.experimental.pallas import tpu as pltpu
from jax.experimental.pallas import tpu_sc as plsc

GRID = 128
GRID3 = GRID * GRID * GRID
NPTS = 524288
NC, NS, L = 2, 16, 16
NW = NC * NS
PTS_PER_W = NPTS // NW
CHUNK = 512
N_CHUNK = PTS_PER_W // CHUNK

NROW = GRID3 // 8
ROWS_PER_TILE = NROW // NS
B_ROWS = 1024
B_N = ROWS_PER_TILE // B_ROWS

_SPACING = np.float32(1.0) / np.float32(127.0)
_INV_SPACING = np.float32(1.0) / _SPACING

_PAIR_ROW_OFF = (0, 128 // 8, 16384 // 8, 16512 // 8)


def _body(cvs_hbm, grid_hbm, bias_hbm, grad_hbm, ptab,
          xyz_a, xyz_b, idx_a, idx_b, vals_a, vals_b, bias_v, g_v,
          gbuf_a, gbuf_b, sem_a, sem_b):
    cid = lax.axis_index("c")
    sid = lax.axis_index("s")
    wid = sid * NC + cid
    base_pt = wid * PTS_PER_W
    lane = lax.iota(jnp.int32, L)

    row_t = sid * ROWS_PER_TILE
    bdescs = [None] * B_N
    for b in range(B_N):
        gb, gs = (gbuf_a, sem_a) if b % 2 == 0 else (gbuf_b, sem_b)
        row0 = row_t + b * B_ROWS
        if b >= 2:
            bdescs[b - 2][0].wait()
            bdescs[b - 2][1].wait()
        pltpu.sync_copy(grid_hbm.at[pl.ds(row0, B_ROWS)],
                        gb.at[pl.ds(0, B_ROWS)])

        @pl.when(row0 + B_ROWS < NROW)
        def _():
            pltpu.sync_copy(grid_hbm.at[pl.ds(row0 + B_ROWS, 1)],
                            gb.at[pl.ds(B_ROWS, 1)])

        bdescs[b] = (
            pltpu.async_copy(gb.at[pl.ds(0, B_ROWS)],
                             ptab.at[pl.ds(row0, B_ROWS), 0], gs),
            pltpu.async_copy(gb.at[pl.ds(1, B_ROWS)],
                             ptab.at[pl.ds(row0, B_ROWS), 1], gs),
        )
    for b in (B_N - 2, B_N - 1):
        bdescs[b][0].wait()
        bdescs[b][1].wait()
    plsc.subcore_barrier()

    bufs = ((xyz_a, idx_a, vals_a, sem_a), (xyz_b, idx_b, vals_b, sem_b))

    def stage(ci, xyz_v):
        pltpu.sync_copy(cvs_hbm.at[:, pl.ds(base_pt + ci * CHUNK, CHUNK)],
                        xyz_v.at[pl.ds(0, 3)])

    def p1(xyz_v, idx_v):
        @plsc.parallel_loop(0, CHUNK, L)
        def _(off):
            def cell(v):
                t = jnp.minimum(jnp.maximum(v, 0.0), 1.0) / _SPACING
                i = jnp.minimum(t.astype(jnp.int32), GRID - 2)
                return i, t - i.astype(jnp.float32)

            ix, fx = cell(xyz_v[0, pl.ds(off, L)])
            iy, fy = cell(xyz_v[1, pl.ds(off, L)])
            iz, fz = cell(xyz_v[2, pl.ds(off, L)])
            row000 = ((ix * GRID + iy) * GRID + iz) >> 3
            for c, roff in enumerate(_PAIR_ROW_OFF):
                idx_v[pl.ds(c * CHUNK + off, L)] = row000 + roff
            xyz_v[0, pl.ds(off, L)] = fx
            xyz_v[1, pl.ds(off, L)] = fy
            xyz_v[2, pl.ds(off, L)] = fz
            xyz_v[3, pl.ds(off, L)] = (iz & 7).astype(jnp.float32)

    def p2_out(ci, xyz_v, vals_v):
        @plsc.parallel_loop(0, CHUNK, L)
        def _(off):
            r = off + lane
            zero = jnp.zeros((L,), jnp.int32)
            m = xyz_v[3, pl.ds(off, L)].astype(jnp.int32)
            m1 = m + 1
            hi1 = m1 >> 3
            lo1 = m1 & 7
            v000 = plsc.load_gather(vals_v, [r, zero, m])
            v001 = plsc.load_gather(vals_v, [r, hi1, lo1])
            v010 = plsc.load_gather(vals_v, [r + CHUNK, zero, m])
            v011 = plsc.load_gather(vals_v, [r + CHUNK, hi1, lo1])
            v100 = plsc.load_gather(vals_v, [r + 2 * CHUNK, zero, m])
            v101 = plsc.load_gather(vals_v, [r + 2 * CHUNK, hi1, lo1])
            v110 = plsc.load_gather(vals_v, [r + 3 * CHUNK, zero, m])
            v111 = plsc.load_gather(vals_v, [r + 3 * CHUNK, hi1, lo1])
            fx = xyz_v[0, pl.ds(off, L)]
            fy = xyz_v[1, pl.ds(off, L)]
            fz = xyz_v[2, pl.ds(off, L)]

            a00 = v000 + (v001 - v000) * fz
            a01 = v010 + (v011 - v010) * fz
            a10 = v100 + (v101 - v100) * fz
            a11 = v110 + (v111 - v110) * fz
            b0 = a00 + (a01 - a00) * fy
            b1 = a10 + (a11 - a10) * fy
            bias = b0 + (b1 - b0) * fx
            dz0 = (v001 - v000) + ((v011 - v010) - (v001 - v000)) * fy
            dz1 = (v101 - v100) + ((v111 - v110) - (v101 - v100)) * fy
            gz = (dz0 + (dz1 - dz0) * fx) * _INV_SPACING
            gy = ((a01 - a00) + ((a11 - a10) - (a01 - a00)) * fx) * _INV_SPACING
            gx = (b1 - b0) * _INV_SPACING

            bias_v[pl.ds(off, L)] = bias
            g_v[0, pl.ds(off, L)] = gx
            g_v[1, pl.ds(off, L)] = gy
            g_v[2, pl.ds(off, L)] = gz

        start = base_pt + ci * CHUNK
        pltpu.sync_copy(bias_v, bias_hbm.at[pl.ds(start, CHUNK)])
        pltpu.sync_copy(g_v, grad_hbm.at[:, pl.ds(start, CHUNK)])

    stage(0, xyz_a)
    p1(xyz_a, idx_a)
    pltpu.async_copy(ptab.at[idx_a], vals_a, sem_a)
    stage(1, xyz_b)
    p1(xyz_b, idx_b)
    pltpu.async_copy(ptab.at[idx_b], vals_b, sem_b)

    def chunk_pair(k, _):
        ci = 2 * k
        for par, (x, i, v, s) in enumerate(bufs):
            cc = ci + par
            pltpu.make_async_copy(ptab.at[i], v, s).wait()
            p2_out(cc, x, v)

            @pl.when(cc + 2 < N_CHUNK)
            def _():
                stage(cc + 2, x)
                p1(x, i)
                pltpu.async_copy(ptab.at[i], v, s)
        return 0

    lax.fori_loop(0, N_CHUNK // 2, chunk_pair, 0)


@jax.jit
def _interp(cvs_t, grid_flat):
    mesh = plsc.VectorSubcoreMesh(core_axis_name="c", subcore_axis_name="s")
    return pl.kernel(
        _body,
        out_type=[
            jax.ShapeDtypeStruct((NPTS,), jnp.float32),
            jax.ShapeDtypeStruct((3, NPTS), jnp.float32),
        ],
        mesh=mesh,
        compiler_params=pltpu.CompilerParams(
            needs_layout_passes=False, use_tc_tiling_on_sc=False),
        scratch_types=[
            pltpu.HBM((NROW, 2, 8), jnp.float32),
            pltpu.VMEM((4, CHUNK), jnp.float32),
            pltpu.VMEM((4, CHUNK), jnp.float32),
            pltpu.VMEM((4 * CHUNK,), jnp.int32),
            pltpu.VMEM((4 * CHUNK,), jnp.int32),
            pltpu.VMEM((4 * CHUNK, 2, 8), jnp.float32),
            pltpu.VMEM((4 * CHUNK, 2, 8), jnp.float32),
            pltpu.VMEM((CHUNK,), jnp.float32),
            pltpu.VMEM((3, CHUNK), jnp.float32),
            pltpu.VMEM((B_ROWS + 1, 8), jnp.float32),
            pltpu.VMEM((B_ROWS + 1, 8), jnp.float32),
            pltpu.SemaphoreType.DMA,
            pltpu.SemaphoreType.DMA,
        ],
    )(cvs_t, grid_flat)


def kernel(cvs, bias_values):
    bias, grad_t = _interp(cvs.T, bias_values.reshape(NROW, 8))
    return bias, grad_t.T

# --- scband reference (transcript-rebuilt; emitter-appended) ---
"""Pipeline reference for scband-bias-grid-51135880626671 (READ-ONLY COPY).

The authoritative reference and input builder live on the scoring server;
editing this copy changes nothing except your own understanding.
"""

import jax, jax.numpy as jnp
import numpy as np

GRID_BIN = (128, 128, 128)
DIM = 3
BATCH = 524288

def _corners():
    c = np.stack(np.meshgrid(*([np.array([0.0, 1.0], dtype=np.float32)] * DIM), indexing='ij'), axis=-1)
    return jnp.asarray(c.reshape(-1, DIM)[:, None, :])  # (2**DIM, 1, DIM)

def setup_inputs(seed: int = 0) -> dict:
    key = jax.random.key(seed)
    k1, k2 = jax.random.split(key)
    # keep strictly inside the grid so floor/clamp paths match and w_dim stays nonzero
    cvs = jax.random.uniform(k1, (BATCH, DIM), dtype=jnp.float32, minval=0.005, maxval=0.995)
    # bias_values buffer (starts at zeros in the torch module, but we fill it so outputs are nontrivial)
    bias_values = jax.random.normal(k2, GRID_BIN, dtype=jnp.float32)
    return {"cvs": cvs, "bias_values": bias_values}

def reference(cvs, bias_values):
    grid_min = jnp.zeros((DIM,), jnp.float32)
    grid_max = jnp.ones((DIM,), jnp.float32)
    bins = jnp.asarray(GRID_BIN, jnp.float32)
    grid_spacing = (grid_max - grid_min) / (bins - 1.0)
    strides = jnp.asarray([GRID_BIN[1] * GRID_BIN[2], GRID_BIN[2], 1], jnp.int32)  # C-contiguous strides
    corners = _corners()  # (8,1,3)
    cvs = jnp.clip(cvs, grid_min, grid_max)
    t = (cvs - grid_min) / grid_spacing  # (B,3)
    i0 = jnp.floor(t).astype(jnp.int32)
    grid_dims = jnp.asarray(GRID_BIN, jnp.int32)
    i0 = jnp.clip(i0, jnp.zeros_like(grid_dims), grid_dims - 2)
    i0 = i0[None]  # (1,B,3)
    f = t[None] - i0.astype(jnp.float32)  # (1,B,3)
    w_dim = corners * f + (1.0 - corners) * (1.0 - f)  # (8,B,3)
    w = jnp.prod(w_dim, axis=-1)  # (8,B)
    idx_flat = ((i0 + corners.astype(jnp.int32)) * strides).sum(axis=-1)  # (8,B)
    vals = jnp.take(bias_values.reshape(-1), idx_flat, axis=0)  # gather, (8,B)
    bias = (w * vals).sum(axis=0)  # (B,)
    sign = 2.0 * corners - 1.0
    dw_df = w[..., None] * sign / w_dim  # (8,B,3)
    grad = (vals[..., None] * dw_df).sum(axis=0) / grid_spacing  # (B,3)
    return (bias, grad)

if __name__ == "__main__":
    import jax
    _d = setup_inputs()
    print(jax.jit(kernel)(*tuple(_d.values())))

</pallas_src>

<mosaic_0001>
#map = affine_map<(d0, d1) -> (0, 0)>
#map1 = affine_map<(d0, d1) -> (0)>
module attributes {stable_mosaic.version = 14 : i64} {
  func.func @_body(%arg0: i32, %arg1: i32, %arg2: memref<3x524288xf32, #tpu.memory_space<hbm>>, %arg3: memref<262144x8xf32, #tpu.memory_space<hbm>>, %arg4: memref<524288xf32, #tpu.memory_space<hbm>>, %arg5: memref<3x524288xf32, #tpu.memory_space<hbm>>, %arg6: memref<262144x2x8xf32, #tpu.memory_space<hbm>>, %arg7: memref<4x512xf32, #tpu.memory_space<vmem>>, %arg8: memref<4x512xf32, #tpu.memory_space<vmem>>, %arg9: memref<2048xi32, #tpu.memory_space<vmem>>, %arg10: memref<2048xi32, #tpu.memory_space<vmem>>, %arg11: memref<2048x2x8xf32, #tpu.memory_space<vmem>>, %arg12: memref<2048x2x8xf32, #tpu.memory_space<vmem>>, %arg13: memref<512xf32, #tpu.memory_space<vmem>>, %arg14: memref<3x512xf32, #tpu.memory_space<vmem>>, %arg15: memref<1025x8xf32, #tpu.memory_space<vmem>>, %arg16: memref<1025x8xf32, #tpu.memory_space<vmem>>, %arg17: memref<!tpu.dma_semaphore, #tpu.memory_space<semaphore_mem>>, %arg18: memref<!tpu.dma_semaphore, #tpu.memory_space<semaphore_mem>>) attributes {dimension_semantics = [#tpu.dimension_semantics<core_parallel>, #tpu.dimension_semantics<subcore_parallel>], iteration_bounds = array<i64: 2, 16>, scalar_prefetch = 0 : i64, scratch_operands = 13 : i64, tpu.core_type = #tpu.core_type<sc_vector_subcore>, window_params = [{transform_indices = #map}, {transform_indices = #map}, {transform_indices = #map1}, {transform_indices = #map}]} {
    %mul3A = arith.constant 2 : i32
    %mul3A_0 = arith.muli %arg1, %mul3A : i32
    %add3A = arith.addi %mul3A_0, %arg0 : i32
    %mul3A_1 = arith.constant 16384 : i32
    %mul3A_2 = arith.muli %add3A, %mul3A_1 : i32
    %iota3A = tpu.iota {dimensions = array<i32: 0>} : vector<16xi32>
    %mul3A_3 = arith.constant 16384 : i32
    %mul3A_4 = arith.muli %arg1, %mul3A_3 : i32
    %add3A_5 = arith.constant 0 : i32
    %add3A_6 = arith.addi %mul3A_4, %add3A_5 : i32
    "tpu.region"() ({
      %run_scoped3A = tpu.sem_alloc : memref<!tpu.dma_semaphore, #tpu.memory_space<semaphore_mem>>
      %dma_start3A_999 = arith.constant 0 : i32
      %dma_start3A_1000 = arith.constant 0 : i32
      %dma_start3A_1001 = tpu.memref_slice %arg15[%dma_start3A_999, %dma_start3A_1000] : memref<1025x8xf32, #tpu.memory_space<vmem>> -> memref<1024x8xf32, #tpu.memory_space<vmem>>
      %dma_start3A_1002 = arith.constant 0 : i32
      %dma_start3A_1003 = tpu.memref_slice %arg3[%add3A_6, %dma_start3A_1002] : memref<262144x8xf32, #tpu.memory_space<hbm>> -> memref<1024x8xf32, #tpu.memory_space<hbm>>
      %dma_start3A_1004 = arith.constant 0 : i32
      %dma_start3A_1005 = arith.constant 0 : i32
      %dma_start3A_1006 = tpu.memref_slice %arg15[%dma_start3A_1004, %dma_start3A_1005] : memref<1025x8xf32, #tpu.memory_space<vmem>> -> memref<1024x8xf32, #tpu.memory_space<vmem>>
      %dma_start3A_1007 = arith.constant 0 : i32
      %dma_start3A_1008 = tpu.memref_slice %arg3[%add3A_6, %dma_start3A_1007] : memref<262144x8xf32, #tpu.memory_space<hbm>> -> memref<1024x8xf32, #tpu.memory_space<hbm>>
      tpu.enqueue_dma source(%dma_start3A_1008 : memref<1024x8xf32, #tpu.memory_space<hbm>>) target(%dma_start3A_1006 : memref<1024x8xf32, #tpu.memory_space<vmem>>) target_semaphore(%run_scoped3A : memref<!tpu.dma_semaphore, #tpu.memory_space<semaphore_mem>>)
      %dma_wait3A_1009 = arith.constant 0 : i32
      %dma_wait3A_1010 = arith.constant 0 : i32
      %dma_wait3A_1011 = tpu.memref_slice %arg15[%dma_wait3A_1009, %dma_wait3A_1010] : memref<1025x8xf32, #tpu.memory_space<vmem>> -> memref<1024x8xf32, #tpu.memory_space<vmem>>
      %dma_wait3A_1012 = arith.constant 0 : i32
      %dma_wait3A_1013 = tpu.memref_slice %arg3[%add3A_6, %dma_wait3A_1012] : memref<262144x8xf32, #tpu.memory_space<hbm>> -> memref<1024x8xf32, #tpu.memory_space<hbm>>
      %dma_wait3A_1014 = arith.constant 0 : i32
      %dma_wait3A_1015 = arith.constant 0 : i32
      %dma_wait3A_1016 = tpu.memref_slice %arg15[%dma_wait3A_1014, %dma_wait3A_1015] : memref<1025x8xf32, #tpu.memory_space<vmem>> -> memref<1024x8xf32, #tpu.memory_space<vmem>>
      %dma_wait3A_1017 = arith.constant 0 : i32
      %dma_wait3A_1018 = tpu.memref_slice %arg3[%add3A_6, %dma_wait3A_1017] : memref<262144x8xf32, #tpu.memory_space<hbm>> -> memref<1024x8xf32, #tpu.memory_space<hbm>>
      tpu.wait_dma2 semaphore(%run_scoped3A : memref<!tpu.dma_semaphore, #tpu.memory_space<semaphore_mem>>) src(%dma_wait3A_1018 : memref<1024x8xf32, #tpu.memory_space<hbm>>) dst(%dma_wait3A_1016 : memref<1024x8xf32, #tpu.memory_space<vmem>>)
      tpu.yield
    }) : () -> ()
    %add3A_7 = arith.constant 1024 : i32
    %add3A_8 = arith.addi %add3A_6, %add3A_7 : i32
    %lt3A = arith.constant 262144 : i32
    %lt3A_9 = arith.cmpi slt, %add3A_8, %lt3A : i32
    %convert_element_type3A = arith.extui %lt3A_9 : i1 to i32
    %cond3A = arith.constant 0 : i32
    %cond3A_10 = arith.cmpi ne, %convert_element_type3A, %cond3A : i32
    scf.if %cond3A_10 {
      %add3A_999 = arith.constant 1024 : i32
      %add3A_1000 = arith.addi %add3A_6, %add3A_999 : i32
      "tpu.region"() ({
        %run_scoped3A = tpu.sem_alloc : memref<!tpu.dma_semaphore, #tpu.memory_space<semaphore_mem>>
        %dma_start3A_1001 = arith.constant 1024 : i32
        %dma_start3A_1002 = arith.constant 0 : i32
        %dma_start3A_1003 = tpu.memref_slice %arg15[%dma_start3A_1001, %dma_start3A_1002] : memref<1025x8xf32, #tpu.memory_space<vmem>> -> memref<1x8xf32, #tpu.memory_space<vmem>>
        %dma_start3A_1004 = arith.constant 0 : i32
        %dma_start3A_1005 = tpu.memref_slice %arg3[%add3A_1000, %dma_start3A_1004] : memref<262144x8xf32, #tpu.memory_space<hbm>> -> memref<1x8xf32, #tpu.memory_space<hbm>>
        %dma_start3A_1006 = arith.constant 1024 : i32
        %dma_start3A_1007 = arith.constant 0 : i32
        %dma_start3A_1008 = tpu.memref_slice %arg15[%dma_start3A_1006, %dma_start3A_1007] : memref<1025x8xf32, #tpu.memory_space<vmem>> -> memref<1x8xf32, #tpu.memory_space<vmem>>
        %dma_start3A_1009 = arith.constant 0 : i32
        %dma_start3A_1010 = tpu.memref_slice %arg3[%add3A_1000, %dma_start3A_1009] : memref<262144x8xf32, #tpu.memory_space<hbm>> -> memref<1x8xf32, #tpu.memory_space<hbm>>
        tpu.enqueue_dma source(%dma_start3A_1010 : memref<1x8xf32, #tpu.memory_space<hbm>>) target(%dma_start3A_1008 : memref<1x8xf32, #tpu.memory_space<vmem>>) target_semaphore(%run_scoped3A : memref<!tpu.dma_semaphore, #tpu.memory_space<semaphore_mem>>)
        %dma_wait3A_1011 = arith.constant 1024 : i32
        %dma_wait3A_1012 = arith.constant 0 : i32
        %dma_wait3A_1013 = tpu.memref_slice %arg15[%dma_wait3A_1011, %dma_wait3A_1012] : memref<1025x8xf32, #tpu.memory_space<vmem>> -> memref<1x8xf32, #tpu.memory_space<vmem>>
        %dma_wait3A_1014 = arith.constant 0 : i32
        %dma_wait3A_1015 = tpu.memref_slice %arg3[%add3A_1000, %dma_wait3A_1014] : memref<262144x8xf32, #tpu.memory_space<hbm>> -> memref<1x8xf32, #tpu.memory_space<hbm>>
        %dma_wait3A_1016 = arith.constant 1024 : i32
        %dma_wait3A_1017 = arith.constant 0 : i32
        %dma_wait3A_1018 = tpu.memref_slice %arg15[%dma_wait3A_1016, %dma_wait3A_1017] : memref<1025x8xf32, #tpu.memory_space<vmem>> -> memref<1x8xf32, #tpu.memory_space<vmem>>
        %dma_wait3A_1019 = arith.constant 0 : i32
        %dma_wait3A_1020 = tpu.memref_slice %arg3[%add3A_1000, %dma_wait3A_1019] : memref<262144x8xf32, #tpu.memory_space<hbm>> -> memref<1x8xf32, #tpu.memory_space<hbm>>
        tpu.wait_dma2 semaphore(%run_scoped3A : memref<!tpu.dma_semaphore, #tpu.memory_space<semaphore_mem>>) src(%dma_wait3A_1020 : memref<1x8xf32, #tpu.memory_space<hbm>>) dst(%dma_wait3A_1018 : memref<1x8xf32, #tpu.memory_space<vmem>>)
        tpu.yield
      }) : () -> ()
    } else {
    }
    %dma_start3A = arith.constant 0 : i32
    %dma_start3A_11 = arith.constant 0 : i32
    %dma_start3A_12 = arith.constant 0 : i32
    %dma_start3A_13 = tpu.memref_slice %arg15[%dma_start3A_11, %dma_start3A_12] : memref<1025x8xf32, #tpu.memory_space<vmem>> -> memref<1024x8xf32, #tpu.memory_space<vmem>>
    %dma_start3A_14 = arith.constant 0 : i32
    %dma_start3A_15 = tpu.memref_slice %arg6[%add3A_6, %dma_start3A, %dma_start3A_14] : memref<262144x2x8xf32, #tpu.memory_space<hbm>> -> memref<1024x1x8xf32, #tpu.memory_space<hbm>>
    %dma_start3A_16 = tpu.memref_squeeze %dma_start3A_15 : memref<1024x1x8xf32, #tpu.memory_space<hbm>> -> memref<1024x8xf32, #tpu.memory_space<hbm>>
    %dma_start3A_17 = arith.constant 0 : i32
    %dma_start3A_18 = tpu.memref_slice %arg6[%add3A_6, %dma_start3A, %dma_start3A_17] : memref<262144x2x8xf32, #tpu.memory_space<hbm>> -> memref<1024x1x8xf32, #tpu.memory_space<hbm>>
    %dma_start3A_19 = tpu.memref_squeeze %dma_start3A_18 : memref<1024x1x8xf32, #tpu.memory_space<hbm>> -> memref<1024x8xf32, #tpu.memory_space<hbm>>
    %dma_start3A_20 = arith.constant 0 : i32
    %dma_start3A_21 = arith.constant 0 : i32
    %dma_start3A_22 = tpu.memref_slice %arg15[%dma_start3A_20, %dma_start3A_21] : memref<1025x8xf32, #tpu.memory_space<vmem>> -> memref<1024x8xf32, #tpu.memory_space<vmem>>
    tpu.enqueue_dma source(%dma_start3A_22 : memref<1024x8xf32, #tpu.memory_space<vmem>>) target(%dma_start3A_19 : memref<1024x8xf32, #tpu.memory_space<hbm>>) target_semaphore(%arg17 : memref<!tpu.dma_semaphore, #tpu.memory_space<semaphore_mem>>)
    %dma_start3A_23 = arith.constant 1 : i32
    %dma_start3A_24 = arith.constant 1 : i32
    %dma_start3A_25 = arith.constant 0 : i32
    %dma_start3A_26 = tpu.memref_slice %arg15[%dma_start3A_24, %dma_start3A_25] : memref<1025x8xf32, #tpu.memory_space<vmem>> -> memref<1024x8xf32, #tpu.memory_space<vmem>>
    %dma_start3A_27 = arith.constant 0 : i32
    %dma_start3A_28 = tpu.memref_slice %arg6[%add3A_6, %dma_start3A_23, %dma_start3A_27] : memref<262144x2x8xf32, #tpu.memory_space<hbm>> -> memref<1024x1x8xf32, #tpu.memory_space<hbm>>
    %dma_start3A_29 = tpu.memref_squeeze %dma_start3A_28 : memref<1024x1x8xf32, #tpu.memory_space<hbm>> -> memref<1024x8xf32, #tpu.memory_space<hbm>>
    %dma_start3A_30 = arith.constant 0 : i32
    %dma_start3A_31 = tpu.memref_slice %arg6[%add3A_6, %dma_start3A_23, %dma_start3A_30] : memref<262144x2x8xf32, #tpu.memory_space<hbm>> -> memref<1024x1x8xf32, #tpu.memory_space<hbm>>
    %dma_start3A_32 = tpu.memref_squeeze %dma_start3A_31 : memref<1024x1x8xf32, #tpu.memory_space<hbm>> -> memref<1024x8xf32, #tpu.memory_space<hbm>>
    %dma_start3A_33 = arith.constant 1 : i32
    %dma_start3A_34 = arith.constant 0 : i32
    %dma_start3A_35 = tpu.memref_slice %arg15[%dma_start3A_33, %dma_start3A_34] : memref<1025x8xf32, #tpu.memory_space<vmem>> -> memref<1024x8xf32, #tpu.memory_space<vmem>>
    tpu.enqueue_dma source(%dma_start3A_35 : memref<1024x8xf32, #tpu.memory_space<vmem>>) target(%dma_start3A_32 : memref<1024x8xf32, #tpu.memory_space<hbm>>) target_semaphore(%arg17 : memref<!tpu.dma_semaphore, #tpu.memory_space<semaphore_mem>>)
    %add3A_36 = arith.constant 1024 : i32
    %add3A_37 = arith.addi %mul3A_4, %add3A_36 : i32
    "tpu.region"() ({
      %run_scoped3A = tpu.sem_alloc : memref<!tpu.dma_semaphore, #tpu.memory_space<semaphore_mem>>
      %dma_start3A_999 = arith.constant 0 : i32
      %dma_start3A_1000 = arith.constant 0 : i32
      %dma_start3A_1001 = tpu.memref_slice %arg16[%dma_start3A_999, %dma_start3A_1000] : memref<1025x8xf32, #tpu.memory_space<vmem>> -> memref<1024x8xf32, #tpu.memory_space<vmem>>
      %dma_start3A_1002 = arith.constant 0 : i32
      %dma_start3A_1003 = tpu.memref_slice %arg3[%add3A_37, %dma_start3A_1002] : memref<262144x8xf32, #tpu.memory_space<hbm>> -> memref<1024x8xf32, #tpu.memory_space<hbm>>
      %dma_start3A_1004 = arith.constant 0 : i32
      %dma_start3A_1005 = arith.constant 0 : i32
      %dma_start3A_1006 = tpu.memref_slice %arg16[%dma_start3A_1004, %dma_start3A_1005] : memref<1025x8xf32, #tpu.memory_space<vmem>> -> memref<1024x8xf32, #tpu.memory_space<vmem>>
      %dma_start3A_1007 = arith.constant 0 : i32
      %dma_start3A_1008 = tpu.memref_slice %arg3[%add3A_37, %dma_start3A_1007] : memref<262144x8xf32, #tpu.memory_space<hbm>> -> memref<1024x8xf32, #tpu.memory_space<hbm>>
      tpu.enqueue_dma source(%dma_start3A_1008 : memref<1024x8xf32, #tpu.memory_space<hbm>>) target(%dma_start3A_1006 : memref<1024x8xf32, #tpu.memory_space<vmem>>) target_semaphore(%run_scoped3A : memref<!tpu.dma_semaphore, #tpu.memory_space<semaphore_mem>>)
      %dma_wait3A_1009 = arith.constant 0 : i32
      %dma_wait3A_1010 = arith.constant 0 : i32
      %dma_wait3A_1011 = tpu.memref_slice %arg16[%dma_wait3A_1009, %dma_wait3A_1010] : memref<1025x8xf32, #tpu.memory_space<vmem>> -> memref<1024x8xf32, #tpu.memory_space<vmem>>
      %dma_wait3A_1012 = arith.constant 0 : i32
      %dma_wait3A_1013 = tpu.memref_slice %arg3[%add3A_37, %dma_wait3A_1012] : memref<262144x8xf32, #tpu.memory_space<hbm>> -> memref<1024x8xf32, #tpu.memory_space<hbm>>
      %dma_wait3A_1014 = arith.constant 0 : i32
      %dma_wait3A_1015 = arith.constant 0 : i32
      %dma_wait3A_1016 = tpu.memref_slice %arg16[%dma_wait3A_1014, %dma_wait3A_1015] : memref<1025x8xf32, #tpu.memory_space<vmem>> -> memref<1024x8xf32, #tpu.memory_space<vmem>>
      %dma_wait3A_1017 = arith.constant 0 : i32
      %dma_wait3A_1018 = tpu.memref_slice %arg3[%add3A_37, %dma_wait3A_1017] : memref<262144x8xf32, #tpu.memory_space<hbm>> -> memref<1024x8xf32, #tpu.memory_space<hbm>>
      tpu.wait_dma2 semaphore(%run_scoped3A : memref<!tpu.dma_semaphore, #tpu.memory_space<semaphore_mem>>) src(%dma_wait3A_1018 : memref<1024x8xf32, #tpu.memory_space<hbm>>) dst(%dma_wait3A_1016 : memref<1024x8xf32, #tpu.memory_space<vmem>>)
      tpu.yield
    }) : () -> ()
    %add3A_38 = arith.constant 1024 : i32
    %add3A_39 = arith.addi %add3A_37, %add3A_38 : i32
    %lt3A_40 = arith.constant 262144 : i32
    %lt3A_41 = arith.cmpi slt, %add3A_39, %lt3A_40 : i32
    %convert_element_type3A_42 = arith.extui %lt3A_41 : i1 to i32
    %cond3A_43 = arith.constant 0 : i32
    %cond3A_44 = arith.cmpi ne, %convert_element_type3A_42, %cond3A_43 : i32
    scf.if %cond3A_44 {
      %add3A_999 = arith.constant 1024 : i32
      %add3A_1000 = arith.addi %add3A_37, %add3A_999 : i32
      "tpu.region"() ({
        %run_scoped3A = tpu.sem_alloc : memref<!tpu.dma_semaphore, #tpu.memory_space<semaphore_mem>>
        %dma_start3A_1001 = arith.constant 1024 : i32
        %dma_start3A_1002 = arith.constant 0 : i32
        %dma_start3A_1003 = tpu.memref_slice %arg16[%dma_start3A_1001, %dma_start3A_1002] : memref<1025x8xf32, #tpu.memory_space<vmem>> -> memref<1x8xf32, #tpu.memory_space<vmem>>
        %dma_start3A_1004 = arith.constant 0 : i32
        %dma_start3A_1005 = tpu.memref_slice %arg3[%add3A_1000, %dma_start3A_1004] : memref<262144x8xf32, #tpu.memory_space<hbm>> -> memref<1x8xf32, #tpu.memory_space<hbm>>
        %dma_start3A_1006 = arith.constant 1024 : i32
        %dma_start3A_1007 = arith.constant 0 : i32
        %dma_start3A_1008 = tpu.memref_slice %arg16[%dma_start3A_1006, %dma_start3A_1007] : memref<1025x8xf32, #tpu.memory_space<vmem>> -> memref<1x8xf32, #tpu.memory_space<vmem>>
        %dma_start3A_1009 = arith.constant 0 : i32
        %dma_start3A_1010 = tpu.memref_slice %arg3[%add3A_1000, %dma_start3A_1009] : memref<262144x8xf32, #tpu.memory_space<hbm>> -> memref<1x8xf32, #tpu.memory_space<hbm>>
        tpu.enqueue_dma source(%dma_start3A_1010 : memref<1x8xf32, #tpu.memory_space<hbm>>) target(%dma_start3A_1008 : memref<1x8xf32, #tpu.memory_space<vmem>>) target_semaphore(%run_scoped3A : memref<!tpu.dma_semaphore, #tpu.memory_space<semaphore_mem>>)
        %dma_wait3A_1011 = arith.constant 1024 : i32
        %dma_wait3A_1012 = arith.constant 0 : i32
        %dma_wait3A_1013 = tpu.memref_slice %arg16[%dma_wait3A_1011, %dma_wait3A_1012] : memref<1025x8xf32, #tpu.memory_space<vmem>> -> memref<1x8xf32, #tpu.memory_space<vmem>>
        %dma_wait3A_1014 = arith.constant 0 : i32
        %dma_wait3A_1015 = tpu.memref_slice %arg3[%add3A_1000, %dma_wait3A_1014] : memref<262144x8xf32, #tpu.memory_space<hbm>> -> memref<1x8xf32, #tpu.memory_space<hbm>>
        %dma_wait3A_1016 = arith.constant 1024 : i32
        %dma_wait3A_1017 = arith.constant 0 : i32
        %dma_wait3A_1018 = tpu.memref_slice %arg16[%dma_wait3A_1016, %dma_wait3A_1017] : memref<1025x8xf32, #tpu.memory_space<vmem>> -> memref<1x8xf32, #tpu.memory_space<vmem>>
        %dma_wait3A_1019 = arith.constant 0 : i32
        %dma_wait3A_1020 = tpu.memref_slice %arg3[%add3A_1000, %dma_wait3A_1019] : memref<262144x8xf32, #tpu.memory_space<hbm>> -> memref<1x8xf32, #tpu.memory_space<hbm>>
        tpu.wait_dma2 semaphore(%run_scoped3A : memref<!tpu.dma_semaphore, #tpu.memory_space<semaphore_mem>>) src(%dma_wait3A_1020 : memref<1x8xf32, #tpu.memory_space<hbm>>) dst(%dma_wait3A_1018 : memref<1x8xf32, #tpu.memory_space<vmem>>)
        tpu.yield
      }) : () -> ()
    } else {
    }
    %dma_start3A_45 = arith.constant 0 : i32
    %dma_start3A_46 = arith.constant 0 : i32
    %dma_start3A_47 = arith.constant 0 : i32
    %dma_start3A_48 = tpu.memref_slice %arg16[%dma_start3A_46, %dma_start3A_47] : memref<1025x8xf32, #tpu.memory_space<vmem>> -> memref<1024x8xf32, #tpu.memory_space<vmem>>
    %dma_start3A_49 = arith.constant 0 : i32
    %dma_start3A_50 = tpu.memref_slice %arg6[%add3A_37, %dma_start3A_45, %dma_start3A_49] : memref<262144x2x8xf32, #tpu.memory_space<hbm>> -> memref<1024x1x8xf32, #tpu.memory_space<hbm>>
    %dma_start3A_51 = tpu.memref_squeeze %dma_start3A_50 : memref<1024x1x8xf32, #tpu.memory_space<hbm>> -> memref<1024x8xf32, #tpu.memory_space<hbm>>
    %dma_start3A_52 = arith.constant 0 : i32
    %dma_start3A_53 = tpu.memref_slice %arg6[%add3A_37, %dma_start3A_45, %dma_start3A_52] : memref<262144x2x8xf32, #tpu.memory_space<hbm>> -> memref<1024x1x8xf32, #tpu.memory_space<hbm>>
    %dma_start3A_54 = tpu.memref_squeeze %dma_start3A_53 : memref<1024x1x8xf32, #tpu.memory_space<hbm>> -> memref<1024x8xf32, #tpu.memory_space<hbm>>
    %dma_start3A_55 = arith.constant 0 : i32
    %dma_start3A_56 = arith.constant 0 : i32
    %dma_start3A_57 = tpu.memref_slice %arg16[%dma_start3A_55, %dma_start3A_56] : memref<1025x8xf32, #tpu.memory_space<vmem>> -> memref<1024x8xf32, #tpu.memory_space<vmem>>
    tpu.enqueue_dma source(%dma_start3A_57 : memref<1024x8xf32, #tpu.memory_space<vmem>>) target(%dma_start3A_54 : memref<1024x8xf32, #tpu.memory_space<hbm>>) target_semaphore(%arg18 : memref<!tpu.dma_semaphore, #tpu.memory_space<semaphore_mem>>)
    %dma_start3A_58 = arith.constant 1 : i32
    %dma_start3A_59 = arith.constant 1 : i32
    %dma_start3A_60 = arith.constant 0 : i32
    %dma_start3A_61 = tpu.memref_slice %arg16[%dma_start3A_59, %dma_start3A_60] : memref<1025x8xf32, #tpu.memory_space<vmem>> -> memref<1024x8xf32, #tpu.memory_space<vmem>>
    %dma_start3A_62 = arith.constant 0 : i32
    %dma_start3A_63 = tpu.memref_slice %arg6[%add3A_37, %dma_start3A_58, %dma_start3A_62] : memref<262144x2x8xf32, #tpu.memory_space<hbm>> -> memref<1024x1x8xf32, #tpu.memory_space<hbm>>
    %dma_start3A_64 = tpu.memref_squeeze %dma_start3A_63 : memref<1024x1x8xf32, #tpu.memory_space<hbm>> -> memref<1024x8xf32, #tpu.memory_space<hbm>>
    %dma_start3A_65 = arith.constant 0 : i32
    %dma_start3A_66 = tpu.memref_slice %arg6[%add3A_37, %dma_start3A_58, %dma_start3A_65] : memref<262144x2x8xf32, #tpu.memory_space<hbm>> -> memref<1024x1x8xf32, #tpu.memory_space<hbm>>
    %dma_start3A_67 = tpu.memref_squeeze %dma_start3A_66 : memref<1024x1x8xf32, #tpu.memory_space<hbm>> -> memref<1024x8xf32, #tpu.memory_space<hbm>>
    %dma_start3A_68 = arith.constant 1 : i32
    %dma_start3A_69 = arith.constant 0 : i32
    %dma_start3A_70 = tpu.memref_slice %arg16[%dma_start3A_68, %dma_start3A_69] : memref<1025x8xf32, #tpu.memory_space<vmem>> -> memref<1024x8xf32, #tpu.memory_space<vmem>>
    tpu.enqueue_dma source(%dma_start3A_70 : memref<1024x8xf32, #tpu.memory_space<vmem>>) target(%dma_start3A_67 : memref<1024x8xf32, #tpu.memory_space<hbm>>) target_semaphore(%arg18 : memref<!tpu.dma_semaphore, #tpu.memory_space<semaphore_mem>>)
    %add3A_71 = arith.constant 2048 : i32
    %add3A_72 = arith.addi %mul3A_4, %add3A_71 : i32
    %dma_wait3A = arith.constant 0 : i32
    %dma_wait3A_73 = arith.constant 0 : i32
    %dma_wait3A_74 = arith.constant 0 : i32
    %dma_wait3A_75 = tpu.memref_slice %arg15[%dma_wait3A_73, %dma_wait3A_74] : memref<1025x8xf32, #tpu.memory_space<vmem>> -> memref<1024x8xf32, #tpu.memory_space<vmem>>
    %dma_wait3A_76 = arith.constant 0 : i32
    %dma_wait3A_77 = tpu.memref_slice %arg6[%add3A_6, %dma_wait3A, %dma_wait3A_76] : memref<262144x2x8xf32, #tpu.memory_space<hbm>> -> memref<1024x1x8xf32, #tpu.memory_space<hbm>>
    %dma_wait3A_78 = tpu.memref_squeeze %dma_wait3A_77 : memref<1024x1x8xf32, #tpu.memory_space<hbm>> -> memref<1024x8xf32, #tpu.memory_space<hbm>>
    %dma_wait3A_79 = arith.constant 0 : i32
    %dma_wait3A_80 = tpu.memref_slice %arg6[%add3A_6, %dma_wait3A, %dma_wait3A_79] : memref<262144x2x8xf32, #tpu.memory_space<hbm>> -> memref<1024x1x8xf32, #tpu.memory_space<hbm>>
    %dma_wait3A_81 = tpu.memref_squeeze %dma_wait3A_80 : memref<1024x1x8xf32, #tpu.memory_space<hbm>> -> memref<1024x8xf32, #tpu.memory_space<hbm>>
    %dma_wait3A_82 = arith.constant 0 : i32
    %dma_wait3A_83 = arith.constant 0 : i32
    %dma_wait3A_84 = tpu.memref_slice %arg15[%dma_wait3A_82, %dma_wait3A_83] : memref<1025x8xf32, #tpu.memory_space<vmem>> -> memref<1024x8xf32, #tpu.memory_space<vmem>>
    tpu.wait_dma2 semaphore(%arg17 : memref<!tpu.dma_semaphore, #tpu.memory_space<semaphore_mem>>) src(%dma_wait3A_84 : memref<1024x8xf32, #tpu.memory_space<vmem>>) dst(%dma_wait3A_81 : memref<1024x8xf32, #tpu.memory_space<hbm>>)
    %dma_wait3A_85 = arith.constant 1 : i32
    %dma_wait3A_86 = arith.constant 1 : i32
    %dma_wait3A_87 = arith.constant 0 : i32
    %dma_wait3A_88 = tpu.memref_slice %arg15[%dma_wait3A_86, %dma_wait3A_87] : memref<1025x8xf32, #tpu.memory_space<vmem>> -> memref<1024x8xf32, #tpu.memory_space<vmem>>
    %dma_wait3A_89 = arith.constant 0 : i32
    %dma_wait3A_90 = tpu.memref_slice %arg6[%add3A_6, %dma_wait3A_85, %dma_wait3A_89] : memref<262144x2x8xf32, #tpu.memory_space<hbm>> -> memref<1024x1x8xf32, #tpu.memory_space<hbm>>
    %dma_wait3A_91 = tpu.memref_squeeze %dma_wait3A_90 : memref<1024x1x8xf32, #tpu.memory_space<hbm>> -> memref<1024x8xf32, #tpu.memory_space<hbm>>
    %dma_wait3A_92 = arith.constant 0 : i32
    %dma_wait3A_93 = tpu.memref_slice %arg6[%add3A_6, %dma_wait3A_85, %dma_wait3A_92] : memref<262144x2x8xf32, #tpu.memory_space<hbm>> -> memref<1024x1x8xf32, #tpu.memory_space<hbm>>
    %dma_wait3A_94 = tpu.memref_squeeze %dma_wait3A_93 : memref<1024x1x8xf32, #tpu.memory_space<hbm>> -> memref<1024x8xf32, #tpu.memory_space<hbm>>
    %dma_wait3A_95 = arith.constant 1 : i32
    %dma_wait3A_96 = arith.constant 0 : i32
    %dma_wait3A_97 = tpu.memref_slice %arg15[%dma_wait3A_95, %dma_wait3A_96] : memref<1025x8xf32, #tpu.memory_space<vmem>> -> memref<1024x8xf32, #tpu.memory_space<vmem>>
    tpu.wait_dma2 semaphore(%arg17 : memref<!tpu.dma_semaphore, #tpu.memory_space<semaphore_mem>>) src(%dma_wait3A_97 : memref<1024x8xf32, #tpu.memory_space<vmem>>) dst(%dma_wait3A_94 : memref<1024x8xf32, #tpu.memory_space<hbm>>)
    "tpu.region"() ({
      %run_scoped3A = tpu.sem_alloc : memref<!tpu.dma_semaphore, #tpu.memory_space<semaphore_mem>>
      %dma_start3A_999 = arith.constant 0 : i32
      %dma_start3A_1000 = arith.constant 0 : i32
      %dma_start3A_1001 = tpu.memref_slice %arg15[%dma_start3A_999, %dma_start3A_1000] : memref<1025x8xf32, #tpu.memory_space<vmem>> -> memref<1024x8xf32, #tpu.memory_space<vmem>>
      %dma_start3A_1002 = arith.constant 0 : i32
      %dma_start3A_1003 = tpu.memref_slice %arg3[%add3A_72, %dma_start3A_1002] : memref<262144x8xf32, #tpu.memory_space<hbm>> -> memref<1024x8xf32, #tpu.memory_space<hbm>>
      %dma_start3A_1004 = arith.constant 0 : i32
      %dma_start3A_1005 = arith.constant 0 : i32
      %dma_start3A_1006 = tpu.memref_slice %arg15[%dma_start3A_1004, %dma_start3A_1005] : memref<1025x8xf32, #tpu.memory_space<vmem>> -> memref<1024x8xf32, #tpu.memory_space<vmem>>
      %dma_start3A_1007 = arith.constant 0 : i32
      %dma_start3A_1008 = tpu.memref_slice %arg3[%add3A_72, %dma_start3A_1007] : memref<262144x8xf32, #tpu.memory_space<hbm>> -> memref<1024x8xf32, #tpu.memory_space<hbm>>
      tpu.enqueue_dma source(%dma_start3A_1008 : memref<1024x8xf32, #tpu.memory_space<hbm>>) target(%dma_start3A_1006 : memref<1024x8xf32, #tpu.memory_space<vmem>>) target_semaphore(%run_scoped3A : memref<!tpu.dma_semaphore, #tpu.memory_space<semaphore_mem>>)
      %dma_wait3A_1009 = arith.constant 0 : i32
      %dma_wait3A_1010 = arith.constant 0 : i32
      %dma_wait3A_1011 = tpu.memref_slice %arg15[%dma_wait3A_1009, %dma_wait3A_1010] : memref<1025x8xf32, #tpu.memory_space<vmem>> -> memref<1024x8xf32, #tpu.memory_space<vmem>>
      %dma_wait3A_1012 = arith.constant 0 : i32
      %dma_wait3A_1013 = tpu.memref_slice %arg3[%add3A_72, %dma_wait3A_1012] : memref<262144x8xf32, #tpu.memory_space<hbm>> -> memref<1024x8xf32, #tpu.memory_space<hbm>>
      %dma_wait3A_1014 = arith.constant 0 : i32
      %dma_wait3A_1015 = arith.constant 0 : i32
      %dma_wait3A_1016 = tpu.memref_slice %arg15[%dma_wait3A_1014, %dma_wait3A_1015] : memref<1025x8xf32, #tpu.memory_space<vmem>> -> memref<1024x8xf32, #tpu.memory_space<vmem>>
      %dma_wait3A_1017 = arith.constant 0 : i32
      %dma_wait3A_1018 = tpu.memref_slice %arg3[%add3A_72, %dma_wait3A_1017] : memref<262144x8xf32, #tpu.memory_space<hbm>> -> memref<1024x8xf32, #tpu.memory_space<hbm>>
      tpu.wait_dma2 semaphore(%run_scoped3A : memref<!tpu.dma_semaphore, #tpu.memory_space<semaphore_mem>>) src(%dma_wait3A_1018 : memref<1024x8xf32, #tpu.memory_space<hbm>>) dst(%dma_wait3A_1016 : memref<1024x8xf32, #tpu.memory_space<vmem>>)
      tpu.yield
    }) : () -> ()
    %add3A_98 = arith.constant 1024 : i32
    %add3A_99 = arith.addi %add3A_72, %add3A_98 : i32
    %lt3A_100 = arith.constant 262144 : i32
    %lt3A_101 = arith.cmpi slt, %add3A_99, %lt3A_100 : i32
    %convert_element_type3A_102 = arith.extui %lt3A_101 : i1 to i32
    %cond3A_103 = arith.constant 0 : i32
    %cond3A_104 = arith.cmpi ne, %convert_element_type3A_102, %cond3A_103 : i32
    scf.if %cond3A_104 {
      %add3A_999 = arith.constant 1024 : i32
      %add3A_1000 = arith.addi %add3A_72, %add3A_999 : i32
      "tpu.region"() ({
        %run_scoped3A = tpu.sem_alloc : memref<!tpu.dma_semaphore, #tpu.memory_space<semaphore_mem>>
        %dma_start3A_1001 = arith.constant 1024 : i32
        %dma_start3A_1002 = arith.constant 0 : i32
        %dma_start3A_1003 = tpu.memref_slice %arg15[%dma_start3A_1001, %dma_start3A_1002] : memref<1025x8xf32, #tpu.memory_space<vmem>> -> memref<1x8xf32, #tpu.memory_space<vmem>>
        %dma_start3A_1004 = arith.constant 0 : i32
        %dma_start3A_1005 = tpu.memref_slice %arg3[%add3A_1000, %dma_start3A_1004] : memref<262144x8xf32, #tpu.memory_space<hbm>> -> memref<1x8xf32, #tpu.memory_space<hbm>>
        %dma_start3A_1006 = arith.constant 1024 : i32
        %dma_start3A_1007 = arith.constant 0 : i32
        %dma_start3A_1008 = tpu.memref_slice %arg15[%dma_start3A_1006, %dma_start3A_1007] : memref<1025x8xf32, #tpu.memory_space<vmem>> -> memref<1x8xf32, #tpu.memory_space<vmem>>
        %dma_start3A_1009 = arith.constant 0 : i32
        %dma_start3A_1010 = tpu.memref_slice %arg3[%add3A_1000, %dma_start3A_1009] : memref<262144x8xf32, #tpu.memory_space<hbm>> -> memref<1x8xf32, #tpu.memory_space<hbm>>
        tpu.enqueue_dma source(%dma_start3A_1010 : memref<1x8xf32, #tpu.memory_space<hbm>>) target(%dma_start3A_1008 : memref<1x8xf32, #tpu.memory_space<vmem>>) target_semaphore(%run_scoped3A : memref<!tpu.dma_semaphore, #tpu.memory_space<semaphore_mem>>)
        %dma_wait3A_1011 = arith.constant 1024 : i32
        %dma_wait3A_1012 = arith.constant 0 : i32
        %dma_wait3A_1013 = tpu.memref_slice %arg15[%dma_wait3A_1011, %dma_wait3A_1012] : memref<1025x8xf32, #tpu.memory_space<vmem>> -> memref<1x8xf32, #tpu.memory_space<vmem>>
        %dma_wait3A_1014 = arith.constant 0 : i32
        %dma_wait3A_1015 = tpu.memref_slice %arg3[%add3A_1000, %dma_wait3A_1014] : memref<262144x8xf32, #tpu.memory_space<hbm>> -> memref<1x8xf32, #tpu.memory_space<hbm>>
        %dma_wait3A_1016 = arith.constant 1024 : i32
        %dma_wait3A_1017 = arith.constant 0 : i32
        %dma_wait3A_1018 = tpu.memref_slice %arg15[%dma_wait3A_1016, %dma_wait3A_1017] : memref<1025x8xf32, #tpu.memory_space<vmem>> -> memref<1x8xf32, #tpu.memory_space<vmem>>
        %dma_wait3A_1019 = arith.constant 0 : i32
        %dma_wait3A_1020 = tpu.memref_slice %arg3[%add3A_1000, %dma_wait3A_1019] : memref<262144x8xf32, #tpu.memory_space<hbm>> -> memref<1x8xf32, #tpu.memory_space<hbm>>
        tpu.wait_dma2 semaphore(%run_scoped3A : memref<!tpu.dma_semaphore, #tpu.memory_space<semaphore_mem>>) src(%dma_wait3A_1020 : memref<1x8xf32, #tpu.memory_space<hbm>>) dst(%dma_wait3A_1018 : memref<1x8xf32, #tpu.memory_space<vmem>>)
        tpu.yield
      }) : () -> ()
    } else {
    }
    %dma_start3A_105 = arith.constant 0 : i32
    %dma_start3A_106 = arith.constant 0 : i32
    %dma_start3A_107 = arith.constant 0 : i32
    %dma_start3A_108 = tpu.memref_slice %arg15[%dma_start3A_106, %dma_start3A_107] : memref<1025x8xf32, #tpu.memory_space<vmem>> -> memref<1024x8xf32, #tpu.memory_space<vmem>>
    %dma_start3A_109 = arith.constant 0 : i32
    %dma_start3A_110 = tpu.memref_slice %arg6[%add3A_72, %dma_start3A_105, %dma_start3A_109] : memref<262144x2x8xf32, #tpu.memory_space<hbm>> -> memref<1024x1x8xf32, #tpu.memory_space<hbm>>
    %dma_start3A_111 = tpu.memref_squeeze %dma_start3A_110 : memref<1024x1x8xf32, #tpu.memory_space<hbm>> -> memref<1024x8xf32, #tpu.memory_space<hbm>>
    %dma_start3A_112 = arith.constant 0 : i32
    %dma_start3A_113 = tpu.memref_slice %arg6[%add3A_72, %dma_start3A_105, %dma_start3A_112] : memref<262144x2x8xf32, #tpu.memory_space<hbm>> -> memref<1024x1x8xf32, #tpu.memory_space<hbm>>
    %dma_start3A_114 = tpu.memref_squeeze %dma_start3A_113 : memref<1024x1x8xf32, #tpu.memory_space<hbm>> -> memref<1024x8xf32, #tpu.memory_space<hbm>>
    %dma_start3A_115 = arith.constant 0 : i32
    %dma_start3A_116 = arith.constant 0 : i32
    %dma_start3A_117 = tpu.memref_slice %arg15[%dma_start3A_115, %dma_start3A_116] : memref<1025x8xf32, #tpu.memory_space<vmem>> -> memref<1024x8xf32, #tpu.memory_space<vmem>>
    tpu.enqueue_dma source(%dma_start3A_117 : memref<1024x8xf32, #tpu.memory_space<vmem>>) target(%dma_start3A_114 : memref<1024x8xf32, #tpu.memory_space<hbm>>) target_semaphore(%arg17 : memref<!tpu.dma_semaphore, #tpu.memory_space<semaphore_mem>>)
    %dma_start3A_118 = arith.constant 1 : i32
    %dma_start3A_119 = arith.constant 1 : i32
    %dma_start3A_120 = arith.constant 0 : i32
    %dma_start3A_121 = tpu.memref_slice %arg15[%dma_start3A_119, %dma_start3A_120] : memref<1025x8xf32, #tpu.memory_space<vmem>> -> memref<1024x8xf32, #tpu.memory_space<vmem>>
    %dma_start3A_122 = arith.constant 0 : i32
    %dma_start3A_123 = tpu.memref_slice %arg6[%add3A_72, %dma_start3A_118, %dma_start3A_122] : memref<262144x2x8xf32, #tpu.memory_space<hbm>> -> memref<1024x1x8xf32, #tpu.memory_space<hbm>>
    %dma_start3A_124 = tpu.memref_squeeze %dma_start3A_123 : memref<1024x1x8xf32, #tpu.memory_space<hbm>> -> memref<1024x8xf32, #tpu.memory_space<hbm>>
    %dma_start3A_125 = arith.constant 0 : i32
    %dma_start3A_126 = tpu.memref_slice %arg6[%add3A_72, %dma_start3A_118, %dma_start3A_125] : memref<262144x2x8xf32, #tpu.memory_space<hbm>> -> memref<1024x1x8xf32, #tpu.memory_space<hbm>>
    %dma_start3A_127 = tpu.memref_squeeze %dma_start3A_126 : memref<1024x1x8xf32, #tpu.memory_space<hbm>> -> memref<1024x8xf32, #tpu.memory_space<hbm>>
    %dma_start3A_128 = arith.constant 1 : i32
    %dma_start3A_129 = arith.constant 0 : i32
    %dma_start3A_130 = tpu.memref_slice %arg15[%dma_start3A_128, %dma_start3A_129] : memref<1025x8xf32, #tpu.memory_space<vmem>> -> memref<1024x8xf32, #tpu.memory_space<vmem>>
    tpu.enqueue_dma source(%dma_start3A_130 : memref<1024x8xf32, #tpu.memory_space<vmem>>) target(%dma_start3A_127 : memref<1024x8xf32, #tpu.memory_space<hbm>>) target_semaphore(%arg17 : memref<!tpu.dma_semaphore, #tpu.memory_space<semaphore_mem>>)
    %add3A_131 = arith.constant 3072 : i32
    %add3A_132 = arith.addi %mul3A_4, %add3A_131 : i32
    %dma_wait3A_133 = arith.constant 0 : i32
    %dma_wait3A_134 = arith.constant 0 : i32
    %dma_wait3A_135 = arith.constant 0 : i32
    %dma_wait3A_136 = tpu.memref_slice %arg16[%dma_wait3A_134, %dma_wait3A_135] : memref<1025x8xf32, #tpu.memory_space<vmem>> -> memref<1024x8xf32, #tpu.memory_space<vmem>>
    %dma_wait3A_137 = arith.constant 0 : i32
    %dma_wait3A_138 = tpu.memref_slice %arg6[%add3A_37, %dma_wait3A_133, %dma_wait3A_137] : memref<262144x2x8xf32, #tpu.memory_space<hbm>> -> memref<1024x1x8xf32, #tpu.memory_space<hbm>>
    %dma_wait3A_139 = tpu.memref_squeeze %dma_wait3A_138 : memref<1024x1x8xf32, #tpu.memory_space<hbm>> -> memref<1024x8xf32, #tpu.memory_space<hbm>>
    %dma_wait3A_140 = arith.constant 0 : i32
    %dma_wait3A_141 = tpu.memref_slice %arg6[%add3A_37, %dma_wait3A_133, %dma_wait3A_140] : memref<262144x2x8xf32, #tpu.memory_space<hbm>> -> memref<1024x1x8xf32, #tpu.memory_space<hbm>>
    %dma_wait3A_142 = tpu.memref_squeeze %dma_wait3A_141 : memref<1024x1x8xf32, #tpu.memory_space<hbm>> -> memref<1024x8xf32, #tpu.memory_space<hbm>>
    %dma_wait3A_143 = arith.constant 0 : i32
    %dma_wait3A_144 = arith.constant 0 : i32
    %dma_wait3A_145 = tpu.memref_slice %arg16[%dma_wait3A_143, %dma_wait3A_144] : memref<1025x8xf32, #tpu.memory_space<vmem>> -> memref<1024x8xf32, #tpu.memory_space<vmem>>
    tpu.wait_dma2 semaphore(%arg18 : memref<!tpu.dma_semaphore, #tpu.memory_space<semaphore_mem>>) src(%dma_wait3A_145 : memref<1024x8xf32, #tpu.memory_space<vmem>>) dst(%dma_wait3A_142 : memref<1024x8xf32, #tpu.memory_space<hbm>>)
    %dma_wait3A_146 = arith.constant 1 : i32
    %dma_wait3A_147 = arith.constant 1 : i32
    %dma_wait3A_148 = arith.constant 0 : i32
    %dma_wait3A_149 = tpu.memref_slice %arg16[%dma_wait3A_147, %dma_wait3A_148] : memref<1025x8xf32, #tpu.memory_space<vmem>> -> memref<1024x8xf32, #tpu.memory_space<vmem>>
    %dma_wait3A_150 = arith.constant 0 : i32
    %dma_wait3A_151 = tpu.memref_slice %arg6[%add3A_37, %dma_wait3A_146, %dma_wait3A_150] : memref<262144x2x8xf32, #tpu.memory_space<hbm>> -> memref<1024x1x8xf32, #tpu.memory_space<hbm>>
    %dma_wait3A_152 = tpu.memref_squeeze %dma_wait3A_151 : memref<1024x1x8xf32, #tpu.memory_space<hbm>> -> memref<1024x8xf32, #tpu.memory_space<hbm>>
    %dma_wait3A_153 = arith.constant 0 : i32
    %dma_wait3A_154 = tpu.memref_slice %arg6[%add3A_37, %dma_wait3A_146, %dma_wait3A_153] : memref<262144x2x8xf32, #tpu.memory_space<hbm>> -> memref<1024x1x8xf32, #tpu.memory_space<hbm>>
    %dma_wait3A_155 = tpu.memref_squeeze %dma_wait3A_154 : memref<1024x1x8xf32, #tpu.memory_space<hbm>> -> memref<1024x8xf32, #tpu.memory_space<hbm>>
    %dma_wait3A_156 = arith.constant 1 : i32
    %dma_wait3A_157 = arith.constant 0 : i32
    %dma_wait3A_158 = tpu.memref_slice %arg16[%dma_wait3A_156, %dma_wait3A_157] : memref<1025x8xf32, #tpu.memory_space<vmem>> -> memref<1024x8xf32, #tpu.memory_space<vmem>>
    tpu.wait_dma2 semaphore(%arg18 : memref<!tpu.dma_semaphore, #tpu.memory_space<semaphore_mem>>) src(%dma_wait3A_158 : memref<1024x8xf32, #tpu.memory_space<vmem>>) dst(%dma_wait3A_155 : memref<1024x8xf32, #tpu.memory_space<hbm>>)
    "tpu.region"() ({
      %run_scoped3A = tpu.sem_alloc : memref<!tpu.dma_semaphore, #tpu.memory_space<semaphore_mem>>
      %dma_start3A_999 = arith.constant 0 : i32
      %dma_start3A_1000 = arith.constant 0 : i32
      %dma_start3A_1001 = tpu.memref_slice %arg16[%dma_start3A_999, %dma_start3A_1000] : memref<1025x8xf32, #tpu.memory_space<vmem>> -> memref<1024x8xf32, #tpu.memory_space<vmem>>
      %dma_start3A_1002 = arith.constant 0 : i32
      %dma_start3A_1003 = tpu.memref_slice %arg3[%add3A_132, %dma_start3A_1002] : memref<262144x8xf32, #tpu.memory_space<hbm>> -> memref<1024x8xf32, #tpu.memory_space<hbm>>
      %dma_start3A_1004 = arith.constant 0 : i32
      %dma_start3A_1005 = arith.constant 0 : i32
      %dma_start3A_1006 = tpu.memref_slice %arg16[%dma_start3A_1004, %dma_start3A_1005] : memref<1025x8xf32, #tpu.memory_space<vmem>> -> memref<1024x8xf32, #tpu.memory_space<vmem>>
      %dma_start3A_1007 = arith.constant 0 : i32
      %dma_start3A_1008 = tpu.memref_slice %arg3[%add3A_132, %dma_start3A_1007] : memref<262144x8xf32, #tpu.memory_space<hbm>> -> memref<1024x8xf32, #tpu.memory_space<hbm>>
      tpu.enqueue_dma source(%dma_start3A_1008 : memref<1024x8xf32, #tpu.memory_space<hbm>>) target(%dma_start3A_1006 : memref<1024x8xf32, #tpu.memory_space<vmem>>) target_semaphore(%run_scoped3A : memref<!tpu.dma_semaphore, #tpu.memory_space<semaphore_mem>>)
      %dma_wait3A_1009 = arith.constant 0 : i32
      %dma_wait3A_1010 = arith.constant 0 : i32
      %dma_wait3A_1011 = tpu.memref_slice %arg16[%dma_wait3A_1009, %dma_wait3A_1010] : memref<1025x8xf32, #tpu.memory_space<vmem>> -> memref<1024x8xf32, #tpu.memory_space<vmem>>
      %dma_wait3A_1012 = arith.constant 0 : i32
      %dma_wait3A_1013 = tpu.memref_slice %arg3[%add3A_132, %dma_wait3A_1012] : memref<262144x8xf32, #tpu.memory_space<hbm>> -> memref<1024x8xf32, #tpu.memory_space<hbm>>
      %dma_wait3A_1014 = arith.constant 0 : i32
      %dma_wait3A_1015 = arith.constant 0 : i32
      %dma_wait3A_1016 = tpu.memref_slice %arg16[%dma_wait3A_1014, %dma_wait3A_1015] : memref<1025x8xf32, #tpu.memory_space<vmem>> -> memref<1024x8xf32, #tpu.memory_space<vmem>>
      %dma_wait3A_1017 = arith.constant 0 : i32
      %dma_wait3A_1018 = tpu.memref_slice %arg3[%add3A_132, %dma_wait3A_1017] : memref<262144x8xf32, #tpu.memory_space<hbm>> -> memref<1024x8xf32, #tpu.memory_space<hbm>>
      tpu.wait_dma2 semaphore(%run_scoped3A : memref<!tpu.dma_semaphore, #tpu.memory_space<semaphore_mem>>) src(%dma_wait3A_1018 : memref<1024x8xf32, #tpu.memory_space<hbm>>) dst(%dma_wait3A_1016 : memref<1024x8xf32, #tpu.memory_space<vmem>>)
      tpu.yield
    }) : () -> ()
    %add3A_159 = arith.constant 1024 : i32
    %add3A_160 = arith.addi %add3A_132, %add3A_159 : i32
    %lt3A_161 = arith.constant 262144 : i32
    %lt3A_162 = arith.cmpi slt, %add3A_160, %lt3A_161 : i32
    %convert_element_type3A_163 = arith.extui %lt3A_162 : i1 to i32
    %cond3A_164 = arith.constant 0 : i32
    %cond3A_165 = arith.cmpi ne, %convert_element_type3A_163, %cond3A_164 : i32
    scf.if %cond3A_165 {
      %add3A_999 = arith.constant 1024 : i32
      %add3A_1000 = arith.addi %add3A_132, %add3A_999 : i32
      "tpu.region"() ({
        %run_scoped3A = tpu.sem_alloc : memref<!tpu.dma_semaphore, #tpu.memory_space<semaphore_mem>>
        %dma_start3A_1001 = arith.constant 1024 : i32
        %dma_start3A_1002 = arith.constant 0 : i32
        %dma_start3A_1003 = tpu.memref_slice %arg16[%dma_start3A_1001, %dma_start3A_1002] : memref<1025x8xf32, #tpu.memory_space<vmem>> -> memref<1x8xf32, #tpu.memory_space<vmem>>
        %dma_start3A_1004 = arith.constant 0 : i32
        %dma_start3A_1005 = tpu.memref_slice %arg3[%add3A_1000, %dma_start3A_1004] : memref<262144x8xf32, #tpu.memory_space<hbm>> -> memref<1x8xf32, #tpu.memory_space<hbm>>
        %dma_start3A_1006 = arith.constant 1024 : i32
        %dma_start3A_1007 = arith.constant 0 : i32
        %dma_start3A_1008 = tpu.memref_slice %arg16[%dma_start3A_1006, %dma_start3A_1007] : memref<1025x8xf32, #tpu.memory_space<vmem>> -> memref<1x8xf32, #tpu.memory_space<vmem>>
        %dma_start3A_1009 = arith.constant 0 : i32
        %dma_start3A_1010 = tpu.memref_slice %arg3[%add3A_1000, %dma_start3A_1009] : memref<262144x8xf32, #tpu.memory_space<hbm>> -> memref<1x8xf32, #tpu.memory_space<hbm>>
        tpu.enqueue_dma source(%dma_start3A_1010 : memref<1x8xf32, #tpu.memory_space<hbm>>) target(%dma_start3A_1008 : memref<1x8xf32, #tpu.memory_space<vmem>>) target_semaphore(%run_scoped3A : memref<!tpu.dma_semaphore, #tpu.memory_space<semaphore_mem>>)
        %dma_wait3A_1011 = arith.constant 1024 : i32
        %dma_wait3A_1012 = arith.constant 0 : i32
        %dma_wait3A_1013 = tpu.memref_slice %arg16[%dma_wait3A_1011, %dma_wait3A_1012] : memref<1025x8xf32, #tpu.memory_space<vmem>> -> memref<1x8xf32, #tpu.memory_space<vmem>>
        %dma_wait3A_1014 = arith.constant 0 : i32
        %dma_wait3A_1015 = tpu.memref_slice %arg3[%add3A_1000, %dma_wait3A_1014] : memref<262144x8xf32, #tpu.memory_space<hbm>> -> memref<1x8xf32, #tpu.memory_space<hbm>>
        %dma_wait3A_1016 = arith.constant 1024 : i32
        %dma_wait3A_1017 = arith.constant 0 : i32
        %dma_wait3A_1018 = tpu.memref_slice %arg16[%dma_wait3A_1016, %dma_wait3A_1017] : memref<1025x8xf32, #tpu.memory_space<vmem>> -> memref<1x8xf32, #tpu.memory_space<vmem>>
        %dma_wait3A_1019 = arith.constant 0 : i32
        %dma_wait3A_1020 = tpu.memref_slice %arg3[%add3A_1000, %dma_wait3A_1019] : memref<262144x8xf32, #tpu.memory_space<hbm>> -> memref<1x8xf32, #tpu.memory_space<hbm>>
        tpu.wait_dma2 semaphore(%run_scoped3A : memref<!tpu.dma_semaphore, #tpu.memory_space<semaphore_mem>>) src(%dma_wait3A_1020 : memref<1x8xf32, #tpu.memory_space<hbm>>) dst(%dma_wait3A_1018 : memref<1x8xf32, #tpu.memory_space<vmem>>)
        tpu.yield
      }) : () -> ()
    } else {
    }
    %dma_start3A_166 = arith.constant 0 : i32
    %dma_start3A_167 = arith.constant 0 : i32
    %dma_start3A_168 = arith.constant 0 : i32
    %dma_start3A_169 = tpu.memref_slice %arg16[%dma_start3A_167, %dma_start3A_168] : memref<1025x8xf32, #tpu.memory_space<vmem>> -> memref<1024x8xf32, #tpu.memory_space<vmem>>
    %dma_start3A_170 = arith.constant 0 : i32
    %dma_start3A_171 = tpu.memref_slice %arg6[%add3A_132, %dma_start3A_166, %dma_start3A_170] : memref<262144x2x8xf32, #tpu.memory_space<hbm>> -> memref<1024x1x8xf32, #tpu.memory_space<hbm>>
    %dma_start3A_172 = tpu.memref_squeeze %dma_start3A_171 : memref<1024x1x8xf32, #tpu.memory_space<hbm>> -> memref<1024x8xf32, #tpu.memory_space<hbm>>
    %dma_start3A_173 = arith.constant 0 : i32
    %dma_start3A_174 = tpu.memref_slice %arg6[%add3A_132, %dma_start3A_166, %dma_start3A_173] : memref<262144x2x8xf32, #tpu.memory_space<hbm>> -> memref<1024x1x8xf32, #tpu.memory_space<hbm>>
    %dma_start3A_175 = tpu.memref_squeeze %dma_start3A_174 : memref<1024x1x8xf32, #tpu.memory_space<hbm>> -> memref<1024x8xf32, #tpu.memory_space<hbm>>
    %dma_start3A_176 = arith.constant 0 : i32
    %dma_start3A_177 = arith.constant 0 : i32
    %dma_start3A_178 = tpu.memref_slice %arg16[%dma_start3A_176, %dma_start3A_177] : memref<1025x8xf32, #tpu.memory_space<vmem>> -> memref<1024x8xf32, #tpu.memory_space<vmem>>
    tpu.enqueue_dma source(%dma_start3A_178 : memref<1024x8xf32, #tpu.memory_space<vmem>>) target(%dma_start3A_175 : memref<1024x8xf32, #tpu.memory_space<hbm>>) target_semaphore(%arg18 : memref<!tpu.dma_semaphore, #tpu.memory_space<semaphore_mem>>)
    %dma_start3A_179 = arith.constant 1 : i32
    %dma_start3A_180 = arith.constant 1 : i32
    %dma_start3A_181 = arith.constant 0 : i32
    %dma_start3A_182 = tpu.memref_slice %arg16[%dma_start3A_180, %dma_start3A_181] : memref<1025x8xf32, #tpu.memory_space<vmem>> -> memref<1024x8xf32, #tpu.memory_space<vmem>>
    %dma_start3A_183 = arith.constant 0 : i32
    %dma_start3A_184 = tpu.memref_slice %arg6[%add3A_132, %dma_start3A_179, %dma_start3A_183] : memref<262144x2x8xf32, #tpu.memory_space<hbm>> -> memref<1024x1x8xf32, #tpu.memory_space<hbm>>
    %dma_start3A_185 = tpu.memref_squeeze %dma_start3A_184 : memref<1024x1x8xf32, #tpu.memory_space<hbm>> -> memref<1024x8xf32, #tpu.memory_space<hbm>>
    %dma_start3A_186 = arith.constant 0 : i32
    %dma_start3A_187 = tpu.memref_slice %arg6[%add3A_132, %dma_start3A_179, %dma_start3A_186] : memref<262144x2x8xf32, #tpu.memory_space<hbm>> -> memref<1024x1x8xf32, #tpu.memory_space<hbm>>
    %dma_start3A_188 = tpu.memref_squeeze %dma_start3A_187 : memref<1024x1x8xf32, #tpu.memory_space<hbm>> -> memref<1024x8xf32, #tpu.memory_space<hbm>>
    %dma_start3A_189 = arith.constant 1 : i32
    %dma_start3A_190 = arith.constant 0 : i32
    %dma_start3A_191 = tpu.memref_slice %arg16[%dma_start3A_189, %dma_start3A_190] : memref<1025x8xf32, #tpu.memory_space<vmem>> -> memref<1024x8xf32, #tpu.memory_space<vmem>>
    tpu.enqueue_dma source(%dma_start3A_191 : memref<1024x8xf32, #tpu.memory_space<vmem>>) target(%dma_start3A_188 : memref<1024x8xf32, #tpu.memory_space<hbm>>) target_semaphore(%arg18 : memref<!tpu.dma_semaphore, #tpu.memory_space<semaphore_mem>>)
    %add3A_192 = arith.constant 4096 : i32
    %add3A_193 = arith.addi %mul3A_4, %add3A_192 : i32
    %dma_wait3A_194 = arith.constant 0 : i32
    %dma_wait3A_195 = arith.constant 0 : i32
    %dma_wait3A_196 = arith.constant 0 : i32
    %dma_wait3A_197 = tpu.memref_slice %arg15[%dma_wait3A_195, %dma_wait3A_196] : memref<1025x8xf32, #tpu.memory_space<vmem>> -> memref<1024x8xf32, #tpu.memory_space<vmem>>
    %dma_wait3A_198 = arith.constant 0 : i32
    %dma_wait3A_199 = tpu.memref_slice %arg6[%add3A_72, %dma_wait3A_194, %dma_wait3A_198] : memref<262144x2x8xf32, #tpu.memory_space<hbm>> -> memref<1024x1x8xf32, #tpu.memory_space<hbm>>
    %dma_wait3A_200 = tpu.memref_squeeze %dma_wait3A_199 : memref<1024x1x8xf32, #tpu.memory_space<hbm>> -> memref<1024x8xf32, #tpu.memory_space<hbm>>
    %dma_wait3A_201 = arith.constant 0 : i32
    %dma_wait3A_202 = tpu.memref_slice %arg6[%add3A_72, %dma_wait3A_194, %dma_wait3A_201] : memref<262144x2x8xf32, #tpu.memory_space<hbm>> -> memref<1024x1x8xf32, #tpu.memory_space<hbm>>
    %dma_wait3A_203 = tpu.memref_squeeze %dma_wait3A_202 : memref<1024x1x8xf32, #tpu.memory_space<hbm>> -> memref<1024x8xf32, #tpu.memory_space<hbm>>
    %dma_wait3A_204 = arith.constant 0 : i32
    %dma_wait3A_205 = arith.constant 0 : i32
    %dma_wait3A_206 = tpu.memref_slice %arg15[%dma_wait3A_204, %dma_wait3A_205] : memref<1025x8xf32, #tpu.memory_space<vmem>> -> memref<1024x8xf32, #tpu.memory_space<vmem>>
    tpu.wait_dma2 semaphore(%arg17 : memref<!tpu.dma_semaphore, #tpu.memory_space<semaphore_mem>>) src(%dma_wait3A_206 : memref<1024x8xf32, #tpu.memory_space<vmem>>) dst(%dma_wait3A_203 : memref<1024x8xf32, #tpu.memory_space<hbm>>)
    %dma_wait3A_207 = arith.constant 1 : i32
    %dma_wait3A_208 = arith.constant 1 : i32
    %dma_wait3A_209 = arith.constant 0 : i32
    %dma_wait3A_210 = tpu.memref_slice %arg15[%dma_wait3A_208, %dma_wait3A_209] : memref<1025x8xf32, #tpu.memory_space<vmem>> -> memref<1024x8xf32, #tpu.memory_space<vmem>>
    %dma_wait3A_211 = arith.constant 0 : i32
    %dma_wait3A_212 = tpu.memref_slice %arg6[%add3A_72, %dma_wait3A_207, %dma_wait3A_211] : memref<262144x2x8xf32, #tpu.memory_space<hbm>> -> memref<1024x1x8xf32, #tpu.memory_space<hbm>>
    %dma_wait3A_213 = tpu.memref_squeeze %dma_wait3A_212 : memref<1024x1x8xf32, #tpu.memory_space<hbm>> -> memref<1024x8xf32, #tpu.memory_space<hbm>>
    %dma_wait3A_214 = arith.constant 0 : i32
    %dma_wait3A_215 = tpu.memref_slice %arg6[%add3A_72, %dma_wait3A_207, %dma_wait3A_214] : memref<262144x2x8xf32, #tpu.memory_space<hbm>> -> memref<1024x1x8xf32, #tpu.memory_space<hbm>>
    %dma_wait3A_216 = tpu.memref_squeeze %dma_wait3A_215 : memref<1024x1x8xf32, #tpu.memory_space<hbm>> -> memref<1024x8xf32, #tpu.memory_space<hbm>>
    %dma_wait3A_217 = arith.constant 1 : i32
    %dma_wait3A_218 = arith.constant 0 : i32
    %dma_wait3A_219 = tpu.memref_slice %arg15[%dma_wait3A_217, %dma_wait3A_218] : memref<1025x8xf32, #tpu.memory_space<vmem>> -> memref<1024x8xf32, #tpu.memory_space<vmem>>
    tpu.wait_dma2 semaphore(%arg17 : memref<!tpu.dma_semaphore, #tpu.memory_space<semaphore_mem>>) src(%dma_wait3A_219 : memref<1024x8xf32, #tpu.memory_space<vmem>>) dst(%dma_wait3A_216 : memref<1024x8xf32, #tpu.memory_space<hbm>>)
    "tpu.region"() ({
      %run_scoped3A = tpu.sem_alloc : memref<!tpu.dma_semaphore, #tpu.memory_space<semaphore_mem>>
      %dma_start3A_999 = arith.constant 0 : i32
      %dma_start3A_1000 = arith.constant 0 : i32
      %dma_start3A_1001 = tpu.memref_slice %arg15[%dma_start3A_999, %dma_start3A_1000] : memref<1025x8xf32, #tpu.memory_space<vmem>> -> memref<1024x8xf32, #tpu.memory_space<vmem>>
      %dma_start3A_1002 = arith.constant 0 : i32
      %dma_start3A_1003 = tpu.memref_slice %arg3[%add3A_193, %dma_start3A_1002] : memref<262144x8xf32, #tpu.memory_space<hbm>> -> memref<1024x8xf32, #tpu.memory_space<hbm>>
      %dma_start3A_1004 = arith.constant 0 : i32
      %dma_start3A_1005 = arith.constant 0 : i32
      %dma_start3A_1006 = tpu.memref_slice %arg15[%dma_start3A_1004, %dma_start3A_1005] : memref<1025x8xf32, #tpu.memory_space<vmem>> -> memref<1024x8xf32, #tpu.memory_space<vmem>>
      %dma_start3A_1007 = arith.constant 0 : i32
      %dma_start3A_1008 = tpu.memref_slice %arg3[%add3A_193, %dma_start3A_1007] : memref<262144x8xf32, #tpu.memory_space<hbm>> -> memref<1024x8xf32, #tpu.memory_space<hbm>>
      tpu.enqueue_dma source(%dma_start3A_1008 : memref<1024x8xf32, #tpu.memory_space<hbm>>) target(%dma_start3A_1006 : memref<1024x8xf32, #tpu.memory_space<vmem>>) target_semaphore(%run_scoped3A : memref<!tpu.dma_semaphore, #tpu.memory_space<semaphore_mem>>)
      %dma_wait3A_1009 = arith.constant 0 : i32
      %dma_wait3A_1010 = arith.constant 0 : i32
      %dma_wait3A_1011 = tpu.memref_slice %arg15[%dma_wait3A_1009, %dma_wait3A_1010] : memref<1025x8xf32, #tpu.memory_space<vmem>> -> memref<1024x8xf32, #tpu.memory_space<vmem>>
      %dma_wait3A_1012 = arith.constant 0 : i32
      %dma_wait3A_1013 = tpu.memref_slice %arg3[%add3A_193, %dma_wait3A_1012] : memref<262144x8xf32, #tpu.memory_space<hbm>> -> memref<1024x8xf32, #tpu.memory_space<hbm>>
      %dma_wait3A_1014 = arith.constant 0 : i32
      %dma_wait3A_1015 = arith.constant 0 : i32
      %dma_wait3A_1016 = tpu.memref_slice %arg15[%dma_wait3A_1014, %dma_wait3A_1015] : memref<1025x8xf32, #tpu.memory_space<vmem>> -> memref<1024x8xf32, #tpu.memory_space<vmem>>
      %dma_wait3A_1017 = arith.constant 0 : i32
      %dma_wait3A_1018 = tpu.memref_slice %arg3[%add3A_193, %dma_wait3A_1017] : memref<262144x8xf32, #tpu.memory_space<hbm>> -> memref<1024x8xf32, #tpu.memory_space<hbm>>
      tpu.wait_dma2 semaphore(%run_scoped3A : memref<!tpu.dma_semaphore, #tpu.memory_space<semaphore_mem>>) src(%dma_wait3A_1018 : memref<1024x8xf32, #tpu.memory_space<hbm>>) dst(%dma_wait3A_1016 : memref<1024x8xf32, #tpu.memory_space<vmem>>)
      tpu.yield
    }) : () -> ()
    %add3A_220 = arith.constant 1024 : i32
    %add3A_221 = arith.addi %add3A_193, %add3A_220 : i32
    %lt3A_222 = arith.constant 262144 : i32
    %lt3A_223 = arith.cmpi slt, %add3A_221, %lt3A_222 : i32
    %convert_element_type3A_224 = arith.extui %lt3A_223 : i1 to i32
    %cond3A_225 = arith.constant 0 : i32
    %cond3A_226 = arith.cmpi ne, %convert_element_type3A_224, %cond3A_225 : i32
    scf.if %cond3A_226 {
      %add3A_999 = arith.constant 1024 : i32
      %add3A_1000 = arith.addi %add3A_193, %add3A_999 : i32
      "tpu.region"() ({
        %run_scoped3A = tpu.sem_alloc : memref<!tpu.dma_semaphore, #tpu.memory_space<semaphore_mem>>
        %dma_start3A_1001 = arith.constant 1024 : i32
        %dma_start3A_1002 = arith.constant 0 : i32
        %dma_start3A_1003 = tpu.memref_slice %arg15[%dma_start3A_1001, %dma_start3A_1002] : memref<1025x8xf32, #tpu.memory_space<vmem>> -> memref<1x8xf32, #tpu.memory_space<vmem>>
        %dma_start3A_1004 = arith.constant 0 : i32
        %dma_start3A_1005 = tpu.memref_slice %arg3[%add3A_1000, %dma_start3A_1004] : memref<262144x8xf32, #tpu.memory_space<hbm>> -> memref<1x8xf32, #tpu.memory_space<hbm>>
        %dma_start3A_1006 = arith.constant 1024 : i32
        %dma_start3A_1007 = arith.constant 0 : i32
        %dma_start3A_1008 = tpu.memref_slice %arg15[%dma_start3A_1006, %dma_start3A_1007] : memref<1025x8xf32, #tpu.memory_space<vmem>> -> memref<1x8xf32, #tpu.memory_space<vmem>>
        %dma_start3A_1009 = arith.constant 0 : i32
        %dma_start3A_1010 = tpu.memref_slice %arg3[%add3A_1000, %dma_start3A_1009] : memref<262144x8xf32, #tpu.memory_space<hbm>> -> memref<1x8xf32, #tpu.memory_space<hbm>>
        tpu.enqueue_dma source(%dma_start3A_1010 : memref<1x8xf32, #tpu.memory_space<hbm>>) target(%dma_start3A_1008 : memref<1x8xf32, #tpu.memory_space<vmem>>) target_semaphore(%run_scoped3A : memref<!tpu.dma_semaphore, #tpu.memory_space<semaphore_mem>>)
        %dma_wait3A_1011 = arith.constant 1024 : i32
        %dma_wait3A_1012 = arith.constant 0 : i32
        %dma_wait3A_1013 = tpu.memref_slice %arg15[%dma_wait3A_1011, %dma_wait3A_1012] : memref<1025x8xf32, #tpu.memory_space<vmem>> -> memref<1x8xf32, #tpu.memory_space<vmem>>
        %dma_wait3A_1014 = arith.constant 0 : i32
        %dma_wait3A_1015 = tpu.memref_slice %arg3[%add3A_1000, %dma_wait3A_1014] : memref<262144x8xf32, #tpu.memory_space<hbm>> -> memref<1x8xf32, #tpu.memory_space<hbm>>
        %dma_wait3A_1016 = arith.constant 1024 : i32
        %dma_wait3A_1017 = arith.constant 0 : i32
        %dma_wait3A_1018 = tpu.memref_slice %arg15[%dma_wait3A_1016, %dma_wait3A_1017] : memref<1025x8xf32, #tpu.memory_space<vmem>> -> memref<1x8xf32, #tpu.memory_space<vmem>>
        %dma_wait3A_1019 = arith.constant 0 : i32
        %dma_wait3A_1020 = tpu.memref_slice %arg3[%add3A_1000, %dma_wait3A_1019] : memref<262144x8xf32, #tpu.memory_space<hbm>> -> memref<1x8xf32, #tpu.memory_space<hbm>>
        tpu.wait_dma2 semaphore(%run_scoped3A : memref<!tpu.dma_semaphore, #tpu.memory_space<semaphore_mem>>) src(%dma_wait3A_1020 : memref<1x8xf32, #tpu.memory_space<hbm>>) dst(%dma_wait3A_1018 : memref<1x8xf32, #tpu.memory_space<vmem>>)
        tpu.yield
      }) : () -> ()
    } else {
    }
    %dma_start3A_227 = arith.constant 0 : i32
    %dma_start3A_228 = arith.constant 0 : i32
    %dma_start3A_229 = arith.constant 0 : i32
    %dma_start3A_230 = tpu.memref_slice %arg15[%dma_start3A_228, %dma_start3A_229] : memref<1025x8xf32, #tpu.memory_space<vmem>> -> memref<1024x8xf32, #tpu.memory_space<vmem>>
    %dma_start3A_231 = arith.constant 0 : i32
    %dma_start3A_232 = tpu.memref_slice %arg6[%add3A_193, %dma_start3A_227, %dma_start3A_231] : memref<262144x2x8xf32, #tpu.memory_space<hbm>> -> memref<1024x1x8xf32, #tpu.memory_space<hbm>>
    %dma_start3A_233 = tpu.memref_squeeze %dma_start3A_232 : memref<1024x1x8xf32, #tpu.memory_space<hbm>> -> memref<1024x8xf32, #tpu.memory_space<hbm>>
    %dma_start3A_234 = arith.constant 0 : i32
    %dma_start3A_235 = tpu.memref_slice %arg6[%add3A_193, %dma_start3A_227, %dma_start3A_234] : memref<262144x2x8xf32, #tpu.memory_space<hbm>> -> memref<1024x1x8xf32, #tpu.memory_space<hbm>>
    %dma_start3A_236 = tpu.memref_squeeze %dma_start3A_235 : memref<1024x1x8xf32, #tpu.memory_space<hbm>> -> memref<1024x8xf32, #tpu.memory_space<hbm>>
    %dma_start3A_237 = arith.constant 0 : i32
    %dma_start3A_238 = arith.constant 0 : i32
    %dma_start3A_239 = tpu.memref_slice %arg15[%dma_start3A_237, %dma_start3A_238] : memref<1025x8xf32, #tpu.memory_space<vmem>> -> memref<1024x8xf32, #tpu.memory_space<vmem>>
    tpu.enqueue_dma source(%dma_start3A_239 : memref<1024x8xf32, #tpu.memory_space<vmem>>) target(%dma_start3A_236 : memref<1024x8xf32, #tpu.memory_space<hbm>>) target_semaphore(%arg17 : memref<!tpu.dma_semaphore, #tpu.memory_space<semaphore_mem>>)
    %dma_start3A_240 = arith.constant 1 : i32
    %dma_start3A_241 = arith.constant 1 : i32
    %dma_start3A_242 = arith.constant 0 : i32
    %dma_start3A_243 = tpu.memref_slice %arg15[%dma_start3A_241, %dma_start3A_242] : memref<1025x8xf32, #tpu.memory_space<vmem>> -> memref<1024x8xf32, #tpu.memory_space<vmem>>
    %dma_start3A_244 = arith.constant 0 : i32
    %dma_start3A_245 = tpu.memref_slice %arg6[%add3A_193, %dma_start3A_240, %dma_start3A_244] : memref<262144x2x8xf32, #tpu.memory_space<hbm>> -> memref<1024x1x8xf32, #tpu.memory_space<hbm>>
    %dma_start3A_246 = tpu.memref_squeeze %dma_start3A_245 : memref<1024x1x8xf32, #tpu.memory_space<hbm>> -> memref<1024x8xf32, #tpu.memory_space<hbm>>
    %dma_start3A_247 = arith.constant 0 : i32
    %dma_start3A_248 = tpu.memref_slice %arg6[%add3A_193, %dma_start3A_240, %dma_start3A_247] : memref<262144x2x8xf32, #tpu.memory_space<hbm>> -> memref<1024x1x8xf32, #tpu.memory_space<hbm>>
    %dma_start3A_249 = tpu.memref_squeeze %dma_start3A_248 : memref<1024x1x8xf32, #tpu.memory_space<hbm>> -> memref<1024x8xf32, #tpu.memory_space<hbm>>
    %dma_start3A_250 = arith.constant 1 : i32
    %dma_start3A_251 = arith.constant 0 : i32
    %dma_start3A_252 = tpu.memref_slice %arg15[%dma_start3A_250, %dma_start3A_251] : memref<1025x8xf32, #tpu.memory_space<vmem>> -> memref<1024x8xf32, #tpu.memory_space<vmem>>
    tpu.enqueue_dma source(%dma_start3A_252 : memref<1024x8xf32, #tpu.memory_space<vmem>>) target(%dma_start3A_249 : memref<1024x8xf32, #tpu.memory_space<hbm>>) target_semaphore(%arg17 : memref<!tpu.dma_semaphore, #tpu.memory_space<semaphore_mem>>)
    %add3A_253 = arith.constant 5120 : i32
    %add3A_254 = arith.addi %mul3A_4, %add3A_253 : i32
    %dma_wait3A_255 = arith.constant 0 : i32
    %dma_wait3A_256 = arith.constant 0 : i32
    %dma_wait3A_257 = arith.constant 0 : i32
    %dma_wait3A_258 = tpu.memref_slice %arg16[%dma_wait3A_256, %dma_wait3A_257] : memref<1025x8xf32, #tpu.memory_space<vmem>> -> memref<1024x8xf32, #tpu.memory_space<vmem>>
    %dma_wait3A_259 = arith.constant 0 : i32
    %dma_wait3A_260 = tpu.memref_slice %arg6[%add3A_132, %dma_wait3A_255, %dma_wait3A_259] : memref<262144x2x8xf32, #tpu.memory_space<hbm>> -> memref<1024x1x8xf32, #tpu.memory_space<hbm>>
    %dma_wait3A_261 = tpu.memref_squeeze %dma_wait3A_260 : memref<1024x1x8xf32, #tpu.memory_space<hbm>> -> memref<1024x8xf32, #tpu.memory_space<hbm>>
    %dma_wait3A_262 = arith.constant 0 : i32
    %dma_wait3A_263 = tpu.memref_slice %arg6[%add3A_132, %dma_wait3A_255, %dma_wait3A_262] : memref<262144x2x8xf32, #tpu.memory_space<hbm>> -> memref<1024x1x8xf32, #tpu.memory_space<hbm>>
    %dma_wait3A_264 = tpu.memref_squeeze %dma_wait3A_263 : memref<1024x1x8xf32, #tpu.memory_space<hbm>> -> memref<1024x8xf32, #tpu.memory_space<hbm>>
    %dma_wait3A_265 = arith.constant 0 : i32
    %dma_wait3A_266 = arith.constant 0 : i32
    %dma_wait3A_267 = tpu.memref_slice %arg16[%dma_wait3A_265, %dma_wait3A_266] : memref<1025x8xf32, #tpu.memory_space<vmem>> -> memref<1024x8xf32, #tpu.memory_space<vmem>>
    tpu.wait_dma2 semaphore(%arg18 : memref<!tpu.dma_semaphore, #tpu.memory_space<semaphore_mem>>) src(%dma_wait3A_267 : memref<1024x8xf32, #tpu.memory_space<vmem>>) dst(%dma_wait3A_264 : memref<1024x8xf32, #tpu.memory_space<hbm>>)
    %dma_wait3A_268 = arith.constant 1 : i32
    %dma_wait3A_269 = arith.constant 1 : i32
    %dma_wait3A_270 = arith.constant 0 : i32
    %dma_wait3A_271 = tpu.memref_slice %arg16[%dma_wait3A_269, %dma_wait3A_270] : memref<1025x8xf32, #tpu.memory_space<vmem>> -> memref<1024x8xf32, #tpu.memory_space<vmem>>
    %dma_wait3A_272 = arith.constant 0 : i32
    %dma_wait3A_273 = tpu.memref_slice %arg6[%add3A_132, %dma_wait3A_268, %dma_wait3A_272] : memref<262144x2x8xf32, #tpu.memory_space<hbm>> -> memref<1024x1x8xf32, #tpu.memory_space<hbm>>
    %dma_wait3A_274 = tpu.memref_squeeze %dma_wait3A_273 : memref<1024x1x8xf32, #tpu.memory_space<hbm>> -> memref<1024x8xf32, #tpu.memory_space<hbm>>
    %dma_wait3A_275 = arith.constant 0 : i32
    %dma_wait3A_276 = tpu.memref_slice %arg6[%add3A_132, %dma_wait3A_268, %dma_wait3A_275] : memref<262144x2x8xf32, #tpu.memory_space<hbm>> -> memref<1024x1x8xf32, #tpu.memory_space<hbm>>
    %dma_wait3A_277 = tpu.memref_squeeze %dma_wait3A_276 : memref<1024x1x8xf32, #tpu.memory_space<hbm>> -> memref<1024x8xf32, #tpu.memory_space<hbm>>
    %dma_wait3A_278 = arith.constant 1 : i32
    %dma_wait3A_279 = arith.constant 0 : i32
    %dma_wait3A_280 = tpu.memref_slice %arg16[%dma_wait3A_278, %dma_wait3A_279] : memref<1025x8xf32, #tpu.memory_space<vmem>> -> memref<1024x8xf32, #tpu.memory_space<vmem>>
    tpu.wait_dma2 semaphore(%arg18 : memref<!tpu.dma_semaphore, #tpu.memory_space<semaphore_mem>>) src(%dma_wait3A_280 : memref<1024x8xf32, #tpu.memory_space<vmem>>) dst(%dma_wait3A_277 : memref<1024x8xf32, #tpu.memory_space<hbm>>)
    "tpu.region"() ({
      %run_scoped3A = tpu.sem_alloc : memref<!tpu.dma_semaphore, #tpu.memory_space<semaphore_mem>>
      %dma_start3A_999 = arith.constant 0 : i32
      %dma_start3A_1000 = arith.constant 0 : i32
      %dma_start3A_1001 = tpu.memref_slice %arg16[%dma_start3A_999, %dma_start3A_1000] : memref<1025x8xf32, #tpu.memory_space<vmem>> -> memref<1024x8xf32, #tpu.memory_space<vmem>>
      %dma_start3A_1002 = arith.constant 0 : i32
      %dma_start3A_1003 = tpu.memref_slice %arg3[%add3A_254, %dma_start3A_1002] : memref<262144x8xf32, #tpu.memory_space<hbm>> -> memref<1024x8xf32, #tpu.memory_space<hbm>>
      %dma_start3A_1004 = arith.constant 0 : i32
      %dma_start3A_1005 = arith.constant 0 : i32
      %dma_start3A_1006 = tpu.memref_slice %arg16[%dma_start3A_1004, %dma_start3A_1005] : memref<1025x8xf32, #tpu.memory_space<vmem>> -> memref<1024x8xf32, #tpu.memory_space<vmem>>
      %dma_start3A_1007 = arith.constant 0 : i32
      %dma_start3A_1008 = tpu.memref_slice %arg3[%add3A_254, %dma_start3A_1007] : memref<262144x8xf32, #tpu.memory_space<hbm>> -> memref<1024x8xf32, #tpu.memory_space<hbm>>
      tpu.enqueue_dma source(%dma_start3A_1008 : memref<1024x8xf32, #tpu.memory_space<hbm>>) target(%dma_start3A_1006 : memref<1024x8xf32, #tpu.memory_space<vmem>>) target_semaphore(%run_scoped3A : memref<!tpu.dma_semaphore, #tpu.memory_space<semaphore_mem>>)
      %dma_wait3A_1009 = arith.constant 0 : i32
      %dma_wait3A_1010 = arith.constant 0 : i32
      %dma_wait3A_1011 = tpu.memref_slice %arg16[%dma_wait3A_1009, %dma_wait3A_1010] : memref<1025x8xf32, #tpu.memory_space<vmem>> -> memref<1024x8xf32, #tpu.memory_space<vmem>>
      %dma_wait3A_1012 = arith.constant 0 : i32
      %dma_wait3A_1013 = tpu.memref_slice %arg3[%add3A_254, %dma_wait3A_1012] : memref<262144x8xf32, #tpu.memory_space<hbm>> -> memref<1024x8xf32, #tpu.memory_space<hbm>>
      %dma_wait3A_1014 = arith.constant 0 : i32
      %dma_wait3A_1015 = arith.constant 0 : i32
      %dma_wait3A_1016 = tpu.memref_slice %arg16[%dma_wait3A_1014, %dma_wait3A_1015] : memref<1025x8xf32, #tpu.memory_space<vmem>> -> memref<1024x8xf32, #tpu.memory_space<vmem>>
      %dma_wait3A_1017 = arith.constant 0 : i32
      %dma_wait3A_1018 = tpu.memref_slice %arg3[%add3A_254, %dma_wait3A_1017] : memref<262144x8xf32, #tpu.memory_space<hbm>> -> memref<1024x8xf32, #tpu.memory_space<hbm>>
      tpu.wait_dma2 semaphore(%run_scoped3A : memref<!tpu.dma_semaphore, #tpu.memory_space<semaphore_mem>>) src(%dma_wait3A_1018 : memref<1024x8xf32, #tpu.memory_space<hbm>>) dst(%dma_wait3A_1016 : memref<1024x8xf32, #tpu.memory_space<vmem>>)
      tpu.yield
    }) : () -> ()
    %add3A_281 = arith.constant 1024 : i32
    %add3A_282 = arith.addi %add3A_254, %add3A_281 : i32
    %lt3A_283 = arith.constant 262144 : i32
    %lt3A_284 = arith.cmpi slt, %add3A_282, %lt3A_283 : i32
    %convert_element_type3A_285 = arith.extui %lt3A_284 : i1 to i32
    %cond3A_286 = arith.constant 0 : i32
    %cond3A_287 = arith.cmpi ne, %convert_element_type3A_285, %cond3A_286 : i32
    scf.if %cond3A_287 {
      %add3A_999 = arith.constant 1024 : i32
      %add3A_1000 = arith.addi %add3A_254, %add3A_999 : i32
      "tpu.region"() ({
        %run_scoped3A = tpu.sem_alloc : memref<!tpu.dma_semaphore, #tpu.memory_space<semaphore_mem>>
        %dma_start3A_1001 = arith.constant 1024 : i32
        %dma_start3A_1002 = arith.constant 0 : i32
        %dma_start3A_1003 = tpu.memref_slice %arg16[%dma_start3A_1001, %dma_start3A_1002] : memref<1025x8xf32, #tpu.memory_space<vmem>> -> memref<1x8xf32, #tpu.memory_space<vmem>>
        %dma_start3A_1004 = arith.constant 0 : i32
        %dma_start3A_1005 = tpu.memref_slice %arg3[%add3A_1000, %dma_start3A_1004] : memref<262144x8xf32, #tpu.memory_space<hbm>> -> memref<1x8xf32, #tpu.memory_space<hbm>>
        %dma_start3A_1006 = arith.constant 1024 : i32
        %dma_start3A_1007 = arith.constant 0 : i32
        %dma_start3A_1008 = tpu.memref_slice %arg16[%dma_start3A_1006, %dma_start3A_1007] : memref<1025x8xf32, #tpu.memory_space<vmem>> -> memref<1x8xf32, #tpu.memory_space<vmem>>
        %dma_start3A_1009 = arith.constant 0 : i32
        %dma_start3A_1010 = tpu.memref_slice %arg3[%add3A_1000, %dma_start3A_1009] : memref<262144x8xf32, #tpu.memory_space<hbm>> -> memref<1x8xf32, #tpu.memory_space<hbm>>
        tpu.enqueue_dma source(%dma_start3A_1010 : memref<1x8xf32, #tpu.memory_space<hbm>>) target(%dma_start3A_1008 : memref<1x8xf32, #tpu.memory_space<vmem>>) target_semaphore(%run_scoped3A : memref<!tpu.dma_semaphore, #tpu.memory_space<semaphore_mem>>)
        %dma_wait3A_1011 = arith.constant 1024 : i32
        %dma_wait3A_1012 = arith.constant 0 : i32
        %dma_wait3A_1013 = tpu.memref_slice %arg16[%dma_wait3A_1011, %dma_wait3A_1012] : memref<1025x8xf32, #tpu.memory_space<vmem>> -> memref<1x8xf32, #tpu.memory_space<vmem>>
        %dma_wait3A_1014 = arith.constant 0 : i32
        %dma_wait3A_1015 = tpu.memref_slice %arg3[%add3A_1000, %dma_wait3A_1014] : memref<262144x8xf32, #tpu.memory_space<hbm>> -> memref<1x8xf32, #tpu.memory_space<hbm>>
        %dma_wait3A_1016 = arith.constant 1024 : i32
        %dma_wait3A_1017 = arith.constant 0 : i32
        %dma_wait3A_1018 = tpu.memref_slice %arg16[%dma_wait3A_1016, %dma_wait3A_1017] : memref<1025x8xf32, #tpu.memory_space<vmem>> -> memref<1x8xf32, #tpu.memory_space<vmem>>
        %dma_wait3A_1019 = arith.constant 0 : i32
        %dma_wait3A_1020 = tpu.memref_slice %arg3[%add3A_1000, %dma_wait3A_1019] : memref<262144x8xf32, #tpu.memory_space<hbm>> -> memref<1x8xf32, #tpu.memory_space<hbm>>
        tpu.wait_dma2 semaphore(%run_scoped3A : memref<!tpu.dma_semaphore, #tpu.memory_space<semaphore_mem>>) src(%dma_wait3A_1020 : memref<1x8xf32, #tpu.memory_space<hbm>>) dst(%dma_wait3A_1018 : memref<1x8xf32, #tpu.memory_space<vmem>>)
        tpu.yield
      }) : () -> ()
    } else {
    }
    %dma_start3A_288 = arith.constant 0 : i32
    %dma_start3A_289 = arith.constant 0 : i32
    %dma_start3A_290 = arith.constant 0 : i32
    %dma_start3A_291 = tpu.memref_slice %arg16[%dma_start3A_289, %dma_start3A_290] : memref<1025x8xf32, #tpu.memory_space<vmem>> -> memref<1024x8xf32, #tpu.memory_space<vmem>>
    %dma_start3A_292 = arith.constant 0 : i32
    %dma_start3A_293 = tpu.memref_slice %arg6[%add3A_254, %dma_start3A_288, %dma_start3A_292] : memref<262144x2x8xf32, #tpu.memory_space<hbm>> -> memref<1024x1x8xf32, #tpu.memory_space<hbm>>
    %dma_start3A_294 = tpu.memref_squeeze %dma_start3A_293 : memref<1024x1x8xf32, #tpu.memory_space<hbm>> -> memref<1024x8xf32, #tpu.memory_space<hbm>>
    %dma_start3A_295 = arith.constant 0 : i32
    %dma_start3A_296 = tpu.memref_slice %arg6[%add3A_254, %dma_start3A_288, %dma_start3A_295] : memref<262144x2x8xf32, #tpu.memory_space<hbm>> -> memref<1024x1x8xf32, #tpu.memory_space<hbm>>
    %dma_start3A_297 = tpu.memref_squeeze %dma_start3A_296 : memref<1024x1x8xf32, #tpu.memory_space<hbm>> -> memref<1024x8xf32, #tpu.memory_space<hbm>>
    %dma_start3A_298 = arith.constant 0 : i32
    %dma_start3A_299 = arith.constant 0 : i32
    %dma_start3A_300 = tpu.memref_slice %arg16[%dma_start3A_298, %dma_start3A_299] : memref<1025x8xf32, #tpu.memory_space<vmem>> -> memref<1024x8xf32, #tpu.memory_space<vmem>>
    tpu.enqueue_dma source(%dma_start3A_300 : memref<1024x8xf32, #tpu.memory_space<vmem>>) target(%dma_start3A_297 : memref<1024x8xf32, #tpu.memory_space<hbm>>) target_semaphore(%arg18 : memref<!tpu.dma_semaphore, #tpu.memory_space<semaphore_mem>>)
    %dma_start3A_301 = arith.constant 1 : i32
    %dma_start3A_302 = arith.constant 1 : i32
    %dma_start3A_303 = arith.constant 0 : i32
    %dma_start3A_304 = tpu.memref_slice %arg16[%dma_start3A_302, %dma_start3A_303] : memref<1025x8xf32, #tpu.memory_space<vmem>> -> memref<1024x8xf32, #tpu.memory_space<vmem>>
    %dma_start3A_305 = arith.constant 0 : i32
    %dma_start3A_306 = tpu.memref_slice %arg6[%add3A_254, %dma_start3A_301, %dma_start3A_305] : memref<262144x2x8xf32, #tpu.memory_space<hbm>> -> memref<1024x1x8xf32, #tpu.memory_space<hbm>>
    %dma_start3A_307 = tpu.memref_squeeze %dma_start3A_306 : memref<1024x1x8xf32, #tpu.memory_space<hbm>> -> memref<1024x8xf32, #tpu.memory_space<hbm>>
    %dma_start3A_308 = arith.constant 0 : i32
    %dma_start3A_309 = tpu.memref_slice %arg6[%add3A_254, %dma_start3A_301, %dma_start3A_308] : memref<262144x2x8xf32, #tpu.memory_space<hbm>> -> memref<1024x1x8xf32, #tpu.memory_space<hbm>>
    %dma_start3A_310 = tpu.memref_squeeze %dma_start3A_309 : memref<1024x1x8xf32, #tpu.memory_space<hbm>> -> memref<1024x8xf32, #tpu.memory_space<hbm>>
    %dma_start3A_311 = arith.constant 1 : i32
    %dma_start3A_312 = arith.constant 0 : i32
    %dma_start3A_313 = tpu.memref_slice %arg16[%dma_start3A_311, %dma_start3A_312] : memref<1025x8xf32, #tpu.memory_space<vmem>> -> memref<1024x8xf32, #tpu.memory_space<vmem>>
    tpu.enqueue_dma source(%dma_start3A_313 : memref<1024x8xf32, #tpu.memory_space<vmem>>) target(%dma_start3A_310 : memref<1024x8xf32, #tpu.memory_space<hbm>>) target_semaphore(%arg18 : memref<!tpu.dma_semaphore, #tpu.memory_space<semaphore_mem>>)
    %add3A_314 = arith.constant 6144 : i32
    %add3A_315 = arith.addi %mul3A_4, %add3A_314 : i32
    %dma_wait3A_316 = arith.constant 0 : i32
    %dma_wait3A_317 = arith.constant 0 : i32
    %dma_wait3A_318 = arith.constant 0 : i32
    %dma_wait3A_319 = tpu.memref_slice %arg15[%dma_wait3A_317, %dma_wait3A_318] : memref<1025x8xf32, #tpu.memory_space<vmem>> -> memref<1024x8xf32, #tpu.memory_space<vmem>>
    %dma_wait3A_320 = arith.constant 0 : i32
    %dma_wait3A_321 = tpu.memref_slice %arg6[%add3A_193, %dma_wait3A_316, %dma_wait3A_320] : memref<262144x2x8xf32, #tpu.memory_space<hbm>> -> memref<1024x1x8xf32, #tpu.memory_space<hbm>>
    %dma_wait3A_322 = tpu.memref_squeeze %dma_wait3A_321 : memref<1024x1x8xf32, #tpu.memory_space<hbm>> -> memref<1024x8xf32, #tpu.memory_space<hbm>>
    %dma_wait3A_323 = arith.constant 0 : i32
    %dma_wait3A_324 = tpu.memref_slice %arg6[%add3A_193, %dma_wait3A_316, %dma_wait3A_323] : memref<262144x2x8xf32, #tpu.memory_space<hbm>> -> memref<1024x1x8xf32, #tpu.memory_space<hbm>>
    %dma_wait3A_325 = tpu.memref_squeeze %dma_wait3A_324 : memref<1024x1x8xf32, #tpu.memory_space<hbm>> -> memref<1024x8xf32, #tpu.memory_space<hbm>>
    %dma_wait3A_326 = arith.constant 0 : i32
    %dma_wait3A_327 = arith.constant 0 : i32
    %dma_wait3A_328 = tpu.memref_slice %arg15[%dma_wait3A_326, %dma_wait3A_327] : memref<1025x8xf32, #tpu.memory_space<vmem>> -> memref<1024x8xf32, #tpu.memory_space<vmem>>
    tpu.wait_dma2 semaphore(%arg17 : memref<!tpu.dma_semaphore, #tpu.memory_space<semaphore_mem>>) src(%dma_wait3A_328 : memref<1024x8xf32, #tpu.memory_space<vmem>>) dst(%dma_wait3A_325 : memref<1024x8xf32, #tpu.memory_space<hbm>>)
    %dma_wait3A_329 = arith.constant 1 : i32
    %dma_wait3A_330 = arith.constant 1 : i32
    %dma_wait3A_331 = arith.constant 0 : i32
    %dma_wait3A_332 = tpu.memref_slice %arg15[%dma_wait3A_330, %dma_wait3A_331] : memref<1025x8xf32, #tpu.memory_space<vmem>> -> memref<1024x8xf32, #tpu.memory_space<vmem>>
    %dma_wait3A_333 = arith.constant 0 : i32
    %dma_wait3A_334 = tpu.memref_slice %arg6[%add3A_193, %dma_wait3A_329, %dma_wait3A_333] : memref<262144x2x8xf32, #tpu.memory_space<hbm>> -> memref<1024x1x8xf32, #tpu.memory_space<hbm>>
    %dma_wait3A_335 = tpu.memref_squeeze %dma_wait3A_334 : memref<1024x1x8xf32, #tpu.memory_space<hbm>> -> memref<1024x8xf32, #tpu.memory_space<hbm>>
    %dma_wait3A_336 = arith.constant 0 : i32
    %dma_wait3A_337 = tpu.memref_slice %arg6[%add3A_193, %dma_wait3A_329, %dma_wait3A_336] : memref<262144x2x8xf32, #tpu.memory_space<hbm>> -> memref<1024x1x8xf32, #tpu.memory_space<hbm>>
    %dma_wait3A_338 = tpu.memref_squeeze %dma_wait3A_337 : memref<1024x1x8xf32, #tpu.memory_space<hbm>> -> memref<1024x8xf32, #tpu.memory_space<hbm>>
    %dma_wait3A_339 = arith.constant 1 : i32
    %dma_wait3A_340 = arith.constant 0 : i32
    %dma_wait3A_341 = tpu.memref_slice %arg15[%dma_wait3A_339, %dma_wait3A_340] : memref<1025x8xf32, #tpu.memory_space<vmem>> -> memref<1024x8xf32, #tpu.memory_space<vmem>>
    tpu.wait_dma2 semaphore(%arg17 : memref<!tpu.dma_semaphore, #tpu.memory_space<semaphore_mem>>) src(%dma_wait3A_341 : memref<1024x8xf32, #tpu.memory_space<vmem>>) dst(%dma_wait3A_338 : memref<1024x8xf32, #tpu.memory_space<hbm>>)
    "tpu.region"() ({
      %run_scoped3A = tpu.sem_alloc : memref<!tpu.dma_semaphore, #tpu.memory_space<semaphore_mem>>
      %dma_start3A_999 = arith.constant 0 : i32
      %dma_start3A_1000 = arith.constant 0 : i32
      %dma_start3A_1001 = tpu.memref_slice %arg15[%dma_start3A_999, %dma_start3A_1000] : memref<1025x8xf32, #tpu.memory_space<vmem>> -> memref<1024x8xf32, #tpu.memory_space<vmem>>
      %dma_start3A_1002 = arith.constant 0 : i32
      %dma_start3A_1003 = tpu.memref_slice %arg3[%add3A_315, %dma_start3A_1002] : memref<262144x8xf32, #tpu.memory_space<hbm>> -> memref<1024x8xf32, #tpu.memory_space<hbm>>
      %dma_start3A_1004 = arith.constant 0 : i32
      %dma_start3A_1005 = arith.constant 0 : i32
      %dma_start3A_1006 = tpu.memref_slice %arg15[%dma_start3A_1004, %dma_start3A_1005] : memref<1025x8xf32, #tpu.memory_space<vmem>> -> memref<1024x8xf32, #tpu.memory_space<vmem>>
      %dma_start3A_1007 = arith.constant 0 : i32
      %dma_start3A_1008 = tpu.memref_slice %arg3[%add3A_315, %dma_start3A_1007] : memref<262144x8xf32, #tpu.memory_space<hbm>> -> memref<1024x8xf32, #tpu.memory_space<hbm>>
      tpu.enqueue_dma source(%dma_start3A_1008 : memref<1024x8xf32, #tpu.memory_space<hbm>>) target(%dma_start3A_1006 : memref<1024x8xf32, #tpu.memory_space<vmem>>) target_semaphore(%run_scoped3A : memref<!tpu.dma_semaphore, #tpu.memory_space<semaphore_mem>>)
      %dma_wait3A_1009 = arith.constant 0 : i32
      %dma_wait3A_1010 = arith.constant 0 : i32
      %dma_wait3A_1011 = tpu.memref_slice %arg15[%dma_wait3A_1009, %dma_wait3A_1010] : memref<1025x8xf32, #tpu.memory_space<vmem>> -> memref<1024x8xf32, #tpu.memory_space<vmem>>
      %dma_wait3A_1012 = arith.constant 0 : i32
      %dma_wait3A_1013 = tpu.memref_slice %arg3[%add3A_315, %dma_wait3A_1012] : memref<262144x8xf32, #tpu.memory_space<hbm>> -> memref<1024x8xf32, #tpu.memory_space<hbm>>
      %dma_wait3A_1014 = arith.constant 0 : i32
      %dma_wait3A_1015 = arith.constant 0 : i32
      %dma_wait3A_1016 = tpu.memref_slice %arg15[%dma_wait3A_1014, %dma_wait3A_1015] : memref<1025x8xf32, #tpu.memory_space<vmem>> -> memref<1024x8xf32, #tpu.memory_space<vmem>>
      %dma_wait3A_1017 = arith.constant 0 : i32
      %dma_wait3A_1018 = tpu.memref_slice %arg3[%add3A_315, %dma_wait3A_1017] : memref<262144x8xf32, #tpu.memory_space<hbm>> -> memref<1024x8xf32, #tpu.memory_space<hbm>>
      tpu.wait_dma2 semaphore(%run_scoped3A : memref<!tpu.dma_semaphore, #tpu.memory_space<semaphore_mem>>) src(%dma_wait3A_1018 : memref<1024x8xf32, #tpu.memory_space<hbm>>) dst(%dma_wait3A_1016 : memref<1024x8xf32, #tpu.memory_space<vmem>>)
      tpu.yield
    }) : () -> ()
    %add3A_342 = arith.constant 1024 : i32
    %add3A_343 = arith.addi %add3A_315, %add3A_342 : i32
    %lt3A_344 = arith.constant 262144 : i32
    %lt3A_345 = arith.cmpi slt, %add3A_343, %lt3A_344 : i32
    %convert_element_type3A_346 = arith.extui %lt3A_345 : i1 to i32
    %cond3A_347 = arith.constant 0 : i32
    %cond3A_348 = arith.cmpi ne, %convert_element_type3A_346, %cond3A_347 : i32
    scf.if %cond3A_348 {
      %add3A_999 = arith.constant 1024 : i32
      %add3A_1000 = arith.addi %add3A_315, %add3A_999 : i32
      "tpu.region"() ({
        %run_scoped3A = tpu.sem_alloc : memref<!tpu.dma_semaphore, #tpu.memory_space<semaphore_mem>>
        %dma_start3A_1001 = arith.constant 1024 : i32
        %dma_start3A_1002 = arith.constant 0 : i32
        %dma_start3A_1003 = tpu.memref_slice %arg15[%dma_start3A_1001, %dma_start3A_1002] : memref<1025x8xf32, #tpu.memory_space<vmem>> -> memref<1x8xf32, #tpu.memory_space<vmem>>
        %dma_start3A_1004 = arith.constant 0 : i32
        %dma_start3A_1005 = tpu.memref_slice %arg3[%add3A_1000, %dma_start3A_1004] : memref<262144x8xf32, #tpu.memory_space<hbm>> -> memref<1x8xf32, #tpu.memory_space<hbm>>
        %dma_start3A_1006 = arith.constant 1024 : i32
        %dma_start3A_1007 = arith.constant 0 : i32
        %dma_start3A_1008 = tpu.memref_slice %arg15[%dma_start3A_1006, %dma_start3A_1007] : memref<1025x8xf32, #tpu.memory_space<vmem>> -> memref<1x8xf32, #tpu.memory_space<vmem>>
        %dma_start3A_1009 = arith.constant 0 : i32
        %dma_start3A_1010 = tpu.memref_slice %arg3[%add3A_1000, %dma_start3A_1009] : memref<262144x8xf32, #tpu.memory_space<hbm>> -> memref<1x8xf32, #tpu.memory_space<hbm>>
        tpu.enqueue_dma source(%dma_start3A_1010 : memref<1x8xf32, #tpu.memory_space<hbm>>) target(%dma_start3A_1008 : memref<1x8xf32, #tpu.memory_space<vmem>>) target_semaphore(%run_scoped3A : memref<!tpu.dma_semaphore, #tpu.memory_space<semaphore_mem>>)
        %dma_wait3A_1011 = arith.constant 1024 : i32
        %dma_wait3A_1012 = arith.constant 0 : i32
        %dma_wait3A_1013 = tpu.memref_slice %arg15[%dma_wait3A_1011, %dma_wait3A_1012] : memref<1025x8xf32, #tpu.memory_space<vmem>> -> memref<1x8xf32, #tpu.memory_space<vmem>>
        %dma_wait3A_1014 = arith.constant 0 : i32
        %dma_wait3A_1015 = tpu.memref_slice %arg3[%add3A_1000, %dma_wait3A_1014] : memref<262144x8xf32, #tpu.memory_space<hbm>> -> memref<1x8xf32, #tpu.memory_space<hbm>>
        %dma_wait3A_1016 = arith.constant 1024 : i32
        %dma_wait3A_1017 = arith.constant 0 : i32
        %dma_wait3A_1018 = tpu.memref_slice %arg15[%dma_wait3A_1016, %dma_wait3A_1017] : memref<1025x8xf32, #tpu.memory_space<vmem>> -> memref<1x8xf32, #tpu.memory_space<vmem>>
        %dma_wait3A_1019 = arith.constant 0 : i32
        %dma_wait3A_1020 = tpu.memref_slice %arg3[%add3A_1000, %dma_wait3A_1019] : memref<262144x8xf32, #tpu.memory_space<hbm>> -> memref<1x8xf32, #tpu.memory_space<hbm>>
        tpu.wait_dma2 semaphore(%run_scoped3A : memref<!tpu.dma_semaphore, #tpu.memory_space<semaphore_mem>>) src(%dma_wait3A_1020 : memref<1x8xf32, #tpu.memory_space<hbm>>) dst(%dma_wait3A_1018 : memref<1x8xf32, #tpu.memory_space<vmem>>)
        tpu.yield
      }) : () -> ()
    } else {
    }
    %dma_start3A_349 = arith.constant 0 : i32
    %dma_start3A_350 = arith.constant 0 : i32
    %dma_start3A_351 = arith.constant 0 : i32
    %dma_start3A_352 = tpu.memref_slice %arg15[%dma_start3A_350, %dma_start3A_351] : memref<1025x8xf32, #tpu.memory_space<vmem>> -> memref<1024x8xf32, #tpu.memory_space<vmem>>
    %dma_start3A_353 = arith.constant 0 : i32
    %dma_start3A_354 = tpu.memref_slice %arg6[%add3A_315, %dma_start3A_349, %dma_start3A_353] : memref<262144x2x8xf32, #tpu.memory_space<hbm>> -> memref<1024x1x8xf32, #tpu.memory_space<hbm>>
    %dma_start3A_355 = tpu.memref_squeeze %dma_start3A_354 : memref<1024x1x8xf32, #tpu.memory_space<hbm>> -> memref<1024x8xf32, #tpu.memory_space<hbm>>
    %dma_start3A_356 = arith.constant 0 : i32
    %dma_start3A_357 = tpu.memref_slice %arg6[%add3A_315, %dma_start3A_349, %dma_start3A_356] : memref<262144x2x8xf32, #tpu.memory_space<hbm>> -> memref<1024x1x8xf32, #tpu.memory_space<hbm>>
    %dma_start3A_358 = tpu.memref_squeeze %dma_start3A_357 : memref<1024x1x8xf32, #tpu.memory_space<hbm>> -> memref<1024x8xf32, #tpu.memory_space<hbm>>
    %dma_start3A_359 = arith.constant 0 : i32
    %dma_start3A_360 = arith.constant 0 : i32
    %dma_start3A_361 = tpu.memref_slice %arg15[%dma_start3A_359, %dma_start3A_360] : memref<1025x8xf32, #tpu.memory_space<vmem>> -> memref<1024x8xf32, #tpu.memory_space<vmem>>
    tpu.enqueue_dma source(%dma_start3A_361 : memref<1024x8xf32, #tpu.memory_space<vmem>>) target(%dma_start3A_358 : memref<1024x8xf32, #tpu.memory_space<hbm>>) target_semaphore(%arg17 : memref<!tpu.dma_semaphore, #tpu.memory_space<semaphore_mem>>)
    %dma_start3A_362 = arith.constant 1 : i32
    %dma_start3A_363 = arith.constant 1 : i32
    %dma_start3A_364 = arith.constant 0 : i32
    %dma_start3A_365 = tpu.memref_slice %arg15[%dma_start3A_363, %dma_start3A_364] : memref<1025x8xf32, #tpu.memory_space<vmem>> -> memref<1024x8xf32, #tpu.memory_space<vmem>>
    %dma_start3A_366 = arith.constant 0 : i32
    %dma_start3A_367 = tpu.memref_slice %arg6[%add3A_315, %dma_start3A_362, %dma_start3A_366] : memref<262144x2x8xf32, #tpu.memory_space<hbm>> -> memref<1024x1x8xf32, #tpu.memory_space<hbm>>
    %dma_start3A_368 = tpu.memref_squeeze %dma_start3A_367 : memref<1024x1x8xf32, #tpu.memory_space<hbm>> -> memref<1024x8xf32, #tpu.memory_space<hbm>>
    %dma_start3A_369 = arith.constant 0 : i32
    %dma_start3A_370 = tpu.memref_slice %arg6[%add3A_315, %dma_start3A_362, %dma_start3A_369] : memref<262144x2x8xf32, #tpu.memory_space<hbm>> -> memref<1024x1x8xf32, #tpu.memory_space<hbm>>
    %dma_start3A_371 = tpu.memref_squeeze %dma_start3A_370 : memref<1024x1x8xf32, #tpu.memory_space<hbm>> -> memref<1024x8xf32, #tpu.memory_space<hbm>>
    %dma_start3A_372 = arith.constant 1 : i32
    %dma_start3A_373 = arith.constant 0 : i32
    %dma_start3A_374 = tpu.memref_slice %arg15[%dma_start3A_372, %dma_start3A_373] : memref<1025x8xf32, #tpu.memory_space<vmem>> -> memref<1024x8xf32, #tpu.memory_space<vmem>>
    tpu.enqueue_dma source(%dma_start3A_374 : memref<1024x8xf32, #tpu.memory_space<vmem>>) target(%dma_start3A_371 : memref<1024x8xf32, #tpu.memory_space<hbm>>) target_semaphore(%arg17 : memref<!tpu.dma_semaphore, #tpu.memory_space<semaphore_mem>>)
    %add3A_375 = arith.constant 7168 : i32
    %add3A_376 = arith.addi %mul3A_4, %add3A_375 : i32
    %dma_wait3A_377 = arith.constant 0 : i32
    %dma_wait3A_378 = arith.constant 0 : i32
    %dma_wait3A_379 = arith.constant 0 : i32
    %dma_wait3A_380 = tpu.memref_slice %arg16[%dma_wait3A_378, %dma_wait3A_379] : memref<1025x8xf32, #tpu.memory_space<vmem>> -> memref<1024x8xf32, #tpu.memory_space<vmem>>
    %dma_wait3A_381 = arith.constant 0 : i32
    %dma_wait3A_382 = tpu.memref_slice %arg6[%add3A_254, %dma_wait3A_377, %dma_wait3A_381] : memref<262144x2x8xf32, #tpu.memory_space<hbm>> -> memref<1024x1x8xf32, #tpu.memory_space<hbm>>
    %dma_wait3A_383 = tpu.memref_squeeze %dma_wait3A_382 : memref<1024x1x8xf32, #tpu.memory_space<hbm>> -> memref<1024x8xf32, #tpu.memory_space<hbm>>
    %dma_wait3A_384 = arith.constant 0 : i32
    %dma_wait3A_385 = tpu.memref_slice %arg6[%add3A_254, %dma_wait3A_377, %dma_wait3A_384] : memref<262144x2x8xf32, #tpu.memory_space<hbm>> -> memref<1024x1x8xf32, #tpu.memory_space<hbm>>
    %dma_wait3A_386 = tpu.memref_squeeze %dma_wait3A_385 : memref<1024x1x8xf32, #tpu.memory_space<hbm>> -> memref<1024x8xf32, #tpu.memory_space<hbm>>
    %dma_wait3A_387 = arith.constant 0 : i32
    %dma_wait3A_388 = arith.constant 0 : i32
    %dma_wait3A_389 = tpu.memref_slice %arg16[%dma_wait3A_387, %dma_wait3A_388] : memref<1025x8xf32, #tpu.memory_space<vmem>> -> memref<1024x8xf32, #tpu.memory_space<vmem>>
    tpu.wait_dma2 semaphore(%arg18 : memref<!tpu.dma_semaphore, #tpu.memory_space<semaphore_mem>>) src(%dma_wait3A_389 : memref<1024x8xf32, #tpu.memory_space<vmem>>) dst(%dma_wait3A_386 : memref<1024x8xf32, #tpu.memory_space<hbm>>)
    %dma_wait3A_390 = arith.constant 1 : i32
    %dma_wait3A_391 = arith.constant 1 : i32
    %dma_wait3A_392 = arith.constant 0 : i32
    %dma_wait3A_393 = tpu.memref_slice %arg16[%dma_wait3A_391, %dma_wait3A_392] : memref<1025x8xf32, #tpu.memory_space<vmem>> -> memref<1024x8xf32, #tpu.memory_space<vmem>>
    %dma_wait3A_394 = arith.constant 0 : i32
    %dma_wait3A_395 = tpu.memref_slice %arg6[%add3A_254, %dma_wait3A_390, %dma_wait3A_394] : memref<262144x2x8xf32, #tpu.memory_space<hbm>> -> memref<1024x1x8xf32, #tpu.memory_space<hbm>>
    %dma_wait3A_396 = tpu.memref_squeeze %dma_wait3A_395 : memref<1024x1x8xf32, #tpu.memory_space<hbm>> -> memref<1024x8xf32, #tpu.memory_space<hbm>>
    %dma_wait3A_397 = arith.constant 0 : i32
    %dma_wait3A_398 = tpu.memref_slice %arg6[%add3A_254, %dma_wait3A_390, %dma_wait3A_397] : memref<262144x2x8xf32, #tpu.memory_space<hbm>> -> memref<1024x1x8xf32, #tpu.memory_space<hbm>>
    %dma_wait3A_399 = tpu.memref_squeeze %dma_wait3A_398 : memref<1024x1x8xf32, #tpu.memory_space<hbm>> -> memref<1024x8xf32, #tpu.memory_space<hbm>>
    %dma_wait3A_400 = arith.constant 1 : i32
    %dma_wait3A_401 = arith.constant 0 : i32
    %dma_wait3A_402 = tpu.memref_slice %arg16[%dma_wait3A_400, %dma_wait3A_401] : memref<1025x8xf32, #tpu.memory_space<vmem>> -> memref<1024x8xf32, #tpu.memory_space<vmem>>
    tpu.wait_dma2 semaphore(%arg18 : memref<!tpu.dma_semaphore, #tpu.memory_space<semaphore_mem>>) src(%dma_wait3A_402 : memref<1024x8xf32, #tpu.memory_space<vmem>>) dst(%dma_wait3A_399 : memref<1024x8xf32, #tpu.memory_space<hbm>>)
    "tpu.region"() ({
      %run_scoped3A = tpu.sem_alloc : memref<!tpu.dma_semaphore, #tpu.memory_space<semaphore_mem>>
      %dma_start3A_999 = arith.constant 0 : i32
      %dma_start3A_1000 = arith.constant 0 : i32
      %dma_start3A_1001 = tpu.memref_slice %arg16[%dma_start3A_999, %dma_start3A_1000] : memref<1025x8xf32, #tpu.memory_space<vmem>> -> memref<1024x8xf32, #tpu.memory_space<vmem>>
      %dma_start3A_1002 = arith.constant 0 : i32
      %dma_start3A_1003 = tpu.memref_slice %arg3[%add3A_376, %dma_start3A_1002] : memref<262144x8xf32, #tpu.memory_space<hbm>> -> memref<1024x8xf32, #tpu.memory_space<hbm>>
      %dma_start3A_1004 = arith.constant 0 : i32
      %dma_start3A_1005 = arith.constant 0 : i32
      %dma_start3A_1006 = tpu.memref_slice %arg16[%dma_start3A_1004, %dma_start3A_1005] : memref<1025x8xf32, #tpu.memory_space<vmem>> -> memref<1024x8xf32, #tpu.memory_space<vmem>>
      %dma_start3A_1007 = arith.constant 0 : i32
      %dma_start3A_1008 = tpu.memref_slice %arg3[%add3A_376, %dma_start3A_1007] : memref<262144x8xf32, #tpu.memory_space<hbm>> -> memref<1024x8xf32, #tpu.memory_space<hbm>>
      tpu.enqueue_dma source(%dma_start3A_1008 : memref<1024x8xf32, #tpu.memory_space<hbm>>) target(%dma_start3A_1006 : memref<1024x8xf32, #tpu.memory_space<vmem>>) target_semaphore(%run_scoped3A : memref<!tpu.dma_semaphore, #tpu.memory_space<semaphore_mem>>)
      %dma_wait3A_1009 = arith.constant 0 : i32
      %dma_wait3A_1010 = arith.constant 0 : i32
      %dma_wait3A_1011 = tpu.memref_slice %arg16[%dma_wait3A_1009, %dma_wait3A_1010] : memref<1025x8xf32, #tpu.memory_space<vmem>> -> memref<1024x8xf32, #tpu.memory_space<vmem>>
      %dma_wait3A_1012 = arith.constant 0 : i32
      %dma_wait3A_1013 = tpu.memref_slice %arg3[%add3A_376, %dma_wait3A_1012] : memref<262144x8xf32, #tpu.memory_space<hbm>> -> memref<1024x8xf32, #tpu.memory_space<hbm>>
      %dma_wait3A_1014 = arith.constant 0 : i32
      %dma_wait3A_1015 = arith.constant 0 : i32
      %dma_wait3A_1016 = tpu.memref_slice %arg16[%dma_wait3A_1014, %dma_wait3A_1015] : memref<1025x8xf32, #tpu.memory_space<vmem>> -> memref<1024x8xf32, #tpu.memory_space<vmem>>
      %dma_wait3A_1017 = arith.constant 0 : i32
      %dma_wait3A_1018 = tpu.memref_slice %arg3[%add3A_376, %dma_wait3A_1017] : memref<262144x8xf32, #tpu.memory_space<hbm>> -> memref<1024x8xf32, #tpu.memory_space<hbm>>
      tpu.wait_dma2 semaphore(%run_scoped3A : memref<!tpu.dma_semaphore, #tpu.memory_space<semaphore_mem>>) src(%dma_wait3A_1018 : memref<1024x8xf32, #tpu.memory_space<hbm>>) dst(%dma_wait3A_1016 : memref<1024x8xf32, #tpu.memory_space<vmem>>)
      tpu.yield
    }) : () -> ()
    %add3A_403 = arith.constant 1024 : i32
    %add3A_404 = arith.addi %add3A_376, %add3A_403 : i32
    %lt3A_405 = arith.constant 262144 : i32
    %lt3A_406 = arith.cmpi slt, %add3A_404, %lt3A_405 : i32
    %convert_element_type3A_407 = arith.extui %lt3A_406 : i1 to i32
    %cond3A_408 = arith.constant 0 : i32
    %cond3A_409 = arith.cmpi ne, %convert_element_type3A_407, %cond3A_408 : i32
    scf.if %cond3A_409 {
      %add3A_999 = arith.constant 1024 : i32
      %add3A_1000 = arith.addi %add3A_376, %add3A_999 : i32
      "tpu.region"() ({
        %run_scoped3A = tpu.sem_alloc : memref<!tpu.dma_semaphore, #tpu.memory_space<semaphore_mem>>
        %dma_start3A_1001 = arith.constant 1024 : i32
        %dma_start3A_1002 = arith.constant 0 : i32
        %dma_start3A_1003 = tpu.memref_slice %arg16[%dma_start3A_1001, %dma_start3A_1002] : memref<1025x8xf32, #tpu.memory_space<vmem>> -> memref<1x8xf32, #tpu.memory_space<vmem>>
        %dma_start3A_1004 = arith.constant 0 : i32
        %dma_start3A_1005 = tpu.memref_slice %arg3[%add3A_1000, %dma_start3A_1004] : memref<262144x8xf32, #tpu.memory_space<hbm>> -> memref<1x8xf32, #tpu.memory_space<hbm>>
        %dma_start3A_1006 = arith.constant 1024 : i32
        %dma_start3A_1007 = arith.constant 0 : i32
        %dma_start3A_1008 = tpu.memref_slice %arg16[%dma_start3A_1006, %dma_start3A_1007] : memref<1025x8xf32, #tpu.memory_space<vmem>> -> memref<1x8xf32, #tpu.memory_space<vmem>>
        %dma_start3A_1009 = arith.constant 0 : i32
        %dma_start3A_1010 = tpu.memref_slice %arg3[%add3A_1000, %dma_start3A_1009] : memref<262144x8xf32, #tpu.memory_space<hbm>> -> memref<1x8xf32, #tpu.memory_space<hbm>>
        tpu.enqueue_dma source(%dma_start3A_1010 : memref<1x8xf32, #tpu.memory_space<hbm>>) target(%dma_start3A_1008 : memref<1x8xf32, #tpu.memory_space<vmem>>) target_semaphore(%run_scoped3A : memref<!tpu.dma_semaphore, #tpu.memory_space<semaphore_mem>>)
        %dma_wait3A_1011 = arith.constant 1024 : i32
        %dma_wait3A_1012 = arith.constant 0 : i32
        %dma_wait3A_1013 = tpu.memref_slice %arg16[%dma_wait3A_1011, %dma_wait3A_1012] : memref<1025x8xf32, #tpu.memory_space<vmem>> -> memref<1x8xf32, #tpu.memory_space<vmem>>
        %dma_wait3A_1014 = arith.constant 0 : i32
        %dma_wait3A_1015 = tpu.memref_slice %arg3[%add3A_1000, %dma_wait3A_1014] : memref<262144x8xf32, #tpu.memory_space<hbm>> -> memref<1x8xf32, #tpu.memory_space<hbm>>
        %dma_wait3A_1016 = arith.constant 1024 : i32
        %dma_wait3A_1017 = arith.constant 0 : i32
        %dma_wait3A_1018 = tpu.memref_slice %arg16[%dma_wait3A_1016, %dma_wait3A_1017] : memref<1025x8xf32, #tpu.memory_space<vmem>> -> memref<1x8xf32, #tpu.memory_space<vmem>>
        %dma_wait3A_1019 = arith.constant 0 : i32
        %dma_wait3A_1020 = tpu.memref_slice %arg3[%add3A_1000, %dma_wait3A_1019] : memref<262144x8xf32, #tpu.memory_space<hbm>> -> memref<1x8xf32, #tpu.memory_space<hbm>>
        tpu.wait_dma2 semaphore(%run_scoped3A : memref<!tpu.dma_semaphore, #tpu.memory_space<semaphore_mem>>) src(%dma_wait3A_1020 : memref<1x8xf32, #tpu.memory_space<hbm>>) dst(%dma_wait3A_1018 : memref<1x8xf32, #tpu.memory_space<vmem>>)
        tpu.yield
      }) : () -> ()
    } else {
    }
    %dma_start3A_410 = arith.constant 0 : i32
    %dma_start3A_411 = arith.constant 0 : i32
    %dma_start3A_412 = arith.constant 0 : i32
    %dma_start3A_413 = tpu.memref_slice %arg16[%dma_start3A_411, %dma_start3A_412] : memref<1025x8xf32, #tpu.memory_space<vmem>> -> memref<1024x8xf32, #tpu.memory_space<vmem>>
    %dma_start3A_414 = arith.constant 0 : i32
    %dma_start3A_415 = tpu.memref_slice %arg6[%add3A_376, %dma_start3A_410, %dma_start3A_414] : memref<262144x2x8xf32, #tpu.memory_space<hbm>> -> memref<1024x1x8xf32, #tpu.memory_space<hbm>>
    %dma_start3A_416 = tpu.memref_squeeze %dma_start3A_415 : memref<1024x1x8xf32, #tpu.memory_space<hbm>> -> memref<1024x8xf32, #tpu.memory_space<hbm>>
    %dma_start3A_417 = arith.constant 0 : i32
    %dma_start3A_418 = tpu.memref_slice %arg6[%add3A_376, %dma_start3A_410, %dma_start3A_417] : memref<262144x2x8xf32, #tpu.memory_space<hbm>> -> memref<1024x1x8xf32, #tpu.memory_space<hbm>>
    %dma_start3A_419 = tpu.memref_squeeze %dma_start3A_418 : memref<1024x1x8xf32, #tpu.memory_space<hbm>> -> memref<1024x8xf32, #tpu.memory_space<hbm>>
    %dma_start3A_420 = arith.constant 0 : i32
    %dma_start3A_421 = arith.constant 0 : i32
    %dma_start3A_422 = tpu.memref_slice %arg16[%dma_start3A_420, %dma_start3A_421] : memref<1025x8xf32, #tpu.memory_space<vmem>> -> memref<1024x8xf32, #tpu.memory_space<vmem>>
    tpu.enqueue_dma source(%dma_start3A_422 : memref<1024x8xf32, #tpu.memory_space<vmem>>) target(%dma_start3A_419 : memref<1024x8xf32, #tpu.memory_space<hbm>>) target_semaphore(%arg18 : memref<!tpu.dma_semaphore, #tpu.memory_space<semaphore_mem>>)
    %dma_start3A_423 = arith.constant 1 : i32
    %dma_start3A_424 = arith.constant 1 : i32
    %dma_start3A_425 = arith.constant 0 : i32
    %dma_start3A_426 = tpu.memref_slice %arg16[%dma_start3A_424, %dma_start3A_425] : memref<1025x8xf32, #tpu.memory_space<vmem>> -> memref<1024x8xf32, #tpu.memory_space<vmem>>
    %dma_start3A_427 = arith.constant 0 : i32
    %dma_start3A_428 = tpu.memref_slice %arg6[%add3A_376, %dma_start3A_423, %dma_start3A_427] : memref<262144x2x8xf32, #tpu.memory_space<hbm>> -> memref<1024x1x8xf32, #tpu.memory_space<hbm>>
    %dma_start3A_429 = tpu.memref_squeeze %dma_start3A_428 : memref<1024x1x8xf32, #tpu.memory_space<hbm>> -> memref<1024x8xf32, #tpu.memory_space<hbm>>
    %dma_start3A_430 = arith.constant 0 : i32
    %dma_start3A_431 = tpu.memref_slice %arg6[%add3A_376, %dma_start3A_423, %dma_start3A_430] : memref<262144x2x8xf32, #tpu.memory_space<hbm>> -> memref<1024x1x8xf32, #tpu.memory_space<hbm>>
    %dma_start3A_432 = tpu.memref_squeeze %dma_start3A_431 : memref<1024x1x8xf32, #tpu.memory_space<hbm>> -> memref<1024x8xf32, #tpu.memory_space<hbm>>
    %dma_start3A_433 = arith.constant 1 : i32
    %dma_start3A_434 = arith.constant 0 : i32
    %dma_start3A_435 = tpu.memref_slice %arg16[%dma_start3A_433, %dma_start3A_434] : memref<1025x8xf32, #tpu.memory_space<vmem>> -> memref<1024x8xf32, #tpu.memory_space<vmem>>
    tpu.enqueue_dma source(%dma_start3A_435 : memref<1024x8xf32, #tpu.memory_space<vmem>>) target(%dma_start3A_432 : memref<1024x8xf32, #tpu.memory_space<hbm>>) target_semaphore(%arg18 : memref<!tpu.dma_semaphore, #tpu.memory_space<semaphore_mem>>)
    %add3A_436 = arith.constant 8192 : i32
    %add3A_437 = arith.addi %mul3A_4, %add3A_436 : i32
    %dma_wait3A_438 = arith.constant 0 : i32
    %dma_wait3A_439 = arith.constant 0 : i32
    %dma_wait3A_440 = arith.constant 0 : i32
    %dma_wait3A_441 = tpu.memref_slice %arg15[%dma_wait3A_439, %dma_wait3A_440] : memref<1025x8xf32, #tpu.memory_space<vmem>> -> memref<1024x8xf32, #tpu.memory_space<vmem>>
    %dma_wait3A_442 = arith.constant 0 : i32
    %dma_wait3A_443 = tpu.memref_slice %arg6[%add3A_315, %dma_wait3A_438, %dma_wait3A_442] : memref<262144x2x8xf32, #tpu.memory_space<hbm>> -> memref<1024x1x8xf32, #tpu.memory_space<hbm>>
    %dma_wait3A_444 = tpu.memref_squeeze %dma_wait3A_443 : memref<1024x1x8xf32, #tpu.memory_space<hbm>> -> memref<1024x8xf32, #tpu.memory_space<hbm>>
    %dma_wait3A_445 = arith.constant 0 : i32
    %dma_wait3A_446 = tpu.memref_slice %arg6[%add3A_315, %dma_wait3A_438, %dma_wait3A_445] : memref<262144x2x8xf32, #tpu.memory_space<hbm>> -> memref<1024x1x8xf32, #tpu.memory_space<hbm>>
    %dma_wait3A_447 = tpu.memref_squeeze %dma_wait3A_446 : memref<1024x1x8xf32, #tpu.memory_space<hbm>> -> memref<1024x8xf32, #tpu.memory_space<hbm>>
    %dma_wait3A_448 = arith.constant 0 : i32
    %dma_wait3A_449 = arith.constant 0 : i32
    %dma_wait3A_450 = tpu.memref_slice %arg15[%dma_wait3A_448, %dma_wait3A_449] : memref<1025x8xf32, #tpu.memory_space<vmem>> -> memref<1024x8xf32, #tpu.memory_space<vmem>>
    tpu.wait_dma2 semaphore(%arg17 : memref<!tpu.dma_semaphore, #tpu.memory_space<semaphore_mem>>) src(%dma_wait3A_450 : memref<1024x8xf32, #tpu.memory_space<vmem>>) dst(%dma_wait3A_447 : memref<1024x8xf32, #tpu.memory_space<hbm>>)
    %dma_wait3A_451 = arith.constant 1 : i32
    %dma_wait3A_452 = arith.constant 1 : i32
    %dma_wait3A_453 = arith.constant 0 : i32
    %dma_wait3A_454 = tpu.memref_slice %arg15[%dma_wait3A_452, %dma_wait3A_453] : memref<1025x8xf32, #tpu.memory_space<vmem>> -> memref<1024x8xf32, #tpu.memory_space<vmem>>
    %dma_wait3A_455 = arith.constant 0 : i32
    %dma_wait3A_456 = tpu.memref_slice %arg6[%add3A_315, %dma_wait3A_451, %dma_wait3A_455] : memref<262144x2x8xf32, #tpu.memory_space<hbm>> -> memref<1024x1x8xf32, #tpu.memory_space<hbm>>
    %dma_wait3A_457 = tpu.memref_squeeze %dma_wait3A_456 : memref<1024x1x8xf32, #tpu.memory_space<hbm>> -> memref<1024x8xf32, #tpu.memory_space<hbm>>
    %dma_wait3A_458 = arith.constant 0 : i32
    %dma_wait3A_459 = tpu.memref_slice %arg6[%add3A_315, %dma_wait3A_451, %dma_wait3A_458] : memref<262144x2x8xf32, #tpu.memory_space<hbm>> -> memref<1024x1x8xf32, #tpu.memory_space<hbm>>
    %dma_wait3A_460 = tpu.memref_squeeze %dma_wait3A_459 : memref<1024x1x8xf32, #tpu.memory_space<hbm>> -> memref<1024x8xf32, #tpu.memory_space<hbm>>
    %dma_wait3A_461 = arith.constant 1 : i32
    %dma_wait3A_462 = arith.constant 0 : i32
    %dma_wait3A_463 = tpu.memref_slice %arg15[%dma_wait3A_461, %dma_wait3A_462] : memref<1025x8xf32, #tpu.memory_space<vmem>> -> memref<1024x8xf32, #tpu.memory_space<vmem>>
    tpu.wait_dma2 semaphore(%arg17 : memref<!tpu.dma_semaphore, #tpu.memory_space<semaphore_mem>>) src(%dma_wait3A_463 : memref<1024x8xf32, #tpu.memory_space<vmem>>) dst(%dma_wait3A_460 : memref<1024x8xf32, #tpu.memory_space<hbm>>)
    "tpu.region"() ({
      %run_scoped3A = tpu.sem_alloc : memref<!tpu.dma_semaphore, #tpu.memory_space<semaphore_mem>>
      %dma_start3A_999 = arith.constant 0 : i32
      %dma_start3A_1000 = arith.constant 0 : i32
      %dma_start3A_1001 = tpu.memref_slice %arg15[%dma_start3A_999, %dma_start3A_1000] : memref<1025x8xf32, #tpu.memory_space<vmem>> -> memref<1024x8xf32, #tpu.memory_space<vmem>>
      %dma_start3A_1002 = arith.constant 0 : i32
      %dma_start3A_1003 = tpu.memref_slice %arg3[%add3A_437, %dma_start3A_1002] : memref<262144x8xf32, #tpu.memory_space<hbm>> -> memref<1024x8xf32, #tpu.memory_space<hbm>>
      %dma_start3A_1004 = arith.constant 0 : i32
      %dma_start3A_1005 = arith.constant 0 : i32
      %dma_start3A_1006 = tpu.memref_slice %arg15[%dma_start3A_1004, %dma_start3A_1005] : memref<1025x8xf32, #tpu.memory_space<vmem>> -> memref<1024x8xf32, #tpu.memory_space<vmem>>
      %dma_start3A_1007 = arith.constant 0 : i32
      %dma_start3A_1008 = tpu.memref_slice %arg3[%add3A_437, %dma_start3A_1007] : memref<262144x8xf32, #tpu.memory_space<hbm>> -> memref<1024x8xf32, #tpu.memory_space<hbm>>
      tpu.enqueue_dma source(%dma_start3A_1008 : memref<1024x8xf32, #tpu.memory_space<hbm>>) target(%dma_start3A_1006 : memref<1024x8xf32, #tpu.memory_space<vmem>>) target_semaphore(%run_scoped3A : memref<!tpu.dma_semaphore, #tpu.memory_space<semaphore_mem>>)
      %dma_wait3A_1009 = arith.constant 0 : i32
      %dma_wait3A_1010 = arith.constant 0 : i32
      %dma_wait3A_1011 = tpu.memref_slice %arg15[%dma_wait3A_1009, %dma_wait3A_1010] : memref<1025x8xf32, #tpu.memory_space<vmem>> -> memref<1024x8xf32, #tpu.memory_space<vmem>>
      %dma_wait3A_1012 = arith.constant 0 : i32
      %dma_wait3A_1013 = tpu.memref_slice %arg3[%add3A_437, %dma_wait3A_1012] : memref<262144x8xf32, #tpu.memory_space<hbm>> -> memref<1024x8xf32, #tpu.memory_space<hbm>>
      %dma_wait3A_1014 = arith.constant 0 : i32
      %dma_wait3A_1015 = arith.constant 0 : i32
      %dma_wait3A_1016 = tpu.memref_slice %arg15[%dma_wait3A_1014, %dma_wait3A_1015] : memref<1025x8xf32, #tpu.memory_space<vmem>> -> memref<1024x8xf32, #tpu.memory_space<vmem>>
      %dma_wait3A_1017 = arith.constant 0 : i32
      %dma_wait3A_1018 = tpu.memref_slice %arg3[%add3A_437, %dma_wait3A_1017] : memref<262144x8xf32, #tpu.memory_space<hbm>> -> memref<1024x8xf32, #tpu.memory_space<hbm>>
      tpu.wait_dma2 semaphore(%run_scoped3A : memref<!tpu.dma_semaphore, #tpu.memory_space<semaphore_mem>>) src(%dma_wait3A_1018 : memref<1024x8xf32, #tpu.memory_space<hbm>>) dst(%dma_wait3A_1016 : memref<1024x8xf32, #tpu.memory_space<vmem>>)
      tpu.yield
    }) : () -> ()
    %add3A_464 = arith.constant 1024 : i32
    %add3A_465 = arith.addi %add3A_437, %add3A_464 : i32
    %lt3A_466 = arith.constant 262144 : i32
    %lt3A_467 = arith.cmpi slt, %add3A_465, %lt3A_466 : i32
    %convert_element_type3A_468 = arith.extui %lt3A_467 : i1 to i32
    %cond3A_469 = arith.constant 0 : i32
    %cond3A_470 = arith.cmpi ne, %convert_element_type3A_468, %cond3A_469 : i32
    scf.if %cond3A_470 {
      %add3A_999 = arith.constant 1024 : i32
      %add3A_1000 = arith.addi %add3A_437, %add3A_999 : i32
      "tpu.region"() ({
        %run_scoped3A = tpu.sem_alloc : memref<!tpu.dma_semaphore, #tpu.memory_space<semaphore_mem>>
        %dma_start3A_1001 = arith.constant 1024 : i32
        %dma_start3A_1002 = arith.constant 0 : i32
        %dma_start3A_1003 = tpu.memref_slice %arg15[%dma_start3A_1001, %dma_start3A_1002] : memref<1025x8xf32, #tpu.memory_space<vmem>> -> memref<1x8xf32, #tpu.memory_space<vmem>>
        %dma_start3A_1004 = arith.constant 0 : i32
        %dma_start3A_1005 = tpu.memref_slice %arg3[%add3A_1000, %dma_start3A_1004] : memref<262144x8xf32, #tpu.memory_space<hbm>> -> memref<1x8xf32, #tpu.memory_space<hbm>>
        %dma_start3A_1006 = arith.constant 1024 : i32
        %dma_start3A_1007 = arith.constant 0 : i32
        %dma_start3A_1008 = tpu.memref_slice %arg15[%dma_start3A_1006, %dma_start3A_1007] : memref<1025x8xf32, #tpu.memory_space<vmem>> -> memref<1x8xf32, #tpu.memory_space<vmem>>
        %dma_start3A_1009 = arith.constant 0 : i32
        %dma_start3A_1010 = tpu.memref_slice %arg3[%add3A_1000, %dma_start3A_1009] : memref<262144x8xf32, #tpu.memory_space<hbm>> -> memref<1x8xf32, #tpu.memory_space<hbm>>
        tpu.enqueue_dma source(%dma_start3A_1010 : memref<1x8xf32, #tpu.memory_space<hbm>>) target(%dma_start3A_1008 : memref<1x8xf32, #tpu.memory_space<vmem>>) target_semaphore(%run_scoped3A : memref<!tpu.dma_semaphore, #tpu.memory_space<semaphore_mem>>)
        %dma_wait3A_1011 = arith.constant 1024 : i32
        %dma_wait3A_1012 = arith.constant 0 : i32
        %dma_wait3A_1013 = tpu.memref_slice %arg15[%dma_wait3A_1011, %dma_wait3A_1012] : memref<1025x8xf32, #tpu.memory_space<vmem>> -> memref<1x8xf32, #tpu.memory_space<vmem>>
        %dma_wait3A_1014 = arith.constant 0 : i32
        %dma_wait3A_1015 = tpu.memref_slice %arg3[%add3A_1000, %dma_wait3A_1014] : memref<262144x8xf32, #tpu.memory_space<hbm>> -> memref<1x8xf32, #tpu.memory_space<hbm>>
        %dma_wait3A_1016 = arith.constant 1024 : i32
        %dma_wait3A_1017 = arith.constant 0 : i32
        %dma_wait3A_1018 = tpu.memref_slice %arg15[%dma_wait3A_1016, %dma_wait3A_1017] : memref<1025x8xf32, #tpu.memory_space<vmem>> -> memref<1x8xf32, #tpu.memory_space<vmem>>
        %dma_wait3A_1019 = arith.constant 0 : i32
        %dma_wait3A_1020 = tpu.memref_slice %arg3[%add3A_1000, %dma_wait3A_1019] : memref<262144x8xf32, #tpu.memory_space<hbm>> -> memref<1x8xf32, #tpu.memory_space<hbm>>
        tpu.wait_dma2 semaphore(%run_scoped3A : memref<!tpu.dma_semaphore, #tpu.memory_space<semaphore_mem>>) src(%dma_wait3A_1020 : memref<1x8xf32, #tpu.memory_space<hbm>>) dst(%dma_wait3A_1018 : memref<1x8xf32, #tpu.memory_space<vmem>>)
        tpu.yield
      }) : () -> ()
    } else {
    }
    %dma_start3A_471 = arith.constant 0 : i32
    %dma_start3A_472 = arith.constant 0 : i32
    %dma_start3A_473 = arith.constant 0 : i32
    %dma_start3A_474 = tpu.memref_slice %arg15[%dma_start3A_472, %dma_start3A_473] : memref<1025x8xf32, #tpu.memory_space<vmem>> -> memref<1024x8xf32, #tpu.memory_space<vmem>>
    %dma_start3A_475 = arith.constant 0 : i32
    %dma_start3A_476 = tpu.memref_slice %arg6[%add3A_437, %dma_start3A_471, %dma_start3A_475] : memref<262144x2x8xf32, #tpu.memory_space<hbm>> -> memref<1024x1x8xf32, #tpu.memory_space<hbm>>
    %dma_start3A_477 = tpu.memref_squeeze %dma_start3A_476 : memref<1024x1x8xf32, #tpu.memory_space<hbm>> -> memref<1024x8xf32, #tpu.memory_space<hbm>>
    %dma_start3A_478 = arith.constant 0 : i32
    %dma_start3A_479 = tpu.memref_slice %arg6[%add3A_437, %dma_start3A_471, %dma_start3A_478] : memref<262144x2x8xf32, #tpu.memory_space<hbm>> -> memref<1024x1x8xf32, #tpu.memory_space<hbm>>
    %dma_start3A_480 = tpu.memref_squeeze %dma_start3A_479 : memref<1024x1x8xf32, #tpu.memory_space<hbm>> -> memref<1024x8xf32, #tpu.memory_space<hbm>>
    %dma_start3A_481 = arith.constant 0 : i32
    %dma_start3A_482 = arith.constant 0 : i32
    %dma_start3A_483 = tpu.memref_slice %arg15[%dma_start3A_481, %dma_start3A_482] : memref<1025x8xf32, #tpu.memory_space<vmem>> -> memref<1024x8xf32, #tpu.memory_space<vmem>>
    tpu.enqueue_dma source(%dma_start3A_483 : memref<1024x8xf32, #tpu.memory_space<vmem>>) target(%dma_start3A_480 : memref<1024x8xf32, #tpu.memory_space<hbm>>) target_semaphore(%arg17 : memref<!tpu.dma_semaphore, #tpu.memory_space<semaphore_mem>>)
    %dma_start3A_484 = arith.constant 1 : i32
    %dma_start3A_485 = arith.constant 1 : i32
    %dma_start3A_486 = arith.constant 0 : i32
    %dma_start3A_487 = tpu.memref_slice %arg15[%dma_start3A_485, %dma_start3A_486] : memref<1025x8xf32, #tpu.memory_space<vmem>> -> memref<1024x8xf32, #tpu.memory_space<vmem>>
    %dma_start3A_488 = arith.constant 0 : i32
    %dma_start3A_489 = tpu.memref_slice %arg6[%add3A_437, %dma_start3A_484, %dma_start3A_488] : memref<262144x2x8xf32, #tpu.memory_space<hbm>> -> memref<1024x1x8xf32, #tpu.memory_space<hbm>>
    %dma_start3A_490 = tpu.memref_squeeze %dma_start3A_489 : memref<1024x1x8xf32, #tpu.memory_space<hbm>> -> memref<1024x8xf32, #tpu.memory_space<hbm>>
    %dma_start3A_491 = arith.constant 0 : i32
    %dma_start3A_492 = tpu.memref_slice %arg6[%add3A_437, %dma_start3A_484, %dma_start3A_491] : memref<262144x2x8xf32, #tpu.memory_space<hbm>> -> memref<1024x1x8xf32, #tpu.memory_space<hbm>>
    %dma_start3A_493 = tpu.memref_squeeze %dma_start3A_492 : memref<1024x1x8xf32, #tpu.memory_space<hbm>> -> memref<1024x8xf32, #tpu.memory_space<hbm>>
    %dma_start3A_494 = arith.constant 1 : i32
    %dma_start3A_495 = arith.constant 0 : i32
    %dma_start3A_496 = tpu.memref_slice %arg15[%dma_start3A_494, %dma_start3A_495] : memref<1025x8xf32, #tpu.memory_space<vmem>> -> memref<1024x8xf32, #tpu.memory_space<vmem>>
    tpu.enqueue_dma source(%dma_start3A_496 : memref<1024x8xf32, #tpu.memory_space<vmem>>) target(%dma_start3A_493 : memref<1024x8xf32, #tpu.memory_space<hbm>>) target_semaphore(%arg17 : memref<!tpu.dma_semaphore, #tpu.memory_space<semaphore_mem>>)
    %add3A_497 = arith.constant 9216 : i32
    %add3A_498 = arith.addi %mul3A_4, %add3A_497 : i32
    %dma_wait3A_499 = arith.constant 0 : i32
    %dma_wait3A_500 = arith.constant 0 : i32
    %dma_wait3A_501 = arith.constant 0 : i32
    %dma_wait3A_502 = tpu.memref_slice %arg16[%dma_wait3A_500, %dma_wait3A_501] : memref<1025x8xf32, #tpu.memory_space<vmem>> -> memref<1024x8xf32, #tpu.memory_space<vmem>>
    %dma_wait3A_503 = arith.constant 0 : i32
    %dma_wait3A_504 = tpu.memref_slice %arg6[%add3A_376, %dma_wait3A_499, %dma_wait3A_503] : memref<262144x2x8xf32, #tpu.memory_space<hbm>> -> memref<1024x1x8xf32, #tpu.memory_space<hbm>>
    %dma_wait3A_505 = tpu.memref_squeeze %dma_wait3A_504 : memref<1024x1x8xf32, #tpu.memory_space<hbm>> -> memref<1024x8xf32, #tpu.memory_space<hbm>>
    %dma_wait3A_506 = arith.constant 0 : i32
    %dma_wait3A_507 = tpu.memref_slice %arg6[%add3A_376, %dma_wait3A_499, %dma_wait3A_506] : memref<262144x2x8xf32, #tpu.memory_space<hbm>> -> memref<1024x1x8xf32, #tpu.memory_space<hbm>>
    %dma_wait3A_508 = tpu.memref_squeeze %dma_wait3A_507 : memref<1024x1x8xf32, #tpu.memory_space<hbm>> -> memref<1024x8xf32, #tpu.memory_space<hbm>>
    %dma_wait3A_509 = arith.constant 0 : i32
    %dma_wait3A_510 = arith.constant 0 : i32
    %dma_wait3A_511 = tpu.memref_slice %arg16[%dma_wait3A_509, %dma_wait3A_510] : memref<1025x8xf32, #tpu.memory_space<vmem>> -> memref<1024x8xf32, #tpu.memory_space<vmem>>
    tpu.wait_dma2 semaphore(%arg18 : memref<!tpu.dma_semaphore, #tpu.memory_space<semaphore_mem>>) src(%dma_wait3A_511 : memref<1024x8xf32, #tpu.memory_space<vmem>>) dst(%dma_wait3A_508 : memref<1024x8xf32, #tpu.memory_space<hbm>>)
    %dma_wait3A_512 = arith.constant 1 : i32
    %dma_wait3A_513 = arith.constant 1 : i32
    %dma_wait3A_514 = arith.constant 0 : i32
    %dma_wait3A_515 = tpu.memref_slice %arg16[%dma_wait3A_513, %dma_wait3A_514] : memref<1025x8xf32, #tpu.memory_space<vmem>> -> memref<1024x8xf32, #tpu.memory_space<vmem>>
    %dma_wait3A_516 = arith.constant 0 : i32
    %dma_wait3A_517 = tpu.memref_slice %arg6[%add3A_376, %dma_wait3A_512, %dma_wait3A_516] : memref<262144x2x8xf32, #tpu.memory_space<hbm>> -> memref<1024x1x8xf32, #tpu.memory_space<hbm>>
    %dma_wait3A_518 = tpu.memref_squeeze %dma_wait3A_517 : memref<1024x1x8xf32, #tpu.memory_space<hbm>> -> memref<1024x8xf32, #tpu.memory_space<hbm>>
    %dma_wait3A_519 = arith.constant 0 : i32
    %dma_wait3A_520 = tpu.memref_slice %arg6[%add3A_376, %dma_wait3A_512, %dma_wait3A_519] : memref<262144x2x8xf32, #tpu.memory_space<hbm>> -> memref<1024x1x8xf32, #tpu.memory_space<hbm>>
    %dma_wait3A_521 = tpu.memref_squeeze %dma_wait3A_520 : memref<1024x1x8xf32, #tpu.memory_space<hbm>> -> memref<1024x8xf32, #tpu.memory_space<hbm>>
    %dma_wait3A_522 = arith.constant 1 : i32
    %dma_wait3A_523 = arith.constant 0 : i32
    %dma_wait3A_524 = tpu.memref_slice %arg16[%dma_wait3A_522, %dma_wait3A_523] : memref<1025x8xf32, #tpu.memory_space<vmem>> -> memref<1024x8xf32, #tpu.memory_space<vmem>>
    tpu.wait_dma2 semaphore(%arg18 : memref<!tpu.dma_semaphore, #tpu.memory_space<semaphore_mem>>) src(%dma_wait3A_524 : memref<1024x8xf32, #tpu.memory_space<vmem>>) dst(%dma_wait3A_521 : memref<1024x8xf32, #tpu.memory_space<hbm>>)
    "tpu.region"() ({
      %run_scoped3A = tpu.sem_alloc : memref<!tpu.dma_semaphore, #tpu.memory_space<semaphore_mem>>
      %dma_start3A_999 = arith.constant 0 : i32
      %dma_start3A_1000 = arith.constant 0 : i32
      %dma_start3A_1001 = tpu.memref_slice %arg16[%dma_start3A_999, %dma_start3A_1000] : memref<1025x8xf32, #tpu.memory_space<vmem>> -> memref<1024x8xf32, #tpu.memory_space<vmem>>
      %dma_start3A_1002 = arith.constant 0 : i32
      %dma_start3A_1003 = tpu.memref_slice %arg3[%add3A_498, %dma_start3A_1002] : memref<262144x8xf32, #tpu.memory_space<hbm>> -> memref<1024x8xf32, #tpu.memory_space<hbm>>
      %dma_start3A_1004 = arith.constant 0 : i32
      %dma_start3A_1005 = arith.constant 0 : i32
      %dma_start3A_1006 = tpu.memref_slice %arg16[%dma_start3A_1004, %dma_start3A_1005] : memref<1025x8xf32, #tpu.memory_space<vmem>> -> memref<1024x8xf32, #tpu.memory_space<vmem>>
      %dma_start3A_1007 = arith.constant 0 : i32
      %dma_start3A_1008 = tpu.memref_slice %arg3[%add3A_498, %dma_start3A_1007] : memref<262144x8xf32, #tpu.memory_space<hbm>> -> memref<1024x8xf32, #tpu.memory_space<hbm>>
      tpu.enqueue_dma source(%dma_start3A_1008 : memref<1024x8xf32, #tpu.memory_space<hbm>>) target(%dma_start3A_1006 : memref<1024x8xf32, #tpu.memory_space<vmem>>) target_semaphore(%run_scoped3A : memref<!tpu.dma_semaphore, #tpu.memory_space<semaphore_mem>>)
      %dma_wait3A_1009 = arith.constant 0 : i32
      %dma_wait3A_1010 = arith.constant 0 : i32
      %dma_wait3A_1011 = tpu.memref_slice %arg16[%dma_wait3A_1009, %dma_wait3A_1010] : memref<1025x8xf32, #tpu.memory_space<vmem>> -> memref<1024x8xf32, #tpu.memory_space<vmem>>
      %dma_wait3A_1012 = arith.constant 0 : i32
      %dma_wait3A_1013 = tpu.memref_slice %arg3[%add3A_498, %dma_wait3A_1012] : memref<262144x8xf32, #tpu.memory_space<hbm>> -> memref<1024x8xf32, #tpu.memory_space<hbm>>
      %dma_wait3A_1014 = arith.constant 0 : i32
      %dma_wait3A_1015 = arith.constant 0 : i32
      %dma_wait3A_1016 = tpu.memref_slice %arg16[%dma_wait3A_1014, %dma_wait3A_1015] : memref<1025x8xf32, #tpu.memory_space<vmem>> -> memref<1024x8xf32, #tpu.memory_space<vmem>>
      %dma_wait3A_1017 = arith.constant 0 : i32
      %dma_wait3A_1018 = tpu.memref_slice %arg3[%add3A_498, %dma_wait3A_1017] : memref<262144x8xf32, #tpu.memory_space<hbm>> -> memref<1024x8xf32, #tpu.memory_space<hbm>>
      tpu.wait_dma2 semaphore(%run_scoped3A : memref<!tpu.dma_semaphore, #tpu.memory_space<semaphore_mem>>) src(%dma_wait3A_1018 : memref<1024x8xf32, #tpu.memory_space<hbm>>) dst(%dma_wait3A_1016 : memref<1024x8xf32, #tpu.memory_space<vmem>>)
      tpu.yield
    }) : () -> ()
    %add3A_525 = arith.constant 1024 : i32
    %add3A_526 = arith.addi %add3A_498, %add3A_525 : i32
    %lt3A_527 = arith.constant 262144 : i32
    %lt3A_528 = arith.cmpi slt, %add3A_526, %lt3A_527 : i32
    %convert_element_type3A_529 = arith.extui %lt3A_528 : i1 to i32
    %cond3A_530 = arith.constant 0 : i32
    %cond3A_531 = arith.cmpi ne, %convert_element_type3A_529, %cond3A_530 : i32
    scf.if %cond3A_531 {
      %add3A_999 = arith.constant 1024 : i32
      %add3A_1000 = arith.addi %add3A_498, %add3A_999 : i32
      "tpu.region"() ({
        %run_scoped3A = tpu.sem_alloc : memref<!tpu.dma_semaphore, #tpu.memory_space<semaphore_mem>>
        %dma_start3A_1001 = arith.constant 1024 : i32
        %dma_start3A_1002 = arith.constant 0 : i32
        %dma_start3A_1003 = tpu.memref_slice %arg16[%dma_start3A_1001, %dma_start3A_1002] : memref<1025x8xf32, #tpu.memory_space<vmem>> -> memref<1x8xf32, #tpu.memory_space<vmem>>
        %dma_start3A_1004 = arith.constant 0 : i32
        %dma_start3A_1005 = tpu.memref_slice %arg3[%add3A_1000, %dma_start3A_1004] : memref<262144x8xf32, #tpu.memory_space<hbm>> -> memref<1x8xf32, #tpu.memory_space<hbm>>
        %dma_start3A_1006 = arith.constant 1024 : i32
        %dma_start3A_1007 = arith.constant 0 : i32
        %dma_start3A_1008 = tpu.memref_slice %arg16[%dma_start3A_1006, %dma_start3A_1007] : memref<1025x8xf32, #tpu.memory_space<vmem>> -> memref<1x8xf32, #tpu.memory_space<vmem>>
        %dma_start3A_1009 = arith.constant 0 : i32
        %dma_start3A_1010 = tpu.memref_slice %arg3[%add3A_1000, %dma_start3A_1009] : memref<262144x8xf32, #tpu.memory_space<hbm>> -> memref<1x8xf32, #tpu.memory_space<hbm>>
        tpu.enqueue_dma source(%dma_start3A_1010 : memref<1x8xf32, #tpu.memory_space<hbm>>) target(%dma_start3A_1008 : memref<1x8xf32, #tpu.memory_space<vmem>>) target_semaphore(%run_scoped3A : memref<!tpu.dma_semaphore, #tpu.memory_space<semaphore_mem>>)
        %dma_wait3A_1011 = arith.constant 1024 : i32
        %dma_wait3A_1012 = arith.constant 0 : i32
        %dma_wait3A_1013 = tpu.memref_slice %arg16[%dma_wait3A_1011, %dma_wait3A_1012] : memref<1025x8xf32, #tpu.memory_space<vmem>> -> memref<1x8xf32, #tpu.memory_space<vmem>>
        %dma_wait3A_1014 = arith.constant 0 : i32
        %dma_wait3A_1015 = tpu.memref_slice %arg3[%add3A_1000, %dma_wait3A_1014] : memref<262144x8xf32, #tpu.memory_space<hbm>> -> memref<1x8xf32, #tpu.memory_space<hbm>>
        %dma_wait3A_1016 = arith.constant 1024 : i32
        %dma_wait3A_1017 = arith.constant 0 : i32
        %dma_wait3A_1018 = tpu.memref_slice %arg16[%dma_wait3A_1016, %dma_wait3A_1017] : memref<1025x8xf32, #tpu.memory_space<vmem>> -> memref<1x8xf32, #tpu.memory_space<vmem>>
        %dma_wait3A_1019 = arith.constant 0 : i32
        %dma_wait3A_1020 = tpu.memref_slice %arg3[%add3A_1000, %dma_wait3A_1019] : memref<262144x8xf32, #tpu.memory_space<hbm>> -> memref<1x8xf32, #tpu.memory_space<hbm>>
        tpu.wait_dma2 semaphore(%run_scoped3A : memref<!tpu.dma_semaphore, #tpu.memory_space<semaphore_mem>>) src(%dma_wait3A_1020 : memref<1x8xf32, #tpu.memory_space<hbm>>) dst(%dma_wait3A_1018 : memref<1x8xf32, #tpu.memory_space<vmem>>)
        tpu.yield
      }) : () -> ()
    } else {
    }
    %dma_start3A_532 = arith.constant 0 : i32
    %dma_start3A_533 = arith.constant 0 : i32
    %dma_start3A_534 = arith.constant 0 : i32
    %dma_start3A_535 = tpu.memref_slice %arg16[%dma_start3A_533, %dma_start3A_534] : memref<1025x8xf32, #tpu.memory_space<vmem>> -> memref<1024x8xf32, #tpu.memory_space<vmem>>
    %dma_start3A_536 = arith.constant 0 : i32
    %dma_start3A_537 = tpu.memref_slice %arg6[%add3A_498, %dma_start3A_532, %dma_start3A_536] : memref<262144x2x8xf32, #tpu.memory_space<hbm>> -> memref<1024x1x8xf32, #tpu.memory_space<hbm>>
    %dma_start3A_538 = tpu.memref_squeeze %dma_start3A_537 : memref<1024x1x8xf32, #tpu.memory_space<hbm>> -> memref<1024x8xf32, #tpu.memory_space<hbm>>
    %dma_start3A_539 = arith.constant 0 : i32
    %dma_start3A_540 = tpu.memref_slice %arg6[%add3A_498, %dma_start3A_532, %dma_start3A_539] : memref<262144x2x8xf32, #tpu.memory_space<hbm>> -> memref<1024x1x8xf32, #tpu.memory_space<hbm>>
    %dma_start3A_541 = tpu.memref_squeeze %dma_start3A_540 : memref<1024x1x8xf32, #tpu.memory_space<hbm>> -> memref<1024x8xf32, #tpu.memory_space<hbm>>
    %dma_start3A_542 = arith.constant 0 : i32
    %dma_start3A_543 = arith.constant 0 : i32
    %dma_start3A_544 = tpu.memref_slice %arg16[%dma_start3A_542, %dma_start3A_543] : memref<1025x8xf32, #tpu.memory_space<vmem>> -> memref<1024x8xf32, #tpu.memory_space<vmem>>
    tpu.enqueue_dma source(%dma_start3A_544 : memref<1024x8xf32, #tpu.memory_space<vmem>>) target(%dma_start3A_541 : memref<1024x8xf32, #tpu.memory_space<hbm>>) target_semaphore(%arg18 : memref<!tpu.dma_semaphore, #tpu.memory_space<semaphore_mem>>)
    %dma_start3A_545 = arith.constant 1 : i32
    %dma_start3A_546 = arith.constant 1 : i32
    %dma_start3A_547 = arith.constant 0 : i32
    %dma_start3A_548 = tpu.memref_slice %arg16[%dma_start3A_546, %dma_start3A_547] : memref<1025x8xf32, #tpu.memory_space<vmem>> -> memref<1024x8xf32, #tpu.memory_space<vmem>>
    %dma_start3A_549 = arith.constant 0 : i32
    %dma_start3A_550 = tpu.memref_slice %arg6[%add3A_498, %dma_start3A_545, %dma_start3A_549] : memref<262144x2x8xf32, #tpu.memory_space<hbm>> -> memref<1024x1x8xf32, #tpu.memory_space<hbm>>
    %dma_start3A_551 = tpu.memref_squeeze %dma_start3A_550 : memref<1024x1x8xf32, #tpu.memory_space<hbm>> -> memref<1024x8xf32, #tpu.memory_space<hbm>>
    %dma_start3A_552 = arith.constant 0 : i32
    %dma_start3A_553 = tpu.memref_slice %arg6[%add3A_498, %dma_start3A_545, %dma_start3A_552] : memref<262144x2x8xf32, #tpu.memory_space<hbm>> -> memref<1024x1x8xf32, #tpu.memory_space<hbm>>
    %dma_start3A_554 = tpu.memref_squeeze %dma_start3A_553 : memref<1024x1x8xf32, #tpu.memory_space<hbm>> -> memref<1024x8xf32, #tpu.memory_space<hbm>>
    %dma_start3A_555 = arith.constant 1 : i32
    %dma_start3A_556 = arith.constant 0 : i32
    %dma_start3A_557 = tpu.memref_slice %arg16[%dma_start3A_555, %dma_start3A_556] : memref<1025x8xf32, #tpu.memory_space<vmem>> -> memref<1024x8xf32, #tpu.memory_space<vmem>>
    tpu.enqueue_dma source(%dma_start3A_557 : memref<1024x8xf32, #tpu.memory_space<vmem>>) target(%dma_start3A_554 : memref<1024x8xf32, #tpu.memory_space<hbm>>) target_semaphore(%arg18 : memref<!tpu.dma_semaphore, #tpu.memory_space<semaphore_mem>>)
    %add3A_558 = arith.constant 10240 : i32
    %add3A_559 = arith.addi %mul3A_4, %add3A_558 : i32
    %dma_wait3A_560 = arith.constant 0 : i32
    %dma_wait3A_561 = arith.constant 0 : i32
    %dma_wait3A_562 = arith.constant 0 : i32
    %dma_wait3A_563 = tpu.memref_slice %arg15[%dma_wait3A_561, %dma_wait3A_562] : memref<1025x8xf32, #tpu.memory_space<vmem>> -> memref<1024x8xf32, #tpu.memory_space<vmem>>
    %dma_wait3A_564 = arith.constant 0 : i32
    %dma_wait3A_565 = tpu.memref_slice %arg6[%add3A_437, %dma_wait3A_560, %dma_wait3A_564] : memref<262144x2x8xf32, #tpu.memory_space<hbm>> -> memref<1024x1x8xf32, #tpu.memory_space<hbm>>
    %dma_wait3A_566 = tpu.memref_squeeze %dma_wait3A_565 : memref<1024x1x8xf32, #tpu.memory_space<hbm>> -> memref<1024x8xf32, #tpu.memory_space<hbm>>
    %dma_wait3A_567 = arith.constant 0 : i32
    %dma_wait3A_568 = tpu.memref_slice %arg6[%add3A_437, %dma_wait3A_560, %dma_wait3A_567] : memref<262144x2x8xf32, #tpu.memory_space<hbm>> -> memref<1024x1x8xf32, #tpu.memory_space<hbm>>
    %dma_wait3A_569 = tpu.memref_squeeze %dma_wait3A_568 : memref<1024x1x8xf32, #tpu.memory_space<hbm>> -> memref<1024x8xf32, #tpu.memory_space<hbm>>
    %dma_wait3A_570 = arith.constant 0 : i32
    %dma_wait3A_571 = arith.constant 0 : i32
    %dma_wait3A_572 = tpu.memref_slice %arg15[%dma_wait3A_570, %dma_wait3A_571] : memref<1025x8xf32, #tpu.memory_space<vmem>> -> memref<1024x8xf32, #tpu.memory_space<vmem>>
    tpu.wait_dma2 semaphore(%arg17 : memref<!tpu.dma_semaphore, #tpu.memory_space<semaphore_mem>>) src(%dma_wait3A_572 : memref<1024x8xf32, #tpu.memory_space<vmem>>) dst(%dma_wait3A_569 : memref<1024x8xf32, #tpu.memory_space<hbm>>)
    %dma_wait3A_573 = arith.constant 1 : i32
    %dma_wait3A_574 = arith.constant 1 : i32
    %dma_wait3A_575 = arith.constant 0 : i32
    %dma_wait3A_576 = tpu.memref_slice %arg15[%dma_wait3A_574, %dma_wait3A_575] : memref<1025x8xf32, #tpu.memory_space<vmem>> -> memref<1024x8xf32, #tpu.memory_space<vmem>>
    %dma_wait3A_577 = arith.constant 0 : i32
    %dma_wait3A_578 = tpu.memref_slice %arg6[%add3A_437, %dma_wait3A_573, %dma_wait3A_577] : memref<262144x2x8xf32, #tpu.memory_space<hbm>> -> memref<1024x1x8xf32, #tpu.memory_space<hbm>>
    %dma_wait3A_579 = tpu.memref_squeeze %dma_wait3A_578 : memref<1024x1x8xf32, #tpu.memory_space<hbm>> -> memref<1024x8xf32, #tpu.memory_space<hbm>>
    %dma_wait3A_580 = arith.constant 0 : i32
    %dma_wait3A_581 = tpu.memref_slice %arg6[%add3A_437, %dma_wait3A_573, %dma_wait3A_580] : memref<262144x2x8xf32, #tpu.memory_space<hbm>> -> memref<1024x1x8xf32, #tpu.memory_space<hbm>>
    %dma_wait3A_582 = tpu.memref_squeeze %dma_wait3A_581 : memref<1024x1x8xf32, #tpu.memory_space<hbm>> -> memref<1024x8xf32, #tpu.memory_space<hbm>>
    %dma_wait3A_583 = arith.constant 1 : i32
    %dma_wait3A_584 = arith.constant 0 : i32
    %dma_wait3A_585 = tpu.memref_slice %arg15[%dma_wait3A_583, %dma_wait3A_584] : memref<1025x8xf32, #tpu.memory_space<vmem>> -> memref<1024x8xf32, #tpu.memory_space<vmem>>
    tpu.wait_dma2 semaphore(%arg17 : memref<!tpu.dma_semaphore, #tpu.memory_space<semaphore_mem>>) src(%dma_wait3A_585 : memref<1024x8xf32, #tpu.memory_space<vmem>>) dst(%dma_wait3A_582 : memref<1024x8xf32, #tpu.memory_space<hbm>>)
    "tpu.region"() ({
      %run_scoped3A = tpu.sem_alloc : memref<!tpu.dma_semaphore, #tpu.memory_space<semaphore_mem>>
      %dma_start3A_999 = arith.constant 0 : i32
      %dma_start3A_1000 = arith.constant 0 : i32
      %dma_start3A_1001 = tpu.memref_slice %arg15[%dma_start3A_999, %dma_start3A_1000] : memref<1025x8xf32, #tpu.memory_space<vmem>> -> memref<1024x8xf32, #tpu.memory_space<vmem>>
      %dma_start3A_1002 = arith.constant 0 : i32
      %dma_start3A_1003 = tpu.memref_slice %arg3[%add3A_559, %dma_start3A_1002] : memref<262144x8xf32, #tpu.memory_space<hbm>> -> memref<1024x8xf32, #tpu.memory_space<hbm>>
      %dma_start3A_1004 = arith.constant 0 : i32
      %dma_start3A_1005 = arith.constant 0 : i32
      %dma_start3A_1006 = tpu.memref_slice %arg15[%dma_start3A_1004, %dma_start3A_1005] : memref<1025x8xf32, #tpu.memory_space<vmem>> -> memref<1024x8xf32, #tpu.memory_space<vmem>>
      %dma_start3A_1007 = arith.constant 0 : i32
      %dma_start3A_1008 = tpu.memref_slice %arg3[%add3A_559, %dma_start3A_1007] : memref<262144x8xf32, #tpu.memory_space<hbm>> -> memref<1024x8xf32, #tpu.memory_space<hbm>>
      tpu.enqueue_dma source(%dma_start3A_1008 : memref<1024x8xf32, #tpu.memory_space<hbm>>) target(%dma_start3A_1006 : memref<1024x8xf32, #tpu.memory_space<vmem>>) target_semaphore(%run_scoped3A : memref<!tpu.dma_semaphore, #tpu.memory_space<semaphore_mem>>)
      %dma_wait3A_1009 = arith.constant 0 : i32
      %dma_wait3A_1010 = arith.constant 0 : i32
      %dma_wait3A_1011 = tpu.memref_slice %arg15[%dma_wait3A_1009, %dma_wait3A_1010] : memref<1025x8xf32, #tpu.memory_space<vmem>> -> memref<1024x8xf32, #tpu.memory_space<vmem>>
      %dma_wait3A_1012 = arith.constant 0 : i32
      %dma_wait3A_1013 = tpu.memref_slice %arg3[%add3A_559, %dma_wait3A_1012] : memref<262144x8xf32, #tpu.memory_space<hbm>> -> memref<1024x8xf32, #tpu.memory_space<hbm>>
      %dma_wait3A_1014 = arith.constant 0 : i32
      %dma_wait3A_1015 = arith.constant 0 : i32
      %dma_wait3A_1016 = tpu.memref_slice %arg15[%dma_wait3A_1014, %dma_wait3A_1015] : memref<1025x8xf32, #tpu.memory_space<vmem>> -> memref<1024x8xf32, #tpu.memory_space<vmem>>
      %dma_wait3A_1017 = arith.constant 0 : i32
      %dma_wait3A_1018 = tpu.memref_slice %arg3[%add3A_559, %dma_wait3A_1017] : memref<262144x8xf32, #tpu.memory_space<hbm>> -> memref<1024x8xf32, #tpu.memory_space<hbm>>
      tpu.wait_dma2 semaphore(%run_scoped3A : memref<!tpu.dma_semaphore, #tpu.memory_space<semaphore_mem>>) src(%dma_wait3A_1018 : memref<1024x8xf32, #tpu.memory_space<hbm>>) dst(%dma_wait3A_1016 : memref<1024x8xf32, #tpu.memory_space<vmem>>)
      tpu.yield
    }) : () -> ()
    %add3A_586 = arith.constant 1024 : i32
    %add3A_587 = arith.addi %add3A_559, %add3A_586 : i32
    %lt3A_588 = arith.constant 262144 : i32
    %lt3A_589 = arith.cmpi slt, %add3A_587, %lt3A_588 : i32
    %convert_element_type3A_590 = arith.extui %lt3A_589 : i1 to i32
    %cond3A_591 = arith.constant 0 : i32
    %cond3A_592 = arith.cmpi ne, %convert_element_type3A_590, %cond3A_591 : i32
    scf.if %cond3A_592 {
      %add3A_999 = arith.constant 1024 : i32
      %add3A_1000 = arith.addi %add3A_559, %add3A_999 : i32
      "tpu.region"() ({
        %run_scoped3A = tpu.sem_alloc : memref<!tpu.dma_semaphore, #tpu.memory_space<semaphore_mem>>
        %dma_start3A_1001 = arith.constant 1024 : i32
        %dma_start3A_1002 = arith.constant 0 : i32
        %dma_start3A_1003 = tpu.memref_slice %arg15[%dma_start3A_1001, %dma_start3A_1002] : memref<1025x8xf32, #tpu.memory_space<vmem>> -> memref<1x8xf32, #tpu.memory_space<vmem>>
        %dma_start3A_1004 = arith.constant 0 : i32
        %dma_start3A_1005 = tpu.memref_slice %arg3[%add3A_1000, %dma_start3A_1004] : memref<262144x8xf32, #tpu.memory_space<hbm>> -> memref<1x8xf32, #tpu.memory_space<hbm>>
        %dma_start3A_1006 = arith.constant 1024 : i32
        %dma_start3A_1007 = arith.constant 0 : i32
        %dma_start3A_1008 = tpu.memref_slice %arg15[%dma_start3A_1006, %dma_start3A_1007] : memref<1025x8xf32, #tpu.memory_space<vmem>> -> memref<1x8xf32, #tpu.memory_space<vmem>>
        %dma_start3A_1009 = arith.constant 0 : i32
        %dma_start3A_1010 = tpu.memref_slice %arg3[%add3A_1000, %dma_start3A_1009] : memref<262144x8xf32, #tpu.memory_space<hbm>> -> memref<1x8xf32, #tpu.memory_space<hbm>>
        tpu.enqueue_dma source(%dma_start3A_1010 : memref<1x8xf32, #tpu.memory_space<hbm>>) target(%dma_start3A_1008 : memref<1x8xf32, #tpu.memory_space<vmem>>) target_semaphore(%run_scoped3A : memref<!tpu.dma_semaphore, #tpu.memory_space<semaphore_mem>>)
        %dma_wait3A_1011 = arith.constant 1024 : i32
        %dma_wait3A_1012 = arith.constant 0 : i32
        %dma_wait3A_1013 = tpu.memref_slice %arg15[%dma_wait3A_1011, %dma_wait3A_1012] : memref<1025x8xf32, #tpu.memory_space<vmem>> -> memref<1x8xf32, #tpu.memory_space<vmem>>
        %dma_wait3A_1014 = arith.constant 0 : i32
        %dma_wait3A_1015 = tpu.memref_slice %arg3[%add3A_1000, %dma_wait3A_1014] : memref<262144x8xf32, #tpu.memory_space<hbm>> -> memref<1x8xf32, #tpu.memory_space<hbm>>
        %dma_wait3A_1016 = arith.constant 1024 : i32
        %dma_wait3A_1017 = arith.constant 0 : i32
        %dma_wait3A_1018 = tpu.memref_slice %arg15[%dma_wait3A_1016, %dma_wait3A_1017] : memref<1025x8xf32, #tpu.memory_space<vmem>> -> memref<1x8xf32, #tpu.memory_space<vmem>>
        %dma_wait3A_1019 = arith.constant 0 : i32
        %dma_wait3A_1020 = tpu.memref_slice %arg3[%add3A_1000, %dma_wait3A_1019] : memref<262144x8xf32, #tpu.memory_space<hbm>> -> memref<1x8xf32, #tpu.memory_space<hbm>>
        tpu.wait_dma2 semaphore(%run_scoped3A : memref<!tpu.dma_semaphore, #tpu.memory_space<semaphore_mem>>) src(%dma_wait3A_1020 : memref<1x8xf32, #tpu.memory_space<hbm>>) dst(%dma_wait3A_1018 : memref<1x8xf32, #tpu.memory_space<vmem>>)
        tpu.yield
      }) : () -> ()
    } else {
    }
    %dma_start3A_593 = arith.constant 0 : i32
    %dma_start3A_594 = arith.constant 0 : i32
    %dma_start3A_595 = arith.constant 0 : i32
    %dma_start3A_596 = tpu.memref_slice %arg15[%dma_start3A_594, %dma_start3A_595] : memref<1025x8xf32, #tpu.memory_space<vmem>> -> memref<1024x8xf32, #tpu.memory_space<vmem>>
    %dma_start3A_597 = arith.constant 0 : i32
    %dma_start3A_598 = tpu.memref_slice %arg6[%add3A_559, %dma_start3A_593, %dma_start3A_597] : memref<262144x2x8xf32, #tpu.memory_space<hbm>> -> memref<1024x1x8xf32, #tpu.memory_space<hbm>>
    %dma_start3A_599 = tpu.memref_squeeze %dma_start3A_598 : memref<1024x1x8xf32, #tpu.memory_space<hbm>> -> memref<1024x8xf32, #tpu.memory_space<hbm>>
    %dma_start3A_600 = arith.constant 0 : i32
    %dma_start3A_601 = tpu.memref_slice %arg6[%add3A_559, %dma_start3A_593, %dma_start3A_600] : memref<262144x2x8xf32, #tpu.memory_space<hbm>> -> memref<1024x1x8xf32, #tpu.memory_space<hbm>>
    %dma_start3A_602 = tpu.memref_squeeze %dma_start3A_601 : memref<1024x1x8xf32, #tpu.memory_space<hbm>> -> memref<1024x8xf32, #tpu.memory_space<hbm>>
    %dma_start3A_603 = arith.constant 0 : i32
    %dma_start3A_604 = arith.constant 0 : i32
    %dma_start3A_605 = tpu.memref_slice %arg15[%dma_start3A_603, %dma_start3A_604] : memref<1025x8xf32, #tpu.memory_space<vmem>> -> memref<1024x8xf32, #tpu.memory_space<vmem>>
    tpu.enqueue_dma source(%dma_start3A_605 : memref<1024x8xf32, #tpu.memory_space<vmem>>) target(%dma_start3A_602 : memref<1024x8xf32, #tpu.memory_space<hbm>>) target_semaphore(%arg17 : memref<!tpu.dma_semaphore, #tpu.memory_space<semaphore_mem>>)
    %dma_start3A_606 = arith.constant 1 : i32
    %dma_start3A_607 = arith.constant 1 : i32
    %dma_start3A_608 = arith.constant 0 : i32
    %dma_start3A_609 = tpu.memref_slice %arg15[%dma_start3A_607, %dma_start3A_608] : memref<1025x8xf32, #tpu.memory_space<vmem>> -> memref<1024x8xf32, #tpu.memory_space<vmem>>
    %dma_start3A_610 = arith.constant 0 : i32
    %dma_start3A_611 = tpu.memref_slice %arg6[%add3A_559, %dma_start3A_606, %dma_start3A_610] : memref<262144x2x8xf32, #tpu.memory_space<hbm>> -> memref<1024x1x8xf32, #tpu.memory_space<hbm>>
    %dma_start3A_612 = tpu.memref_squeeze %dma_start3A_611 : memref<1024x1x8xf32, #tpu.memory_space<hbm>> -> memref<1024x8xf32, #tpu.memory_space<hbm>>
    %dma_start3A_613 = arith.constant 0 : i32
    %dma_start3A_614 = tpu.memref_slice %arg6[%add3A_559, %dma_start3A_606, %dma_start3A_613] : memref<262144x2x8xf32, #tpu.memory_space<hbm>> -> memref<1024x1x8xf32, #tpu.memory_space<hbm>>
    %dma_start3A_615 = tpu.memref_squeeze %dma_start3A_614 : memref<1024x1x8xf32, #tpu.memory_space<hbm>> -> memref<1024x8xf32, #tpu.memory_space<hbm>>
    %dma_start3A_616 = arith.constant 1 : i32
    %dma_start3A_617 = arith.constant 0 : i32
    %dma_start3A_618 = tpu.memref_slice %arg15[%dma_start3A_616, %dma_start3A_617] : memref<1025x8xf32, #tpu.memory_space<vmem>> -> memref<1024x8xf32, #tpu.memory_space<vmem>>
    tpu.enqueue_dma source(%dma_start3A_618 : memref<1024x8xf32, #tpu.memory_space<vmem>>) target(%dma_start3A_615 : memref<1024x8xf32, #tpu.memory_space<hbm>>) target_semaphore(%arg17 : memref<!tpu.dma_semaphore, #tpu.memory_space<semaphore_mem>>)
    %add3A_619 = arith.constant 11264 : i32
    %add3A_620 = arith.addi %mul3A_4, %add3A_619 : i32
    %dma_wait3A_621 = arith.constant 0 : i32
    %dma_wait3A_622 = arith.constant 0 : i32
    %dma_wait3A_623 = arith.constant 0 : i32
    %dma_wait3A_624 = tpu.memref_slice %arg16[%dma_wait3A_622, %dma_wait3A_623] : memref<1025x8xf32, #tpu.memory_space<vmem>> -> memref<1024x8xf32, #tpu.memory_space<vmem>>
    %dma_wait3A_625 = arith.constant 0 : i32
    %dma_wait3A_626 = tpu.memref_slice %arg6[%add3A_498, %dma_wait3A_621, %dma_wait3A_625] : memref<262144x2x8xf32, #tpu.memory_space<hbm>> -> memref<1024x1x8xf32, #tpu.memory_space<hbm>>
    %dma_wait3A_627 = tpu.memref_squeeze %dma_wait3A_626 : memref<1024x1x8xf32, #tpu.memory_space<hbm>> -> memref<1024x8xf32, #tpu.memory_space<hbm>>
    %dma_wait3A_628 = arith.constant 0 : i32
    %dma_wait3A_629 = tpu.memref_slice %arg6[%add3A_498, %dma_wait3A_621, %dma_wait3A_628] : memref<262144x2x8xf32, #tpu.memory_space<hbm>> -> memref<1024x1x8xf32, #tpu.memory_space<hbm>>
    %dma_wait3A_630 = tpu.memref_squeeze %dma_wait3A_629 : memref<1024x1x8xf32, #tpu.memory_space<hbm>> -> memref<1024x8xf32, #tpu.memory_space<hbm>>
    %dma_wait3A_631 = arith.constant 0 : i32
    %dma_wait3A_632 = arith.constant 0 : i32
    %dma_wait3A_633 = tpu.memref_slice %arg16[%dma_wait3A_631, %dma_wait3A_632] : memref<1025x8xf32, #tpu.memory_space<vmem>> -> memref<1024x8xf32, #tpu.memory_space<vmem>>
    tpu.wait_dma2 semaphore(%arg18 : memref<!tpu.dma_semaphore, #tpu.memory_space<semaphore_mem>>) src(%dma_wait3A_633 : memref<1024x8xf32, #tpu.memory_space<vmem>>) dst(%dma_wait3A_630 : memref<1024x8xf32, #tpu.memory_space<hbm>>)
    %dma_wait3A_634 = arith.constant 1 : i32
    %dma_wait3A_635 = arith.constant 1 : i32
    %dma_wait3A_636 = arith.constant 0 : i32
    %dma_wait3A_637 = tpu.memref_slice %arg16[%dma_wait3A_635, %dma_wait3A_636] : memref<1025x8xf32, #tpu.memory_space<vmem>> -> memref<1024x8xf32, #tpu.memory_space<vmem>>
    %dma_wait3A_638 = arith.constant 0 : i32
    %dma_wait3A_639 = tpu.memref_slice %arg6[%add3A_498, %dma_wait3A_634, %dma_wait3A_638] : memref<262144x2x8xf32, #tpu.memory_space<hbm>> -> memref<1024x1x8xf32, #tpu.memory_space<hbm>>
    %dma_wait3A_640 = tpu.memref_squeeze %dma_wait3A_639 : memref<1024x1x8xf32, #tpu.memory_space<hbm>> -> memref<1024x8xf32, #tpu.memory_space<hbm>>
    %dma_wait3A_641 = arith.constant 0 : i32
    %dma_wait3A_642 = tpu.memref_slice %arg6[%add3A_498, %dma_wait3A_634, %dma_wait3A_641] : memref<262144x2x8xf32, #tpu.memory_space<hbm>> -> memref<1024x1x8xf32, #tpu.memory_space<hbm>>
    %dma_wait3A_643 = tpu.memref_squeeze %dma_wait3A_642 : memref<1024x1x8xf32, #tpu.memory_space<hbm>> -> memref<1024x8xf32, #tpu.memory_space<hbm>>
    %dma_wait3A_644 = arith.constant 1 : i32
    %dma_wait3A_645 = arith.constant 0 : i32
    %dma_wait3A_646 = tpu.memref_slice %arg16[%dma_wait3A_644, %dma_wait3A_645] : memref<1025x8xf32, #tpu.memory_space<vmem>> -> memref<1024x8xf32, #tpu.memory_space<vmem>>
    tpu.wait_dma2 semaphore(%arg18 : memref<!tpu.dma_semaphore, #tpu.memory_space<semaphore_mem>>) src(%dma_wait3A_646 : memref<1024x8xf32, #tpu.memory_space<vmem>>) dst(%dma_wait3A_643 : memref<1024x8xf32, #tpu.memory_space<hbm>>)
    "tpu.region"() ({
      %run_scoped3A = tpu.sem_alloc : memref<!tpu.dma_semaphore, #tpu.memory_space<semaphore_mem>>
      %dma_start3A_999 = arith.constant 0 : i32
      %dma_start3A_1000 = arith.constant 0 : i32
      %dma_start3A_1001 = tpu.memref_slice %arg16[%dma_start3A_999, %dma_start3A_1000] : memref<1025x8xf32, #tpu.memory_space<vmem>> -> memref<1024x8xf32, #tpu.memory_space<vmem>>
      %dma_start3A_1002 = arith.constant 0 : i32
      %dma_start3A_1003 = tpu.memref_slice %arg3[%add3A_620, %dma_start3A_1002] : memref<262144x8xf32, #tpu.memory_space<hbm>> -> memref<1024x8xf32, #tpu.memory_space<hbm>>
      %dma_start3A_1004 = arith.constant 0 : i32
      %dma_start3A_1005 = arith.constant 0 : i32
      %dma_start3A_1006 = tpu.memref_slice %arg16[%dma_start3A_1004, %dma_start3A_1005] : memref<1025x8xf32, #tpu.memory_space<vmem>> -> memref<1024x8xf32, #tpu.memory_space<vmem>>
      %dma_start3A_1007 = arith.constant 0 : i32
      %dma_start3A_1008 = tpu.memref_slice %arg3[%add3A_620, %dma_start3A_1007] : memref<262144x8xf32, #tpu.memory_space<hbm>> -> memref<1024x8xf32, #tpu.memory_space<hbm>>
      tpu.enqueue_dma source(%dma_start3A_1008 : memref<1024x8xf32, #tpu.memory_space<hbm>>) target(%dma_start3A_1006 : memref<1024x8xf32, #tpu.memory_space<vmem>>) target_semaphore(%run_scoped3A : memref<!tpu.dma_semaphore, #tpu.memory_space<semaphore_mem>>)
      %dma_wait3A_1009 = arith.constant 0 : i32
      %dma_wait3A_1010 = arith.constant 0 : i32
      %dma_wait3A_1011 = tpu.memref_slice %arg16[%dma_wait3A_1009, %dma_wait3A_1010] : memref<1025x8xf32, #tpu.memory_space<vmem>> -> memref<1024x8xf32, #tpu.memory_space<vmem>>
      %dma_wait3A_1012 = arith.constant 0 : i32
      %dma_wait3A_1013 = tpu.memref_slice %arg3[%add3A_620, %dma_wait3A_1012] : memref<262144x8xf32, #tpu.memory_space<hbm>> -> memref<1024x8xf32, #tpu.memory_space<hbm>>
      %dma_wait3A_1014 = arith.constant 0 : i32
      %dma_wait3A_1015 = arith.constant 0 : i32
      %dma_wait3A_1016 = tpu.memref_slice %arg16[%dma_wait3A_1014, %dma_wait3A_1015] : memref<1025x8xf32, #tpu.memory_space<vmem>> -> memref<1024x8xf32, #tpu.memory_space<vmem>>
      %dma_wait3A_1017 = arith.constant 0 : i32
      %dma_wait3A_1018 = tpu.memref_slice %arg3[%add3A_620, %dma_wait3A_1017] : memref<262144x8xf32, #tpu.memory_space<hbm>> -> memref<1024x8xf32, #tpu.memory_space<hbm>>
      tpu.wait_dma2 semaphore(%run_scoped3A : memref<!tpu.dma_semaphore, #tpu.memory_space<semaphore_mem>>) src(%dma_wait3A_1018 : memref<1024x8xf32, #tpu.memory_space<hbm>>) dst(%dma_wait3A_1016 : memref<1024x8xf32, #tpu.memory_space<vmem>>)
      tpu.yield
    }) : () -> ()
    %add3A_647 = arith.constant 1024 : i32
    %add3A_648 = arith.addi %add3A_620, %add3A_647 : i32
    %lt3A_649 = arith.constant 262144 : i32
    %lt3A_650 = arith.cmpi slt, %add3A_648, %lt3A_649 : i32
    %convert_element_type3A_651 = arith.extui %lt3A_650 : i1 to i32
    %cond3A_652 = arith.constant 0 : i32
    %cond3A_653 = arith.cmpi ne, %convert_element_type3A_651, %cond3A_652 : i32
    scf.if %cond3A_653 {
      %add3A_999 = arith.constant 1024 : i32
      %add3A_1000 = arith.addi %add3A_620, %add3A_999 : i32
      "tpu.region"() ({
        %run_scoped3A = tpu.sem_alloc : memref<!tpu.dma_semaphore, #tpu.memory_space<semaphore_mem>>
        %dma_start3A_1001 = arith.constant 1024 : i32
        %dma_start3A_1002 = arith.constant 0 : i32
        %dma_start3A_1003 = tpu.memref_slice %arg16[%dma_start3A_1001, %dma_start3A_1002] : memref<1025x8xf32, #tpu.memory_space<vmem>> -> memref<1x8xf32, #tpu.memory_space<vmem>>
        %dma_start3A_1004 = arith.constant 0 : i32
        %dma_start3A_1005 = tpu.memref_slice %arg3[%add3A_1000, %dma_start3A_1004] : memref<262144x8xf32, #tpu.memory_space<hbm>> -> memref<1x8xf32, #tpu.memory_space<hbm>>
        %dma_start3A_1006 = arith.constant 1024 : i32
        %dma_start3A_1007 = arith.constant 0 : i32
        %dma_start3A_1008 = tpu.memref_slice %arg16[%dma_start3A_1006, %dma_start3A_1007] : memref<1025x8xf32, #tpu.memory_space<vmem>> -> memref<1x8xf32, #tpu.memory_space<vmem>>
        %dma_start3A_1009 = arith.constant 0 : i32
        %dma_start3A_1010 = tpu.memref_slice %arg3[%add3A_1000, %dma_start3A_1009] : memref<262144x8xf32, #tpu.memory_space<hbm>> -> memref<1x8xf32, #tpu.memory_space<hbm>>
        tpu.enqueue_dma source(%dma_start3A_1010 : memref<1x8xf32, #tpu.memory_space<hbm>>) target(%dma_start3A_1008 : memref<1x8xf32, #tpu.memory_space<vmem>>) target_semaphore(%run_scoped3A : memref<!tpu.dma_semaphore, #tpu.memory_space<semaphore_mem>>)
        %dma_wait3A_1011 = arith.constant 1024 : i32
        %dma_wait3A_1012 = arith.constant 0 : i32
        %dma_wait3A_1013 = tpu.memref_slice %arg16[%dma_wait3A_1011, %dma_wait3A_1012] : memref<1025x8xf32, #tpu.memory_space<vmem>> -> memref<1x8xf32, #tpu.memory_space<vmem>>
        %dma_wait3A_1014 = arith.constant 0 : i32
        %dma_wait3A_1015 = tpu.memref_slice %arg3[%add3A_1000, %dma_wait3A_1014] : memref<262144x8xf32, #tpu.memory_space<hbm>> -> memref<1x8xf32, #tpu.memory_space<hbm>>
        %dma_wait3A_1016 = arith.constant 1024 : i32
        %dma_wait3A_1017 = arith.constant 0 : i32
        %dma_wait3A_1018 = tpu.memref_slice %arg16[%dma_wait3A_1016, %dma_wait3A_1017] : memref<1025x8xf32, #tpu.memory_space<vmem>> -> memref<1x8xf32, #tpu.memory_space<vmem>>
        %dma_wait3A_1019 = arith.constant 0 : i32
        %dma_wait3A_1020 = tpu.memref_slice %arg3[%add3A_1000, %dma_wait3A_1019] : memref<262144x8xf32, #tpu.memory_space<hbm>> -> memref<1x8xf32, #tpu.memory_space<hbm>>
        tpu.wait_dma2 semaphore(%run_scoped3A : memref<!tpu.dma_semaphore, #tpu.memory_space<semaphore_mem>>) src(%dma_wait3A_1020 : memref<1x8xf32, #tpu.memory_space<hbm>>) dst(%dma_wait3A_1018 : memref<1x8xf32, #tpu.memory_space<vmem>>)
        tpu.yield
      }) : () -> ()
    } else {
    }
    %dma_start3A_654 = arith.constant 0 : i32
    %dma_start3A_655 = arith.constant 0 : i32
    %dma_start3A_656 = arith.constant 0 : i32
    %dma_start3A_657 = tpu.memref_slice %arg16[%dma_start3A_655, %dma_start3A_656] : memref<1025x8xf32, #tpu.memory_space<vmem>> -> memref<1024x8xf32, #tpu.memory_space<vmem>>
    %dma_start3A_658 = arith.constant 0 : i32
    %dma_start3A_659 = tpu.memref_slice %arg6[%add3A_620, %dma_start3A_654, %dma_start3A_658] : memref<262144x2x8xf32, #tpu.memory_space<hbm>> -> memref<1024x1x8xf32, #tpu.memory_space<hbm>>
    %dma_start3A_660 = tpu.memref_squeeze %dma_start3A_659 : memref<1024x1x8xf32, #tpu.memory_space<hbm>> -> memref<1024x8xf32, #tpu.memory_space<hbm>>
    %dma_start3A_661 = arith.constant 0 : i32
    %dma_start3A_662 = tpu.memref_slice %arg6[%add3A_620, %dma_start3A_654, %dma_start3A_661] : memref<262144x2x8xf32, #tpu.memory_space<hbm>> -> memref<1024x1x8xf32, #tpu.memory_space<hbm>>
    %dma_start3A_663 = tpu.memref_squeeze %dma_start3A_662 : memref<1024x1x8xf32, #tpu.memory_space<hbm>> -> memref<1024x8xf32, #tpu.memory_space<hbm>>
    %dma_start3A_664 = arith.constant 0 : i32
    %dma_start3A_665 = arith.constant 0 : i32
    %dma_start3A_666 = tpu.memref_slice %arg16[%dma_start3A_664, %dma_start3A_665] : memref<1025x8xf32, #tpu.memory_space<vmem>> -> memref<1024x8xf32, #tpu.memory_space<vmem>>
    tpu.enqueue_dma source(%dma_start3A_666 : memref<1024x8xf32, #tpu.memory_space<vmem>>) target(%dma_start3A_663 : memref<1024x8xf32, #tpu.memory_space<hbm>>) target_semaphore(%arg18 : memref<!tpu.dma_semaphore, #tpu.memory_space<semaphore_mem>>)
    %dma_start3A_667 = arith.constant 1 : i32
    %dma_start3A_668 = arith.constant 1 : i32
    %dma_start3A_669 = arith.constant 0 : i32
    %dma_start3A_670 = tpu.memref_slice %arg16[%dma_start3A_668, %dma_start3A_669] : memref<1025x8xf32, #tpu.memory_space<vmem>> -> memref<1024x8xf32, #tpu.memory_space<vmem>>
    %dma_start3A_671 = arith.constant 0 : i32
    %dma_start3A_672 = tpu.memref_slice %arg6[%add3A_620, %dma_start3A_667, %dma_start3A_671] : memref<262144x2x8xf32, #tpu.memory_space<hbm>> -> memref<1024x1x8xf32, #tpu.memory_space<hbm>>
    %dma_start3A_673 = tpu.memref_squeeze %dma_start3A_672 : memref<1024x1x8xf32, #tpu.memory_space<hbm>> -> memref<1024x8xf32, #tpu.memory_space<hbm>>
    %dma_start3A_674 = arith.constant 0 : i32
    %dma_start3A_675 = tpu.memref_slice %arg6[%add3A_620, %dma_start3A_667, %dma_start3A_674] : memref<262144x2x8xf32, #tpu.memory_space<hbm>> -> memref<1024x1x8xf32, #tpu.memory_space<hbm>>
    %dma_start3A_676 = tpu.memref_squeeze %dma_start3A_675 : memref<1024x1x8xf32, #tpu.memory_space<hbm>> -> memref<1024x8xf32, #tpu.memory_space<hbm>>
    %dma_start3A_677 = arith.constant 1 : i32
    %dma_start3A_678 = arith.constant 0 : i32
    %dma_start3A_679 = tpu.memref_slice %arg16[%dma_start3A_677, %dma_start3A_678] : memref<1025x8xf32, #tpu.memory_space<vmem>> -> memref<1024x8xf32, #tpu.memory_space<vmem>>
    tpu.enqueue_dma source(%dma_start3A_679 : memref<1024x8xf32, #tpu.memory_space<vmem>>) target(%dma_start3A_676 : memref<1024x8xf32, #tpu.memory_space<hbm>>) target_semaphore(%arg18 : memref<!tpu.dma_semaphore, #tpu.memory_space<semaphore_mem>>)
    %add3A_680 = arith.constant 12288 : i32
    %add3A_681 = arith.addi %mul3A_4, %add3A_680 : i32
    %dma_wait3A_682 = arith.constant 0 : i32
    %dma_wait3A_683 = arith.constant 0 : i32
    %dma_wait3A_684 = arith.constant 0 : i32
    %dma_wait3A_685 = tpu.memref_slice %arg15[%dma_wait3A_683, %dma_wait3A_684] : memref<1025x8xf32, #tpu.memory_space<vmem>> -> memref<1024x8xf32, #tpu.memory_space<vmem>>
    %dma_wait3A_686 = arith.constant 0 : i32
    %dma_wait3A_687 = tpu.memref_slice %arg6[%add3A_559, %dma_wait3A_682, %dma_wait3A_686] : memref<262144x2x8xf32, #tpu.memory_space<hbm>> -> memref<1024x1x8xf32, #tpu.memory_space<hbm>>
    %dma_wait3A_688 = tpu.memref_squeeze %dma_wait3A_687 : memref<1024x1x8xf32, #tpu.memory_space<hbm>> -> memref<1024x8xf32, #tpu.memory_space<hbm>>
    %dma_wait3A_689 = arith.constant 0 : i32
    %dma_wait3A_690 = tpu.memref_slice %arg6[%add3A_559, %dma_wait3A_682, %dma_wait3A_689] : memref<262144x2x8xf32, #tpu.memory_space<hbm>> -> memref<1024x1x8xf32, #tpu.memory_space<hbm>>
    %dma_wait3A_691 = tpu.memref_squeeze %dma_wait3A_690 : memref<1024x1x8xf32, #tpu.memory_space<hbm>> -> memref<1024x8xf32, #tpu.memory_space<hbm>>
    %dma_wait3A_692 = arith.constant 0 : i32
    %dma_wait3A_693 = arith.constant 0 : i32
    %dma_wait3A_694 = tpu.memref_slice %arg15[%dma_wait3A_692, %dma_wait3A_693] : memref<1025x8xf32, #tpu.memory_space<vmem>> -> memref<1024x8xf32, #tpu.memory_space<vmem>>
    tpu.wait_dma2 semaphore(%arg17 : memref<!tpu.dma_semaphore, #tpu.memory_space<semaphore_mem>>) src(%dma_wait3A_694 : memref<1024x8xf32, #tpu.memory_space<vmem>>) dst(%dma_wait3A_691 : memref<1024x8xf32, #tpu.memory_space<hbm>>)
    %dma_wait3A_695 = arith.constant 1 : i32
    %dma_wait3A_696 = arith.constant 1 : i32
    %dma_wait3A_697 = arith.constant 0 : i32
    %dma_wait3A_698 = tpu.memref_slice %arg15[%dma_wait3A_696, %dma_wait3A_697] : memref<1025x8xf32, #tpu.memory_space<vmem>> -> memref<1024x8xf32, #tpu.memory_space<vmem>>
    %dma_wait3A_699 = arith.constant 0 : i32
    %dma_wait3A_700 = tpu.memref_slice %arg6[%add3A_559, %dma_wait3A_695, %dma_wait3A_699] : memref<262144x2x8xf32, #tpu.memory_space<hbm>> -> memref<1024x1x8xf32, #tpu.memory_space<hbm>>
    %dma_wait3A_701 = tpu.memref_squeeze %dma_wait3A_700 : memref<1024x1x8xf32, #tpu.memory_space<hbm>> -> memref<1024x8xf32, #tpu.memory_space<hbm>>
    %dma_wait3A_702 = arith.constant 0 : i32
    %dma_wait3A_703 = tpu.memref_slice %arg6[%add3A_559, %dma_wait3A_695, %dma_wait3A_702] : memref<262144x2x8xf32, #tpu.memory_space<hbm>> -> memref<1024x1x8xf32, #tpu.memory_space<hbm>>
    %dma_wait3A_704 = tpu.memref_squeeze %dma_wait3A_703 : memref<1024x1x8xf32, #tpu.memory_space<hbm>> -> memref<1024x8xf32, #tpu.memory_space<hbm>>
    %dma_wait3A_705 = arith.constant 1 : i32
    %dma_wait3A_706 = arith.constant 0 : i32
    %dma_wait3A_707 = tpu.memref_slice %arg15[%dma_wait3A_705, %dma_wait3A_706] : memref<1025x8xf32, #tpu.memory_space<vmem>> -> memref<1024x8xf32, #tpu.memory_space<vmem>>
    tpu.wait_dma2 semaphore(%arg17 : memref<!tpu.dma_semaphore, #tpu.memory_space<semaphore_mem>>) src(%dma_wait3A_707 : memref<1024x8xf32, #tpu.memory_space<vmem>>) dst(%dma_wait3A_704 : memref<1024x8xf32, #tpu.memory_space<hbm>>)
    "tpu.region"() ({
      %run_scoped3A = tpu.sem_alloc : memref<!tpu.dma_semaphore, #tpu.memory_space<semaphore_mem>>
      %dma_start3A_999 = arith.constant 0 : i32
      %dma_start3A_1000 = arith.constant 0 : i32
      %dma_start3A_1001 = tpu.memref_slice %arg15[%dma_start3A_999, %dma_start3A_1000] : memref<1025x8xf32, #tpu.memory_space<vmem>> -> memref<1024x8xf32, #tpu.memory_space<vmem>>
      %dma_start3A_1002 = arith.constant 0 : i32
      %dma_start3A_1003 = tpu.memref_slice %arg3[%add3A_681, %dma_start3A_1002] : memref<262144x8xf32, #tpu.memory_space<hbm>> -> memref<1024x8xf32, #tpu.memory_space<hbm>>
      %dma_start3A_1004 = arith.constant 0 : i32
      %dma_start3A_1005 = arith.constant 0 : i32
      %dma_start3A_1006 = tpu.memref_slice %arg15[%dma_start3A_1004, %dma_start3A_1005] : memref<1025x8xf32, #tpu.memory_space<vmem>> -> memref<1024x8xf32, #tpu.memory_space<vmem>>
      %dma_start3A_1007 = arith.constant 0 : i32
      %dma_start3A_1008 = tpu.memref_slice %arg3[%add3A_681, %dma_start3A_1007] : memref<262144x8xf32, #tpu.memory_space<hbm>> -> memref<1024x8xf32, #tpu.memory_space<hbm>>
      tpu.enqueue_dma source(%dma_start3A_1008 : memref<1024x8xf32, #tpu.memory_space<hbm>>) target(%dma_start3A_1006 : memref<1024x8xf32, #tpu.memory_space<vmem>>) target_semaphore(%run_scoped3A : memref<!tpu.dma_semaphore, #tpu.memory_space<semaphore_mem>>)
      %dma_wait3A_1009 = arith.constant 0 : i32
      %dma_wait3A_1010 = arith.constant 0 : i32
      %dma_wait3A_1011 = tpu.memref_slice %arg15[%dma_wait3A_1009, %dma_wait3A_1010] : memref<1025x8xf32, #tpu.memory_space<vmem>> -> memref<1024x8xf32, #tpu.memory_space<vmem>>
      %dma_wait3A_1012 = arith.constant 0 : i32
      %dma_wait3A_1013 = tpu.memref_slice %arg3[%add3A_681, %dma_wait3A_1012] : memref<262144x8xf32, #tpu.memory_space<hbm>> -> memref<1024x8xf32, #tpu.memory_space<hbm>>
      %dma_wait3A_1014 = arith.constant 0 : i32
      %dma_wait3A_1015 = arith.constant 0 : i32
      %dma_wait3A_1016 = tpu.memref_slice %arg15[%dma_wait3A_1014, %dma_wait3A_1015] : memref<1025x8xf32, #tpu.memory_space<vmem>> -> memref<1024x8xf32, #tpu.memory_space<vmem>>
      %dma_wait3A_1017 = arith.constant 0 : i32
      %dma_wait3A_1018 = tpu.memref_slice %arg3[%add3A_681, %dma_wait3A_1017] : memref<262144x8xf32, #tpu.memory_space<hbm>> -> memref<1024x8xf32, #tpu.memory_space<hbm>>
      tpu.wait_dma2 semaphore(%run_scoped3A : memref<!tpu.dma_semaphore, #tpu.memory_space<semaphore_mem>>) src(%dma_wait3A_1018 : memref<1024x8xf32, #tpu.memory_space<hbm>>) dst(%dma_wait3A_1016 : memref<1024x8xf32, #tpu.memory_space<vmem>>)
      tpu.yield
    }) : () -> ()
    %add3A_708 = arith.constant 1024 : i32
    %add3A_709 = arith.addi %add3A_681, %add3A_708 : i32
    %lt3A_710 = arith.constant 262144 : i32
    %lt3A_711 = arith.cmpi slt, %add3A_709, %lt3A_710 : i32
    %convert_element_type3A_712 = arith.extui %lt3A_711 : i1 to i32
    %cond3A_713 = arith.constant 0 : i32
    %cond3A_714 = arith.cmpi ne, %convert_element_type3A_712, %cond3A_713 : i32
    scf.if %cond3A_714 {
      %add3A_999 = arith.constant 1024 : i32
      %add3A_1000 = arith.addi %add3A_681, %add3A_999 : i32
      "tpu.region"() ({
        %run_scoped3A = tpu.sem_alloc : memref<!tpu.dma_semaphore, #tpu.memory_space<semaphore_mem>>
        %dma_start3A_1001 = arith.constant 1024 : i32
        %dma_start3A_1002 = arith.constant 0 : i32
        %dma_start3A_1003 = tpu.memref_slice %arg15[%dma_start3A_1001, %dma_start3A_1002] : memref<1025x8xf32, #tpu.memory_space<vmem>> -> memref<1x8xf32, #tpu.memory_space<vmem>>
        %dma_start3A_1004 = arith.constant 0 : i32
        %dma_start3A_1005 = tpu.memref_slice %arg3[%add3A_1000, %dma_start3A_1004] : memref<262144x8xf32, #tpu.memory_space<hbm>> -> memref<1x8xf32, #tpu.memory_space<hbm>>
        %dma_start3A_1006 = arith.constant 1024 : i32
        %dma_start3A_1007 = arith.constant 0 : i32
        %dma_start3A_1008 = tpu.memref_slice %arg15[%dma_start3A_1006, %dma_start3A_1007] : memref<1025x8xf32, #tpu.memory_space<vmem>> -> memref<1x8xf32, #tpu.memory_space<vmem>>
        %dma_start3A_1009 = arith.constant 0 : i32
        %dma_start3A_1010 = tpu.memref_slice %arg3[%add3A_1000, %dma_start3A_1009] : memref<262144x8xf32, #tpu.memory_space<hbm>> -> memref<1x8xf32, #tpu.memory_space<hbm>>
        tpu.enqueue_dma source(%dma_start3A_1010 : memref<1x8xf32, #tpu.memory_space<hbm>>) target(%dma_start3A_1008 : memref<1x8xf32, #tpu.memory_space<vmem>>) target_semaphore(%run_scoped3A : memref<!tpu.dma_semaphore, #tpu.memory_space<semaphore_mem>>)
        %dma_wait3A_1011 = arith.constant 1024 : i32
        %dma_wait3A_1012 = arith.constant 0 : i32
        %dma_wait3A_1013 = tpu.memref_slice %arg15[%dma_wait3A_1011, %dma_wait3A_1012] : memref<1025x8xf32, #tpu.memory_space<vmem>> -> memref<1x8xf32, #tpu.memory_space<vmem>>
        %dma_wait3A_1014 = arith.constant 0 : i32
        %dma_wait3A_1015 = tpu.memref_slice %arg3[%add3A_1000, %dma_wait3A_1014] : memref<262144x8xf32, #tpu.memory_space<hbm>> -> memref<1x8xf32, #tpu.memory_space<hbm>>
        %dma_wait3A_1016 = arith.constant 1024 : i32
        %dma_wait3A_1017 = arith.constant 0 : i32
        %dma_wait3A_1018 = tpu.memref_slice %arg15[%dma_wait3A_1016, %dma_wait3A_1017] : memref<1025x8xf32, #tpu.memory_space<vmem>> -> memref<1x8xf32, #tpu.memory_space<vmem>>
        %dma_wait3A_1019 = arith.constant 0 : i32
        %dma_wait3A_1020 = tpu.memref_slice %arg3[%add3A_1000, %dma_wait3A_1019] : memref<262144x8xf32, #tpu.memory_space<hbm>> -> memref<1x8xf32, #tpu.memory_space<hbm>>
        tpu.wait_dma2 semaphore(%run_scoped3A : memref<!tpu.dma_semaphore, #tpu.memory_space<semaphore_mem>>) src(%dma_wait3A_1020 : memref<1x8xf32, #tpu.memory_space<hbm>>) dst(%dma_wait3A_1018 : memref<1x8xf32, #tpu.memory_space<vmem>>)
        tpu.yield
      }) : () -> ()
    } else {
    }
    %dma_start3A_715 = arith.constant 0 : i32
    %dma_start3A_716 = arith.constant 0 : i32
    %dma_start3A_717 = arith.constant 0 : i32
    %dma_start3A_718 = tpu.memref_slice %arg15[%dma_start3A_716, %dma_start3A_717] : memref<1025x8xf32, #tpu.memory_space<vmem>> -> memref<1024x8xf32, #tpu.memory_space<vmem>>
    %dma_start3A_719 = arith.constant 0 : i32
    %dma_start3A_720 = tpu.memref_slice %arg6[%add3A_681, %dma_start3A_715, %dma_start3A_719] : memref<262144x2x8xf32, #tpu.memory_space<hbm>> -> memref<1024x1x8xf32, #tpu.memory_space<hbm>>
    %dma_start3A_721 = tpu.memref_squeeze %dma_start3A_720 : memref<1024x1x8xf32, #tpu.memory_space<hbm>> -> memref<1024x8xf32, #tpu.memory_space<hbm>>
    %dma_start3A_722 = arith.constant 0 : i32
    %dma_start3A_723 = tpu.memref_slice %arg6[%add3A_681, %dma_start3A_715, %dma_start3A_722] : memref<262144x2x8xf32, #tpu.memory_space<hbm>> -> memref<1024x1x8xf32, #tpu.memory_space<hbm>>
    %dma_start3A_724 = tpu.memref_squeeze %dma_start3A_723 : memref<1024x1x8xf32, #tpu.memory_space<hbm>> -> memref<1024x8xf32, #tpu.memory_space<hbm>>
    %dma_start3A_725 = arith.constant 0 : i32
    %dma_start3A_726 = arith.constant 0 : i32
    %dma_start3A_727 = tpu.memref_slice %arg15[%dma_start3A_725, %dma_start3A_726] : memref<1025x8xf32, #tpu.memory_space<vmem>> -> memref<1024x8xf32, #tpu.memory_space<vmem>>
    tpu.enqueue_dma source(%dma_start3A_727 : memref<1024x8xf32, #tpu.memory_space<vmem>>) target(%dma_start3A_724 : memref<1024x8xf32, #tpu.memory_space<hbm>>) target_semaphore(%arg17 : memref<!tpu.dma_semaphore, #tpu.memory_space<semaphore_mem>>)
    %dma_start3A_728 = arith.constant 1 : i32
    %dma_start3A_729 = arith.constant 1 : i32
    %dma_start3A_730 = arith.constant 0 : i32
    %dma_start3A_731 = tpu.memref_slice %arg15[%dma_start3A_729, %dma_start3A_730] : memref<1025x8xf32, #tpu.memory_space<vmem>> -> memref<1024x8xf32, #tpu.memory_space<vmem>>
    %dma_start3A_732 = arith.constant 0 : i32
    %dma_start3A_733 = tpu.memref_slice %arg6[%add3A_681, %dma_start3A_728, %dma_start3A_732] : memref<262144x2x8xf32, #tpu.memory_space<hbm>> -> memref<1024x1x8xf32, #tpu.memory_space<hbm>>
    %dma_start3A_734 = tpu.memref_squeeze %dma_start3A_733 : memref<1024x1x8xf32, #tpu.memory_space<hbm>> -> memref<1024x8xf32, #tpu.memory_space<hbm>>
    %dma_start3A_735 = arith.constant 0 : i32
    %dma_start3A_736 = tpu.memref_slice %arg6[%add3A_681, %dma_start3A_728, %dma_start3A_735] : memref<262144x2x8xf32, #tpu.memory_space<hbm>> -> memref<1024x1x8xf32, #tpu.memory_space<hbm>>
    %dma_start3A_737 = tpu.memref_squeeze %dma_start3A_736 : memref<1024x1x8xf32, #tpu.memory_space<hbm>> -> memref<1024x8xf32, #tpu.memory_space<hbm>>
    %dma_start3A_738 = arith.constant 1 : i32
    %dma_start3A_739 = arith.constant 0 : i32
    %dma_start3A_740 = tpu.memref_slice %arg15[%dma_start3A_738, %dma_start3A_739] : memref<1025x8xf32, #tpu.memory_space<vmem>> -> memref<1024x8xf32, #tpu.memory_space<vmem>>
    tpu.enqueue_dma source(%dma_start3A_740 : memref<1024x8xf32, #tpu.memory_space<vmem>>) target(%dma_start3A_737 : memref<1024x8xf32, #tpu.memory_space<hbm>>) target_semaphore(%arg17 : memref<!tpu.dma_semaphore, #tpu.memory_space<semaphore_mem>>)
    %add3A_741 = arith.constant 13312 : i32
    %add3A_742 = arith.addi %mul3A_4, %add3A_741 : i32
    %dma_wait3A_743 = arith.constant 0 : i32
    %dma_wait3A_744 = arith.constant 0 : i32
    %dma_wait3A_745 = arith.constant 0 : i32
    %dma_wait3A_746 = tpu.memref_slice %arg16[%dma_wait3A_744, %dma_wait3A_745] : memref<1025x8xf32, #tpu.memory_space<vmem>> -> memref<1024x8xf32, #tpu.memory_space<vmem>>
    %dma_wait3A_747 = arith.constant 0 : i32
    %dma_wait3A_748 = tpu.memref_slice %arg6[%add3A_620, %dma_wait3A_743, %dma_wait3A_747] : memref<262144x2x8xf32, #tpu.memory_space<hbm>> -> memref<1024x1x8xf32, #tpu.memory_space<hbm>>
    %dma_wait3A_749 = tpu.memref_squeeze %dma_wait3A_748 : memref<1024x1x8xf32, #tpu.memory_space<hbm>> -> memref<1024x8xf32, #tpu.memory_space<hbm>>
    %dma_wait3A_750 = arith.constant 0 : i32
    %dma_wait3A_751 = tpu.memref_slice %arg6[%add3A_620, %dma_wait3A_743, %dma_wait3A_750] : memref<262144x2x8xf32, #tpu.memory_space<hbm>> -> memref<1024x1x8xf32, #tpu.memory_space<hbm>>
    %dma_wait3A_752 = tpu.memref_squeeze %dma_wait3A_751 : memref<1024x1x8xf32, #tpu.memory_space<hbm>> -> memref<1024x8xf32, #tpu.memory_space<hbm>>
    %dma_wait3A_753 = arith.constant 0 : i32
    %dma_wait3A_754 = arith.constant 0 : i32
    %dma_wait3A_755 = tpu.memref_slice %arg16[%dma_wait3A_753, %dma_wait3A_754] : memref<1025x8xf32, #tpu.memory_space<vmem>> -> memref<1024x8xf32, #tpu.memory_space<vmem>>
    tpu.wait_dma2 semaphore(%arg18 : memref<!tpu.dma_semaphore, #tpu.memory_space<semaphore_mem>>) src(%dma_wait3A_755 : memref<1024x8xf32, #tpu.memory_space<vmem>>) dst(%dma_wait3A_752 : memref<1024x8xf32, #tpu.memory_space<hbm>>)
    %dma_wait3A_756 = arith.constant 1 : i32
    %dma_wait3A_757 = arith.constant 1 : i32
    %dma_wait3A_758 = arith.constant 0 : i32
    %dma_wait3A_759 = tpu.memref_slice %arg16[%dma_wait3A_757, %dma_wait3A_758] : memref<1025x8xf32, #tpu.memory_space<vmem>> -> memref<1024x8xf32, #tpu.memory_space<vmem>>
    %dma_wait3A_760 = arith.constant 0 : i32
    %dma_wait3A_761 = tpu.memref_slice %arg6[%add3A_620, %dma_wait3A_756, %dma_wait3A_760] : memref<262144x2x8xf32, #tpu.memory_space<hbm>> -> memref<1024x1x8xf32, #tpu.memory_space<hbm>>
    %dma_wait3A_762 = tpu.memref_squeeze %dma_wait3A_761 : memref<1024x1x8xf32, #tpu.memory_space<hbm>> -> memref<1024x8xf32, #tpu.memory_space<hbm>>
    %dma_wait3A_763 = arith.constant 0 : i32
    %dma_wait3A_764 = tpu.memref_slice %arg6[%add3A_620, %dma_wait3A_756, %dma_wait3A_763] : memref<262144x2x8xf32, #tpu.memory_space<hbm>> -> memref<1024x1x8xf32, #tpu.memory_space<hbm>>
    %dma_wait3A_765 = tpu.memref_squeeze %dma_wait3A_764 : memref<1024x1x8xf32, #tpu.memory_space<hbm>> -> memref<1024x8xf32, #tpu.memory_space<hbm>>
    %dma_wait3A_766 = arith.constant 1 : i32
    %dma_wait3A_767 = arith.constant 0 : i32
    %dma_wait3A_768 = tpu.memref_slice %arg16[%dma_wait3A_766, %dma_wait3A_767] : memref<1025x8xf32, #tpu.memory_space<vmem>> -> memref<1024x8xf32, #tpu.memory_space<vmem>>
    tpu.wait_dma2 semaphore(%arg18 : memref<!tpu.dma_semaphore, #tpu.memory_space<semaphore_mem>>) src(%dma_wait3A_768 : memref<1024x8xf32, #tpu.memory_space<vmem>>) dst(%dma_wait3A_765 : memref<1024x8xf32, #tpu.memory_space<hbm>>)
    "tpu.region"() ({
      %run_scoped3A = tpu.sem_alloc : memref<!tpu.dma_semaphore, #tpu.memory_space<semaphore_mem>>
      %dma_start3A_999 = arith.constant 0 : i32
      %dma_start3A_1000 = arith.constant 0 : i32
      %dma_start3A_1001 = tpu.memref_slice %arg16[%dma_start3A_999, %dma_start3A_1000] : memref<1025x8xf32, #tpu.memory_space<vmem>> -> memref<1024x8xf32, #tpu.memory_space<vmem>>
      %dma_start3A_1002 = arith.constant 0 : i32
      %dma_start3A_1003 = tpu.memref_slice %arg3[%add3A_742, %dma_start3A_1002] : memref<262144x8xf32, #tpu.memory_space<hbm>> -> memref<1024x8xf32, #tpu.memory_space<hbm>>
      %dma_start3A_1004 = arith.constant 0 : i32
      %dma_start3A_1005 = arith.constant 0 : i32
      %dma_start3A_1006 = tpu.memref_slice %arg16[%dma_start3A_1004, %dma_start3A_1005] : memref<1025x8xf32, #tpu.memory_space<vmem>> -> memref<1024x8xf32, #tpu.memory_space<vmem>>
      %dma_start3A_1007 = arith.constant 0 : i32
      %dma_start3A_1008 = tpu.memref_slice %arg3[%add3A_742, %dma_start3A_1007] : memref<262144x8xf32, #tpu.memory_space<hbm>> -> memref<1024x8xf32, #tpu.memory_space<hbm>>
      tpu.enqueue_dma source(%dma_start3A_1008 : memref<1024x8xf32, #tpu.memory_space<hbm>>) target(%dma_start3A_1006 : memref<1024x8xf32, #tpu.memory_space<vmem>>) target_semaphore(%run_scoped3A : memref<!tpu.dma_semaphore, #tpu.memory_space<semaphore_mem>>)
      %dma_wait3A_1009 = arith.constant 0 : i32
      %dma_wait3A_1010 = arith.constant 0 : i32
      %dma_wait3A_1011 = tpu.memref_slice %arg16[%dma_wait3A_1009, %dma_wait3A_1010] : memref<1025x8xf32, #tpu.memory_space<vmem>> -> memref<1024x8xf32, #tpu.memory_space<vmem>>
      %dma_wait3A_1012 = arith.constant 0 : i32
      %dma_wait3A_1013 = tpu.memref_slice %arg3[%add3A_742, %dma_wait3A_1012] : memref<262144x8xf32, #tpu.memory_space<hbm>> -> memref<1024x8xf32, #tpu.memory_space<hbm>>
      %dma_wait3A_1014 = arith.constant 0 : i32
      %dma_wait3A_1015 = arith.constant 0 : i32
      %dma_wait3A_1016 = tpu.memref_slice %arg16[%dma_wait3A_1014, %dma_wait3A_1015] : memref<1025x8xf32, #tpu.memory_space<vmem>> -> memref<1024x8xf32, #tpu.memory_space<vmem>>
      %dma_wait3A_1017 = arith.constant 0 : i32
      %dma_wait3A_1018 = tpu.memref_slice %arg3[%add3A_742, %dma_wait3A_1017] : memref<262144x8xf32, #tpu.memory_space<hbm>> -> memref<1024x8xf32, #tpu.memory_space<hbm>>
      tpu.wait_dma2 semaphore(%run_scoped3A : memref<!tpu.dma_semaphore, #tpu.memory_space<semaphore_mem>>) src(%dma_wait3A_1018 : memref<1024x8xf32, #tpu.memory_space<hbm>>) dst(%dma_wait3A_1016 : memref<1024x8xf32, #tpu.memory_space<vmem>>)
      tpu.yield
    }) : () -> ()
    %add3A_769 = arith.constant 1024 : i32
    %add3A_770 = arith.addi %add3A_742, %add3A_769 : i32
    %lt3A_771 = arith.constant 262144 : i32
    %lt3A_772 = arith.cmpi slt, %add3A_770, %lt3A_771 : i32
    %convert_element_type3A_773 = arith.extui %lt3A_772 : i1 to i32
    %cond3A_774 = arith.constant 0 : i32
    %cond3A_775 = arith.cmpi ne, %convert_element_type3A_773, %cond3A_774 : i32
    scf.if %cond3A_775 {
      %add3A_999 = arith.constant 1024 : i32
      %add3A_1000 = arith.addi %add3A_742, %add3A_999 : i32
      "tpu.region"() ({
        %run_scoped3A = tpu.sem_alloc : memref<!tpu.dma_semaphore, #tpu.memory_space<semaphore_mem>>
        %dma_start3A_1001 = arith.constant 1024 : i32
        %dma_start3A_1002 = arith.constant 0 : i32
        %dma_start3A_1003 = tpu.memref_slice %arg16[%dma_start3A_1001, %dma_start3A_1002] : memref<1025x8xf32, #tpu.memory_space<vmem>> -> memref<1x8xf32, #tpu.memory_space<vmem>>
        %dma_start3A_1004 = arith.constant 0 : i32
        %dma_start3A_1005 = tpu.memref_slice %arg3[%add3A_1000, %dma_start3A_1004] : memref<262144x8xf32, #tpu.memory_space<hbm>> -> memref<1x8xf32, #tpu.memory_space<hbm>>
        %dma_start3A_1006 = arith.constant 1024 : i32
        %dma_start3A_1007 = arith.constant 0 : i32
        %dma_start3A_1008 = tpu.memref_slice %arg16[%dma_start3A_1006, %dma_start3A_1007] : memref<1025x8xf32, #tpu.memory_space<vmem>> -> memref<1x8xf32, #tpu.memory_space<vmem>>
        %dma_start3A_1009 = arith.constant 0 : i32
        %dma_start3A_1010 = tpu.memref_slice %arg3[%add3A_1000, %dma_start3A_1009] : memref<262144x8xf32, #tpu.memory_space<hbm>> -> memref<1x8xf32, #tpu.memory_space<hbm>>
        tpu.enqueue_dma source(%dma_start3A_1010 : memref<1x8xf32, #tpu.memory_space<hbm>>) target(%dma_start3A_1008 : memref<1x8xf32, #tpu.memory_space<vmem>>) target_semaphore(%run_scoped3A : memref<!tpu.dma_semaphore, #tpu.memory_space<semaphore_mem>>)
        %dma_wait3A_1011 = arith.constant 1024 : i32
        %dma_wait3A_1012 = arith.constant 0 : i32
        %dma_wait3A_1013 = tpu.memref_slice %arg16[%dma_wait3A_1011, %dma_wait3A_1012] : memref<1025x8xf32, #tpu.memory_space<vmem>> -> memref<1x8xf32, #tpu.memory_space<vmem>>
        %dma_wait3A_1014 = arith.constant 0 : i32
        %dma_wait3A_1015 = tpu.memref_slice %arg3[%add3A_1000, %dma_wait3A_1014] : memref<262144x8xf32, #tpu.memory_space<hbm>> -> memref<1x8xf32, #tpu.memory_space<hbm>>
        %dma_wait3A_1016 = arith.constant 1024 : i32
        %dma_wait3A_1017 = arith.constant 0 : i32
        %dma_wait3A_1018 = tpu.memref_slice %arg16[%dma_wait3A_1016, %dma_wait3A_1017] : memref<1025x8xf32, #tpu.memory_space<vmem>> -> memref<1x8xf32, #tpu.memory_space<vmem>>
        %dma_wait3A_1019 = arith.constant 0 : i32
        %dma_wait3A_1020 = tpu.memref_slice %arg3[%add3A_1000, %dma_wait3A_1019] : memref<262144x8xf32, #tpu.memory_space<hbm>> -> memref<1x8xf32, #tpu.memory_space<hbm>>
        tpu.wait_dma2 semaphore(%run_scoped3A : memref<!tpu.dma_semaphore, #tpu.memory_space<semaphore_mem>>) src(%dma_wait3A_1020 : memref<1x8xf32, #tpu.memory_space<hbm>>) dst(%dma_wait3A_1018 : memref<1x8xf32, #tpu.memory_space<vmem>>)
        tpu.yield
      }) : () -> ()
    } else {
    }
    %dma_start3A_776 = arith.constant 0 : i32
    %dma_start3A_777 = arith.constant 0 : i32
    %dma_start3A_778 = arith.constant 0 : i32
    %dma_start3A_779 = tpu.memref_slice %arg16[%dma_start3A_777, %dma_start3A_778] : memref<1025x8xf32, #tpu.memory_space<vmem>> -> memref<1024x8xf32, #tpu.memory_space<vmem>>
    %dma_start3A_780 = arith.constant 0 : i32
    %dma_start3A_781 = tpu.memref_slice %arg6[%add3A_742, %dma_start3A_776, %dma_start3A_780] : memref<262144x2x8xf32, #tpu.memory_space<hbm>> -> memref<1024x1x8xf32, #tpu.memory_space<hbm>>
    %dma_start3A_782 = tpu.memref_squeeze %dma_start3A_781 : memref<1024x1x8xf32, #tpu.memory_space<hbm>> -> memref<1024x8xf32, #tpu.memory_space<hbm>>
    %dma_start3A_783 = arith.constant 0 : i32
    %dma_start3A_784 = tpu.memref_slice %arg6[%add3A_742, %dma_start3A_776, %dma_start3A_783] : memref<262144x2x8xf32, #tpu.memory_space<hbm>> -> memref<1024x1x8xf32, #tpu.memory_space<hbm>>
    %dma_start3A_785 = tpu.memref_squeeze %dma_start3A_784 : memref<1024x1x8xf32, #tpu.memory_space<hbm>> -> memref<1024x8xf32, #tpu.memory_space<hbm>>
    %dma_start3A_786 = arith.constant 0 : i32
    %dma_start3A_787 = arith.constant 0 : i32
    %dma_start3A_788 = tpu.memref_slice %arg16[%dma_start3A_786, %dma_start3A_787] : memref<1025x8xf32, #tpu.memory_space<vmem>> -> memref<1024x8xf32, #tpu.memory_space<vmem>>
    tpu.enqueue_dma source(%dma_start3A_788 : memref<1024x8xf32, #tpu.memory_space<vmem>>) target(%dma_start3A_785 : memref<1024x8xf32, #tpu.memory_space<hbm>>) target_semaphore(%arg18 : memref<!tpu.dma_semaphore, #tpu.memory_space<semaphore_mem>>)
    %dma_start3A_789 = arith.constant 1 : i32
    %dma_start3A_790 = arith.constant 1 : i32
    %dma_start3A_791 = arith.constant 0 : i32
    %dma_start3A_792 = tpu.memref_slice %arg16[%dma_start3A_790, %dma_start3A_791] : memref<1025x8xf32, #tpu.memory_space<vmem>> -> memref<1024x8xf32, #tpu.memory_space<vmem>>
    %dma_start3A_793 = arith.constant 0 : i32
    %dma_start3A_794 = tpu.memref_slice %arg6[%add3A_742, %dma_start3A_789, %dma_start3A_793] : memref<262144x2x8xf32, #tpu.memory_space<hbm>> -> memref<1024x1x8xf32, #tpu.memory_space<hbm>>
    %dma_start3A_795 = tpu.memref_squeeze %dma_start3A_794 : memref<1024x1x8xf32, #tpu.memory_space<hbm>> -> memref<1024x8xf32, #tpu.memory_space<hbm>>
    %dma_start3A_796 = arith.constant 0 : i32
    %dma_start3A_797 = tpu.memref_slice %arg6[%add3A_742, %dma_start3A_789, %dma_start3A_796] : memref<262144x2x8xf32, #tpu.memory_space<hbm>> -> memref<1024x1x8xf32, #tpu.memory_space<hbm>>
    %dma_start3A_798 = tpu.memref_squeeze %dma_start3A_797 : memref<1024x1x8xf32, #tpu.memory_space<hbm>> -> memref<1024x8xf32, #tpu.memory_space<hbm>>
    %dma_start3A_799 = arith.constant 1 : i32
    %dma_start3A_800 = arith.constant 0 : i32
    %dma_start3A_801 = tpu.memref_slice %arg16[%dma_start3A_799, %dma_start3A_800] : memref<1025x8xf32, #tpu.memory_space<vmem>> -> memref<1024x8xf32, #tpu.memory_space<vmem>>
    tpu.enqueue_dma source(%dma_start3A_801 : memref<1024x8xf32, #tpu.memory_space<vmem>>) target(%dma_start3A_798 : memref<1024x8xf32, #tpu.memory_space<hbm>>) target_semaphore(%arg18 : memref<!tpu.dma_semaphore, #tpu.memory_space<semaphore_mem>>)
    %add3A_802 = arith.constant 14336 : i32
    %add3A_803 = arith.addi %mul3A_4, %add3A_802 : i32
    %dma_wait3A_804 = arith.constant 0 : i32
    %dma_wait3A_805 = arith.constant 0 : i32
    %dma_wait3A_806 = arith.constant 0 : i32
    %dma_wait3A_807 = tpu.memref_slice %arg15[%dma_wait3A_805, %dma_wait3A_806] : memref<1025x8xf32, #tpu.memory_space<vmem>> -> memref<1024x8xf32, #tpu.memory_space<vmem>>
    %dma_wait3A_808 = arith.constant 0 : i32
    %dma_wait3A_809 = tpu.memref_slice %arg6[%add3A_681, %dma_wait3A_804, %dma_wait3A_808] : memref<262144x2x8xf32, #tpu.memory_space<hbm>> -> memref<1024x1x8xf32, #tpu.memory_space<hbm>>
    %dma_wait3A_810 = tpu.memref_squeeze %dma_wait3A_809 : memref<1024x1x8xf32, #tpu.memory_space<hbm>> -> memref<1024x8xf32, #tpu.memory_space<hbm>>
    %dma_wait3A_811 = arith.constant 0 : i32
    %dma_wait3A_812 = tpu.memref_slice %arg6[%add3A_681, %dma_wait3A_804, %dma_wait3A_811] : memref<262144x2x8xf32, #tpu.memory_space<hbm>> -> memref<1024x1x8xf32, #tpu.memory_space<hbm>>
    %dma_wait3A_813 = tpu.memref_squeeze %dma_wait3A_812 : memref<1024x1x8xf32, #tpu.memory_space<hbm>> -> memref<1024x8xf32, #tpu.memory_space<hbm>>
    %dma_wait3A_814 = arith.constant 0 : i32
    %dma_wait3A_815 = arith.constant 0 : i32
    %dma_wait3A_816 = tpu.memref_slice %arg15[%dma_wait3A_814, %dma_wait3A_815] : memref<1025x8xf32, #tpu.memory_space<vmem>> -> memref<1024x8xf32, #tpu.memory_space<vmem>>
    tpu.wait_dma2 semaphore(%arg17 : memref<!tpu.dma_semaphore, #tpu.memory_space<semaphore_mem>>) src(%dma_wait3A_816 : memref<1024x8xf32, #tpu.memory_space<vmem>>) dst(%dma_wait3A_813 : memref<1024x8xf32, #tpu.memory_space<hbm>>)
    %dma_wait3A_817 = arith.constant 1 : i32
    %dma_wait3A_818 = arith.constant 1 : i32
    %dma_wait3A_819 = arith.constant 0 : i32
    %dma_wait3A_820 = tpu.memref_slice %arg15[%dma_wait3A_818, %dma_wait3A_819] : memref<1025x8xf32, #tpu.memory_space<vmem>> -> memref<1024x8xf32, #tpu.memory_space<vmem>>
    %dma_wait3A_821 = arith.constant 0 : i32
    %dma_wait3A_822 = tpu.memref_slice %arg6[%add3A_681, %dma_wait3A_817, %dma_wait3A_821] : memref<262144x2x8xf32, #tpu.memory_space<hbm>> -> memref<1024x1x8xf32, #tpu.memory_space<hbm>>
    %dma_wait3A_823 = tpu.memref_squeeze %dma_wait3A_822 : memref<1024x1x8xf32, #tpu.memory_space<hbm>> -> memref<1024x8xf32, #tpu.memory_space<hbm>>
    %dma_wait3A_824 = arith.constant 0 : i32
    %dma_wait3A_825 = tpu.memref_slice %arg6[%add3A_681, %dma_wait3A_817, %dma_wait3A_824] : memref<262144x2x8xf32, #tpu.memory_space<hbm>> -> memref<1024x1x8xf32, #tpu.memory_space<hbm>>
    %dma_wait3A_826 = tpu.memref_squeeze %dma_wait3A_825 : memref<1024x1x8xf32, #tpu.memory_space<hbm>> -> memref<1024x8xf32, #tpu.memory_space<hbm>>
    %dma_wait3A_827 = arith.constant 1 : i32
    %dma_wait3A_828 = arith.constant 0 : i32
    %dma_wait3A_829 = tpu.memref_slice %arg15[%dma_wait3A_827, %dma_wait3A_828] : memref<1025x8xf32, #tpu.memory_space<vmem>> -> memref<1024x8xf32, #tpu.memory_space<vmem>>
    tpu.wait_dma2 semaphore(%arg17 : memref<!tpu.dma_semaphore, #tpu.memory_space<semaphore_mem>>) src(%dma_wait3A_829 : memref<1024x8xf32, #tpu.memory_space<vmem>>) dst(%dma_wait3A_826 : memref<1024x8xf32, #tpu.memory_space<hbm>>)
    "tpu.region"() ({
      %run_scoped3A = tpu.sem_alloc : memref<!tpu.dma_semaphore, #tpu.memory_space<semaphore_mem>>
      %dma_start3A_999 = arith.constant 0 : i32
      %dma_start3A_1000 = arith.constant 0 : i32
      %dma_start3A_1001 = tpu.memref_slice %arg15[%dma_start3A_999, %dma_start3A_1000] : memref<1025x8xf32, #tpu.memory_space<vmem>> -> memref<1024x8xf32, #tpu.memory_space<vmem>>
      %dma_start3A_1002 = arith.constant 0 : i32
      %dma_start3A_1003 = tpu.memref_slice %arg3[%add3A_803, %dma_start3A_1002] : memref<262144x8xf32, #tpu.memory_space<hbm>> -> memref<1024x8xf32, #tpu.memory_space<hbm>>
      %dma_start3A_1004 = arith.constant 0 : i32
      %dma_start3A_1005 = arith.constant 0 : i32
      %dma_start3A_1006 = tpu.memref_slice %arg15[%dma_start3A_1004, %dma_start3A_1005] : memref<1025x8xf32, #tpu.memory_space<vmem>> -> memref<1024x8xf32, #tpu.memory_space<vmem>>
      %dma_start3A_1007 = arith.constant 0 : i32
      %dma_start3A_1008 = tpu.memref_slice %arg3[%add3A_803, %dma_start3A_1007] : memref<262144x8xf32, #tpu.memory_space<hbm>> -> memref<1024x8xf32, #tpu.memory_space<hbm>>
      tpu.enqueue_dma source(%dma_start3A_1008 : memref<1024x8xf32, #tpu.memory_space<hbm>>) target(%dma_start3A_1006 : memref<1024x8xf32, #tpu.memory_space<vmem>>) target_semaphore(%run_scoped3A : memref<!tpu.dma_semaphore, #tpu.memory_space<semaphore_mem>>)
      %dma_wait3A_1009 = arith.constant 0 : i32
      %dma_wait3A_1010 = arith.constant 0 : i32
      %dma_wait3A_1011 = tpu.memref_slice %arg15[%dma_wait3A_1009, %dma_wait3A_1010] : memref<1025x8xf32, #tpu.memory_space<vmem>> -> memref<1024x8xf32, #tpu.memory_space<vmem>>
      %dma_wait3A_1012 = arith.constant 0 : i32
      %dma_wait3A_1013 = tpu.memref_slice %arg3[%add3A_803, %dma_wait3A_1012] : memref<262144x8xf32, #tpu.memory_space<hbm>> -> memref<1024x8xf32, #tpu.memory_space<hbm>>
      %dma_wait3A_1014 = arith.constant 0 : i32
      %dma_wait3A_1015 = arith.constant 0 : i32
      %dma_wait3A_1016 = tpu.memref_slice %arg15[%dma_wait3A_1014, %dma_wait3A_1015] : memref<1025x8xf32, #tpu.memory_space<vmem>> -> memref<1024x8xf32, #tpu.memory_space<vmem>>
      %dma_wait3A_1017 = arith.constant 0 : i32
      %dma_wait3A_1018 = tpu.memref_slice %arg3[%add3A_803, %dma_wait3A_1017] : memref<262144x8xf32, #tpu.memory_space<hbm>> -> memref<1024x8xf32, #tpu.memory_space<hbm>>
      tpu.wait_dma2 semaphore(%run_scoped3A : memref<!tpu.dma_semaphore, #tpu.memory_space<semaphore_mem>>) src(%dma_wait3A_1018 : memref<1024x8xf32, #tpu.memory_space<hbm>>) dst(%dma_wait3A_1016 : memref<1024x8xf32, #tpu.memory_space<vmem>>)
      tpu.yield
    }) : () -> ()
    %add3A_830 = arith.constant 1024 : i32
    %add3A_831 = arith.addi %add3A_803, %add3A_830 : i32
    %lt3A_832 = arith.constant 262144 : i32
    %lt3A_833 = arith.cmpi slt, %add3A_831, %lt3A_832 : i32
    %convert_element_type3A_834 = arith.extui %lt3A_833 : i1 to i32
    %cond3A_835 = arith.constant 0 : i32
    %cond3A_836 = arith.cmpi ne, %convert_element_type3A_834, %cond3A_835 : i32
    scf.if %cond3A_836 {
      %add3A_999 = arith.constant 1024 : i32
      %add3A_1000 = arith.addi %add3A_803, %add3A_999 : i32
      "tpu.region"() ({
        %run_scoped3A = tpu.sem_alloc : memref<!tpu.dma_semaphore, #tpu.memory_space<semaphore_mem>>
        %dma_start3A_1001 = arith.constant 1024 : i32
        %dma_start3A_1002 = arith.constant 0 : i32
        %dma_start3A_1003 = tpu.memref_slice %arg15[%dma_start3A_1001, %dma_start3A_1002] : memref<1025x8xf32, #tpu.memory_space<vmem>> -> memref<1x8xf32, #tpu.memory_space<vmem>>
        %dma_start3A_1004 = arith.constant 0 : i32
        %dma_start3A_1005 = tpu.memref_slice %arg3[%add3A_1000, %dma_start3A_1004] : memref<262144x8xf32, #tpu.memory_space<hbm>> -> memref<1x8xf32, #tpu.memory_space<hbm>>
        %dma_start3A_1006 = arith.constant 1024 : i32
        %dma_start3A_1007 = arith.constant 0 : i32
        %dma_start3A_1008 = tpu.memref_slice %arg15[%dma_start3A_1006, %dma_start3A_1007] : memref<1025x8xf32, #tpu.memory_space<vmem>> -> memref<1x8xf32, #tpu.memory_space<vmem>>
        %dma_start3A_1009 = arith.constant 0 : i32
        %dma_start3A_1010 = tpu.memref_slice %arg3[%add3A_1000, %dma_start3A_1009] : memref<262144x8xf32, #tpu.memory_space<hbm>> -> memref<1x8xf32, #tpu.memory_space<hbm>>
        tpu.enqueue_dma source(%dma_start3A_1010 : memref<1x8xf32, #tpu.memory_space<hbm>>) target(%dma_start3A_1008 : memref<1x8xf32, #tpu.memory_space<vmem>>) target_semaphore(%run_scoped3A : memref<!tpu.dma_semaphore, #tpu.memory_space<semaphore_mem>>)
        %dma_wait3A_1011 = arith.constant 1024 : i32
        %dma_wait3A_1012 = arith.constant 0 : i32
        %dma_wait3A_1013 = tpu.memref_slice %arg15[%dma_wait3A_1011, %dma_wait3A_1012] : memref<1025x8xf32, #tpu.memory_space<vmem>> -> memref<1x8xf32, #tpu.memory_space<vmem>>
        %dma_wait3A_1014 = arith.constant 0 : i32
        %dma_wait3A_1015 = tpu.memref_slice %arg3[%add3A_1000, %dma_wait3A_1014] : memref<262144x8xf32, #tpu.memory_space<hbm>> -> memref<1x8xf32, #tpu.memory_space<hbm>>
        %dma_wait3A_1016 = arith.constant 1024 : i32
        %dma_wait3A_1017 = arith.constant 0 : i32
        %dma_wait3A_1018 = tpu.memref_slice %arg15[%dma_wait3A_1016, %dma_wait3A_1017] : memref<1025x8xf32, #tpu.memory_space<vmem>> -> memref<1x8xf32, #tpu.memory_space<vmem>>
        %dma_wait3A_1019 = arith.constant 0 : i32
        %dma_wait3A_1020 = tpu.memref_slice %arg3[%add3A_1000, %dma_wait3A_1019] : memref<262144x8xf32, #tpu.memory_space<hbm>> -> memref<1x8xf32, #tpu.memory_space<hbm>>
        tpu.wait_dma2 semaphore(%run_scoped3A : memref<!tpu.dma_semaphore, #tpu.memory_space<semaphore_mem>>) src(%dma_wait3A_1020 : memref<1x8xf32, #tpu.memory_space<hbm>>) dst(%dma_wait3A_1018 : memref<1x8xf32, #tpu.memory_space<vmem>>)
        tpu.yield
      }) : () -> ()
    } else {
    }
    %dma_start3A_837 = arith.constant 0 : i32
    %dma_start3A_838 = arith.constant 0 : i32
    %dma_start3A_839 = arith.constant 0 : i32
    %dma_start3A_840 = tpu.memref_slice %arg15[%dma_start3A_838, %dma_start3A_839] : memref<1025x8xf32, #tpu.memory_space<vmem>> -> memref<1024x8xf32, #tpu.memory_space<vmem>>
    %dma_start3A_841 = arith.constant 0 : i32
    %dma_start3A_842 = tpu.memref_slice %arg6[%add3A_803, %dma_start3A_837, %dma_start3A_841] : memref<262144x2x8xf32, #tpu.memory_space<hbm>> -> memref<1024x1x8xf32, #tpu.memory_space<hbm>>
    %dma_start3A_843 = tpu.memref_squeeze %dma_start3A_842 : memref<1024x1x8xf32, #tpu.memory_space<hbm>> -> memref<1024x8xf32, #tpu.memory_space<hbm>>
    %dma_start3A_844 = arith.constant 0 : i32
    %dma_start3A_845 = tpu.memref_slice %arg6[%add3A_803, %dma_start3A_837, %dma_start3A_844] : memref<262144x2x8xf32, #tpu.memory_space<hbm>> -> memref<1024x1x8xf32, #tpu.memory_space<hbm>>
    %dma_start3A_846 = tpu.memref_squeeze %dma_start3A_845 : memref<1024x1x8xf32, #tpu.memory_space<hbm>> -> memref<1024x8xf32, #tpu.memory_space<hbm>>
    %dma_start3A_847 = arith.constant 0 : i32
    %dma_start3A_848 = arith.constant 0 : i32
    %dma_start3A_849 = tpu.memref_slice %arg15[%dma_start3A_847, %dma_start3A_848] : memref<1025x8xf32, #tpu.memory_space<vmem>> -> memref<1024x8xf32, #tpu.memory_space<vmem>>
    tpu.enqueue_dma source(%dma_start3A_849 : memref<1024x8xf32, #tpu.memory_space<vmem>>) target(%dma_start3A_846 : memref<1024x8xf32, #tpu.memory_space<hbm>>) target_semaphore(%arg17 : memref<!tpu.dma_semaphore, #tpu.memory_space<semaphore_mem>>)
    %dma_start3A_850 = arith.constant 1 : i32
    %dma_start3A_851 = arith.constant 1 : i32
    %dma_start3A_852 = arith.constant 0 : i32
    %dma_start3A_853 = tpu.memref_slice %arg15[%dma_start3A_851, %dma_start3A_852] : memref<1025x8xf32, #tpu.memory_space<vmem>> -> memref<1024x8xf32, #tpu.memory_space<vmem>>
    %dma_start3A_854 = arith.constant 0 : i32
    %dma_start3A_855 = tpu.memref_slice %arg6[%add3A_803, %dma_start3A_850, %dma_start3A_854] : memref<262144x2x8xf32, #tpu.memory_space<hbm>> -> memref<1024x1x8xf32, #tpu.memory_space<hbm>>
    %dma_start3A_856 = tpu.memref_squeeze %dma_start3A_855 : memref<1024x1x8xf32, #tpu.memory_space<hbm>> -> memref<1024x8xf32, #tpu.memory_space<hbm>>
    %dma_start3A_857 = arith.constant 0 : i32
    %dma_start3A_858 = tpu.memref_slice %arg6[%add3A_803, %dma_start3A_850, %dma_start3A_857] : memref<262144x2x8xf32, #tpu.memory_space<hbm>> -> memref<1024x1x8xf32, #tpu.memory_space<hbm>>
    %dma_start3A_859 = tpu.memref_squeeze %dma_start3A_858 : memref<1024x1x8xf32, #tpu.memory_space<hbm>> -> memref<1024x8xf32, #tpu.memory_space<hbm>>
    %dma_start3A_860 = arith.constant 1 : i32
    %dma_start3A_861 = arith.constant 0 : i32
    %dma_start3A_862 = tpu.memref_slice %arg15[%dma_start3A_860, %dma_start3A_861] : memref<1025x8xf32, #tpu.memory_space<vmem>> -> memref<1024x8xf32, #tpu.memory_space<vmem>>
    tpu.enqueue_dma source(%dma_start3A_862 : memref<1024x8xf32, #tpu.memory_space<vmem>>) target(%dma_start3A_859 : memref<1024x8xf32, #tpu.memory_space<hbm>>) target_semaphore(%arg17 : memref<!tpu.dma_semaphore, #tpu.memory_space<semaphore_mem>>)
    %add3A_863 = arith.constant 15360 : i32
    %add3A_864 = arith.addi %mul3A_4, %add3A_863 : i32
    %dma_wait3A_865 = arith.constant 0 : i32
    %dma_wait3A_866 = arith.constant 0 : i32
    %dma_wait3A_867 = arith.constant 0 : i32
    %dma_wait3A_868 = tpu.memref_slice %arg16[%dma_wait3A_866, %dma_wait3A_867] : memref<1025x8xf32, #tpu.memory_space<vmem>> -> memref<1024x8xf32, #tpu.memory_space<vmem>>
    %dma_wait3A_869 = arith.constant 0 : i32
    %dma_wait3A_870 = tpu.memref_slice %arg6[%add3A_742, %dma_wait3A_865, %dma_wait3A_869] : memref<262144x2x8xf32, #tpu.memory_space<hbm>> -> memref<1024x1x8xf32, #tpu.memory_space<hbm>>
    %dma_wait3A_871 = tpu.memref_squeeze %dma_wait3A_870 : memref<1024x1x8xf32, #tpu.memory_space<hbm>> -> memref<1024x8xf32, #tpu.memory_space<hbm>>
    %dma_wait3A_872 = arith.constant 0 : i32
    %dma_wait3A_873 = tpu.memref_slice %arg6[%add3A_742, %dma_wait3A_865, %dma_wait3A_872] : memref<262144x2x8xf32, #tpu.memory_space<hbm>> -> memref<1024x1x8xf32, #tpu.memory_space<hbm>>
    %dma_wait3A_874 = tpu.memref_squeeze %dma_wait3A_873 : memref<1024x1x8xf32, #tpu.memory_space<hbm>> -> memref<1024x8xf32, #tpu.memory_space<hbm>>
    %dma_wait3A_875 = arith.constant 0 : i32
    %dma_wait3A_876 = arith.constant 0 : i32
    %dma_wait3A_877 = tpu.memref_slice %arg16[%dma_wait3A_875, %dma_wait3A_876] : memref<1025x8xf32, #tpu.memory_space<vmem>> -> memref<1024x8xf32, #tpu.memory_space<vmem>>
    tpu.wait_dma2 semaphore(%arg18 : memref<!tpu.dma_semaphore, #tpu.memory_space<semaphore_mem>>) src(%dma_wait3A_877 : memref<1024x8xf32, #tpu.memory_space<vmem>>) dst(%dma_wait3A_874 : memref<1024x8xf32, #tpu.memory_space<hbm>>)
    %dma_wait3A_878 = arith.constant 1 : i32
    %dma_wait3A_879 = arith.constant 1 : i32
    %dma_wait3A_880 = arith.constant 0 : i32
    %dma_wait3A_881 = tpu.memref_slice %arg16[%dma_wait3A_879, %dma_wait3A_880] : memref<1025x8xf32, #tpu.memory_space<vmem>> -> memref<1024x8xf32, #tpu.memory_space<vmem>>
    %dma_wait3A_882 = arith.constant 0 : i32
    %dma_wait3A_883 = tpu.memref_slice %arg6[%add3A_742, %dma_wait3A_878, %dma_wait3A_882] : memref<262144x2x8xf32, #tpu.memory_space<hbm>> -> memref<1024x1x8xf32, #tpu.memory_space<hbm>>
    %dma_wait3A_884 = tpu.memref_squeeze %dma_wait3A_883 : memref<1024x1x8xf32, #tpu.memory_space<hbm>> -> memref<1024x8xf32, #tpu.memory_space<hbm>>
    %dma_wait3A_885 = arith.constant 0 : i32
    %dma_wait3A_886 = tpu.memref_slice %arg6[%add3A_742, %dma_wait3A_878, %dma_wait3A_885] : memref<262144x2x8xf32, #tpu.memory_space<hbm>> -> memref<1024x1x8xf32, #tpu.memory_space<hbm>>
    %dma_wait3A_887 = tpu.memref_squeeze %dma_wait3A_886 : memref<1024x1x8xf32, #tpu.memory_space<hbm>> -> memref<1024x8xf32, #tpu.memory_space<hbm>>
    %dma_wait3A_888 = arith.constant 1 : i32
    %dma_wait3A_889 = arith.constant 0 : i32
    %dma_wait3A_890 = tpu.memref_slice %arg16[%dma_wait3A_888, %dma_wait3A_889] : memref<1025x8xf32, #tpu.memory_space<vmem>> -> memref<1024x8xf32, #tpu.memory_space<vmem>>
    tpu.wait_dma2 semaphore(%arg18 : memref<!tpu.dma_semaphore, #tpu.memory_space<semaphore_mem>>) src(%dma_wait3A_890 : memref<1024x8xf32, #tpu.memory_space<vmem>>) dst(%dma_wait3A_887 : memref<1024x8xf32, #tpu.memory_space<hbm>>)
    "tpu.region"() ({
      %run_scoped3A = tpu.sem_alloc : memref<!tpu.dma_semaphore, #tpu.memory_space<semaphore_mem>>
      %dma_start3A_999 = arith.constant 0 : i32
      %dma_start3A_1000 = arith.constant 0 : i32
      %dma_start3A_1001 = tpu.memref_slice %arg16[%dma_start3A_999, %dma_start3A_1000] : memref<1025x8xf32, #tpu.memory_space<vmem>> -> memref<1024x8xf32, #tpu.memory_space<vmem>>
      %dma_start3A_1002 = arith.constant 0 : i32
      %dma_start3A_1003 = tpu.memref_slice %arg3[%add3A_864, %dma_start3A_1002] : memref<262144x8xf32, #tpu.memory_space<hbm>> -> memref<1024x8xf32, #tpu.memory_space<hbm>>
      %dma_start3A_1004 = arith.constant 0 : i32
      %dma_start3A_1005 = arith.constant 0 : i32
      %dma_start3A_1006 = tpu.memref_slice %arg16[%dma_start3A_1004, %dma_start3A_1005] : memref<1025x8xf32, #tpu.memory_space<vmem>> -> memref<1024x8xf32, #tpu.memory_space<vmem>>
      %dma_start3A_1007 = arith.constant 0 : i32
      %dma_start3A_1008 = tpu.memref_slice %arg3[%add3A_864, %dma_start3A_1007] : memref<262144x8xf32, #tpu.memory_space<hbm>> -> memref<1024x8xf32, #tpu.memory_space<hbm>>
      tpu.enqueue_dma source(%dma_start3A_1008 : memref<1024x8xf32, #tpu.memory_space<hbm>>) target(%dma_start3A_1006 : memref<1024x8xf32, #tpu.memory_space<vmem>>) target_semaphore(%run_scoped3A : memref<!tpu.dma_semaphore, #tpu.memory_space<semaphore_mem>>)
      %dma_wait3A_1009 = arith.constant 0 : i32
      %dma_wait3A_1010 = arith.constant 0 : i32
      %dma_wait3A_1011 = tpu.memref_slice %arg16[%dma_wait3A_1009, %dma_wait3A_1010] : memref<1025x8xf32, #tpu.memory_space<vmem>> -> memref<1024x8xf32, #tpu.memory_space<vmem>>
      %dma_wait3A_1012 = arith.constant 0 : i32
      %dma_wait3A_1013 = tpu.memref_slice %arg3[%add3A_864, %dma_wait3A_1012] : memref<262144x8xf32, #tpu.memory_space<hbm>> -> memref<1024x8xf32, #tpu.memory_space<hbm>>
      %dma_wait3A_1014 = arith.constant 0 : i32
      %dma_wait3A_1015 = arith.constant 0 : i32
      %dma_wait3A_1016 = tpu.memref_slice %arg16[%dma_wait3A_1014, %dma_wait3A_1015] : memref<1025x8xf32, #tpu.memory_space<vmem>> -> memref<1024x8xf32, #tpu.memory_space<vmem>>
      %dma_wait3A_1017 = arith.constant 0 : i32
      %dma_wait3A_1018 = tpu.memref_slice %arg3[%add3A_864, %dma_wait3A_1017] : memref<262144x8xf32, #tpu.memory_space<hbm>> -> memref<1024x8xf32, #tpu.memory_space<hbm>>
      tpu.wait_dma2 semaphore(%run_scoped3A : memref<!tpu.dma_semaphore, #tpu.memory_space<semaphore_mem>>) src(%dma_wait3A_1018 : memref<1024x8xf32, #tpu.memory_space<hbm>>) dst(%dma_wait3A_1016 : memref<1024x8xf32, #tpu.memory_space<vmem>>)
      tpu.yield
    }) : () -> ()
    %add3A_891 = arith.constant 1024 : i32
    %add3A_892 = arith.addi %add3A_864, %add3A_891 : i32
    %lt3A_893 = arith.constant 262144 : i32
    %lt3A_894 = arith.cmpi slt, %add3A_892, %lt3A_893 : i32
    %convert_element_type3A_895 = arith.extui %lt3A_894 : i1 to i32
    %cond3A_896 = arith.constant 0 : i32
    %cond3A_897 = arith.cmpi ne, %convert_element_type3A_895, %cond3A_896 : i32
    scf.if %cond3A_897 {
      %add3A_999 = arith.constant 1024 : i32
      %add3A_1000 = arith.addi %add3A_864, %add3A_999 : i32
      "tpu.region"() ({
        %run_scoped3A = tpu.sem_alloc : memref<!tpu.dma_semaphore, #tpu.memory_space<semaphore_mem>>
        %dma_start3A_1001 = arith.constant 1024 : i32
        %dma_start3A_1002 = arith.constant 0 : i32
        %dma_start3A_1003 = tpu.memref_slice %arg16[%dma_start3A_1001, %dma_start3A_1002] : memref<1025x8xf32, #tpu.memory_space<vmem>> -> memref<1x8xf32, #tpu.memory_space<vmem>>
        %dma_start3A_1004 = arith.constant 0 : i32
        %dma_start3A_1005 = tpu.memref_slice %arg3[%add3A_1000, %dma_start3A_1004] : memref<262144x8xf32, #tpu.memory_space<hbm>> -> memref<1x8xf32, #tpu.memory_space<hbm>>
        %dma_start3A_1006 = arith.constant 1024 : i32
        %dma_start3A_1007 = arith.constant 0 : i32
        %dma_start3A_1008 = tpu.memref_slice %arg16[%dma_start3A_1006, %dma_start3A_1007] : memref<1025x8xf32, #tpu.memory_space<vmem>> -> memref<1x8xf32, #tpu.memory_space<vmem>>
        %dma_start3A_1009 = arith.constant 0 : i32
        %dma_start3A_1010 = tpu.memref_slice %arg3[%add3A_1000, %dma_start3A_1009] : memref<262144x8xf32, #tpu.memory_space<hbm>> -> memref<1x8xf32, #tpu.memory_space<hbm>>
        tpu.enqueue_dma source(%dma_start3A_1010 : memref<1x8xf32, #tpu.memory_space<hbm>>) target(%dma_start3A_1008 : memref<1x8xf32, #tpu.memory_space<vmem>>) target_semaphore(%run_scoped3A : memref<!tpu.dma_semaphore, #tpu.memory_space<semaphore_mem>>)
        %dma_wait3A_1011 = arith.constant 1024 : i32
        %dma_wait3A_1012 = arith.constant 0 : i32
        %dma_wait3A_1013 = tpu.memref_slice %arg16[%dma_wait3A_1011, %dma_wait3A_1012] : memref<1025x8xf32, #tpu.memory_space<vmem>> -> memref<1x8xf32, #tpu.memory_space<vmem>>
        %dma_wait3A_1014 = arith.constant 0 : i32
        %dma_wait3A_1015 = tpu.memref_slice %arg3[%add3A_1000, %dma_wait3A_1014] : memref<262144x8xf32, #tpu.memory_space<hbm>> -> memref<1x8xf32, #tpu.memory_space<hbm>>
        %dma_wait3A_1016 = arith.constant 1024 : i32
        %dma_wait3A_1017 = arith.constant 0 : i32
        %dma_wait3A_1018 = tpu.memref_slice %arg16[%dma_wait3A_1016, %dma_wait3A_1017] : memref<1025x8xf32, #tpu.memory_space<vmem>> -> memref<1x8xf32, #tpu.memory_space<vmem>>
        %dma_wait3A_1019 = arith.constant 0 : i32
        %dma_wait3A_1020 = tpu.memref_slice %arg3[%add3A_1000, %dma_wait3A_1019] : memref<262144x8xf32, #tpu.memory_space<hbm>> -> memref<1x8xf32, #tpu.memory_space<hbm>>
        tpu.wait_dma2 semaphore(%run_scoped3A : memref<!tpu.dma_semaphore, #tpu.memory_space<semaphore_mem>>) src(%dma_wait3A_1020 : memref<1x8xf32, #tpu.memory_space<hbm>>) dst(%dma_wait3A_1018 : memref<1x8xf32, #tpu.memory_space<vmem>>)
        tpu.yield
      }) : () -> ()
    } else {
    }
    %dma_start3A_898 = arith.constant 0 : i32
    %dma_start3A_899 = arith.constant 0 : i32
    %dma_start3A_900 = arith.constant 0 : i32
    %dma_start3A_901 = tpu.memref_slice %arg16[%dma_start3A_899, %dma_start3A_900] : memref<1025x8xf32, #tpu.memory_space<vmem>> -> memref<1024x8xf32, #tpu.memory_space<vmem>>
    %dma_start3A_902 = arith.constant 0 : i32
    %dma_start3A_903 = tpu.memref_slice %arg6[%add3A_864, %dma_start3A_898, %dma_start3A_902] : memref<262144x2x8xf32, #tpu.memory_space<hbm>> -> memref<1024x1x8xf32, #tpu.memory_space<hbm>>
    %dma_start3A_904 = tpu.memref_squeeze %dma_start3A_903 : memref<1024x1x8xf32, #tpu.memory_space<hbm>> -> memref<1024x8xf32, #tpu.memory_space<hbm>>
    %dma_start3A_905 = arith.constant 0 : i32
    %dma_start3A_906 = tpu.memref_slice %arg6[%add3A_864, %dma_start3A_898, %dma_start3A_905] : memref<262144x2x8xf32, #tpu.memory_space<hbm>> -> memref<1024x1x8xf32, #tpu.memory_space<hbm>>
    %dma_start3A_907 = tpu.memref_squeeze %dma_start3A_906 : memref<1024x1x8xf32, #tpu.memory_space<hbm>> -> memref<1024x8xf32, #tpu.memory_space<hbm>>
    %dma_start3A_908 = arith.constant 0 : i32
    %dma_start3A_909 = arith.constant 0 : i32
    %dma_start3A_910 = tpu.memref_slice %arg16[%dma_start3A_908, %dma_start3A_909] : memref<1025x8xf32, #tpu.memory_space<vmem>> -> memref<1024x8xf32, #tpu.memory_space<vmem>>
    tpu.enqueue_dma source(%dma_start3A_910 : memref<1024x8xf32, #tpu.memory_space<vmem>>) target(%dma_start3A_907 : memref<1024x8xf32, #tpu.memory_space<hbm>>) target_semaphore(%arg18 : memref<!tpu.dma_semaphore, #tpu.memory_space<semaphore_mem>>)
    %dma_start3A_911 = arith.constant 1 : i32
    %dma_start3A_912 = arith.constant 1 : i32
    %dma_start3A_913 = arith.constant 0 : i32
    %dma_start3A_914 = tpu.memref_slice %arg16[%dma_start3A_912, %dma_start3A_913] : memref<1025x8xf32, #tpu.memory_space<vmem>> -> memref<1024x8xf32, #tpu.memory_space<vmem>>
    %dma_start3A_915 = arith.constant 0 : i32
    %dma_start3A_916 = tpu.memref_slice %arg6[%add3A_864, %dma_start3A_911, %dma_start3A_915] : memref<262144x2x8xf32, #tpu.memory_space<hbm>> -> memref<1024x1x8xf32, #tpu.memory_space<hbm>>
    %dma_start3A_917 = tpu.memref_squeeze %dma_start3A_916 : memref<1024x1x8xf32, #tpu.memory_space<hbm>> -> memref<1024x8xf32, #tpu.memory_space<hbm>>
    %dma_start3A_918 = arith.constant 0 : i32
    %dma_start3A_919 = tpu.memref_slice %arg6[%add3A_864, %dma_start3A_911, %dma_start3A_918] : memref<262144x2x8xf32, #tpu.memory_space<hbm>> -> memref<1024x1x8xf32, #tpu.memory_space<hbm>>
    %dma_start3A_920 = tpu.memref_squeeze %dma_start3A_919 : memref<1024x1x8xf32, #tpu.memory_space<hbm>> -> memref<1024x8xf32, #tpu.memory_space<hbm>>
    %dma_start3A_921 = arith.constant 1 : i32
    %dma_start3A_922 = arith.constant 0 : i32
    %dma_start3A_923 = tpu.memref_slice %arg16[%dma_start3A_921, %dma_start3A_922] : memref<1025x8xf32, #tpu.memory_space<vmem>> -> memref<1024x8xf32, #tpu.memory_space<vmem>>
    tpu.enqueue_dma source(%dma_start3A_923 : memref<1024x8xf32, #tpu.memory_space<vmem>>) target(%dma_start3A_920 : memref<1024x8xf32, #tpu.memory_space<hbm>>) target_semaphore(%arg18 : memref<!tpu.dma_semaphore, #tpu.memory_space<semaphore_mem>>)
    %dma_wait3A_924 = arith.constant 0 : i32
    %dma_wait3A_925 = arith.constant 0 : i32
    %dma_wait3A_926 = arith.constant 0 : i32
    %dma_wait3A_927 = tpu.memref_slice %arg15[%dma_wait3A_925, %dma_wait3A_926] : memref<1025x8xf32, #tpu.memory_space<vmem>> -> memref<1024x8xf32, #tpu.memory_space<vmem>>
    %dma_wait3A_928 = arith.constant 0 : i32
    %dma_wait3A_929 = tpu.memref_slice %arg6[%add3A_803, %dma_wait3A_924, %dma_wait3A_928] : memref<262144x2x8xf32, #tpu.memory_space<hbm>> -> memref<1024x1x8xf32, #tpu.memory_space<hbm>>
    %dma_wait3A_930 = tpu.memref_squeeze %dma_wait3A_929 : memref<1024x1x8xf32, #tpu.memory_space<hbm>> -> memref<1024x8xf32, #tpu.memory_space<hbm>>
    %dma_wait3A_931 = arith.constant 0 : i32
    %dma_wait3A_932 = tpu.memref_slice %arg6[%add3A_803, %dma_wait3A_924, %dma_wait3A_931] : memref<262144x2x8xf32, #tpu.memory_space<hbm>> -> memref<1024x1x8xf32, #tpu.memory_space<hbm>>
    %dma_wait3A_933 = tpu.memref_squeeze %dma_wait3A_932 : memref<1024x1x8xf32, #tpu.memory_space<hbm>> -> memref<1024x8xf32, #tpu.memory_space<hbm>>
    %dma_wait3A_934 = arith.constant 0 : i32
    %dma_wait3A_935 = arith.constant 0 : i32
    %dma_wait3A_936 = tpu.memref_slice %arg15[%dma_wait3A_934, %dma_wait3A_935] : memref<1025x8xf32, #tpu.memory_space<vmem>> -> memref<1024x8xf32, #tpu.memory_space<vmem>>
    tpu.wait_dma2 semaphore(%arg17 : memref<!tpu.dma_semaphore, #tpu.memory_space<semaphore_mem>>) src(%dma_wait3A_936 : memref<1024x8xf32, #tpu.memory_space<vmem>>) dst(%dma_wait3A_933 : memref<1024x8xf32, #tpu.memory_space<hbm>>)
    %dma_wait3A_937 = arith.constant 1 : i32
    %dma_wait3A_938 = arith.constant 1 : i32
    %dma_wait3A_939 = arith.constant 0 : i32
    %dma_wait3A_940 = tpu.memref_slice %arg15[%dma_wait3A_938, %dma_wait3A_939] : memref<1025x8xf32, #tpu.memory_space<vmem>> -> memref<1024x8xf32, #tpu.memory_space<vmem>>
    %dma_wait3A_941 = arith.constant 0 : i32
    %dma_wait3A_942 = tpu.memref_slice %arg6[%add3A_803, %dma_wait3A_937, %dma_wait3A_941] : memref<262144x2x8xf32, #tpu.memory_space<hbm>> -> memref<1024x1x8xf32, #tpu.memory_space<hbm>>
    %dma_wait3A_943 = tpu.memref_squeeze %dma_wait3A_942 : memref<1024x1x8xf32, #tpu.memory_space<hbm>> -> memref<1024x8xf32, #tpu.memory_space<hbm>>
    %dma_wait3A_944 = arith.constant 0 : i32
    %dma_wait3A_945 = tpu.memref_slice %arg6[%add3A_803, %dma_wait3A_937, %dma_wait3A_944] : memref<262144x2x8xf32, #tpu.memory_space<hbm>> -> memref<1024x1x8xf32, #tpu.memory_space<hbm>>
    %dma_wait3A_946 = tpu.memref_squeeze %dma_wait3A_945 : memref<1024x1x8xf32, #tpu.memory_space<hbm>> -> memref<1024x8xf32, #tpu.memory_space<hbm>>
    %dma_wait3A_947 = arith.constant 1 : i32
    %dma_wait3A_948 = arith.constant 0 : i32
    %dma_wait3A_949 = tpu.memref_slice %arg15[%dma_wait3A_947, %dma_wait3A_948] : memref<1025x8xf32, #tpu.memory_space<vmem>> -> memref<1024x8xf32, #tpu.memory_space<vmem>>
    tpu.wait_dma2 semaphore(%arg17 : memref<!tpu.dma_semaphore, #tpu.memory_space<semaphore_mem>>) src(%dma_wait3A_949 : memref<1024x8xf32, #tpu.memory_space<vmem>>) dst(%dma_wait3A_946 : memref<1024x8xf32, #tpu.memory_space<hbm>>)
    %dma_wait3A_950 = arith.constant 0 : i32
    %dma_wait3A_951 = arith.constant 0 : i32
    %dma_wait3A_952 = arith.constant 0 : i32
    %dma_wait3A_953 = tpu.memref_slice %arg16[%dma_wait3A_951, %dma_wait3A_952] : memref<1025x8xf32, #tpu.memory_space<vmem>> -> memref<1024x8xf32, #tpu.memory_space<vmem>>
    %dma_wait3A_954 = arith.constant 0 : i32
    %dma_wait3A_955 = tpu.memref_slice %arg6[%add3A_864, %dma_wait3A_950, %dma_wait3A_954] : memref<262144x2x8xf32, #tpu.memory_space<hbm>> -> memref<1024x1x8xf32, #tpu.memory_space<hbm>>
    %dma_wait3A_956 = tpu.memref_squeeze %dma_wait3A_955 : memref<1024x1x8xf32, #tpu.memory_space<hbm>> -> memref<1024x8xf32, #tpu.memory_space<hbm>>
    %dma_wait3A_957 = arith.constant 0 : i32
    %dma_wait3A_958 = tpu.memref_slice %arg6[%add3A_864, %dma_wait3A_950, %dma_wait3A_957] : memref<262144x2x8xf32, #tpu.memory_space<hbm>> -> memref<1024x1x8xf32, #tpu.memory_space<hbm>>
    %dma_wait3A_959 = tpu.memref_squeeze %dma_wait3A_958 : memref<1024x1x8xf32, #tpu.memory_space<hbm>> -> memref<1024x8xf32, #tpu.memory_space<hbm>>
    %dma_wait3A_960 = arith.constant 0 : i32
    %dma_wait3A_961 = arith.constant 0 : i32
    %dma_wait3A_962 = tpu.memref_slice %arg16[%dma_wait3A_960, %dma_wait3A_961] : memref<1025x8xf32, #tpu.memory_space<vmem>> -> memref<1024x8xf32, #tpu.memory_space<vmem>>
    tpu.wait_dma2 semaphore(%arg18 : memref<!tpu.dma_semaphore, #tpu.memory_space<semaphore_mem>>) src(%dma_wait3A_962 : memref<1024x8xf32, #tpu.memory_space<vmem>>) dst(%dma_wait3A_959 : memref<1024x8xf32, #tpu.memory_space<hbm>>)
    %dma_wait3A_963 = arith.constant 1 : i32
    %dma_wait3A_964 = arith.constant 1 : i32
    %dma_wait3A_965 = arith.constant 0 : i32
    %dma_wait3A_966 = tpu.memref_slice %arg16[%dma_wait3A_964, %dma_wait3A_965] : memref<1025x8xf32, #tpu.memory_space<vmem>> -> memref<1024x8xf32, #tpu.memory_space<vmem>>
    %dma_wait3A_967 = arith.constant 0 : i32
    %dma_wait3A_968 = tpu.memref_slice %arg6[%add3A_864, %dma_wait3A_963, %dma_wait3A_967] : memref<262144x2x8xf32, #tpu.memory_space<hbm>> -> memref<1024x1x8xf32, #tpu.memory_space<hbm>>
    %dma_wait3A_969 = tpu.memref_squeeze %dma_wait3A_968 : memref<1024x1x8xf32, #tpu.memory_space<hbm>> -> memref<1024x8xf32, #tpu.memory_space<hbm>>
    %dma_wait3A_970 = arith.constant 0 : i32
    %dma_wait3A_971 = tpu.memref_slice %arg6[%add3A_864, %dma_wait3A_963, %dma_wait3A_970] : memref<262144x2x8xf32, #tpu.memory_space<hbm>> -> memref<1024x1x8xf32, #tpu.memory_space<hbm>>
    %dma_wait3A_972 = tpu.memref_squeeze %dma_wait3A_971 : memref<1024x1x8xf32, #tpu.memory_space<hbm>> -> memref<1024x8xf32, #tpu.memory_space<hbm>>
    %dma_wait3A_973 = arith.constant 1 : i32
    %dma_wait3A_974 = arith.constant 0 : i32
    %dma_wait3A_975 = tpu.memref_slice %arg16[%dma_wait3A_973, %dma_wait3A_974] : memref<1025x8xf32, #tpu.memory_space<vmem>> -> memref<1024x8xf32, #tpu.memory_space<vmem>>
    tpu.wait_dma2 semaphore(%arg18 : memref<!tpu.dma_semaphore, #tpu.memory_space<semaphore_mem>>) src(%dma_wait3A_975 : memref<1024x8xf32, #tpu.memory_space<vmem>>) dst(%dma_wait3A_972 : memref<1024x8xf32, #tpu.memory_space<hbm>>)
    %barrier3A = arith.constant 0 : index
    tpu.barrier barrier_id(%barrier3A)
    %add3A_976 = arith.constant 0 : i32
    %add3A_977 = arith.addi %mul3A_2, %add3A_976 : i32
    "tpu.region"() ({
      %run_scoped3A = tpu.sem_alloc : memref<!tpu.dma_semaphore, #tpu.memory_space<semaphore_mem>>
      %dma_start3A_999 = arith.constant 0 : i32
      %dma_start3A_1000 = arith.constant 0 : i32
      %dma_start3A_1001 = tpu.memref_slice %arg7[%dma_start3A_999, %dma_start3A_1000] : memref<4x512xf32, #tpu.memory_space<vmem>> -> memref<3x512xf32, #tpu.memory_space<vmem>>
      %dma_start3A_1002 = arith.constant 0 : i32
      %dma_start3A_1003 = tpu.memref_slice %arg2[%dma_start3A_1002, %add3A_977] : memref<3x524288xf32, #tpu.memory_space<hbm>> -> memref<3x512xf32, #tpu.memory_space<hbm>>
      %dma_start3A_1004 = arith.constant 0 : i32
      %dma_start3A_1005 = arith.constant 0 : i32
      %dma_start3A_1006 = tpu.memref_slice %arg7[%dma_start3A_1004, %dma_start3A_1005] : memref<4x512xf32, #tpu.memory_space<vmem>> -> memref<3x512xf32, #tpu.memory_space<vmem>>
      %dma_start3A_1007 = arith.constant 0 : i32
      %dma_start3A_1008 = tpu.memref_slice %arg2[%dma_start3A_1007, %add3A_977] : memref<3x524288xf32, #tpu.memory_space<hbm>> -> memref<3x512xf32, #tpu.memory_space<hbm>>
      tpu.enqueue_dma source(%dma_start3A_1008 : memref<3x512xf32, #tpu.memory_space<hbm>>) target(%dma_start3A_1006 : memref<3x512xf32, #tpu.memory_space<vmem>>) target_semaphore(%run_scoped3A : memref<!tpu.dma_semaphore, #tpu.memory_space<semaphore_mem>>)
      %dma_wait3A_1009 = arith.constant 0 : i32
      %dma_wait3A_1010 = arith.constant 0 : i32
      %dma_wait3A_1011 = tpu.memref_slice %arg7[%dma_wait3A_1009, %dma_wait3A_1010] : memref<4x512xf32, #tpu.memory_space<vmem>> -> memref<3x512xf32, #tpu.memory_space<vmem>>
      %dma_wait3A_1012 = arith.constant 0 : i32
      %dma_wait3A_1013 = tpu.memref_slice %arg2[%dma_wait3A_1012, %add3A_977] : memref<3x524288xf32, #tpu.memory_space<hbm>> -> memref<3x512xf32, #tpu.memory_space<hbm>>
      %dma_wait3A_1014 = arith.constant 0 : i32
      %dma_wait3A_1015 = arith.constant 0 : i32
      %dma_wait3A_1016 = tpu.memref_slice %arg7[%dma_wait3A_1014, %dma_wait3A_1015] : memref<4x512xf32, #tpu.memory_space<vmem>> -> memref<3x512xf32, #tpu.memory_space<vmem>>
      %dma_wait3A_1017 = arith.constant 0 : i32
      %dma_wait3A_1018 = tpu.memref_slice %arg2[%dma_wait3A_1017, %add3A_977] : memref<3x524288xf32, #tpu.memory_space<hbm>> -> memref<3x512xf32, #tpu.memory_space<hbm>>
      tpu.wait_dma2 semaphore(%run_scoped3A : memref<!tpu.dma_semaphore, #tpu.memory_space<semaphore_mem>>) src(%dma_wait3A_1018 : memref<3x512xf32, #tpu.memory_space<hbm>>) dst(%dma_wait3A_1016 : memref<3x512xf32, #tpu.memory_space<vmem>>)
      tpu.yield
    }) : () -> ()
    %parallel_loop3A = arith.constant 0 : i32
    %parallel_loop3A_978 = arith.constant 512 : i32
    %parallel_loop3A_979 = arith.constant 16 : i32
    scf.for %parallel_loop3A_999 = %parallel_loop3A to %parallel_loop3A_978 step %parallel_loop3A_979  : i32 {
      %parallel_loop3A_1000 = arith.constant 0 : i32
      %parallel_loop3A_1001 = arith.index_cast %parallel_loop3A_1000 : i32 to index
      %parallel_loop3A_1002 = arith.index_cast %parallel_loop3A_999 : i32 to index
      %parallel_loop3A_1003 = tpu.vector_load %arg7[%parallel_loop3A_1001, %parallel_loop3A_1002] {strides = array<i32>} : memref<4x512xf32, #tpu.memory_space<vmem>>, vector<16xf32>,
      %parallel_loop3A_1004 = arith.constant 0.000000e+00 : f32
      %parallel_loop3A_1005 = vector.broadcast %parallel_loop3A_1004 : f32 to vector<16xf32>
      %parallel_loop3A_1006 = arith.maximumf %parallel_loop3A_1003, %parallel_loop3A_1005 : vector<16xf32>
      %parallel_loop3A_1007 = arith.constant 1.000000e+00 : f32
      %parallel_loop3A_1008 = vector.broadcast %parallel_loop3A_1007 : f32 to vector<16xf32>
      %parallel_loop3A_1009 = arith.minimumf %parallel_loop3A_1006, %parallel_loop3A_1008 : vector<16xf32>
      %parallel_loop3A_1010 = arith.constant 0.00787401571 : f32
      %parallel_loop3A_1011 = vector.broadcast %parallel_loop3A_1010 : f32 to vector<16xf32>
      %parallel_loop3A_1012 = arith.divf %parallel_loop3A_1009, %parallel_loop3A_1011 : vector<16xf32>
      %parallel_loop3A_1013 = arith.fptosi %parallel_loop3A_1012 : vector<16xf32> to vector<16xi32>
      %parallel_loop3A_1014 = arith.constant 126 : i32
      %parallel_loop3A_1015 = vector.broadcast %parallel_loop3A_1014 : i32 to vector<16xi32>
      %parallel_loop3A_1016 = arith.minsi %parallel_loop3A_1013, %parallel_loop3A_1015 : vector<16xi32>
      %parallel_loop3A_1017 = arith.sitofp %parallel_loop3A_1016 : vector<16xi32> to vector<16xf32>
      %parallel_loop3A_1018 = arith.subf %parallel_loop3A_1012, %parallel_loop3A_1017 : vector<16xf32>
      %parallel_loop3A_1019 = arith.constant 1 : i32
      %parallel_loop3A_1020 = arith.index_cast %parallel_loop3A_1019 : i32 to index
      %parallel_loop3A_1021 = arith.index_cast %parallel_loop3A_999 : i32 to index
      %parallel_loop3A_1022 = tpu.vector_load %arg7[%parallel_loop3A_1020, %parallel_loop3A_1021] {strides = array<i32>} : memref<4x512xf32, #tpu.memory_space<vmem>>, vector<16xf32>,
      %parallel_loop3A_1023 = arith.constant 0.000000e+00 : f32
      %parallel_loop3A_1024 = vector.broadcast %parallel_loop3A_1023 : f32 to vector<16xf32>
      %parallel_loop3A_1025 = arith.maximumf %parallel_loop3A_1022, %parallel_loop3A_1024 : vector<16xf32>
      %parallel_loop3A_1026 = arith.constant 1.000000e+00 : f32
      %parallel_loop3A_1027 = vector.broadcast %parallel_loop3A_1026 : f32 to vector<16xf32>
      %parallel_loop3A_1028 = arith.minimumf %parallel_loop3A_1025, %parallel_loop3A_1027 : vector<16xf32>
      %parallel_loop3A_1029 = arith.constant 0.00787401571 : f32
      %parallel_loop3A_1030 = vector.broadcast %parallel_loop3A_1029 : f32 to vector<16xf32>
      %parallel_loop3A_1031 = arith.divf %parallel_loop3A_1028, %parallel_loop3A_1030 : vector<16xf32>
      %parallel_loop3A_1032 = arith.fptosi %parallel_loop3A_1031 : vector<16xf32> to vector<16xi32>
      %parallel_loop3A_1033 = arith.constant 126 : i32
      %parallel_loop3A_1034 = vector.broadcast %parallel_loop3A_1033 : i32 to vector<16xi32>
      %parallel_loop3A_1035 = arith.minsi %parallel_loop3A_1032, %parallel_loop3A_1034 : vector<16xi32>
      %parallel_loop3A_1036 = arith.sitofp %parallel_loop3A_1035 : vector<16xi32> to vector<16xf32>
      %parallel_loop3A_1037 = arith.subf %parallel_loop3A_1031, %parallel_loop3A_1036 : vector<16xf32>
      %parallel_loop3A_1038 = arith.constant 2 : i32
      %parallel_loop3A_1039 = arith.index_cast %parallel_loop3A_1038 : i32 to index
      %parallel_loop3A_1040 = arith.index_cast %parallel_loop3A_999 : i32 to index
      %parallel_loop3A_1041 = tpu.vector_load %arg7[%parallel_loop3A_1039, %parallel_loop3A_1040] {strides = array<i32>} : memref<4x512xf32, #tpu.memory_space<vmem>>, vector<16xf32>,
      %parallel_loop3A_1042 = arith.constant 0.000000e+00 : f32
      %parallel_loop3A_1043 = vector.broadcast %parallel_loop3A_1042 : f32 to vector<16xf32>
      %parallel_loop3A_1044 = arith.maximumf %parallel_loop3A_1041, %parallel_loop3A_1043 : vector<16xf32>
      %parallel_loop3A_1045 = arith.constant 1.000000e+00 : f32
      %parallel_loop3A_1046 = vector.broadcast %parallel_loop3A_1045 : f32 to vector<16xf32>
      %parallel_loop3A_1047 = arith.minimumf %parallel_loop3A_1044, %parallel_loop3A_1046 : vector<16xf32>
      %parallel_loop3A_1048 = arith.constant 0.00787401571 : f32
      %parallel_loop3A_1049 = vector.broadcast %parallel_loop3A_1048 : f32 to vector<16xf32>
      %parallel_loop3A_1050 = arith.divf %parallel_loop3A_1047, %parallel_loop3A_1049 : vector<16xf32>
      %parallel_loop3A_1051 = arith.fptosi %parallel_loop3A_1050 : vector<16xf32> to vector<16xi32>
      %parallel_loop3A_1052 = arith.constant 126 : i32
      %parallel_loop3A_1053 = vector.broadcast %parallel_loop3A_1052 : i32 to vector<16xi32>
      %parallel_loop3A_1054 = arith.minsi %parallel_loop3A_1051, %parallel_loop3A_1053 : vector<16xi32>
      %parallel_loop3A_1055 = arith.sitofp %parallel_loop3A_1054 : vector<16xi32> to vector<16xf32>
      %parallel_loop3A_1056 = arith.subf %parallel_loop3A_1050, %parallel_loop3A_1055 : vector<16xf32>
      %parallel_loop3A_1057 = arith.constant 128 : i32
      %parallel_loop3A_1058 = vector.broadcast %parallel_loop3A_1057 : i32 to vector<16xi32>
      %parallel_loop3A_1059 = arith.muli %parallel_loop3A_1016, %parallel_loop3A_1058 : vector<16xi32>
      %parallel_loop3A_1060 = arith.addi %parallel_loop3A_1059, %parallel_loop3A_1035 : vector<16xi32>
      %parallel_loop3A_1061 = arith.constant 128 : i32
      %parallel_loop3A_1062 = vector.broadcast %parallel_loop3A_1061 : i32 to vector<16xi32>
      %parallel_loop3A_1063 = arith.muli %parallel_loop3A_1060, %parallel_loop3A_1062 : vector<16xi32>
      %parallel_loop3A_1064 = arith.addi %parallel_loop3A_1063, %parallel_loop3A_1054 : vector<16xi32>
      %parallel_loop3A_1065 = arith.constant 3 : i32
      %parallel_loop3A_1066 = vector.broadcast %parallel_loop3A_1065 : i32 to vector<16xi32>
      %parallel_loop3A_1067 = arith.shrsi %parallel_loop3A_1064, %parallel_loop3A_1066 : vector<16xi32>
      %parallel_loop3A_1068 = arith.constant 0 : i32
      %parallel_loop3A_1069 = vector.broadcast %parallel_loop3A_1068 : i32 to vector<16xi32>
      %parallel_loop3A_1070 = arith.addi %parallel_loop3A_1067, %parallel_loop3A_1069 : vector<16xi32>
      %parallel_loop3A_1071 = arith.constant 0 : i32
      %parallel_loop3A_1072 = arith.addi %parallel_loop3A_1071, %parallel_loop3A_999 : i32
      %parallel_loop3A_1073 = arith.index_cast %parallel_loop3A_1072 : i32 to index
      %parallel_loop3A_1074 = tpu.vector_load %arg9[%parallel_loop3A_1073] {strides = array<i32>} : memref<2048xi32, #tpu.memory_space<vmem>>, vector<16xi32>,
      tpu.vector_store %arg9[%parallel_loop3A_1073], %parallel_loop3A_1070 {strides = array<i32>} : memref<2048xi32, #tpu.memory_space<vmem>>, vector<16xi32>,
      %parallel_loop3A_1075 = arith.constant 16 : i32
      %parallel_loop3A_1076 = vector.broadcast %parallel_loop3A_1075 : i32 to vector<16xi32>
      %parallel_loop3A_1077 = arith.addi %parallel_loop3A_1067, %parallel_loop3A_1076 : vector<16xi32>
      %parallel_loop3A_1078 = arith.constant 512 : i32
      %parallel_loop3A_1079 = arith.addi %parallel_loop3A_1078, %parallel_loop3A_999 : i32
      %parallel_loop3A_1080 = arith.index_cast %parallel_loop3A_1079 : i32 to index
      %parallel_loop3A_1081 = tpu.vector_load %arg9[%parallel_loop3A_1080] {strides = array<i32>} : memref<2048xi32, #tpu.memory_space<vmem>>, vector<16xi32>,
      tpu.vector_store %arg9[%parallel_loop3A_1080], %parallel_loop3A_1077 {strides = array<i32>} : memref<2048xi32, #tpu.memory_space<vmem>>, vector<16xi32>,
      %parallel_loop3A_1082 = arith.constant 2048 : i32
      %parallel_loop3A_1083 = vector.broadcast %parallel_loop3A_1082 : i32 to vector<16xi32>
      %parallel_loop3A_1084 = arith.addi %parallel_loop3A_1067, %parallel_loop3A_1083 : vector<16xi32>
      %parallel_loop3A_1085 = arith.constant 1024 : i32
      %parallel_loop3A_1086 = arith.addi %parallel_loop3A_1085, %parallel_loop3A_999 : i32
      %parallel_loop3A_1087 = arith.index_cast %parallel_loop3A_1086 : i32 to index
      %parallel_loop3A_1088 = tpu.vector_load %arg9[%parallel_loop3A_1087] {strides = array<i32>} : memref<2048xi32, #tpu.memory_space<vmem>>, vector<16xi32>,
      tpu.vector_store %arg9[%parallel_loop3A_1087], %parallel_loop3A_1084 {strides = array<i32>} : memref<2048xi32, #tpu.memory_space<vmem>>, vector<16xi32>,
      %parallel_loop3A_1089 = arith.constant 2064 : i32
      %parallel_loop3A_1090 = vector.broadcast %parallel_loop3A_1089 : i32 to vector<16xi32>
      %parallel_loop3A_1091 = arith.addi %parallel_loop3A_1067, %parallel_loop3A_1090 : vector<16xi32>
      %parallel_loop3A_1092 = arith.constant 1536 : i32
      %parallel_loop3A_1093 = arith.addi %parallel_loop3A_1092, %parallel_loop3A_999 : i32
      %parallel_loop3A_1094 = arith.index_cast %parallel_loop3A_1093 : i32 to index
      %parallel_loop3A_1095 = tpu.vector_load %arg9[%parallel_loop3A_1094] {strides = array<i32>} : memref<2048xi32, #tpu.memory_space<vmem>>, vector<16xi32>,
      tpu.vector_store %arg9[%parallel_loop3A_1094], %parallel_loop3A_1091 {strides = array<i32>} : memref<2048xi32, #tpu.memory_space<vmem>>, vector<16xi32>,
      %parallel_loop3A_1096 = arith.constant 0 : i32
      %parallel_loop3A_1097 = arith.index_cast %parallel_loop3A_1096 : i32 to index
      %parallel_loop3A_1098 = arith.index_cast %parallel_loop3A_999 : i32 to index
      %parallel_loop3A_1099 = tpu.vector_load %arg7[%parallel_loop3A_1097, %parallel_loop3A_1098] {strides = array<i32>} : memref<4x512xf32, #tpu.memory_space<vmem>>, vector<16xf32>,
      tpu.vector_store %arg7[%parallel_loop3A_1097, %parallel_loop3A_1098], %parallel_loop3A_1018 {strides = array<i32>} : memref<4x512xf32, #tpu.memory_space<vmem>>, vector<16xf32>,
      %parallel_loop3A_1100 = arith.constant 1 : i32
      %parallel_loop3A_1101 = arith.index_cast %parallel_loop3A_1100 : i32 to index
      %parallel_loop3A_1102 = arith.index_cast %parallel_loop3A_999 : i32 to index
      %parallel_loop3A_1103 = tpu.vector_load %arg7[%parallel_loop3A_1101, %parallel_loop3A_1102] {strides = array<i32>} : memref<4x512xf32, #tpu.memory_space<vmem>>, vector<16xf32>,
      tpu.vector_store %arg7[%parallel_loop3A_1101, %parallel_loop3A_1102], %parallel_loop3A_1037 {strides = array<i32>} : memref<4x512xf32, #tpu.memory_space<vmem>>, vector<16xf32>,
      %parallel_loop3A_1104 = arith.constant 2 : i32
      %parallel_loop3A_1105 = arith.index_cast %parallel_loop3A_1104 : i32 to index
      %parallel_loop3A_1106 = arith.index_cast %parallel_loop3A_999 : i32 to index
      %parallel_loop3A_1107 = tpu.vector_load %arg7[%parallel_loop3A_1105, %parallel_loop3A_1106] {strides = array<i32>} : memref<4x512xf32, #tpu.memory_space<vmem>>, vector<16xf32>,
      tpu.vector_store %arg7[%parallel_loop3A_1105, %parallel_loop3A_1106], %parallel_loop3A_1056 {strides = array<i32>} : memref<4x512xf32, #tpu.memory_space<vmem>>, vector<16xf32>,
      %parallel_loop3A_1108 = arith.constant 7 : i32
      %parallel_loop3A_1109 = vector.broadcast %parallel_loop3A_1108 : i32 to vector<16xi32>
      %parallel_loop3A_1110 = arith.andi %parallel_loop3A_1054, %parallel_loop3A_1109 : vector<16xi32>
      %parallel_loop3A_1111 = arith.sitofp %parallel_loop3A_1110 : vector<16xi32> to vector<16xf32>
      %parallel_loop3A_1112 = arith.constant 3 : i32
      %parallel_loop3A_1113 = arith.index_cast %parallel_loop3A_1112 : i32 to index
      %parallel_loop3A_1114 = arith.index_cast %parallel_loop3A_999 : i32 to index
      %parallel_loop3A_1115 = tpu.vector_load %arg7[%parallel_loop3A_1113, %parallel_loop3A_1114] {strides = array<i32>} : memref<4x512xf32, #tpu.memory_space<vmem>>, vector<16xf32>,
      tpu.vector_store %arg7[%parallel_loop3A_1113, %parallel_loop3A_1114], %parallel_loop3A_1111 {strides = array<i32>} : memref<4x512xf32, #tpu.memory_space<vmem>>, vector<16xf32>,
    } {sc.loop_unroll_factor = 1 : i64, sc.parallel_access}
    %dma_start3A_980 = arith.constant 0 : i32
    %dma_start3A_981 = arith.constant 0 : i32
    %dma_start3A_982 = arith.constant 0 : i32
    %dma_start3A_983 = tpu.memref_slice %arg6[%dma_start3A_980, %dma_start3A_981, %dma_start3A_982] : memref<262144x2x8xf32, #tpu.memory_space<hbm>> -> memref<262144x2x8xf32, #tpu.memory_space<hbm>>
    tpu.enqueue_indirect_dma source(%dma_start3A_983 : memref<262144x2x8xf32, #tpu.memory_space<hbm>>) target(%arg11 : memref<2048x2x8xf32, #tpu.memory_space<vmem>>) offsets(%arg9 : memref<2048xi32, #tpu.memory_space<vmem>>) semaphore(%arg17 : memref<!tpu.dma_semaphore, #tpu.memory_space<semaphore_mem>>)
    %add3A_984 = arith.constant 512 : i32
    %add3A_985 = arith.addi %mul3A_2, %add3A_984 : i32
    "tpu.region"() ({
      %run_scoped3A = tpu.sem_alloc : memref<!tpu.dma_semaphore, #tpu.memory_space<semaphore_mem>>
      %dma_start3A_999 = arith.constant 0 : i32
      %dma_start3A_1000 = arith.constant 0 : i32
      %dma_start3A_1001 = tpu.memref_slice %arg8[%dma_start3A_999, %dma_start3A_1000] : memref<4x512xf32, #tpu.memory_space<vmem>> -> memref<3x512xf32, #tpu.memory_space<vmem>>
      %dma_start3A_1002 = arith.constant 0 : i32
      %dma_start3A_1003 = tpu.memref_slice %arg2[%dma_start3A_1002, %add3A_985] : memref<3x524288xf32, #tpu.memory_space<hbm>> -> memref<3x512xf32, #tpu.memory_space<hbm>>
      %dma_start3A_1004 = arith.constant 0 : i32
      %dma_start3A_1005 = arith.constant 0 : i32
      %dma_start3A_1006 = tpu.memref_slice %arg8[%dma_start3A_1004, %dma_start3A_1005] : memref<4x512xf32, #tpu.memory_space<vmem>> -> memref<3x512xf32, #tpu.memory_space<vmem>>
      %dma_start3A_1007 = arith.constant 0 : i32
      %dma_start3A_1008 = tpu.memref_slice %arg2[%dma_start3A_1007, %add3A_985] : memref<3x524288xf32, #tpu.memory_space<hbm>> -> memref<3x512xf32, #tpu.memory_space<hbm>>
      tpu.enqueue_dma source(%dma_start3A_1008 : memref<3x512xf32, #tpu.memory_space<hbm>>) target(%dma_start3A_1006 : memref<3x512xf32, #tpu.memory_space<vmem>>) target_semaphore(%run_scoped3A : memref<!tpu.dma_semaphore, #tpu.memory_space<semaphore_mem>>)
      %dma_wait3A_1009 = arith.constant 0 : i32
      %dma_wait3A_1010 = arith.constant 0 : i32
      %dma_wait3A_1011 = tpu.memref_slice %arg8[%dma_wait3A_1009, %dma_wait3A_1010] : memref<4x512xf32, #tpu.memory_space<vmem>> -> memref<3x512xf32, #tpu.memory_space<vmem>>
      %dma_wait3A_1012 = arith.constant 0 : i32
      %dma_wait3A_1013 = tpu.memref_slice %arg2[%dma_wait3A_1012, %add3A_985] : memref<3x524288xf32, #tpu.memory_space<hbm>> -> memref<3x512xf32, #tpu.memory_space<hbm>>
      %dma_wait3A_1014 = arith.constant 0 : i32
      %dma_wait3A_1015 = arith.constant 0 : i32
      %dma_wait3A_1016 = tpu.memref_slice %arg8[%dma_wait3A_1014, %dma_wait3A_1015] : memref<4x512xf32, #tpu.memory_space<vmem>> -> memref<3x512xf32, #tpu.memory_space<vmem>>
      %dma_wait3A_1017 = arith.constant 0 : i32
      %dma_wait3A_1018 = tpu.memref_slice %arg2[%dma_wait3A_1017, %add3A_985] : memref<3x524288xf32, #tpu.memory_space<hbm>> -> memref<3x512xf32, #tpu.memory_space<hbm>>
      tpu.wait_dma2 semaphore(%run_scoped3A : memref<!tpu.dma_semaphore, #tpu.memory_space<semaphore_mem>>) src(%dma_wait3A_1018 : memref<3x512xf32, #tpu.memory_space<hbm>>) dst(%dma_wait3A_1016 : memref<3x512xf32, #tpu.memory_space<vmem>>)
      tpu.yield
    }) : () -> ()
    %parallel_loop3A_986 = arith.constant 0 : i32
    %parallel_loop3A_987 = arith.constant 512 : i32
    %parallel_loop3A_988 = arith.constant 16 : i32
    scf.for %parallel_loop3A_999 = %parallel_loop3A_986 to %parallel_loop3A_987 step %parallel_loop3A_988  : i32 {
      %parallel_loop3A_1000 = arith.constant 0 : i32
      %parallel_loop3A_1001 = arith.index_cast %parallel_loop3A_1000 : i32 to index
      %parallel_loop3A_1002 = arith.index_cast %parallel_loop3A_999 : i32 to index
      %parallel_loop3A_1003 = tpu.vector_load %arg8[%parallel_loop3A_1001, %parallel_loop3A_1002] {strides = array<i32>} : memref<4x512xf32, #tpu.memory_space<vmem>>, vector<16xf32>,
      %parallel_loop3A_1004 = arith.constant 0.000000e+00 : f32
      %parallel_loop3A_1005 = vector.broadcast %parallel_loop3A_1004 : f32 to vector<16xf32>
      %parallel_loop3A_1006 = arith.maximumf %parallel_loop3A_1003, %parallel_loop3A_1005 : vector<16xf32>
      %parallel_loop3A_1007 = arith.constant 1.000000e+00 : f32
      %parallel_loop3A_1008 = vector.broadcast %parallel_loop3A_1007 : f32 to vector<16xf32>
      %parallel_loop3A_1009 = arith.minimumf %parallel_loop3A_1006, %parallel_loop3A_1008 : vector<16xf32>
      %parallel_loop3A_1010 = arith.constant 0.00787401571 : f32
      %parallel_loop3A_1011 = vector.broadcast %parallel_loop3A_1010 : f32 to vector<16xf32>
      %parallel_loop3A_1012 = arith.divf %parallel_loop3A_1009, %parallel_loop3A_1011 : vector<16xf32>
      %parallel_loop3A_1013 = arith.fptosi %parallel_loop3A_1012 : vector<16xf32> to vector<16xi32>
      %parallel_loop3A_1014 = arith.constant 126 : i32
      %parallel_loop3A_1015 = vector.broadcast %parallel_loop3A_1014 : i32 to vector<16xi32>
      %parallel_loop3A_1016 = arith.minsi %parallel_loop3A_1013, %parallel_loop3A_1015 : vector<16xi32>
      %parallel_loop3A_1017 = arith.sitofp %parallel_loop3A_1016 : vector<16xi32> to vector<16xf32>
      %parallel_loop3A_1018 = arith.subf %parallel_loop3A_1012, %parallel_loop3A_1017 : vector<16xf32>
      %parallel_loop3A_1019 = arith.constant 1 : i32
      %parallel_loop3A_1020 = arith.index_cast %parallel_loop3A_1019 : i32 to index
      %parallel_loop3A_1021 = arith.index_cast %parallel_loop3A_999 : i32 to index
      %parallel_loop3A_1022 = tpu.vector_load %arg8[%parallel_loop3A_1020, %parallel_loop3A_1021] {strides = array<i32>} : memref<4x512xf32, #tpu.memory_space<vmem>>, vector<16xf32>,
      %parallel_loop3A_1023 = arith.constant 0.000000e+00 : f32
      %parallel_loop3A_1024 = vector.broadcast %parallel_loop3A_1023 : f32 to vector<16xf32>
      %parallel_loop3A_1025 = arith.maximumf %parallel_loop3A_1022, %parallel_loop3A_1024 : vector<16xf32>
      %parallel_loop3A_1026 = arith.constant 1.000000e+00 : f32
      %parallel_loop3A_1027 = vector.broadcast %parallel_loop3A_1026 : f32 to vector<16xf32>
      %parallel_loop3A_1028 = arith.minimumf %parallel_loop3A_1025, %parallel_loop3A_1027 : vector<16xf32>
      %parallel_loop3A_1029 = arith.constant 0.00787401571 : f32
      %parallel_loop3A_1030 = vector.broadcast %parallel_loop3A_1029 : f32 to vector<16xf32>
      %parallel_loop3A_1031 = arith.divf %parallel_loop3A_1028, %parallel_loop3A_1030 : vector<16xf32>
      %parallel_loop3A_1032 = arith.fptosi %parallel_loop3A_1031 : vector<16xf32> to vector<16xi32>
      %parallel_loop3A_1033 = arith.constant 126 : i32
      %parallel_loop3A_1034 = vector.broadcast %parallel_loop3A_1033 : i32 to vector<16xi32>
      %parallel_loop3A_1035 = arith.minsi %parallel_loop3A_1032, %parallel_loop3A_1034 : vector<16xi32>
      %parallel_loop3A_1036 = arith.sitofp %parallel_loop3A_1035 : vector<16xi32> to vector<16xf32>
      %parallel_loop3A_1037 = arith.subf %parallel_loop3A_1031, %parallel_loop3A_1036 : vector<16xf32>
      %parallel_loop3A_1038 = arith.constant 2 : i32
      %parallel_loop3A_1039 = arith.index_cast %parallel_loop3A_1038 : i32 to index
      %parallel_loop3A_1040 = arith.index_cast %parallel_loop3A_999 : i32 to index
      %parallel_loop3A_1041 = tpu.vector_load %arg8[%parallel_loop3A_1039, %parallel_loop3A_1040] {strides = array<i32>} : memref<4x512xf32, #tpu.memory_space<vmem>>, vector<16xf32>,
      %parallel_loop3A_1042 = arith.constant 0.000000e+00 : f32
      %parallel_loop3A_1043 = vector.broadcast %parallel_loop3A_1042 : f32 to vector<16xf32>
      %parallel_loop3A_1044 = arith.maximumf %parallel_loop3A_1041, %parallel_loop3A_1043 : vector<16xf32>
      %parallel_loop3A_1045 = arith.constant 1.000000e+00 : f32
      %parallel_loop3A_1046 = vector.broadcast %parallel_loop3A_1045 : f32 to vector<16xf32>
      %parallel_loop3A_1047 = arith.minimumf %parallel_loop3A_1044, %parallel_loop3A_1046 : vector<16xf32>
      %parallel_loop3A_1048 = arith.constant 0.00787401571 : f32
      %parallel_loop3A_1049 = vector.broadcast %parallel_loop3A_1048 : f32 to vector<16xf32>
      %parallel_loop3A_1050 = arith.divf %parallel_loop3A_1047, %parallel_loop3A_1049 : vector<16xf32>
      %parallel_loop3A_1051 = arith.fptosi %parallel_loop3A_1050 : vector<16xf32> to vector<16xi32>
      %parallel_loop3A_1052 = arith.constant 126 : i32
      %parallel_loop3A_1053 = vector.broadcast %parallel_loop3A_1052 : i32 to vector<16xi32>
      %parallel_loop3A_1054 = arith.minsi %parallel_loop3A_1051, %parallel_loop3A_1053 : vector<16xi32>
      %parallel_loop3A_1055 = arith.sitofp %parallel_loop3A_1054 : vector<16xi32> to vector<16xf32>
      %parallel_loop3A_1056 = arith.subf %parallel_loop3A_1050, %parallel_loop3A_1055 : vector<16xf32>
      %parallel_loop3A_1057 = arith.constant 128 : i32
      %parallel_loop3A_1058 = vector.broadcast %parallel_loop3A_1057 : i32 to vector<16xi32>
      %parallel_loop3A_1059 = arith.muli %parallel_loop3A_1016, %parallel_loop3A_1058 : vector<16xi32>
      %parallel_loop3A_1060 = arith.addi %parallel_loop3A_1059, %parallel_loop3A_1035 : vector<16xi32>
      %parallel_loop3A_1061 = arith.constant 128 : i32
      %parallel_loop3A_1062 = vector.broadcast %parallel_loop3A_1061 : i32 to vector<16xi32>
      %parallel_loop3A_1063 = arith.muli %parallel_loop3A_1060, %parallel_loop3A_1062 : vector<16xi32>
      %parallel_loop3A_1064 = arith.addi %parallel_loop3A_1063, %parallel_loop3A_1054 : vector<16xi32>
      %parallel_loop3A_1065 = arith.constant 3 : i32
      %parallel_loop3A_1066 = vector.broadcast %parallel_loop3A_1065 : i32 to vector<16xi32>
      %parallel_loop3A_1067 = arith.shrsi %parallel_loop3A_1064, %parallel_loop3A_1066 : vector<16xi32>
      %parallel_loop3A_1068 = arith.constant 0 : i32
      %parallel_loop3A_1069 = vector.broadcast %parallel_loop3A_1068 : i32 to vector<16xi32>
      %parallel_loop3A_1070 = arith.addi %parallel_loop3A_1067, %parallel_loop3A_1069 : vector<16xi32>
      %parallel_loop3A_1071 = arith.constant 0 : i32
      %parallel_loop3A_1072 = arith.addi %parallel_loop3A_1071, %parallel_loop3A_999 : i32
      %parallel_loop3A_1073 = arith.index_cast %parallel_loop3A_1072 : i32 to index
      %parallel_loop3A_1074 = tpu.vector_load %arg10[%parallel_loop3A_1073] {strides = array<i32>} : memref<2048xi32, #tpu.memory_space<vmem>>, vector<16xi32>,
      tpu.vector_store %arg10[%parallel_loop3A_1073], %parallel_loop3A_1070 {strides = array<i32>} : memref<2048xi32, #tpu.memory_space<vmem>>, vector<16xi32>,
      %parallel_loop3A_1075 = arith.constant 16 : i32
      %parallel_loop3A_1076 = vector.broadcast %parallel_loop3A_1075 : i32 to vector<16xi32>
      %parallel_loop3A_1077 = arith.addi %parallel_loop3A_1067, %parallel_loop3A_1076 : vector<16xi32>
      %parallel_loop3A_1078 = arith.constant 512 : i32
      %parallel_loop3A_1079 = arith.addi %parallel_loop3A_1078, %parallel_loop3A_999 : i32
      %parallel_loop3A_1080 = arith.index_cast %parallel_loop3A_1079 : i32 to index
      %parallel_loop3A_1081 = tpu.vector_load %arg10[%parallel_loop3A_1080] {strides = array<i32>} : memref<2048xi32, #tpu.memory_space<vmem>>, vector<16xi32>,
      tpu.vector_store %arg10[%parallel_loop3A_1080], %parallel_loop3A_1077 {strides = array<i32>} : memref<2048xi32, #tpu.memory_space<vmem>>, vector<16xi32>,
      %parallel_loop3A_1082 = arith.constant 2048 : i32
      %parallel_loop3A_1083 = vector.broadcast %parallel_loop3A_1082 : i32 to vector<16xi32>
      %parallel_loop3A_1084 = arith.addi %parallel_loop3A_1067, %parallel_loop3A_1083 : vector<16xi32>
      %parallel_loop3A_1085 = arith.constant 1024 : i32
      %parallel_loop3A_1086 = arith.addi %parallel_loop3A_1085, %parallel_loop3A_999 : i32
      %parallel_loop3A_1087 = arith.index_cast %parallel_loop3A_1086 : i32 to index
      %parallel_loop3A_1088 = tpu.vector_load %arg10[%parallel_loop3A_1087] {strides = array<i32>} : memref<2048xi32, #tpu.memory_space<vmem>>, vector<16xi32>,
      tpu.vector_store %arg10[%parallel_loop3A_1087], %parallel_loop3A_1084 {strides = array<i32>} : memref<2048xi32, #tpu.memory_space<vmem>>, vector<16xi32>,
      %parallel_loop3A_1089 = arith.constant 2064 : i32
      %parallel_loop3A_1090 = vector.broadcast %parallel_loop3A_1089 : i32 to vector<16xi32>
      %parallel_loop3A_1091 = arith.addi %parallel_loop3A_1067, %parallel_loop3A_1090 : vector<16xi32>
      %parallel_loop3A_1092 = arith.constant 1536 : i32
      %parallel_loop3A_1093 = arith.addi %parallel_loop3A_1092, %parallel_loop3A_999 : i32
      %parallel_loop3A_1094 = arith.index_cast %parallel_loop3A_1093 : i32 to index
      %parallel_loop3A_1095 = tpu.vector_load %arg10[%parallel_loop3A_1094] {strides = array<i32>} : memref<2048xi32, #tpu.memory_space<vmem>>, vector<16xi32>,
      tpu.vector_store %arg10[%parallel_loop3A_1094], %parallel_loop3A_1091 {strides = array<i32>} : memref<2048xi32, #tpu.memory_space<vmem>>, vector<16xi32>,
      %parallel_loop3A_1096 = arith.constant 0 : i32
      %parallel_loop3A_1097 = arith.index_cast %parallel_loop3A_1096 : i32 to index
      %parallel_loop3A_1098 = arith.index_cast %parallel_loop3A_999 : i32 to index
      %parallel_loop3A_1099 = tpu.vector_load %arg8[%parallel_loop3A_1097, %parallel_loop3A_1098] {strides = array<i32>} : memref<4x512xf32, #tpu.memory_space<vmem>>, vector<16xf32>,
      tpu.vector_store %arg8[%parallel_loop3A_1097, %parallel_loop3A_1098], %parallel_loop3A_1018 {strides = array<i32>} : memref<4x512xf32, #tpu.memory_space<vmem>>, vector<16xf32>,
      %parallel_loop3A_1100 = arith.constant 1 : i32
      %parallel_loop3A_1101 = arith.index_cast %parallel_loop3A_1100 : i32 to index
      %parallel_loop3A_1102 = arith.index_cast %parallel_loop3A_999 : i32 to index
      %parallel_loop3A_1103 = tpu.vector_load %arg8[%parallel_loop3A_1101, %parallel_loop3A_1102] {strides = array<i32>} : memref<4x512xf32, #tpu.memory_space<vmem>>, vector<16xf32>,
      tpu.vector_store %arg8[%parallel_loop3A_1101, %parallel_loop3A_1102], %parallel_loop3A_1037 {strides = array<i32>} : memref<4x512xf32, #tpu.memory_space<vmem>>, vector<16xf32>,
      %parallel_loop3A_1104 = arith.constant 2 : i32
      %parallel_loop3A_1105 = arith.index_cast %parallel_loop3A_1104 : i32 to index
      %parallel_loop3A_1106 = arith.index_cast %parallel_loop3A_999 : i32 to index
      %parallel_loop3A_1107 = tpu.vector_load %arg8[%parallel_loop3A_1105, %parallel_loop3A_1106] {strides = array<i32>} : memref<4x512xf32, #tpu.memory_space<vmem>>, vector<16xf32>,
      tpu.vector_store %arg8[%parallel_loop3A_1105, %parallel_loop3A_1106], %parallel_loop3A_1056 {strides = array<i32>} : memref<4x512xf32, #tpu.memory_space<vmem>>, vector<16xf32>,
      %parallel_loop3A_1108 = arith.constant 7 : i32
      %parallel_loop3A_1109 = vector.broadcast %parallel_loop3A_1108 : i32 to vector<16xi32>
      %parallel_loop3A_1110 = arith.andi %parallel_loop3A_1054, %parallel_loop3A_1109 : vector<16xi32>
      %parallel_loop3A_1111 = arith.sitofp %parallel_loop3A_1110 : vector<16xi32> to vector<16xf32>
      %parallel_loop3A_1112 = arith.constant 3 : i32
      %parallel_loop3A_1113 = arith.index_cast %parallel_loop3A_1112 : i32 to index
      %parallel_loop3A_1114 = arith.index_cast %parallel_loop3A_999 : i32 to index
      %parallel_loop3A_1115 = tpu.vector_load %arg8[%parallel_loop3A_1113, %parallel_loop3A_1114] {strides = array<i32>} : memref<4x512xf32, #tpu.memory_space<vmem>>, vector<16xf32>,
      tpu.vector_store %arg8[%parallel_loop3A_1113, %parallel_loop3A_1114], %parallel_loop3A_1111 {strides = array<i32>} : memref<4x512xf32, #tpu.memory_space<vmem>>, vector<16xf32>,
    } {sc.loop_unroll_factor = 1 : i64, sc.parallel_access}
    %dma_start3A_989 = arith.constant 0 : i32
    %dma_start3A_990 = arith.constant 0 : i32
    %dma_start3A_991 = arith.constant 0 : i32
    %dma_start3A_992 = tpu.memref_slice %arg6[%dma_start3A_989, %dma_start3A_990, %dma_start3A_991] : memref<262144x2x8xf32, #tpu.memory_space<hbm>> -> memref<262144x2x8xf32, #tpu.memory_space<hbm>>
    tpu.enqueue_indirect_dma source(%dma_start3A_992 : memref<262144x2x8xf32, #tpu.memory_space<hbm>>) target(%arg12 : memref<2048x2x8xf32, #tpu.memory_space<vmem>>) offsets(%arg10 : memref<2048xi32, #tpu.memory_space<vmem>>) semaphore(%arg18 : memref<!tpu.dma_semaphore, #tpu.memory_space<semaphore_mem>>)
    %scan3A = arith.constant 0 : i32
    %scan3A_993 = arith.constant 0 : i32
    %scan3A_994 = arith.constant 16 : i32
    %scan3A_995 = arith.addi %scan3A_993, %scan3A_994 : i32
    %scan3A_996 = arith.constant 1 : i32
    %scan3A_997 = scf.for %scan3A_999 = %scan3A_993 to %scan3A_995 step %scan3A_996 iter_args(%scan3A_1000 = %scan3A) -> (i32)  : i32 {
      %mul3A_1001 = arith.constant 2 : i32
      %mul3A_1002 = arith.muli %mul3A_1001, %scan3A_999 : i32
      %add3A_1003 = arith.constant 0 : i32
      %add3A_1004 = arith.addi %mul3A_1002, %add3A_1003 : i32
      %dma_wait3A_1005 = arith.constant 0 : i32
      %dma_wait3A_1006 = arith.constant 0 : i32
      %dma_wait3A_1007 = arith.constant 0 : i32
      %dma_wait3A_1008 = tpu.memref_slice %arg6[%dma_wait3A_1005, %dma_wait3A_1006, %dma_wait3A_1007] : memref<262144x2x8xf32, #tpu.memory_space<hbm>> -> memref<262144x2x8xf32, #tpu.memory_space<hbm>>
      tpu.wait_indirect_dma semaphore(%arg17 : memref<!tpu.dma_semaphore, #tpu.memory_space<semaphore_mem>>) src(%dma_wait3A_1008 : memref<262144x2x8xf32, #tpu.memory_space<hbm>>) dst(%arg11 : memref<2048x2x8xf32, #tpu.memory_space<vmem>>)
      %parallel_loop3A_1009 = arith.constant 0 : i32
      %parallel_loop3A_1010 = arith.constant 512 : i32
      %parallel_loop3A_1011 = arith.constant 16 : i32
      scf.for %parallel_loop3A_1042 = %parallel_loop3A_1009 to %parallel_loop3A_1010 step %parallel_loop3A_1011  : i32 {
        %parallel_loop3A_1043 = vector.broadcast %parallel_loop3A_1042 : i32 to vector<16xi32>
        %parallel_loop3A_1044 = arith.addi %parallel_loop3A_1043, %iota3A : vector<16xi32>
        %parallel_loop3A_1045 = arith.constant 0 : i32
        %parallel_loop3A_1046 = vector.broadcast %parallel_loop3A_1045 : i32 to vector<16xi32>
        %parallel_loop3A_1047 = arith.constant 3 : i32
        %parallel_loop3A_1048 = arith.index_cast %parallel_loop3A_1047 : i32 to index
        %parallel_loop3A_1049 = arith.index_cast %parallel_loop3A_1042 : i32 to index
        %parallel_loop3A_1050 = tpu.vector_load %arg7[%parallel_loop3A_1048, %parallel_loop3A_1049] {strides = array<i32>} : memref<4x512xf32, #tpu.memory_space<vmem>>, vector<16xf32>,
        %parallel_loop3A_1051 = arith.fptosi %parallel_loop3A_1050 : vector<16xf32> to vector<16xi32>
        %parallel_loop3A_1052 = arith.constant 1 : i32
        %parallel_loop3A_1053 = vector.broadcast %parallel_loop3A_1052 : i32 to vector<16xi32>
        %parallel_loop3A_1054 = arith.addi %parallel_loop3A_1051, %parallel_loop3A_1053 : vector<16xi32>
        %parallel_loop3A_1055 = arith.constant 3 : i32
        %parallel_loop3A_1056 = vector.broadcast %parallel_loop3A_1055 : i32 to vector<16xi32>
        %parallel_loop3A_1057 = arith.shrsi %parallel_loop3A_1054, %parallel_loop3A_1056 : vector<16xi32>
        %parallel_loop3A_1058 = arith.constant 7 : i32
        %parallel_loop3A_1059 = vector.broadcast %parallel_loop3A_1058 : i32 to vector<16xi32>
        %parallel_loop3A_1060 = arith.andi %parallel_loop3A_1054, %parallel_loop3A_1059 : vector<16xi32>
        %parallel_loop3A_1061 = tpu.vector_load_idx %arg11[%parallel_loop3A_1044, %parallel_loop3A_1046, %parallel_loop3A_1051] : memref<2048x2x8xf32, #tpu.memory_space<vmem>>[vector<16xi32>, vector<16xi32>, vector<16xi32>], vector<16xf32>,
        %parallel_loop3A_1062 = tpu.vector_load_idx %arg11[%parallel_loop3A_1044, %parallel_loop3A_1057, %parallel_loop3A_1060] : memref<2048x2x8xf32, #tpu.memory_space<vmem>>[vector<16xi32>, vector<16xi32>, vector<16xi32>], vector<16xf32>,
        %parallel_loop3A_1063 = arith.constant 512 : i32
        %parallel_loop3A_1064 = vector.broadcast %parallel_loop3A_1063 : i32 to vector<16xi32>
        %parallel_loop3A_1065 = arith.addi %parallel_loop3A_1044, %parallel_loop3A_1064 : vector<16xi32>
        %parallel_loop3A_1066 = tpu.vector_load_idx %arg11[%parallel_loop3A_1065, %parallel_loop3A_1046, %parallel_loop3A_1051] : memref<2048x2x8xf32, #tpu.memory_space<vmem>>[vector<16xi32>, vector<16xi32>, vector<16xi32>], vector<16xf32>,
        %parallel_loop3A_1067 = arith.constant 512 : i32
        %parallel_loop3A_1068 = vector.broadcast %parallel_loop3A_1067 : i32 to vector<16xi32>
        %parallel_loop3A_1069 = arith.addi %parallel_loop3A_1044, %parallel_loop3A_1068 : vector<16xi32>
        %parallel_loop3A_1070 = tpu.vector_load_idx %arg11[%parallel_loop3A_1069, %parallel_loop3A_1057, %parallel_loop3A_1060] : memref<2048x2x8xf32, #tpu.memory_space<vmem>>[vector<16xi32>, vector<16xi32>, vector<16xi32>], vector<16xf32>,
        %parallel_loop3A_1071 = arith.constant 1024 : i32
        %parallel_loop3A_1072 = vector.broadcast %parallel_loop3A_1071 : i32 to vector<16xi32>
        %parallel_loop3A_1073 = arith.addi %parallel_loop3A_1044, %parallel_loop3A_1072 : vector<16xi32>
        %parallel_loop3A_1074 = tpu.vector_load_idx %arg11[%parallel_loop3A_1073, %parallel_loop3A_1046, %parallel_loop3A_1051] : memref<2048x2x8xf32, #tpu.memory_space<vmem>>[vector<16xi32>, vector<16xi32>, vector<16xi32>], vector<16xf32>,
        %parallel_loop3A_1075 = arith.constant 1024 : i32
        %parallel_loop3A_1076 = vector.broadcast %parallel_loop3A_1075 : i32 to vector<16xi32>
        %parallel_loop3A_1077 = arith.addi %parallel_loop3A_1044, %parallel_loop3A_1076 : vector<16xi32>
        %parallel_loop3A_1078 = tpu.vector_load_idx %arg11[%parallel_loop3A_1077, %parallel_loop3A_1057, %parallel_loop3A_1060] : memref<2048x2x8xf32, #tpu.memory_space<vmem>>[vector<16xi32>, vector<16xi32>, vector<16xi32>], vector<16xf32>,
        %parallel_loop3A_1079 = arith.constant 1536 : i32
        %parallel_loop3A_1080 = vector.broadcast %parallel_loop3A_1079 : i32 to vector<16xi32>
        %parallel_loop3A_1081 = arith.addi %parallel_loop3A_1044, %parallel_loop3A_1080 : vector<16xi32>
        %parallel_loop3A_1082 = tpu.vector_load_idx %arg11[%parallel_loop3A_1081, %parallel_loop3A_1046, %parallel_loop3A_1051] : memref<2048x2x8xf32, #tpu.memory_space<vmem>>[vector<16xi32>, vector<16xi32>, vector<16xi32>], vector<16xf32>,
        %parallel_loop3A_1083 = arith.constant 1536 : i32
        %parallel_loop3A_1084 = vector.broadcast %parallel_loop3A_1083 : i32 to vector<16xi32>
        %parallel_loop3A_1085 = arith.addi %parallel_loop3A_1044, %parallel_loop3A_1084 : vector<16xi32>
        %parallel_loop3A_1086 = tpu.vector_load_idx %arg11[%parallel_loop3A_1085, %parallel_loop3A_1057, %parallel_loop3A_1060] : memref<2048x2x8xf32, #tpu.memory_space<vmem>>[vector<16xi32>, vector<16xi32>, vector<16xi32>], vector<16xf32>,
        %parallel_loop3A_1087 = arith.constant 0 : i32
        %parallel_loop3A_1088 = arith.index_cast %parallel_loop3A_1087 : i32 to index
        %parallel_loop3A_1089 = arith.index_cast %parallel_loop3A_1042 : i32 to index
        %parallel_loop3A_1090 = tpu.vector_load %arg7[%parallel_loop3A_1088, %parallel_loop3A_1089] {strides = array<i32>} : memref<4x512xf32, #tpu.memory_space<vmem>>, vector<16xf32>,
        %parallel_loop3A_1091 = arith.constant 1 : i32
        %parallel_loop3A_1092 = arith.index_cast %parallel_loop3A_1091 : i32 to index
        %parallel_loop3A_1093 = arith.index_cast %parallel_loop3A_1042 : i32 to index
        %parallel_loop3A_1094 = tpu.vector_load %arg7[%parallel_loop3A_1092, %parallel_loop3A_1093] {strides = array<i32>} : memref<4x512xf32, #tpu.memory_space<vmem>>, vector<16xf32>,
        %parallel_loop3A_1095 = arith.constant 2 : i32
        %parallel_loop3A_1096 = arith.index_cast %parallel_loop3A_1095 : i32 to index
        %parallel_loop3A_1097 = arith.index_cast %parallel_loop3A_1042 : i32 to index
        %parallel_loop3A_1098 = tpu.vector_load %arg7[%parallel_loop3A_1096, %parallel_loop3A_1097] {strides = array<i32>} : memref<4x512xf32, #tpu.memory_space<vmem>>, vector<16xf32>,
        %parallel_loop3A_1099 = arith.subf %parallel_loop3A_1062, %parallel_loop3A_1061 : vector<16xf32>
        %parallel_loop3A_1100 = arith.mulf %parallel_loop3A_1099, %parallel_loop3A_1098 : vector<16xf32>
        %parallel_loop3A_1101 = arith.addf %parallel_loop3A_1061, %parallel_loop3A_1100 : vector<16xf32>
        %parallel_loop3A_1102 = arith.subf %parallel_loop3A_1070, %parallel_loop3A_1066 : vector<16xf32>
        %parallel_loop3A_1103 = arith.mulf %parallel_loop3A_1102, %parallel_loop3A_1098 : vector<16xf32>
        %parallel_loop3A_1104 = arith.addf %parallel_loop3A_1066, %parallel_loop3A_1103 : vector<16xf32>
        %parallel_loop3A_1105 = arith.subf %parallel_loop3A_1078, %parallel_loop3A_1074 : vector<16xf32>
        %parallel_loop3A_1106 = arith.mulf %parallel_loop3A_1105, %parallel_loop3A_1098 : vector<16xf32>
        %parallel_loop3A_1107 = arith.addf %parallel_loop3A_1074, %parallel_loop3A_1106 : vector<16xf32>
        %parallel_loop3A_1108 = arith.subf %parallel_loop3A_1086, %parallel_loop3A_1082 : vector<16xf32>
        %parallel_loop3A_1109 = arith.mulf %parallel_loop3A_1108, %parallel_loop3A_1098 : vector<16xf32>
        %parallel_loop3A_1110 = arith.addf %parallel_loop3A_1082, %parallel_loop3A_1109 : vector<16xf32>
        %parallel_loop3A_1111 = arith.subf %parallel_loop3A_1104, %parallel_loop3A_1101 : vector<16xf32>
        %parallel_loop3A_1112 = arith.mulf %parallel_loop3A_1111, %parallel_loop3A_1094 : vector<16xf32>
        %parallel_loop3A_1113 = arith.addf %parallel_loop3A_1101, %parallel_loop3A_1112 : vector<16xf32>
        %parallel_loop3A_1114 = arith.subf %parallel_loop3A_1110, %parallel_loop3A_1107 : vector<16xf32>
        %parallel_loop3A_1115 = arith.mulf %parallel_loop3A_1114, %parallel_loop3A_1094 : vector<16xf32>
        %parallel_loop3A_1116 = arith.addf %parallel_loop3A_1107, %parallel_loop3A_1115 : vector<16xf32>
        %parallel_loop3A_1117 = arith.subf %parallel_loop3A_1116, %parallel_loop3A_1113 : vector<16xf32>
        %parallel_loop3A_1118 = arith.mulf %parallel_loop3A_1117, %parallel_loop3A_1090 : vector<16xf32>
        %parallel_loop3A_1119 = arith.addf %parallel_loop3A_1113, %parallel_loop3A_1118 : vector<16xf32>
        %parallel_loop3A_1120 = arith.subf %parallel_loop3A_1062, %parallel_loop3A_1061 : vector<16xf32>
        %parallel_loop3A_1121 = arith.subf %parallel_loop3A_1070, %parallel_loop3A_1066 : vector<16xf32>
        %parallel_loop3A_1122 = arith.subf %parallel_loop3A_1062, %parallel_loop3A_1061 : vector<16xf32>
        %parallel_loop3A_1123 = arith.subf %parallel_loop3A_1121, %parallel_loop3A_1122 : vector<16xf32>
        %parallel_loop3A_1124 = arith.mulf %parallel_loop3A_1123, %parallel_loop3A_1094 : vector<16xf32>
        %parallel_loop3A_1125 = arith.addf %parallel_loop3A_1120, %parallel_loop3A_1124 : vector<16xf32>
        %parallel_loop3A_1126 = arith.subf %parallel_loop3A_1078, %parallel_loop3A_1074 : vector<16xf32>
        %parallel_loop3A_1127 = arith.subf %parallel_loop3A_1086, %parallel_loop3A_1082 : vector<16xf32>
        %parallel_loop3A_1128 = arith.subf %parallel_loop3A_1078, %parallel_loop3A_1074 : vector<16xf32>
        %parallel_loop3A_1129 = arith.subf %parallel_loop3A_1127, %parallel_loop3A_1128 : vector<16xf32>
        %parallel_loop3A_1130 = arith.mulf %parallel_loop3A_1129, %parallel_loop3A_1094 : vector<16xf32>
        %parallel_loop3A_1131 = arith.addf %parallel_loop3A_1126, %parallel_loop3A_1130 : vector<16xf32>
        %parallel_loop3A_1132 = arith.subf %parallel_loop3A_1131, %parallel_loop3A_1125 : vector<16xf32>
        %parallel_loop3A_1133 = arith.mulf %parallel_loop3A_1132, %parallel_loop3A_1090 : vector<16xf32>
        %parallel_loop3A_1134 = arith.addf %parallel_loop3A_1125, %parallel_loop3A_1133 : vector<16xf32>
        %parallel_loop3A_1135 = arith.constant 1.270000e+02 : f32
        %parallel_loop3A_1136 = vector.broadcast %parallel_loop3A_1135 : f32 to vector<16xf32>
        %parallel_loop3A_1137 = arith.mulf %parallel_loop3A_1134, %parallel_loop3A_1136 : vector<16xf32>
        %parallel_loop3A_1138 = arith.subf %parallel_loop3A_1104, %parallel_loop3A_1101 : vector<16xf32>
        %parallel_loop3A_1139 = arith.subf %parallel_loop3A_1110, %parallel_loop3A_1107 : vector<16xf32>
        %parallel_loop3A_1140 = arith.subf %parallel_loop3A_1104, %parallel_loop3A_1101 : vector<16xf32>
        %parallel_loop3A_1141 = arith.subf %parallel_loop3A_1139, %parallel_loop3A_1140 : vector<16xf32>
        %parallel_loop3A_1142 = arith.mulf %parallel_loop3A_1141, %parallel_loop3A_1090 : vector<16xf32>
        %parallel_loop3A_1143 = arith.addf %parallel_loop3A_1138, %parallel_loop3A_1142 : vector<16xf32>
        %parallel_loop3A_1144 = arith.constant 1.270000e+02 : f32
        %parallel_loop3A_1145 = vector.broadcast %parallel_loop3A_1144 : f32 to vector<16xf32>
        %parallel_loop3A_1146 = arith.mulf %parallel_loop3A_1143, %parallel_loop3A_1145 : vector<16xf32>
        %parallel_loop3A_1147 = arith.subf %parallel_loop3A_1116, %parallel_loop3A_1113 : vector<16xf32>
        %parallel_loop3A_1148 = arith.constant 1.270000e+02 : f32
        %parallel_loop3A_1149 = vector.broadcast %parallel_loop3A_1148 : f32 to vector<16xf32>
        %parallel_loop3A_1150 = arith.mulf %parallel_loop3A_1147, %parallel_loop3A_1149 : vector<16xf32>
        %parallel_loop3A_1151 = arith.index_cast %parallel_loop3A_1042 : i32 to index
        %parallel_loop3A_1152 = tpu.vector_load %arg13[%parallel_loop3A_1151] {strides = array<i32>} : memref<512xf32, #tpu.memory_space<vmem>>, vector<16xf32>,
        tpu.vector_store %arg13[%parallel_loop3A_1151], %parallel_loop3A_1119 {strides = array<i32>} : memref<512xf32, #tpu.memory_space<vmem>>, vector<16xf32>,
        %parallel_loop3A_1153 = arith.constant 0 : i32
        %parallel_loop3A_1154 = arith.index_cast %parallel_loop3A_1153 : i32 to index
        %parallel_loop3A_1155 = arith.index_cast %parallel_loop3A_1042 : i32 to index
        %parallel_loop3A_1156 = tpu.vector_load %arg14[%parallel_loop3A_1154, %parallel_loop3A_1155] {strides = array<i32>} : memref<3x512xf32, #tpu.memory_space<vmem>>, vector<16xf32>,
        tpu.vector_store %arg14[%parallel_loop3A_1154, %parallel_loop3A_1155], %parallel_loop3A_1150 {strides = array<i32>} : memref<3x512xf32, #tpu.memory_space<vmem>>, vector<16xf32>,
        %parallel_loop3A_1157 = arith.constant 1 : i32
        %parallel_loop3A_1158 = arith.index_cast %parallel_loop3A_1157 : i32 to index
        %parallel_loop3A_1159 = arith.index_cast %parallel_loop3A_1042 : i32 to index
        %parallel_loop3A_1160 = tpu.vector_load %arg14[%parallel_loop3A_1158, %parallel_loop3A_1159] {strides = array<i32>} : memref<3x512xf32, #tpu.memory_space<vmem>>, vector<16xf32>,
        tpu.vector_store %arg14[%parallel_loop3A_1158, %parallel_loop3A_1159], %parallel_loop3A_1146 {strides = array<i32>} : memref<3x512xf32, #tpu.memory_space<vmem>>, vector<16xf32>,
        %parallel_loop3A_1161 = arith.constant 2 : i32
        %parallel_loop3A_1162 = arith.index_cast %parallel_loop3A_1161 : i32 to index
        %parallel_loop3A_1163 = arith.index_cast %parallel_loop3A_1042 : i32 to index
        %parallel_loop3A_1164 = tpu.vector_load %arg14[%parallel_loop3A_1162, %parallel_loop3A_1163] {strides = array<i32>} : memref<3x512xf32, #tpu.memory_space<vmem>>, vector<16xf32>,
        tpu.vector_store %arg14[%parallel_loop3A_1162, %parallel_loop3A_1163], %parallel_loop3A_1137 {strides = array<i32>} : memref<3x512xf32, #tpu.memory_space<vmem>>, vector<16xf32>,
      } {sc.loop_unroll_factor = 1 : i64, sc.parallel_access}
      %mul3A_1012 = arith.constant 512 : i32
      %mul3A_1013 = arith.muli %add3A_1004, %mul3A_1012 : i32
      %add3A_1014 = arith.addi %mul3A_2, %mul3A_1013 : i32
      "tpu.region"() ({
        %run_scoped3A = tpu.sem_alloc : memref<!tpu.dma_semaphore, #tpu.memory_space<semaphore_mem>>
        %dma_start3A_1042 = tpu.memref_slice %arg4[%add3A_1014] : memref<524288xf32, #tpu.memory_space<hbm>> -> memref<512xf32, #tpu.memory_space<hbm>>
        %dma_start3A_1043 = tpu.memref_slice %arg4[%add3A_1014] : memref<524288xf32, #tpu.memory_space<hbm>> -> memref<512xf32, #tpu.memory_space<hbm>>
        tpu.enqueue_dma source(%arg13 : memref<512xf32, #tpu.memory_space<vmem>>) target(%dma_start3A_1043 : memref<512xf32, #tpu.memory_space<hbm>>) target_semaphore(%run_scoped3A : memref<!tpu.dma_semaphore, #tpu.memory_space<semaphore_mem>>)
        %dma_wait3A_1044 = tpu.memref_slice %arg4[%add3A_1014] : memref<524288xf32, #tpu.memory_space<hbm>> -> memref<512xf32, #tpu.memory_space<hbm>>
        %dma_wait3A_1045 = tpu.memref_slice %arg4[%add3A_1014] : memref<524288xf32, #tpu.memory_space<hbm>> -> memref<512xf32, #tpu.memory_space<hbm>>
        tpu.wait_dma2 semaphore(%run_scoped3A : memref<!tpu.dma_semaphore, #tpu.memory_space<semaphore_mem>>) src(%arg13 : memref<512xf32, #tpu.memory_space<vmem>>) dst(%dma_wait3A_1045 : memref<512xf32, #tpu.memory_space<hbm>>)
        tpu.yield
      }) : () -> ()
      "tpu.region"() ({
        %run_scoped3A = tpu.sem_alloc : memref<!tpu.dma_semaphore, #tpu.memory_space<semaphore_mem>>
        %dma_start3A_1042 = arith.constant 0 : i32
        %dma_start3A_1043 = tpu.memref_slice %arg5[%dma_start3A_1042, %add3A_1014] : memref<3x524288xf32, #tpu.memory_space<hbm>> -> memref<3x512xf32, #tpu.memory_space<hbm>>
        %dma_start3A_1044 = arith.constant 0 : i32
        %dma_start3A_1045 = tpu.memref_slice %arg5[%dma_start3A_1044, %add3A_1014] : memref<3x524288xf32, #tpu.memory_space<hbm>> -> memref<3x512xf32, #tpu.memory_space<hbm>>
        tpu.enqueue_dma source(%arg14 : memref<3x512xf32, #tpu.memory_space<vmem>>) target(%dma_start3A_1045 : memref<3x512xf32, #tpu.memory_space<hbm>>) target_semaphore(%run_scoped3A : memref<!tpu.dma_semaphore, #tpu.memory_space<semaphore_mem>>)
        %dma_wait3A_1046 = arith.constant 0 : i32
        %dma_wait3A_1047 = tpu.memref_slice %arg5[%dma_wait3A_1046, %add3A_1014] : memref<3x524288xf32, #tpu.memory_space<hbm>> -> memref<3x512xf32, #tpu.memory_space<hbm>>
        %dma_wait3A_1048 = arith.constant 0 : i32
        %dma_wait3A_1049 = tpu.memref_slice %arg5[%dma_wait3A_1048, %add3A_1014] : memref<3x524288xf32, #tpu.memory_space<hbm>> -> memref<3x512xf32, #tpu.memory_space<hbm>>
        tpu.wait_dma2 semaphore(%run_scoped3A : memref<!tpu.dma_semaphore, #tpu.memory_space<semaphore_mem>>) src(%arg14 : memref<3x512xf32, #tpu.memory_space<vmem>>) dst(%dma_wait3A_1049 : memref<3x512xf32, #tpu.memory_space<hbm>>)
        tpu.yield
      }) : () -> ()
      %add3A_1015 = arith.constant 2 : i32
      %add3A_1016 = arith.addi %add3A_1004, %add3A_1015 : i32
      %lt3A_1017 = arith.constant 32 : i32
      %lt3A_1018 = arith.cmpi slt, %add3A_1016, %lt3A_1017 : i32
      %convert_element_type3A_1019 = arith.extui %lt3A_1018 : i1 to i32
      %cond3A_1020 = arith.constant 0 : i32
      %cond3A_1021 = arith.cmpi ne, %convert_element_type3A_1019, %cond3A_1020 : i32
      scf.if %cond3A_1021 {
        %add3A_1042 = arith.constant 2 : i32
        %add3A_1043 = arith.addi %add3A_1004, %add3A_1042 : i32
        %mul3A_1044 = arith.constant 512 : i32
        %mul3A_1045 = arith.muli %add3A_1043, %mul3A_1044 : i32
        %add3A_1046 = arith.addi %mul3A_2, %mul3A_1045 : i32
        "tpu.region"() ({
          %run_scoped3A = tpu.sem_alloc : memref<!tpu.dma_semaphore, #tpu.memory_space<semaphore_mem>>
          %dma_start3A_1054 = arith.constant 0 : i32
          %dma_start3A_1055 = arith.constant 0 : i32
          %dma_start3A_1056 = tpu.memref_slice %arg7[%dma_start3A_1054, %dma_start3A_1055] : memref<4x512xf32, #tpu.memory_space<vmem>> -> memref<3x512xf32, #tpu.memory_space<vmem>>
          %dma_start3A_1057 = arith.constant 0 : i32
          %dma_start3A_1058 = tpu.memref_slice %arg2[%dma_start3A_1057, %add3A_1046] : memref<3x524288xf32, #tpu.memory_space<hbm>> -> memref<3x512xf32, #tpu.memory_space<hbm>>
          %dma_start3A_1059 = arith.constant 0 : i32
          %dma_start3A_1060 = arith.constant 0 : i32
          %dma_start3A_1061 = tpu.memref_slice %arg7[%dma_start3A_1059, %dma_start3A_1060] : memref<4x512xf32, #tpu.memory_space<vmem>> -> memref<3x512xf32, #tpu.memory_space<vmem>>
          %dma_start3A_1062 = arith.constant 0 : i32
          %dma_start3A_1063 = tpu.memref_slice %arg2[%dma_start3A_1062, %add3A_1046] : memref<3x524288xf32, #tpu.memory_space<hbm>> -> memref<3x512xf32, #tpu.memory_space<hbm>>
          tpu.enqueue_dma source(%dma_start3A_1063 : memref<3x512xf32, #tpu.memory_space<hbm>>) target(%dma_start3A_1061 : memref<3x512xf32, #tpu.memory_space<vmem>>) target_semaphore(%run_scoped3A : memref<!tpu.dma_semaphore, #tpu.memory_space<semaphore_mem>>)
          %dma_wait3A_1064 = arith.constant 0 : i32
          %dma_wait3A_1065 = arith.constant 0 : i32
          %dma_wait3A_1066 = tpu.memref_slice %arg7[%dma_wait3A_1064, %dma_wait3A_1065] : memref<4x512xf32, #tpu.memory_space<vmem>> -> memref<3x512xf32, #tpu.memory_space<vmem>>
          %dma_wait3A_1067 = arith.constant 0 : i32
          %dma_wait3A_1068 = tpu.memref_slice %arg2[%dma_wait3A_1067, %add3A_1046] : memref<3x524288xf32, #tpu.memory_space<hbm>> -> memref<3x512xf32, #tpu.memory_space<hbm>>
          %dma_wait3A_1069 = arith.constant 0 : i32
          %dma_wait3A_1070 = arith.constant 0 : i32
          %dma_wait3A_1071 = tpu.memref_slice %arg7[%dma_wait3A_1069, %dma_wait3A_1070] : memref<4x512xf32, #tpu.memory_space<vmem>> -> memref<3x512xf32, #tpu.memory_space<vmem>>
          %dma_wait3A_1072 = arith.constant 0 : i32
          %dma_wait3A_1073 = tpu.memref_slice %arg2[%dma_wait3A_1072, %add3A_1046] : memref<3x524288xf32, #tpu.memory_space<hbm>> -> memref<3x512xf32, #tpu.memory_space<hbm>>
          tpu.wait_dma2 semaphore(%run_scoped3A : memref<!tpu.dma_semaphore, #tpu.memory_space<semaphore_mem>>) src(%dma_wait3A_1073 : memref<3x512xf32, #tpu.memory_space<hbm>>) dst(%dma_wait3A_1071 : memref<3x512xf32, #tpu.memory_space<vmem>>)
          tpu.yield
        }) : () -> ()
        %parallel_loop3A_1047 = arith.constant 0 : i32
        %parallel_loop3A_1048 = arith.constant 512 : i32
        %parallel_loop3A_1049 = arith.constant 16 : i32
        scf.for %parallel_loop3A_1054 = %parallel_loop3A_1047 to %parallel_loop3A_1048 step %parallel_loop3A_1049  : i32 {
          %parallel_loop3A_1055 = arith.constant 0 : i32
          %parallel_loop3A_1056 = arith.index_cast %parallel_loop3A_1055 : i32 to index
          %parallel_loop3A_1057 = arith.index_cast %parallel_loop3A_1054 : i32 to index
          %parallel_loop3A_1058 = tpu.vector_load %arg7[%parallel_loop3A_1056, %parallel_loop3A_1057] {strides = array<i32>} : memref<4x512xf32, #tpu.memory_space<vmem>>, vector<16xf32>,
          %parallel_loop3A_1059 = arith.constant 0.000000e+00 : f32
          %parallel_loop3A_1060 = vector.broadcast %parallel_loop3A_1059 : f32 to vector<16xf32>
          %parallel_loop3A_1061 = arith.maximumf %parallel_loop3A_1058, %parallel_loop3A_1060 : vector<16xf32>
          %parallel_loop3A_1062 = arith.constant 1.000000e+00 : f32
          %parallel_loop3A_1063 = vector.broadcast %parallel_loop3A_1062 : f32 to vector<16xf32>
          %parallel_loop3A_1064 = arith.minimumf %parallel_loop3A_1061, %parallel_loop3A_1063 : vector<16xf32>
          %parallel_loop3A_1065 = arith.constant 0.00787401571 : f32
          %parallel_loop3A_1066 = vector.broadcast %parallel_loop3A_1065 : f32 to vector<16xf32>
          %parallel_loop3A_1067 = arith.divf %parallel_loop3A_1064, %parallel_loop3A_1066 : vector<16xf32>
          %parallel_loop3A_1068 = arith.fptosi %parallel_loop3A_1067 : vector<16xf32> to vector<16xi32>
          %parallel_loop3A_1069 = arith.constant 126 : i32
          %parallel_loop3A_1070 = vector.broadcast %parallel_loop3A_1069 : i32 to vector<16xi32>
          %parallel_loop3A_1071 = arith.minsi %parallel_loop3A_1068, %parallel_loop3A_1070 : vector<16xi32>
          %parallel_loop3A_1072 = arith.sitofp %parallel_loop3A_1071 : vector<16xi32> to vector<16xf32>
          %parallel_loop3A_1073 = arith.subf %parallel_loop3A_1067, %parallel_loop3A_1072 : vector<16xf32>
          %parallel_loop3A_1074 = arith.constant 1 : i32
          %parallel_loop3A_1075 = arith.index_cast %parallel_loop3A_1074 : i32 to index
          %parallel_loop3A_1076 = arith.index_cast %parallel_loop3A_1054 : i32 to index
          %parallel_loop3A_1077 = tpu.vector_load %arg7[%parallel_loop3A_1075, %parallel_loop3A_1076] {strides = array<i32>} : memref<4x512xf32, #tpu.memory_space<vmem>>, vector<16xf32>,
          %parallel_loop3A_1078 = arith.constant 0.000000e+00 : f32
          %parallel_loop3A_1079 = vector.broadcast %parallel_loop3A_1078 : f32 to vector<16xf32>
          %parallel_loop3A_1080 = arith.maximumf %parallel_loop3A_1077, %parallel_loop3A_1079 : vector<16xf32>
          %parallel_loop3A_1081 = arith.constant 1.000000e+00 : f32
          %parallel_loop3A_1082 = vector.broadcast %parallel_loop3A_1081 : f32 to vector<16xf32>
          %parallel_loop3A_1083 = arith.minimumf %parallel_loop3A_1080, %parallel_loop3A_1082 : vector<16xf32>
          %parallel_loop3A_1084 = arith.constant 0.00787401571 : f32
          %parallel_loop3A_1085 = vector.broadcast %parallel_loop3A_1084 : f32 to vector<16xf32>
          %parallel_loop3A_1086 = arith.divf %parallel_loop3A_1083, %parallel_loop3A_1085 : vector<16xf32>
          %parallel_loop3A_1087 = arith.fptosi %parallel_loop3A_1086 : vector<16xf32> to vector<16xi32>
          %parallel_loop3A_1088 = arith.constant 126 : i32
          %parallel_loop3A_1089 = vector.broadcast %parallel_loop3A_1088 : i32 to vector<16xi32>
          %parallel_loop3A_1090 = arith.minsi %parallel_loop3A_1087, %parallel_loop3A_1089 : vector<16xi32>
          %parallel_loop3A_1091 = arith.sitofp %parallel_loop3A_1090 : vector<16xi32> to vector<16xf32>
          %parallel_loop3A_1092 = arith.subf %parallel_loop3A_1086, %parallel_loop3A_1091 : vector<16xf32>
          %parallel_loop3A_1093 = arith.constant 2 : i32
          %parallel_loop3A_1094 = arith.index_cast %parallel_loop3A_1093 : i32 to index
          %parallel_loop3A_1095 = arith.index_cast %parallel_loop3A_1054 : i32 to index
          %parallel_loop3A_1096 = tpu.vector_load %arg7[%parallel_loop3A_1094, %parallel_loop3A_1095] {strides = array<i32>} : memref<4x512xf32, #tpu.memory_space<vmem>>, vector<16xf32>,
          %parallel_loop3A_1097 = arith.constant 0.000000e+00 : f32
          %parallel_loop3A_1098 = vector.broadcast %parallel_loop3A_1097 : f32 to vector<16xf32>
          %parallel_loop3A_1099 = arith.maximumf %parallel_loop3A_1096, %parallel_loop3A_1098 : vector<16xf32>
          %parallel_loop3A_1100 = arith.constant 1.000000e+00 : f32
          %parallel_loop3A_1101 = vector.broadcast %parallel_loop3A_1100 : f32 to vector<16xf32>
          %parallel_loop3A_1102 = arith.minimumf %parallel_loop3A_1099, %parallel_loop3A_1101 : vector<16xf32>
          %parallel_loop3A_1103 = arith.constant 0.00787401571 : f32
          %parallel_loop3A_1104 = vector.broadcast %parallel_loop3A_1103 : f32 to vector<16xf32>
          %parallel_loop3A_1105 = arith.divf %parallel_loop3A_1102, %parallel_loop3A_1104 : vector<16xf32>
          %parallel_loop3A_1106 = arith.fptosi %parallel_loop3A_1105 : vector<16xf32> to vector<16xi32>
          %parallel_loop3A_1107 = arith.constant 126 : i32
          %parallel_loop3A_1108 = vector.broadcast %parallel_loop3A_1107 : i32 to vector<16xi32>
          %parallel_loop3A_1109 = arith.minsi %parallel_loop3A_1106, %parallel_loop3A_1108 : vector<16xi32>
          %parallel_loop3A_1110 = arith.sitofp %parallel_loop3A_1109 : vector<16xi32> to vector<16xf32>
          %parallel_loop3A_1111 = arith.subf %parallel_loop3A_1105, %parallel_loop3A_1110 : vector<16xf32>
          %parallel_loop3A_1112 = arith.constant 128 : i32
          %parallel_loop3A_1113 = vector.broadcast %parallel_loop3A_1112 : i32 to vector<16xi32>
          %parallel_loop3A_1114 = arith.muli %parallel_loop3A_1071, %parallel_loop3A_1113 : vector<16xi32>
          %parallel_loop3A_1115 = arith.addi %parallel_loop3A_1114, %parallel_loop3A_1090 : vector<16xi32>
          %parallel_loop3A_1116 = arith.constant 128 : i32
          %parallel_loop3A_1117 = vector.broadcast %parallel_loop3A_1116 : i32 to vector<16xi32>
          %parallel_loop3A_1118 = arith.muli %parallel_loop3A_1115, %parallel_loop3A_1117 : vector<16xi32>
          %parallel_loop3A_1119 = arith.addi %parallel_loop3A_1118, %parallel_loop3A_1109 : vector<16xi32>
          %parallel_loop3A_1120 = arith.constant 3 : i32
          %parallel_loop3A_1121 = vector.broadcast %parallel_loop3A_1120 : i32 to vector<16xi32>
          %parallel_loop3A_1122 = arith.shrsi %parallel_loop3A_1119, %parallel_loop3A_1121 : vector<16xi32>
          %parallel_loop3A_1123 = arith.constant 0 : i32
          %parallel_loop3A_1124 = vector.broadcast %parallel_loop3A_1123 : i32 to vector<16xi32>
          %parallel_loop3A_1125 = arith.addi %parallel_loop3A_1122, %parallel_loop3A_1124 : vector<16xi32>
          %parallel_loop3A_1126 = arith.constant 0 : i32
          %parallel_loop3A_1127 = arith.addi %parallel_loop3A_1126, %parallel_loop3A_1054 : i32
          %parallel_loop3A_1128 = arith.index_cast %parallel_loop3A_1127 : i32 to index
          %parallel_loop3A_1129 = tpu.vector_load %arg9[%parallel_loop3A_1128] {strides = array<i32>} : memref<2048xi32, #tpu.memory_space<vmem>>, vector<16xi32>,
          tpu.vector_store %arg9[%parallel_loop3A_1128], %parallel_loop3A_1125 {strides = array<i32>} : memref<2048xi32, #tpu.memory_space<vmem>>, vector<16xi32>,
          %parallel_loop3A_1130 = arith.constant 16 : i32
          %parallel_loop3A_1131 = vector.broadcast %parallel_loop3A_1130 : i32 to vector<16xi32>
          %parallel_loop3A_1132 = arith.addi %parallel_loop3A_1122, %parallel_loop3A_1131 : vector<16xi32>
          %parallel_loop3A_1133 = arith.constant 512 : i32
          %parallel_loop3A_1134 = arith.addi %parallel_loop3A_1133, %parallel_loop3A_1054 : i32
          %parallel_loop3A_1135 = arith.index_cast %parallel_loop3A_1134 : i32 to index
          %parallel_loop3A_1136 = tpu.vector_load %arg9[%parallel_loop3A_1135] {strides = array<i32>} : memref<2048xi32, #tpu.memory_space<vmem>>, vector<16xi32>,
          tpu.vector_store %arg9[%parallel_loop3A_1135], %parallel_loop3A_1132 {strides = array<i32>} : memref<2048xi32, #tpu.memory_space<vmem>>, vector<16xi32>,
          %parallel_loop3A_1137 = arith.constant 2048 : i32
          %parallel_loop3A_1138 = vector.broadcast %parallel_loop3A_1137 : i32 to vector<16xi32>
          %parallel_loop3A_1139 = arith.addi %parallel_loop3A_1122, %parallel_loop3A_1138 : vector<16xi32>
          %parallel_loop3A_1140 = arith.constant 1024 : i32
          %parallel_loop3A_1141 = arith.addi %parallel_loop3A_1140, %parallel_loop3A_1054 : i32
          %parallel_loop3A_1142 = arith.index_cast %parallel_loop3A_1141 : i32 to index
          %parallel_loop3A_1143 = tpu.vector_load %arg9[%parallel_loop3A_1142] {strides = array<i32>} : memref<2048xi32, #tpu.memory_space<vmem>>, vector<16xi32>,
          tpu.vector_store %arg9[%parallel_loop3A_1142], %parallel_loop3A_1139 {strides = array<i32>} : memref<2048xi32, #tpu.memory_space<vmem>>, vector<16xi32>,
          %parallel_loop3A_1144 = arith.constant 2064 : i32
          %parallel_loop3A_1145 = vector.broadcast %parallel_loop3A_1144 : i32 to vector<16xi32>
          %parallel_loop3A_1146 = arith.addi %parallel_loop3A_1122, %parallel_loop3A_1145 : vector<16xi32>
          %parallel_loop3A_1147 = arith.constant 1536 : i32
          %parallel_loop3A_1148 = arith.addi %parallel_loop3A_1147, %parallel_loop3A_1054 : i32
          %parallel_loop3A_1149 = arith.index_cast %parallel_loop3A_1148 : i32 to index
          %parallel_loop3A_1150 = tpu.vector_load %arg9[%parallel_loop3A_1149] {strides = array<i32>} : memref<2048xi32, #tpu.memory_space<vmem>>, vector<16xi32>,
          tpu.vector_store %arg9[%parallel_loop3A_1149], %parallel_loop3A_1146 {strides = array<i32>} : memref<2048xi32, #tpu.memory_space<vmem>>, vector<16xi32>,
          %parallel_loop3A_1151 = arith.constant 0 : i32
          %parallel_loop3A_1152 = arith.index_cast %parallel_loop3A_1151 : i32 to index
          %parallel_loop3A_1153 = arith.index_cast %parallel_loop3A_1054 : i32 to index
          %parallel_loop3A_1154 = tpu.vector_load %arg7[%parallel_loop3A_1152, %parallel_loop3A_1153] {strides = array<i32>} : memref<4x512xf32, #tpu.memory_space<vmem>>, vector<16xf32>,
          tpu.vector_store %arg7[%parallel_loop3A_1152, %parallel_loop3A_1153], %parallel_loop3A_1073 {strides = array<i32>} : memref<4x512xf32, #tpu.memory_space<vmem>>, vector<16xf32>,
          %parallel_loop3A_1155 = arith.constant 1 : i32
          %parallel_loop3A_1156 = arith.index_cast %parallel_loop3A_1155 : i32 to index
          %parallel_loop3A_1157 = arith.index_cast %parallel_loop3A_1054 : i32 to index
          %parallel_loop3A_1158 = tpu.vector_load %arg7[%parallel_loop3A_1156, %parallel_loop3A_1157] {strides = array<i32>} : memref<4x512xf32, #tpu.memory_space<vmem>>, vector<16xf32>,
          tpu.vector_store %arg7[%parallel_loop3A_1156, %parallel_loop3A_1157], %parallel_loop3A_1092 {strides = array<i32>} : memref<4x512xf32, #tpu.memory_space<vmem>>, vector<16xf32>,
          %parallel_loop3A_1159 = arith.constant 2 : i32
          %parallel_loop3A_1160 = arith.index_cast %parallel_loop3A_1159 : i32 to index
          %parallel_loop3A_1161 = arith.index_cast %parallel_loop3A_1054 : i32 to index
          %parallel_loop3A_1162 = tpu.vector_load %arg7[%parallel_loop3A_1160, %parallel_loop3A_1161] {strides = array<i32>} : memref<4x512xf32, #tpu.memory_space<vmem>>, vector<16xf32>,
          tpu.vector_store %arg7[%parallel_loop3A_1160, %parallel_loop3A_1161], %parallel_loop3A_1111 {strides = array<i32>} : memref<4x512xf32, #tpu.memory_space<vmem>>, vector<16xf32>,
          %parallel_loop3A_1163 = arith.constant 7 : i32
          %parallel_loop3A_1164 = vector.broadcast %parallel_loop3A_1163 : i32 to vector<16xi32>
          %parallel_loop3A_1165 = arith.andi %parallel_loop3A_1109, %parallel_loop3A_1164 : vector<16xi32>
          %parallel_loop3A_1166 = arith.sitofp %parallel_loop3A_1165 : vector<16xi32> to vector<16xf32>
          %parallel_loop3A_1167 = arith.constant 3 : i32
          %parallel_loop3A_1168 = arith.index_cast %parallel_loop3A_1167 : i32 to index
          %parallel_loop3A_1169 = arith.index_cast %parallel_loop3A_1054 : i32 to index
          %parallel_loop3A_1170 = tpu.vector_load %arg7[%parallel_loop3A_1168, %parallel_loop3A_1169] {strides = array<i32>} : memref<4x512xf32, #tpu.memory_space<vmem>>, vector<16xf32>,
          tpu.vector_store %arg7[%parallel_loop3A_1168, %parallel_loop3A_1169], %parallel_loop3A_1166 {strides = array<i32>} : memref<4x512xf32, #tpu.memory_space<vmem>>, vector<16xf32>,
        } {sc.loop_unroll_factor = 1 : i64, sc.parallel_access}
        %dma_start3A_1050 = arith.constant 0 : i32
        %dma_start3A_1051 = arith.constant 0 : i32
        %dma_start3A_1052 = arith.constant 0 : i32
        %dma_start3A_1053 = tpu.memref_slice %arg6[%dma_start3A_1050, %dma_start3A_1051, %dma_start3A_1052] : memref<262144x2x8xf32, #tpu.memory_space<hbm>> -> memref<262144x2x8xf32, #tpu.memory_space<hbm>>
        tpu.enqueue_indirect_dma source(%dma_start3A_1053 : memref<262144x2x8xf32, #tpu.memory_space<hbm>>) target(%arg11 : memref<2048x2x8xf32, #tpu.memory_space<vmem>>) offsets(%arg9 : memref<2048xi32, #tpu.memory_space<vmem>>) semaphore(%arg17 : memref<!tpu.dma_semaphore, #tpu.memory_space<semaphore_mem>>)
      } else {
      }
      %add3A_1022 = arith.constant 1 : i32
      %add3A_1023 = arith.addi %mul3A_1002, %add3A_1022 : i32
      %dma_wait3A_1024 = arith.constant 0 : i32
      %dma_wait3A_1025 = arith.constant 0 : i32
      %dma_wait3A_1026 = arith.constant 0 : i32
      %dma_wait3A_1027 = tpu.memref_slice %arg6[%dma_wait3A_1024, %dma_wait3A_1025, %dma_wait3A_1026] : memref<262144x2x8xf32, #tpu.memory_space<hbm>> -> memref<262144x2x8xf32, #tpu.memory_space<hbm>>
      tpu.wait_indirect_dma semaphore(%arg18 : memref<!tpu.dma_semaphore, #tpu.memory_space<semaphore_mem>>) src(%dma_wait3A_1027 : memref<262144x2x8xf32, #tpu.memory_space<hbm>>) dst(%arg12 : memref<2048x2x8xf32, #tpu.memory_space<vmem>>)
      %parallel_loop3A_1028 = arith.constant 0 : i32
      %parallel_loop3A_1029 = arith.constant 512 : i32
      %parallel_loop3A_1030 = arith.constant 16 : i32
      scf.for %parallel_loop3A_1042 = %parallel_loop3A_1028 to %parallel_loop3A_1029 step %parallel_loop3A_1030  : i32 {
        %parallel_loop3A_1043 = vector.broadcast %parallel_loop3A_1042 : i32 to vector<16xi32>
        %parallel_loop3A_1044 = arith.addi %parallel_loop3A_1043, %iota3A : vector<16xi32>
        %parallel_loop3A_1045 = arith.constant 0 : i32
        %parallel_loop3A_1046 = vector.broadcast %parallel_loop3A_1045 : i32 to vector<16xi32>
        %parallel_loop3A_1047 = arith.constant 3 : i32
        %parallel_loop3A_1048 = arith.index_cast %parallel_loop3A_1047 : i32 to index
        %parallel_loop3A_1049 = arith.index_cast %parallel_loop3A_1042 : i32 to index
        %parallel_loop3A_1050 = tpu.vector_load %arg8[%parallel_loop3A_1048, %parallel_loop3A_1049] {strides = array<i32>} : memref<4x512xf32, #tpu.memory_space<vmem>>, vector<16xf32>,
        %parallel_loop3A_1051 = arith.fptosi %parallel_loop3A_1050 : vector<16xf32> to vector<16xi32>
        %parallel_loop3A_1052 = arith.constant 1 : i32
        %parallel_loop3A_1053 = vector.broadcast %parallel_loop3A_1052 : i32 to vector<16xi32>
        %parallel_loop3A_1054 = arith.addi %parallel_loop3A_1051, %parallel_loop3A_1053 : vector<16xi32>
        %parallel_loop3A_1055 = arith.constant 3 : i32
        %parallel_loop3A_1056 = vector.broadcast %parallel_loop3A_1055 : i32 to vector<16xi32>
        %parallel_loop3A_1057 = arith.shrsi %parallel_loop3A_1054, %parallel_loop3A_1056 : vector<16xi32>
        %parallel_loop3A_1058 = arith.constant 7 : i32
        %parallel_loop3A_1059 = vector.broadcast %parallel_loop3A_1058 : i32 to vector<16xi32>
        %parallel_loop3A_1060 = arith.andi %parallel_loop3A_1054, %parallel_loop3A_1059 : vector<16xi32>
        %parallel_loop3A_1061 = tpu.vector_load_idx %arg12[%parallel_loop3A_1044, %parallel_loop3A_1046, %parallel_loop3A_1051] : memref<2048x2x8xf32, #tpu.memory_space<vmem>>[vector<16xi32>, vector<16xi32>, vector<16xi32>], vector<16xf32>,
        %parallel_loop3A_1062 = tpu.vector_load_idx %arg12[%parallel_loop3A_1044, %parallel_loop3A_1057, %parallel_loop3A_1060] : memref<2048x2x8xf32, #tpu.memory_space<vmem>>[vector<16xi32>, vector<16xi32>, vector<16xi32>], vector<16xf32>,
        %parallel_loop3A_1063 = arith.constant 512 : i32
        %parallel_loop3A_1064 = vector.broadcast %parallel_loop3A_1063 : i32 to vector<16xi32>
        %parallel_loop3A_1065 = arith.addi %parallel_loop3A_1044, %parallel_loop3A_1064 : vector<16xi32>
        %parallel_loop3A_1066 = tpu.vector_load_idx %arg12[%parallel_loop3A_1065, %parallel_loop3A_1046, %parallel_loop3A_1051] : memref<2048x2x8xf32, #tpu.memory_space<vmem>>[vector<16xi32>, vector<16xi32>, vector<16xi32>], vector<16xf32>,
        %parallel_loop3A_1067 = arith.constant 512 : i32
        %parallel_loop3A_1068 = vector.broadcast %parallel_loop3A_1067 : i32 to vector<16xi32>
        %parallel_loop3A_1069 = arith.addi %parallel_loop3A_1044, %parallel_loop3A_1068 : vector<16xi32>
        %parallel_loop3A_1070 = tpu.vector_load_idx %arg12[%parallel_loop3A_1069, %parallel_loop3A_1057, %parallel_loop3A_1060] : memref<2048x2x8xf32, #tpu.memory_space<vmem>>[vector<16xi32>, vector<16xi32>, vector<16xi32>], vector<16xf32>,
        %parallel_loop3A_1071 = arith.constant 1024 : i32
        %parallel_loop3A_1072 = vector.broadcast %parallel_loop3A_1071 : i32 to vector<16xi32>
        %parallel_loop3A_1073 = arith.addi %parallel_loop3A_1044, %parallel_loop3A_1072 : vector<16xi32>
        %parallel_loop3A_1074 = tpu.vector_load_idx %arg12[%parallel_loop3A_1073, %parallel_loop3A_1046, %parallel_loop3A_1051] : memref<2048x2x8xf32, #tpu.memory_space<vmem>>[vector<16xi32>, vector<16xi32>, vector<16xi32>], vector<16xf32>,
        %parallel_loop3A_1075 = arith.constant 1024 : i32
        %parallel_loop3A_1076 = vector.broadcast %parallel_loop3A_1075 : i32 to vector<16xi32>
        %parallel_loop3A_1077 = arith.addi %parallel_loop3A_1044, %parallel_loop3A_1076 : vector<16xi32>
        %parallel_loop3A_1078 = tpu.vector_load_idx %arg12[%parallel_loop3A_1077, %parallel_loop3A_1057, %parallel_loop3A_1060] : memref<2048x2x8xf32, #tpu.memory_space<vmem>>[vector<16xi32>, vector<16xi32>, vector<16xi32>], vector<16xf32>,
        %parallel_loop3A_1079 = arith.constant 1536 : i32
        %parallel_loop3A_1080 = vector.broadcast %parallel_loop3A_1079 : i32 to vector<16xi32>
        %parallel_loop3A_1081 = arith.addi %parallel_loop3A_1044, %parallel_loop3A_1080 : vector<16xi32>
        %parallel_loop3A_1082 = tpu.vector_load_idx %arg12[%parallel_loop3A_1081, %parallel_loop3A_1046, %parallel_loop3A_1051] : memref<2048x2x8xf32, #tpu.memory_space<vmem>>[vector<16xi32>, vector<16xi32>, vector<16xi32>], vector<16xf32>,
        %parallel_loop3A_1083 = arith.constant 1536 : i32
        %parallel_loop3A_1084 = vector.broadcast %parallel_loop3A_1083 : i32 to vector<16xi32>
        %parallel_loop3A_1085 = arith.addi %parallel_loop3A_1044, %parallel_loop3A_1084 : vector<16xi32>
        %parallel_loop3A_1086 = tpu.vector_load_idx %arg12[%parallel_loop3A_1085, %parallel_loop3A_1057, %parallel_loop3A_1060] : memref<2048x2x8xf32, #tpu.memory_space<vmem>>[vector<16xi32>, vector<16xi32>, vector<16xi32>], vector<16xf32>,
        %parallel_loop3A_1087 = arith.constant 0 : i32
        %parallel_loop3A_1088 = arith.index_cast %parallel_loop3A_1087 : i32 to index
        %parallel_loop3A_1089 = arith.index_cast %parallel_loop3A_1042 : i32 to index
        %parallel_loop3A_1090 = tpu.vector_load %arg8[%parallel_loop3A_1088, %parallel_loop3A_1089] {strides = array<i32>} : memref<4x512xf32, #tpu.memory_space<vmem>>, vector<16xf32>,
        %parallel_loop3A_1091 = arith.constant 1 : i32
        %parallel_loop3A_1092 = arith.index_cast %parallel_loop3A_1091 : i32 to index
        %parallel_loop3A_1093 = arith.index_cast %parallel_loop3A_1042 : i32 to index
        %parallel_loop3A_1094 = tpu.vector_load %arg8[%parallel_loop3A_1092, %parallel_loop3A_1093] {strides = array<i32>} : memref<4x512xf32, #tpu.memory_space<vmem>>, vector<16xf32>,
        %parallel_loop3A_1095 = arith.constant 2 : i32
        %parallel_loop3A_1096 = arith.index_cast %parallel_loop3A_1095 : i32 to index
        %parallel_loop3A_1097 = arith.index_cast %parallel_loop3A_1042 : i32 to index
        %parallel_loop3A_1098 = tpu.vector_load %arg8[%parallel_loop3A_1096, %parallel_loop3A_1097] {strides = array<i32>} : memref<4x512xf32, #tpu.memory_space<vmem>>, vector<16xf32>,
        %parallel_loop3A_1099 = arith.subf %parallel_loop3A_1062, %parallel_loop3A_1061 : vector<16xf32>
        %parallel_loop3A_1100 = arith.mulf %parallel_loop3A_1099, %parallel_loop3A_1098 : vector<16xf32>
        %parallel_loop3A_1101 = arith.addf %parallel_loop3A_1061, %parallel_loop3A_1100 : vector<16xf32>
        %parallel_loop3A_1102 = arith.subf %parallel_loop3A_1070, %parallel_loop3A_1066 : vector<16xf32>
        %parallel_loop3A_1103 = arith.mulf %parallel_loop3A_1102, %parallel_loop3A_1098 : vector<16xf32>
        %parallel_loop3A_1104 = arith.addf %parallel_loop3A_1066, %parallel_loop3A_1103 : vector<16xf32>
        %parallel_loop3A_1105 = arith.subf %parallel_loop3A_1078, %parallel_loop3A_1074 : vector<16xf32>
        %parallel_loop3A_1106 = arith.mulf %parallel_loop3A_1105, %parallel_loop3A_1098 : vector<16xf32>
        %parallel_loop3A_1107 = arith.addf %parallel_loop3A_1074, %parallel_loop3A_1106 : vector<16xf32>
        %parallel_loop3A_1108 = arith.subf %parallel_loop3A_1086, %parallel_loop3A_1082 : vector<16xf32>
        %parallel_loop3A_1109 = arith.mulf %parallel_loop3A_1108, %parallel_loop3A_1098 : vector<16xf32>
        %parallel_loop3A_1110 = arith.addf %parallel_loop3A_1082, %parallel_loop3A_1109 : vector<16xf32>
        %parallel_loop3A_1111 = arith.subf %parallel_loop3A_1104, %parallel_loop3A_1101 : vector<16xf32>
        %parallel_loop3A_1112 = arith.mulf %parallel_loop3A_1111, %parallel_loop3A_1094 : vector<16xf32>
        %parallel_loop3A_1113 = arith.addf %parallel_loop3A_1101, %parallel_loop3A_1112 : vector<16xf32>
        %parallel_loop3A_1114 = arith.subf %parallel_loop3A_1110, %parallel_loop3A_1107 : vector<16xf32>
        %parallel_loop3A_1115 = arith.mulf %parallel_loop3A_1114, %parallel_loop3A_1094 : vector<16xf32>
        %parallel_loop3A_1116 = arith.addf %parallel_loop3A_1107, %parallel_loop3A_1115 : vector<16xf32>
        %parallel_loop3A_1117 = arith.subf %parallel_loop3A_1116, %parallel_loop3A_1113 : vector<16xf32>
        %parallel_loop3A_1118 = arith.mulf %parallel_loop3A_1117, %parallel_loop3A_1090 : vector<16xf32>
        %parallel_loop3A_1119 = arith.addf %parallel_loop3A_1113, %parallel_loop3A_1118 : vector<16xf32>
        %parallel_loop3A_1120 = arith.subf %parallel_loop3A_1062, %parallel_loop3A_1061 : vector<16xf32>
        %parallel_loop3A_1121 = arith.subf %parallel_loop3A_1070, %parallel_loop3A_1066 : vector<16xf32>
        %parallel_loop3A_1122 = arith.subf %parallel_loop3A_1062, %parallel_loop3A_1061 : vector<16xf32>
        %parallel_loop3A_1123 = arith.subf %parallel_loop3A_1121, %parallel_loop3A_1122 : vector<16xf32>
        %parallel_loop3A_1124 = arith.mulf %parallel_loop3A_1123, %parallel_loop3A_1094 : vector<16xf32>
        %parallel_loop3A_1125 = arith.addf %parallel_loop3A_1120, %parallel_loop3A_1124 : vector<16xf32>
        %parallel_loop3A_1126 = arith.subf %parallel_loop3A_1078, %parallel_loop3A_1074 : vector<16xf32>
        %parallel_loop3A_1127 = arith.subf %parallel_loop3A_1086, %parallel_loop3A_1082 : vector<16xf32>
        %parallel_loop3A_1128 = arith.subf %parallel_loop3A_1078, %parallel_loop3A_1074 : vector<16xf32>
        %parallel_loop3A_1129 = arith.subf %parallel_loop3A_1127, %parallel_loop3A_1128 : vector<16xf32>
        %parallel_loop3A_1130 = arith.mulf %parallel_loop3A_1129, %parallel_loop3A_1094 : vector<16xf32>
        %parallel_loop3A_1131 = arith.addf %parallel_loop3A_1126, %parallel_loop3A_1130 : vector<16xf32>
        %parallel_loop3A_1132 = arith.subf %parallel_loop3A_1131, %parallel_loop3A_1125 : vector<16xf32>
        %parallel_loop3A_1133 = arith.mulf %parallel_loop3A_1132, %parallel_loop3A_1090 : vector<16xf32>
        %parallel_loop3A_1134 = arith.addf %parallel_loop3A_1125, %parallel_loop3A_1133 : vector<16xf32>
        %parallel_loop3A_1135 = arith.constant 1.270000e+02 : f32
        %parallel_loop3A_1136 = vector.broadcast %parallel_loop3A_1135 : f32 to vector<16xf32>
        %parallel_loop3A_1137 = arith.mulf %parallel_loop3A_1134, %parallel_loop3A_1136 : vector<16xf32>
        %parallel_loop3A_1138 = arith.subf %parallel_loop3A_1104, %parallel_loop3A_1101 : vector<16xf32>
        %parallel_loop3A_1139 = arith.subf %parallel_loop3A_1110, %parallel_loop3A_1107 : vector<16xf32>
        %parallel_loop3A_1140 = arith.subf %parallel_loop3A_1104, %parallel_loop3A_1101 : vector<16xf32>
        %parallel_loop3A_1141 = arith.subf %parallel_loop3A_1139, %parallel_loop3A_1140 : vector<16xf32>
        %parallel_loop3A_1142 = arith.mulf %parallel_loop3A_1141, %parallel_loop3A_1090 : vector<16xf32>
        %parallel_loop3A_1143 = arith.addf %parallel_loop3A_1138, %parallel_loop3A_1142 : vector<16xf32>
        %parallel_loop3A_1144 = arith.constant 1.270000e+02 : f32
        %parallel_loop3A_1145 = vector.broadcast %parallel_loop3A_1144 : f32 to vector<16xf32>
        %parallel_loop3A_1146 = arith.mulf %parallel_loop3A_1143, %parallel_loop3A_1145 : vector<16xf32>
        %parallel_loop3A_1147 = arith.subf %parallel_loop3A_1116, %parallel_loop3A_1113 : vector<16xf32>
        %parallel_loop3A_1148 = arith.constant 1.270000e+02 : f32
        %parallel_loop3A_1149 = vector.broadcast %parallel_loop3A_1148 : f32 to vector<16xf32>
        %parallel_loop3A_1150 = arith.mulf %parallel_loop3A_1147, %parallel_loop3A_1149 : vector<16xf32>
        %parallel_loop3A_1151 = arith.index_cast %parallel_loop3A_1042 : i32 to index
        %parallel_loop3A_1152 = tpu.vector_load %arg13[%parallel_loop3A_1151] {strides = array<i32>} : memref<512xf32, #tpu.memory_space<vmem>>, vector<16xf32>,
        tpu.vector_store %arg13[%parallel_loop3A_1151], %parallel_loop3A_1119 {strides = array<i32>} : memref<512xf32, #tpu.memory_space<vmem>>, vector<16xf32>,
        %parallel_loop3A_1153 = arith.constant 0 : i32
        %parallel_loop3A_1154 = arith.index_cast %parallel_loop3A_1153 : i32 to index
        %parallel_loop3A_1155 = arith.index_cast %parallel_loop3A_1042 : i32 to index
        %parallel_loop3A_1156 = tpu.vector_load %arg14[%parallel_loop3A_1154, %parallel_loop3A_1155] {strides = array<i32>} : memref<3x512xf32, #tpu.memory_space<vmem>>, vector<16xf32>,
        tpu.vector_store %arg14[%parallel_loop3A_1154, %parallel_loop3A_1155], %parallel_loop3A_1150 {strides = array<i32>} : memref<3x512xf32, #tpu.memory_space<vmem>>, vector<16xf32>,
        %parallel_loop3A_1157 = arith.constant 1 : i32
        %parallel_loop3A_1158 = arith.index_cast %parallel_loop3A_1157 : i32 to index
        %parallel_loop3A_1159 = arith.index_cast %parallel_loop3A_1042 : i32 to index
        %parallel_loop3A_1160 = tpu.vector_load %arg14[%parallel_loop3A_1158, %parallel_loop3A_1159] {strides = array<i32>} : memref<3x512xf32, #tpu.memory_space<vmem>>, vector<16xf32>,
        tpu.vector_store %arg14[%parallel_loop3A_1158, %parallel_loop3A_1159], %parallel_loop3A_1146 {strides = array<i32>} : memref<3x512xf32, #tpu.memory_space<vmem>>, vector<16xf32>,
        %parallel_loop3A_1161 = arith.constant 2 : i32
        %parallel_loop3A_1162 = arith.index_cast %parallel_loop3A_1161 : i32 to index
        %parallel_loop3A_1163 = arith.index_cast %parallel_loop3A_1042 : i32 to index
        %parallel_loop3A_1164 = tpu.vector_load %arg14[%parallel_loop3A_1162, %parallel_loop3A_1163] {strides = array<i32>} : memref<3x512xf32, #tpu.memory_space<vmem>>, vector<16xf32>,
        tpu.vector_store %arg14[%parallel_loop3A_1162, %parallel_loop3A_1163], %parallel_loop3A_1137 {strides = array<i32>} : memref<3x512xf32, #tpu.memory_space<vmem>>, vector<16xf32>,
      } {sc.loop_unroll_factor = 1 : i64, sc.parallel_access}
      %mul3A_1031 = arith.constant 512 : i32
      %mul3A_1032 = arith.muli %add3A_1023, %mul3A_1031 : i32
      %add3A_1033 = arith.addi %mul3A_2, %mul3A_1032 : i32
      "tpu.region"() ({
        %run_scoped3A = tpu.sem_alloc : memref<!tpu.dma_semaphore, #tpu.memory_space<semaphore_mem>>
        %dma_start3A_1042 = tpu.memref_slice %arg4[%add3A_1033] : memref<524288xf32, #tpu.memory_space<hbm>> -> memref<512xf32, #tpu.memory_space<hbm>>
        %dma_start3A_1043 = tpu.memref_slice %arg4[%add3A_1033] : memref<524288xf32, #tpu.memory_space<hbm>> -> memref<512xf32, #tpu.memory_space<hbm>>
        tpu.enqueue_dma source(%arg13 : memref<512xf32, #tpu.memory_space<vmem>>) target(%dma_start3A_1043 : memref<512xf32, #tpu.memory_space<hbm>>) target_semaphore(%run_scoped3A : memref<!tpu.dma_semaphore, #tpu.memory_space<semaphore_mem>>)
        %dma_wait3A_1044 = tpu.memref_slice %arg4[%add3A_1033] : memref<524288xf32, #tpu.memory_space<hbm>> -> memref<512xf32, #tpu.memory_space<hbm>>
        %dma_wait3A_1045 = tpu.memref_slice %arg4[%add3A_1033] : memref<524288xf32, #tpu.memory_space<hbm>> -> memref<512xf32, #tpu.memory_space<hbm>>
        tpu.wait_dma2 semaphore(%run_scoped3A : memref<!tpu.dma_semaphore, #tpu.memory_space<semaphore_mem>>) src(%arg13 : memref<512xf32, #tpu.memory_space<vmem>>) dst(%dma_wait3A_1045 : memref<512xf32, #tpu.memory_space<hbm>>)
        tpu.yield
      }) : () -> ()
      "tpu.region"() ({
        %run_scoped3A = tpu.sem_alloc : memref<!tpu.dma_semaphore, #tpu.memory_space<semaphore_mem>>
        %dma_start3A_1042 = arith.constant 0 : i32
        %dma_start3A_1043 = tpu.memref_slice %arg5[%dma_start3A_1042, %add3A_1033] : memref<3x524288xf32, #tpu.memory_space<hbm>> -> memref<3x512xf32, #tpu.memory_space<hbm>>
        %dma_start3A_1044 = arith.constant 0 : i32
        %dma_start3A_1045 = tpu.memref_slice %arg5[%dma_start3A_1044, %add3A_1033] : memref<3x524288xf32, #tpu.memory_space<hbm>> -> memref<3x512xf32, #tpu.memory_space<hbm>>
        tpu.enqueue_dma source(%arg14 : memref<3x512xf32, #tpu.memory_space<vmem>>) target(%dma_start3A_1045 : memref<3x512xf32, #tpu.memory_space<hbm>>) target_semaphore(%run_scoped3A : memref<!tpu.dma_semaphore, #tpu.memory_space<semaphore_mem>>)
        %dma_wait3A_1046 = arith.constant 0 : i32
        %dma_wait3A_1047 = tpu.memref_slice %arg5[%dma_wait3A_1046, %add3A_1033] : memref<3x524288xf32, #tpu.memory_space<hbm>> -> memref<3x512xf32, #tpu.memory_space<hbm>>
        %dma_wait3A_1048 = arith.constant 0 : i32
        %dma_wait3A_1049 = tpu.memref_slice %arg5[%dma_wait3A_1048, %add3A_1033] : memref<3x524288xf32, #tpu.memory_space<hbm>> -> memref<3x512xf32, #tpu.memory_space<hbm>>
        tpu.wait_dma2 semaphore(%run_scoped3A : memref<!tpu.dma_semaphore, #tpu.memory_space<semaphore_mem>>) src(%arg14 : memref<3x512xf32, #tpu.memory_space<vmem>>) dst(%dma_wait3A_1049 : memref<3x512xf32, #tpu.memory_space<hbm>>)
        tpu.yield
      }) : () -> ()
      %add3A_1034 = arith.constant 2 : i32
      %add3A_1035 = arith.addi %add3A_1023, %add3A_1034 : i32
      %lt3A_1036 = arith.constant 32 : i32
      %lt3A_1037 = arith.cmpi slt, %add3A_1035, %lt3A_1036 : i32
      %convert_element_type3A_1038 = arith.extui %lt3A_1037 : i1 to i32
      %cond3A_1039 = arith.constant 0 : i32
      %cond3A_1040 = arith.cmpi ne, %convert_element_type3A_1038, %cond3A_1039 : i32
      scf.if %cond3A_1040 {
        %add3A_1042 = arith.constant 2 : i32
        %add3A_1043 = arith.addi %add3A_1023, %add3A_1042 : i32
        %mul3A_1044 = arith.constant 512 : i32
        %mul3A_1045 = arith.muli %add3A_1043, %mul3A_1044 : i32
        %add3A_1046 = arith.addi %mul3A_2, %mul3A_1045 : i32
        "tpu.region"() ({
          %run_scoped3A = tpu.sem_alloc : memref<!tpu.dma_semaphore, #tpu.memory_space<semaphore_mem>>
          %dma_start3A_1054 = arith.constant 0 : i32
          %dma_start3A_1055 = arith.constant 0 : i32
          %dma_start3A_1056 = tpu.memref_slice %arg8[%dma_start3A_1054, %dma_start3A_1055] : memref<4x512xf32, #tpu.memory_space<vmem>> -> memref<3x512xf32, #tpu.memory_space<vmem>>
          %dma_start3A_1057 = arith.constant 0 : i32
          %dma_start3A_1058 = tpu.memref_slice %arg2[%dma_start3A_1057, %add3A_1046] : memref<3x524288xf32, #tpu.memory_space<hbm>> -> memref<3x512xf32, #tpu.memory_space<hbm>>
          %dma_start3A_1059 = arith.constant 0 : i32
          %dma_start3A_1060 = arith.constant 0 : i32
          %dma_start3A_1061 = tpu.memref_slice %arg8[%dma_start3A_1059, %dma_start3A_1060] : memref<4x512xf32, #tpu.memory_space<vmem>> -> memref<3x512xf32, #tpu.memory_space<vmem>>
          %dma_start3A_1062 = arith.constant 0 : i32
          %dma_start3A_1063 = tpu.memref_slice %arg2[%dma_start3A_1062, %add3A_1046] : memref<3x524288xf32, #tpu.memory_space<hbm>> -> memref<3x512xf32, #tpu.memory_space<hbm>>
          tpu.enqueue_dma source(%dma_start3A_1063 : memref<3x512xf32, #tpu.memory_space<hbm>>) target(%dma_start3A_1061 : memref<3x512xf32, #tpu.memory_space<vmem>>) target_semaphore(%run_scoped3A : memref<!tpu.dma_semaphore, #tpu.memory_space<semaphore_mem>>)
          %dma_wait3A_1064 = arith.constant 0 : i32
          %dma_wait3A_1065 = arith.constant 0 : i32
          %dma_wait3A_1066 = tpu.memref_slice %arg8[%dma_wait3A_1064, %dma_wait3A_1065] : memref<4x512xf32, #tpu.memory_space<vmem>> -> memref<3x512xf32, #tpu.memory_space<vmem>>
          %dma_wait3A_1067 = arith.constant 0 : i32
          %dma_wait3A_1068 = tpu.memref_slice %arg2[%dma_wait3A_1067, %add3A_1046] : memref<3x524288xf32, #tpu.memory_space<hbm>> -> memref<3x512xf32, #tpu.memory_space<hbm>>
          %dma_wait3A_1069 = arith.constant 0 : i32
          %dma_wait3A_1070 = arith.constant 0 : i32
          %dma_wait3A_1071 = tpu.memref_slice %arg8[%dma_wait3A_1069, %dma_wait3A_1070] : memref<4x512xf32, #tpu.memory_space<vmem>> -> memref<3x512xf32, #tpu.memory_space<vmem>>
          %dma_wait3A_1072 = arith.constant 0 : i32
          %dma_wait3A_1073 = tpu.memref_slice %arg2[%dma_wait3A_1072, %add3A_1046] : memref<3x524288xf32, #tpu.memory_space<hbm>> -> memref<3x512xf32, #tpu.memory_space<hbm>>
          tpu.wait_dma2 semaphore(%run_scoped3A : memref<!tpu.dma_semaphore, #tpu.memory_space<semaphore_mem>>) src(%dma_wait3A_1073 : memref<3x512xf32, #tpu.memory_space<hbm>>) dst(%dma_wait3A_1071 : memref<3x512xf32, #tpu.memory_space<vmem>>)
          tpu.yield
        }) : () -> ()
        %parallel_loop3A_1047 = arith.constant 0 : i32
        %parallel_loop3A_1048 = arith.constant 512 : i32
        %parallel_loop3A_1049 = arith.constant 16 : i32
        scf.for %parallel_loop3A_1054 = %parallel_loop3A_1047 to %parallel_loop3A_1048 step %parallel_loop3A_1049  : i32 {
          %parallel_loop3A_1055 = arith.constant 0 : i32
          %parallel_loop3A_1056 = arith.index_cast %parallel_loop3A_1055 : i32 to index
          %parallel_loop3A_1057 = arith.index_cast %parallel_loop3A_1054 : i32 to index
          %parallel_loop3A_1058 = tpu.vector_load %arg8[%parallel_loop3A_1056, %parallel_loop3A_1057] {strides = array<i32>} : memref<4x512xf32, #tpu.memory_space<vmem>>, vector<16xf32>,
          %parallel_loop3A_1059 = arith.constant 0.000000e+00 : f32
          %parallel_loop3A_1060 = vector.broadcast %parallel_loop3A_1059 : f32 to vector<16xf32>
          %parallel_loop3A_1061 = arith.maximumf %parallel_loop3A_1058, %parallel_loop3A_1060 : vector<16xf32>
          %parallel_loop3A_1062 = arith.constant 1.000000e+00 : f32
          %parallel_loop3A_1063 = vector.broadcast %parallel_loop3A_1062 : f32 to vector<16xf32>
          %parallel_loop3A_1064 = arith.minimumf %parallel_loop3A_1061, %parallel_loop3A_1063 : vector<16xf32>
          %parallel_loop3A_1065 = arith.constant 0.00787401571 : f32
          %parallel_loop3A_1066 = vector.broadcast %parallel_loop3A_1065 : f32 to vector<16xf32>
          %parallel_loop3A_1067 = arith.divf %parallel_loop3A_1064, %parallel_loop3A_1066 : vector<16xf32>
          %parallel_loop3A_1068 = arith.fptosi %parallel_loop3A_1067 : vector<16xf32> to vector<16xi32>
          %parallel_loop3A_1069 = arith.constant 126 : i32
          %parallel_loop3A_1070 = vector.broadcast %parallel_loop3A_1069 : i32 to vector<16xi32>
          %parallel_loop3A_1071 = arith.minsi %parallel_loop3A_1068, %parallel_loop3A_1070 : vector<16xi32>
          %parallel_loop3A_1072 = arith.sitofp %parallel_loop3A_1071 : vector<16xi32> to vector<16xf32>
          %parallel_loop3A_1073 = arith.subf %parallel_loop3A_1067, %parallel_loop3A_1072 : vector<16xf32>
          %parallel_loop3A_1074 = arith.constant 1 : i32
          %parallel_loop3A_1075 = arith.index_cast %parallel_loop3A_1074 : i32 to index
          %parallel_loop3A_1076 = arith.index_cast %parallel_loop3A_1054 : i32 to index
          %parallel_loop3A_1077 = tpu.vector_load %arg8[%parallel_loop3A_1075, %parallel_loop3A_1076] {strides = array<i32>} : memref<4x512xf32, #tpu.memory_space<vmem>>, vector<16xf32>,
          %parallel_loop3A_1078 = arith.constant 0.000000e+00 : f32
          %parallel_loop3A_1079 = vector.broadcast %parallel_loop3A_1078 : f32 to vector<16xf32>
          %parallel_loop3A_1080 = arith.maximumf %parallel_loop3A_1077, %parallel_loop3A_1079 : vector<16xf32>
          %parallel_loop3A_1081 = arith.constant 1.000000e+00 : f32
          %parallel_loop3A_1082 = vector.broadcast %parallel_loop3A_1081 : f32 to vector<16xf32>
          %parallel_loop3A_1083 = arith.minimumf %parallel_loop3A_1080, %parallel_loop3A_1082 : vector<16xf32>
          %parallel_loop3A_1084 = arith.constant 0.00787401571 : f32
          %parallel_loop3A_1085 = vector.broadcast %parallel_loop3A_1084 : f32 to vector<16xf32>
          %parallel_loop3A_1086 = arith.divf %parallel_loop3A_1083, %parallel_loop3A_1085 : vector<16xf32>
          %parallel_loop3A_1087 = arith.fptosi %parallel_loop3A_1086 : vector<16xf32> to vector<16xi32>
          %parallel_loop3A_1088 = arith.constant 126 : i32
          %parallel_loop3A_1089 = vector.broadcast %parallel_loop3A_1088 : i32 to vector<16xi32>
          %parallel_loop3A_1090 = arith.minsi %parallel_loop3A_1087, %parallel_loop3A_1089 : vector<16xi32>
          %parallel_loop3A_1091 = arith.sitofp %parallel_loop3A_1090 : vector<16xi32> to vector<16xf32>
          %parallel_loop3A_1092 = arith.subf %parallel_loop3A_1086, %parallel_loop3A_1091 : vector<16xf32>
          %parallel_loop3A_1093 = arith.constant 2 : i32
          %parallel_loop3A_1094 = arith.index_cast %parallel_loop3A_1093 : i32 to index
          %parallel_loop3A_1095 = arith.index_cast %parallel_loop3A_1054 : i32 to index
          %parallel_loop3A_1096 = tpu.vector_load %arg8[%parallel_loop3A_1094, %parallel_loop3A_1095] {strides = array<i32>} : memref<4x512xf32, #tpu.memory_space<vmem>>, vector<16xf32>,
          %parallel_loop3A_1097 = arith.constant 0.000000e+00 : f32
          %parallel_loop3A_1098 = vector.broadcast %parallel_loop3A_1097 : f32 to vector<16xf32>
          %parallel_loop3A_1099 = arith.maximumf %parallel_loop3A_1096, %parallel_loop3A_1098 : vector<16xf32>
          %parallel_loop3A_1100 = arith.constant 1.000000e+00 : f32
          %parallel_loop3A_1101 = vector.broadcast %parallel_loop3A_1100 : f32 to vector<16xf32>
          %parallel_loop3A_1102 = arith.minimumf %parallel_loop3A_1099, %parallel_loop3A_1101 : vector<16xf32>
          %parallel_loop3A_1103 = arith.constant 0.00787401571 : f32
          %parallel_loop3A_1104 = vector.broadcast %parallel_loop3A_1103 : f32 to vector<16xf32>
          %parallel_loop3A_1105 = arith.divf %parallel_loop3A_1102, %parallel_loop3A_1104 : vector<16xf32>
          %parallel_loop3A_1106 = arith.fptosi %parallel_loop3A_1105 : vector<16xf32> to vector<16xi32>
          %parallel_loop3A_1107 = arith.constant 126 : i32
          %parallel_loop3A_1108 = vector.broadcast %parallel_loop3A_1107 : i32 to vector<16xi32>
          %parallel_loop3A_1109 = arith.minsi %parallel_loop3A_1106, %parallel_loop3A_1108 : vector<16xi32>
          %parallel_loop3A_1110 = arith.sitofp %parallel_loop3A_1109 : vector<16xi32> to vector<16xf32>
          %parallel_loop3A_1111 = arith.subf %parallel_loop3A_1105, %parallel_loop3A_1110 : vector<16xf32>
          %parallel_loop3A_1112 = arith.constant 128 : i32
          %parallel_loop3A_1113 = vector.broadcast %parallel_loop3A_1112 : i32 to vector<16xi32>
          %parallel_loop3A_1114 = arith.muli %parallel_loop3A_1071, %parallel_loop3A_1113 : vector<16xi32>
          %parallel_loop3A_1115 = arith.addi %parallel_loop3A_1114, %parallel_loop3A_1090 : vector<16xi32>
          %parallel_loop3A_1116 = arith.constant 128 : i32
          %parallel_loop3A_1117 = vector.broadcast %parallel_loop3A_1116 : i32 to vector<16xi32>
          %parallel_loop3A_1118 = arith.muli %parallel_loop3A_1115, %parallel_loop3A_1117 : vector<16xi32>
          %parallel_loop3A_1119 = arith.addi %parallel_loop3A_1118, %parallel_loop3A_1109 : vector<16xi32>
          %parallel_loop3A_1120 = arith.constant 3 : i32
          %parallel_loop3A_1121 = vector.broadcast %parallel_loop3A_1120 : i32 to vector<16xi32>
          %parallel_loop3A_1122 = arith.shrsi %parallel_loop3A_1119, %parallel_loop3A_1121 : vector<16xi32>
          %parallel_loop3A_1123 = arith.constant 0 : i32
          %parallel_loop3A_1124 = vector.broadcast %parallel_loop3A_1123 : i32 to vector<16xi32>
          %parallel_loop3A_1125 = arith.addi %parallel_loop3A_1122, %parallel_loop3A_1124 : vector<16xi32>
          %parallel_loop3A_1126 = arith.constant 0 : i32
          %parallel_loop3A_1127 = arith.addi %parallel_loop3A_1126, %parallel_loop3A_1054 : i32
          %parallel_loop3A_1128 = arith.index_cast %parallel_loop3A_1127 : i32 to index
          %parallel_loop3A_1129 = tpu.vector_load %arg10[%parallel_loop3A_1128] {strides = array<i32>} : memref<2048xi32, #tpu.memory_space<vmem>>, vector<16xi32>,
          tpu.vector_store %arg10[%parallel_loop3A_1128], %parallel_loop3A_1125 {strides = array<i32>} : memref<2048xi32, #tpu.memory_space<vmem>>, vector<16xi32>,
          %parallel_loop3A_1130 = arith.constant 16 : i32
          %parallel_loop3A_1131 = vector.broadcast %parallel_loop3A_1130 : i32 to vector<16xi32>
          %parallel_loop3A_1132 = arith.addi %parallel_loop3A_1122, %parallel_loop3A_1131 : vector<16xi32>
          %parallel_loop3A_1133 = arith.constant 512 : i32
          %parallel_loop3A_1134 = arith.addi %parallel_loop3A_1133, %parallel_loop3A_1054 : i32
          %parallel_loop3A_1135 = arith.index_cast %parallel_loop3A_1134 : i32 to index
          %parallel_loop3A_1136 = tpu.vector_load %arg10[%parallel_loop3A_1135] {strides = array<i32>} : memref<2048xi32, #tpu.memory_space<vmem>>, vector<16xi32>,
          tpu.vector_store %arg10[%parallel_loop3A_1135], %parallel_loop3A_1132 {strides = array<i32>} : memref<2048xi32, #tpu.memory_space<vmem>>, vector<16xi32>,
          %parallel_loop3A_1137 = arith.constant 2048 : i32
          %parallel_loop3A_1138 = vector.broadcast %parallel_loop3A_1137 : i32 to vector<16xi32>
          %parallel_loop3A_1139 = arith.addi %parallel_loop3A_1122, %parallel_loop3A_1138 : vector<16xi32>
          %parallel_loop3A_1140 = arith.constant 1024 : i32
          %parallel_loop3A_1141 = arith.addi %parallel_loop3A_1140, %parallel_loop3A_1054 : i32
          %parallel_loop3A_1142 = arith.index_cast %parallel_loop3A_1141 : i32 to index
          %parallel_loop3A_1143 = tpu.vector_load %arg10[%parallel_loop3A_1142] {strides = array<i32>} : memref<2048xi32, #tpu.memory_space<vmem>>, vector<16xi32>,
          tpu.vector_store %arg10[%parallel_loop3A_1142], %parallel_loop3A_1139 {strides = array<i32>} : memref<2048xi32, #tpu.memory_space<vmem>>, vector<16xi32>,
          %parallel_loop3A_1144 = arith.constant 2064 : i32
          %parallel_loop3A_1145 = vector.broadcast %parallel_loop3A_1144 : i32 to vector<16xi32>
          %parallel_loop3A_1146 = arith.addi %parallel_loop3A_1122, %parallel_loop3A_1145 : vector<16xi32>
          %parallel_loop3A_1147 = arith.constant 1536 : i32
          %parallel_loop3A_1148 = arith.addi %parallel_loop3A_1147, %parallel_loop3A_1054 : i32
          %parallel_loop3A_1149 = arith.index_cast %parallel_loop3A_1148 : i32 to index
          %parallel_loop3A_1150 = tpu.vector_load %arg10[%parallel_loop3A_1149] {strides = array<i32>} : memref<2048xi32, #tpu.memory_space<vmem>>, vector<16xi32>,
          tpu.vector_store %arg10[%parallel_loop3A_1149], %parallel_loop3A_1146 {strides = array<i32>} : memref<2048xi32, #tpu.memory_space<vmem>>, vector<16xi32>,
          %parallel_loop3A_1151 = arith.constant 0 : i32
          %parallel_loop3A_1152 = arith.index_cast %parallel_loop3A_1151 : i32 to index
          %parallel_loop3A_1153 = arith.index_cast %parallel_loop3A_1054 : i32 to index
          %parallel_loop3A_1154 = tpu.vector_load %arg8[%parallel_loop3A_1152, %parallel_loop3A_1153] {strides = array<i32>} : memref<4x512xf32, #tpu.memory_space<vmem>>, vector<16xf32>,
          tpu.vector_store %arg8[%parallel_loop3A_1152, %parallel_loop3A_1153], %parallel_loop3A_1073 {strides = array<i32>} : memref<4x512xf32, #tpu.memory_space<vmem>>, vector<16xf32>,
          %parallel_loop3A_1155 = arith.constant 1 : i32
          %parallel_loop3A_1156 = arith.index_cast %parallel_loop3A_1155 : i32 to index
          %parallel_loop3A_1157 = arith.index_cast %parallel_loop3A_1054 : i32 to index
          %parallel_loop3A_1158 = tpu.vector_load %arg8[%parallel_loop3A_1156, %parallel_loop3A_1157] {strides = array<i32>} : memref<4x512xf32, #tpu.memory_space<vmem>>, vector<16xf32>,
          tpu.vector_store %arg8[%parallel_loop3A_1156, %parallel_loop3A_1157], %parallel_loop3A_1092 {strides = array<i32>} : memref<4x512xf32, #tpu.memory_space<vmem>>, vector<16xf32>,
          %parallel_loop3A_1159 = arith.constant 2 : i32
          %parallel_loop3A_1160 = arith.index_cast %parallel_loop3A_1159 : i32 to index
          %parallel_loop3A_1161 = arith.index_cast %parallel_loop3A_1054 : i32 to index
          %parallel_loop3A_1162 = tpu.vector_load %arg8[%parallel_loop3A_1160, %parallel_loop3A_1161] {strides = array<i32>} : memref<4x512xf32, #tpu.memory_space<vmem>>, vector<16xf32>,
          tpu.vector_store %arg8[%parallel_loop3A_1160, %parallel_loop3A_1161], %parallel_loop3A_1111 {strides = array<i32>} : memref<4x512xf32, #tpu.memory_space<vmem>>, vector<16xf32>,
          %parallel_loop3A_1163 = arith.constant 7 : i32
          %parallel_loop3A_1164 = vector.broadcast %parallel_loop3A_1163 : i32 to vector<16xi32>
          %parallel_loop3A_1165 = arith.andi %parallel_loop3A_1109, %parallel_loop3A_1164 : vector<16xi32>
          %parallel_loop3A_1166 = arith.sitofp %parallel_loop3A_1165 : vector<16xi32> to vector<16xf32>
          %parallel_loop3A_1167 = arith.constant 3 : i32
          %parallel_loop3A_1168 = arith.index_cast %parallel_loop3A_1167 : i32 to index
          %parallel_loop3A_1169 = arith.index_cast %parallel_loop3A_1054 : i32 to index
          %parallel_loop3A_1170 = tpu.vector_load %arg8[%parallel_loop3A_1168, %parallel_loop3A_1169] {strides = array<i32>} : memref<4x512xf32, #tpu.memory_space<vmem>>, vector<16xf32>,
          tpu.vector_store %arg8[%parallel_loop3A_1168, %parallel_loop3A_1169], %parallel_loop3A_1166 {strides = array<i32>} : memref<4x512xf32, #tpu.memory_space<vmem>>, vector<16xf32>,
        } {sc.loop_unroll_factor = 1 : i64, sc.parallel_access}
        %dma_start3A_1050 = arith.constant 0 : i32
        %dma_start3A_1051 = arith.constant 0 : i32
        %dma_start3A_1052 = arith.constant 0 : i32
        %dma_start3A_1053 = tpu.memref_slice %arg6[%dma_start3A_1050, %dma_start3A_1051, %dma_start3A_1052] : memref<262144x2x8xf32, #tpu.memory_space<hbm>> -> memref<262144x2x8xf32, #tpu.memory_space<hbm>>
        tpu.enqueue_indirect_dma source(%dma_start3A_1053 : memref<262144x2x8xf32, #tpu.memory_space<hbm>>) target(%arg12 : memref<2048x2x8xf32, #tpu.memory_space<vmem>>) offsets(%arg10 : memref<2048xi32, #tpu.memory_space<vmem>>) semaphore(%arg18 : memref<!tpu.dma_semaphore, #tpu.memory_space<semaphore_mem>>)
      } else {
      }
      %scan3A_1041 = arith.constant 0 : i32
      scf.yield %scan3A_1041 : i32
    }
    %scan3A_998 = arith.constant 16 : i32
    return
  }
}

</mosaic_0001>

<sc_bundles>
// kernel: _interp.3.cloned.1.call-start
scs
__scs_entry_jumppad:
0x0: {  	(pc) =	sbr.rel $0x88, $3  }
0x1: {  	(tag) =	ssettag $0x0;
	lr =	simm.s32 $0x1  }
0x2: {  	[smem:$0x3F9F] =	sst lr;
	_ =	strace $0xD0000000  }
0x3: {  	_ = 	snop  }
0x4: {  	_ = 	snop  }
0x5: {  	_ = 	snop  }
0x6: {  	_ = 	snop  }
0x7: {  	_ = 	snop  }
__scs_overlays_trampoline_lowered:
0x8: {  	[smem:$0x3FAE] =	sst s0  }
0x9: {  	[smem:$0x3FAF] =	sst s1  }
0xa: {  	[smem:$0x3FB0] =	sst s2  }
0xb: {  	[smem:$0x3FB1] =	sst s3  }
0xc: {  	[smem:$0x3FB2] =	sst s4  }
0xd: {  	[smem:$0x3FB3] =	sst s5  }
0xe: {  	[smem:$0x3FB4] =	sst s6  }
0xf: {  	[smem:$0x3FB5] =	sst s7  }
0x10: {  	[smem:$0x3FB6] =	sst s8  }
0x11: {  	[smem:$0x3FB7] =	sst s9;
	s0 =	simm.s32 @!p0 $0x0  }
0x12: {  	s1 =	sld [smem:$0x3F9D];
	s0 =	simm.s32 @p0 $0x1  }
0x13: {  	[smem:$0x3FB8] =	sst s0;
	s0 =	simm.s32 @!p1 $0x0  }
0x14: {  	s2 =	sld [smem:$0x3F9C];
	s0 =	simm.s32 @p1 $0x1  }
0x15: {  	[smem:$0x3FB9] =	sst s0;
	s0 =	simm.s32 @!p2 $0x0  }
0x16: {  	s3 =	sld [smem:$0x3FDB];
	s0 =	simm.s32 @p2 $0x1  }
0x17: {  	s4 =	simm.s32 $0x1BF5;
	[smem:$0x3FBB] =	sst s0  }
0x18: {  	s0 =	sld [smem:$0x3F9E];
	_ =	swait.ge [sflag:s4], $0x0  }
0x19: {  	s7 =	sld [smem:$0x3F9F]  }
0x1a: {  	s8 =	sadd.s32 $0xFFFFE003, lr  }
0x1b: {  	s9 =	sadd.s32 $0xFFFFFEF7, lr;
	s5 =	simm.s32 $0xFFFFFFFF;
	p2 =	slt.u32 s8, $0xFFFFF086  }
0x1c: {  	p1 =	slt.u32 s9, $0xF7A;
	s5 =	simm.s32 @!p2 $0x0  }
0x1d: {  	s5 =	simm.s32 @p1 $0x1;
	p0 =	seq.s32 s7, s2  }
0x1e: {  	s7 =	smul.u32 @!p0 $0xF7A, s2;
	p2 =	seq.s32 @!p0 s5, $0x0  }
0x1f: {  	s9 =	smul.u32 $0xF7A, s1;
	s8 =	simm.s32 @!p0 $0x1BF5;
	p2 =	por !p2, p0  }
0x20: {  	[sflag:s8] =	ssyncset.s32 @!p0 $0xFFFFF086;
	s6 =	sadd.s32 @!p0 s3, s7;
	s7 =	simm.s32 @!p0 $0x108  }
0x21: {  	s3 =	sadd.s32 s3, s9;
	s6 =	sadd.s32 @!p0 $0x88, s6;
	s7 =	simm.s32 @p2 $0x1082  }
0x22: {  	[simem:s7], [sflag:s8] =	dma.local @!p0 [hbm:s6], $0xF7A  }
0x23: {  	s9 =	sor.u32 $0xD0000000, s2;
	s6 =	simm.s32 $0x108;
	_ =	swait.ge @!p0 [sflag:s8], $0x0  }
0x24: {  	s3 =	sadd.s32 $0x88, s3;
	s6 =	simm.s32 @!p1 $0x1082;
	[sflag:s4] =	ssyncset.s32 $0xFFFFF086  }
0x25: {  	[simem:s6], [sflag:s4] =	dma.local [hbm:s3], $0xF7A  }
0x26: {  	[smem:$0x3F9F] =	sst s1;
	(tag) =	ssettag s2;
	_ =	strace s9  }
0x27: {  	s1 =	sld [smem:$0x3FAF]  }
0x28: {  	s2 =	sld [smem:$0x3FB0]  }
0x29: {  	s4 =	sld [smem:$0x3FB2]  }
0x2a: {  	p0 =	seq.s32 s5, $0x0;
	s5 =	sld [smem:$0x3FB3]  }
0x2b: {  	s6 =	sld [smem:$0x3FB4]  }
0x2c: {  	s7 =	sld [smem:$0x3FB5]  }
0x2d: {  	s3 =	simm.s32 $0x108;
	s8 =	sld [smem:$0x3FB6]  }
0x2e: {  	s3 =	simm.s32 @!p0 $0x1082;
	s9 =	sld [smem:$0x3FB7]  }
0x2f: {  	lr =	sadd.s32 s0, s3;
	s0 =	sld [smem:$0x3FAE]  }
0x30: {  	s3 =	sld [smem:$0x3FB1]  }
0x31: {  	[smem:$0x3FBA] =	sst s10  }
0x32: {  	s10 =	sld [smem:$0x3FB8];
	_ =	sdelay $0x3  }
0x33: {  	p0 =	seq.s32 s10, $0x1;
	s10 =	sld [smem:$0x3FBA];
	_ =	sdelay $0x3  }
0x34: {  	[smem:$0x3FBA] =	sst s10  }
0x35: {  	s10 =	sld [smem:$0x3FB9];
	_ =	sdelay $0x3  }
0x36: {  	p1 =	seq.s32 s10, $0x1;
	s10 =	sld [smem:$0x3FBA];
	_ =	sdelay $0x3  }
0x37: {  	[smem:$0x3FBA] =	sst s10  }
0x38: {  	s10 =	sld [smem:$0x3FBB]  }
0x39: {  	_ = 	snop;
	(pc) =	sbr.ind lr, $3  }
0x3a: {  	_ = 	snop  }
0x3b: {  	_ = 	snop  }
0x3c: {  	p2 =	seq.s32 s10, $0x1;
	s10 =	sld [smem:$0x3FBA]  }
0x3d: {  	_ =	shalt  }
0x3e: {  	_ =	shalt  }
0x3f: {  	_ =	shalt  }
0x40: {  	_ =	shalt  }
0x41: {  	_ =	shalt  }
0x42: {  	_ =	shalt  }
0x43: {  	_ =	shalt  }
0x44: {  	_ =	shalt  }
0x45: {  	_ =	shalt  }
0x46: {  	_ =	shalt  }
0x47: {  	_ =	shalt  }
0x48: {  	_ =	shalt  }
0x49: {  	_ =	shalt  }
0x4a: {  	_ =	shalt  }
0x4b: {  	_ =	shalt  }
0x4c: {  	_ =	shalt  }
0x4d: {  	_ =	shalt  }
0x4e: {  	_ =	shalt  }
0x4f: {  	_ =	shalt  }
0x50: {  	_ =	shalt  }
0x51: {  	_ =	shalt  }
0x52: {  	_ =	shalt  }
0x53: {  	_ =	shalt  }
0x54: {  	_ =	shalt  }
0x55: {  	_ =	shalt  }
0x56: {  	_ =	shalt  }
0x57: {  	_ =	shalt  }
0x58: {  	_ =	shalt  }
0x59: {  	_ =	shalt  }
0x5a: {  	_ =	shalt  }
0x5b: {  	_ =	shalt  }
0x5c: {  	_ =	shalt  }
0x5d: {  	_ =	shalt  }
0x5e: {  	_ =	shalt  }
0x5f: {  	_ =	shalt  }
0x60: {  	_ =	shalt  }
0x61: {  	_ =	shalt  }
0x62: {  	_ =	shalt  }
0x63: {  	_ =	shalt  }
0x64: {  	_ =	shalt  }
0x65: {  	_ =	shalt  }
0x66: {  	_ =	shalt  }
0x67: {  	_ =	shalt  }
0x68: {  	_ =	shalt  }
0x69: {  	_ =	shalt  }
0x6a: {  	_ =	shalt  }
0x6b: {  	_ =	shalt  }
0x6c: {  	_ =	shalt  }
0x6d: {  	_ =	shalt  }
0x6e: {  	_ =	shalt  }
0x6f: {  	_ =	shalt  }
0x70: {  	_ =	shalt  }
0x71: {  	_ =	shalt  }
0x72: {  	_ =	shalt  }
0x73: {  	_ =	shalt  }
0x74: {  	_ =	shalt  }
0x75: {  	_ =	shalt  }
0x76: {  	_ =	shalt  }
0x77: {  	_ =	shalt  }
0x78: {  	_ =	shalt  }
0x79: {  	_ =	shalt  }
0x7a: {  	_ =	shalt  }
0x7b: {  	_ =	shalt  }
0x7c: {  	_ =	shalt  }
0x7d: {  	_ =	shalt  }
0x7e: {  	_ =	shalt  }
0x7f: {  	_ =	shalt  }
0x80: {  	_ =	shalt  }
0x81: {  	_ =	shalt  }
0x82: {  	_ =	shalt  }
0x83: {  	_ =	shalt  }
0x84: {  	_ =	shalt  }
0x85: {  	_ =	shalt  }
0x86: {  	_ =	shalt  }
0x87: {  	_ =	shalt  }
.Lfunc_end0:
.L_simem_size_0:
called_computation_lowered:
.L_overlay_start_0:
0x88: {  	s2 =	sld [smem:$0x3FD9]  }
0x89: {  	s3 =	sld [smem:$0x3FFE];
	_ =	sdelay $0x1  }
0x8a: {  	s1 =	srdreg.scid  }
0x8b: {  	s0 =	sand.u32 $0x1, s1  }
0x8c: {  	s15 =	sshll.u32 s0, $0xA;
	s2 =	sadd.s32 s3, s2  }
0x8d: {  	s3 =	sadd.s32 s2, s15  }
0x8e: {  	[smem:$0x3FC6] =	sst s3  }
0x8f: {  	_ = 	snop  }
0x90: {  	s3 =	sld [smem:$0x3FD0];
	_ =	sdelay $0x2  }
0x91: {  	s4 =	simm.s32 $0xA;
	s5 =	simm.s32 $0x10  }
0x92: {  	[smem:s5], [sflag:s4] =	dma.local [hbm:s3], $0x1  }
0x93: {  	_ =	swait.eq [sflag:s4], $0x1  }
0x94: {  	[sflag:s4] =	ssyncset.done $0x0  }
0x95: {  	s16 =	sld [smem:$0x10];
	[sflag:s4] =	ssyncadd.s32 $0xFFFFFFFF  }
0x96: {  	s17 =	sld [smem:$0x11];
	(tm) =	ssettm $0x1  }
0x97: {  	s18 =	sld [smem:$0x3FFB];
	_ =	sdelay $0x3  }
0x98: {  	_ =	strace s18  }
0x99: {  	s5 =	sld [smem:$0x3FFC];
	_ =	sdelay $0x3  }
0x9a: {  	_ =	strace s5  }
0x9b: {  	s5 =	sld [smem:$0x3FFD];
	_ =	sdelay $0x3  }
0x9c: {  	_ =	strace s5  }
0x9d: {  	_ =	strace $0x8FFFFFFF  }
0x9e: {  	s19 =	sld [smem:$0x3FDB];
	_ =	sdelay $0x1  }
0x9f: {  	s6 =	simm.s32 $_scs_section_size  }
0xa0: {  	s7 =	simm.s32 $_size__tile_overlayer_lowered;
	s8 =	simm.s32 $_tile_overlayer_lowered  }
0xa1: {  	s22 =	simm.s32 $0x1BFF;
	s21 =	sshll.u32 s8, $0x1;
	s5 =	sadd.s32 s6, s19  }
0xa2: {  	s9 =	simm.s32 $0x0;
	s20 =	sshll.u32 s7, $0x1;
	s7 =	sadd.s32 s21, s5  }
0xa3: {  	[timem:s9], [sflag:s22] =	dma.local [hbm:s7], s20  }
0xa4: {  	_ =	swait.ge [sflag:s22], s20  }
0xa5: {  	s6 =	ssub.s32 $0x0, s20;
	[sflag:s22] =	ssyncset.done $0x0  }
0xa6: {  	[sflag:s22] =	ssyncadd.s32 s6;
	_ =	sdelay $0x1  }
0xa7: {  	s23 =	simm.s32 $0x1B8B  }
0xa8: {  	_ =	swait.ge [sflag:s23], $0x1  }
0xa9: {  	[sflag:s23] =	ssyncset.done $0x0  }
0xaa: {  	s25 =	simm.s32 $0x1B8E;
	s24 =	sld [smem:$0x3FFE];
	[sflag:s23] =	ssyncadd.s32 $0xFFFFFFFF  }
0xab: {  	s26 =	simm.s32 $execute0_lowered;
	[smem:$0x3FD2] =	sst s25  }
0xac: {  	s7 =	sshll.u32 s26, $0x1;
	_ =	strace $0x80000046;
	[dreg:$0x1] =	wrdreg $0xFFFFFFFF  }
0xad: {  	s28 =	simm.s32 $_size_execute0_lowered;
	s5 =	sadd.s32 s5, s7;
	[dreg:$0x0] =	wrdreg $0x0  }
0xae: {  	s7 =	sshll.u32 s28, $0x1;
	[dreg:$0x2] =	wrdreg s5  }
0xaf: {  	[dreg:$0x3] =	wrdreg s7  }
0xb0: {  	[dreg:$0x4] =	wrdreg $0xC0  }
0xb1: {  	_ =	task [dreg:s9], $0x5FFFF  }
0xb2: {  	[dreg:$0x1] =	wrdreg $0xFFFFFFFF  }
0xb3: {  	[dreg:$0x0] =	wrdreg $0x60  }
0xb4: {  	[dreg:$0x2] =	wrdreg s24  }
0xb5: {  	[dreg:$0x3] =	wrdreg s17  }
0xb6: {  	s2 =	sadd.s32 $0x800, s2;
	[dreg:$0x4] =	wrdreg s16  }
0xb7: {  	[dreg:$0x5] =	wrdreg s2  }
0xb8: {  	[dreg:$0x6] =	wrdreg $0x9  }
0xb9: {  	_ =	task.clear_ibuf [dreg:s9], $0x7FFFF;
	_ =	strace $0x90000046  }
0xba: {  	s29 =	simm.s32 $0x9;
	_ =	strace $0x80000048  }
0xbb: {  	_ =	swait.ge [sflag:s29], $0x1  }
0xbc: {  	[sflag:s29] =	ssyncadd.s32 $0xFFFFFFFF  }
0xbd: {  	_ =	strace $0x90000048  }
0xbe: {  	_ =	sfence  }
0xbf: {  	s30 =	sld [smem:$0x0];
	_ =	sdelay $0x2  }
0xc0: {  	s31 =	sshll.u32 s1, $0xD;
	s1 =	sshrl.u32 s1, $0x2  }
0xc1: {  	s3 =	sand.u32 $0x4000, s31;
	s1 =	sadd.s32 s1, s30  }
0xc2: {  	s0 =	sor.u32 s3, s0;
	s1 =	sshll.u32 s1, $0x11  }
0xc3: {  	s0 =	sor.u32 s1, s0  }
0xc4: {  	s0 =	sadd.s32 $0x8F2B, s0  }
0xc5: {  	[sflag:s0] =	ssyncadd.remote.s32 $0x1  }
0xc6: {  	_ =	sfence.sel $0xFFFF  }
0xc7: {  	[dreg:$0x0] =	wrdreg $0xFFFFFFFF;
	(pc) =	sbr.abs _section_cstart, $3  }
0xc8: {  	[dreg:$0x1] =	wrdreg $0xFFFFFFFF  }
0xc9: {  	_ =	task.clear_ibuf [dreg:s9], $0x2FFFF;
	_ =	strace $0x9FFFFFFF  }
0xca: {  	(tm) =	ssettm $0x7FFFFFFF  }
0xcb: {  	_ =	shalt  }
tec
execute0_lowered:
.L_overlay_start_1:
0x0: {  	(tag) =	ssettag $0x1  }
0x1: {  	s0 =	rddreg [dreg:$0x0]  }
0x2: {  	s4 =	rddreg [dreg:$0x1];
	s5 =	srdreg.scid  }
0x3: {  	s1 =	rddreg [dreg:$0x2];
	s7 =	sand.u32 $0x1, s5  }
0x4: {  	s2 =	rddreg [dreg:$0x3];
	s3 =	simm.s32 $0x0;
	s8 =	ssub.s32 $0x2, s7  }
0x5: {  	s24 =	stileid.u32;
	[smem:$0x7FF] =	sst s3;
	s9 =	sshrl.u32 s8, $0x1  }
0x6: {  	s12 =	sshll.u32 s24, $0xF;
	s8 =	ssub.s32 s8, s9;
	s9 =	sshll.u32 s24, $0xE  }
0x7: {  	_ =	strace $0x80000047;
	[dreg:$0x5] =	wrdreg s12;
	s25 =	sor.u32 $0x400, s9  }
0x8: {  	[smem:$0x7DB] =	sst s8;
	s10 =	sor.u32 $0x800, s9;
	s26 =	sadd.s32 s4, s25  }
0x9: {  	s5 =	sadd.s32 $0x1000, s0;
	s28 =	sadd.s32 s4, s10;
	[dreg:$0x6] =	wrdreg s26  }
0xa: {  	s7 =	sshll.u32 s7, $0xE;
	s30 =	sshll.u32 s25, $0x1;
	[dreg:$0x7] =	wrdreg s28  }
0xb: {  	s11 =	sor.u32 $0xC00, s9;
	s13 =	sshllo.u32 s25, $0x1;
	[smem:$0x7DC] =	sst s30  }
0xc: {  	s8 =	sor.u32 s7, s12;
	s14 =	sadd.s32 s4, s11;
	[smem:$0x7DD] =	sst s13  }
0xd: {  	s31 =	sor.u32 $0x3000, s9;
	s15 =	sshll.u32 s10, $0x1;
	[dreg:$0x8] =	wrdreg s14  }
0xe: {  	s16 =	sshllo.u32 s10, $0x1;
	s18 =	sshll.u32 s11, $0x1;
	[smem:$0x7DE] =	sst s15  }
0xf: {  	s19 =	sshllo.u32 s11, $0x1;
	s10 =	sadd.s32 s4, s31;
	[smem:$0x7DF] =	sst s16  }
0x10: {  	s11 =	sor.u32 $0x3400, s9;
	s14 =	sor.u32 $0x1000, s9;
	[smem:$0x7E0] =	sst s18  }
0x11: {  	s16 =	sor.u32 $0x1400, s9;
	[smem:$0x7E1] =	sst s19;
	s18 =	sor.u32 $0x1800, s9  }
0x12: {  	[dreg:$0x11] =	wrdreg s10;
	s13 =	sshll.u32 s11, $0x1;
	s17 =	sadd.s32 s4, s14  }
0x13: {  	s15 =	sor.u32 $0x3800, s9;
	s20 =	sadd.s32 s4, s16;
	[dreg:$0x9] =	wrdreg s17  }
0x14: {  	s21 =	sshll.u32 s14, $0x1;
	s22 =	sshllo.u32 s14, $0x1;
	[dreg:$0xa] =	wrdreg s20  }
0x15: {  	s23 =	sshllo.u32 s16, $0x1;
	s24 =	sadd.s32 s4, s18;
	[smem:$0x7E2] =	sst s21  }
0x16: {  	s14 =	sadd.s32 s4, s11;
	[smem:$0x7E6] =	sst s23;
	s23 =	sor.u32 $0x2000, s9  }
0x17: {  	[dreg:$0xb] =	wrdreg s24;
	s20 =	sor.u32 $0x1C00, s9;
	s26 =	sadd.s32 s4, s23  }
0x18: {  	s24 =	sor.u32 $0x2400, s9;
	[dreg:$0xd] =	wrdreg s26;
	s26 =	sor.u32 $0x2800, s9  }
0x19: {  	[dreg:$0x12] =	wrdreg s14;
	s14 =	sshllo.u32 s11, $0x1;
	s30 =	sadd.s32 s4, s26  }
0x1a: {  	s11 =	sadd.s32 s4, s15;
	[dreg:$0xf] =	wrdreg s30;
	s30 =	sor.u32 $0x2C00, s9  }
0x1b: {  	s25 =	sadd.s32 s4, s20;
	s28 =	sadd.s32 s4, s24;
	s7 =	sadd.s32 s4, s30  }
0x1c: {  	[dreg:$0x10] =	wrdreg s7;
	s7 =	sadd.s32 s4, s9;
	s9 =	sor.u32 $0x3C00, s9  }
0x1d: {  	[dreg:$0x14] =	wrdreg s11;
	s11 =	sshllo.u32 s15, $0x1;
	s4 =	sadd.s32 s4, s9  }
0x1e: {  	[dreg:$0x15] =	wrdreg s4;
	s4 =	sshll.u32 s15, $0x1;
	s15 =	sshrl.u32 s8, $0x3  }
0x1f: {  	s6 =	sadd.s32 $0x31000, s0;
	s0 =	sadd.s32 s5, s15;
	s15 =	sld [smem:$0x7DB]  }
0x20: {  	[smem:$0x7E3] =	sst s22  }
0x21: {  	s21 =	sshll.u32 s18, $0x1;
	[dreg:$0xc] =	wrdreg s25  }
0x22: {  	s18 =	sshllo.u32 s18, $0x1;
	[dreg:$0xe] =	wrdreg s28;
	s15 =	smax.u32 s15, $0x1  }
0x23: {  	s18 =	sadd.s32 s2, s18;
	[dreg:$0x17] =	wrdreg s15;
	s15 =	sor.u32 $0x1, s12  }
0x24: {  	[smem:$0x7E9] =	sst s18;
	s15 =	sadd.s32 s2, s15  }
0x25: {  	[dreg:$0x18] =	wrdreg s15  }
0x26: {  	s25 =	sshll.u32 s23, $0x1;
	s23 =	sshllo.u32 s23, $0x1;
	s15 =	sld [smem:$0x7DC]  }
0x27: {  	s29 =	sshll.u32 s26, $0x1;
	s26 =	sshllo.u32 s26, $0x1;
	s23 =	sadd.s32 s2, s23  }
0x28: {  	[smem:$0x7ED] =	sst s23;
	s18 =	sadd.s32 s2, s26;
	s12 =	stileid.u32  }
0x29: {  	p0 =	seq.s32 s12, $0xF;
	s12 =	sadd.s32 s15, s2;
	s15 =	sld [smem:$0x7DD]  }
0x2a: {  	[smem:$0x7F1] =	sst s18  }
0x2b: {  	[dreg:$0x19] =	wrdreg s12  }
0x2c: {  	s23 =	sadd.s32 s13, s2;
	s12 =	sadd.s32 s2, s15;
	s15 =	sld [smem:$0x7DE]  }
0x2d: {  	[smem:$0x7F6] =	sst s23  }
0x2e: {  	[dreg:$0x1a] =	wrdreg s12  }
0x2f: {  	s12 =	sadd.s32 s15, s2;
	s15 =	sld [smem:$0x7DF]  }
0x30: {  	[dreg:$0x13] =	wrdreg s7  }
0x31: {  	s10 =	sshll.u32 s9, $0x1;
	[dreg:$0x1b] =	wrdreg s12  }
0x32: {  	s26 =	sadd.s32 s10, s2;
	s12 =	sadd.s32 s2, s15;
	s15 =	sld [smem:$0x7E0]  }
0x33: {  	[smem:$0x7FA] =	sst s26  }
0x34: {  	[dreg:$0x1c] =	wrdreg s12  }
0x35: {  	s4 =	sadd.s32 s4, s2;
	s12 =	sadd.s32 s15, s2;
	s15 =	sld [smem:$0x7E1]  }
0x36: {  	[smem:$0x7F8] =	sst s4  }
0x37: {  	[dreg:$0x1d] =	wrdreg s12  }
0x38: {  	s12 =	sadd.s32 s2, s15;
	s15 =	sld [smem:$0x7E2]  }
0x39: {  	s19 =	sshll.u32 s16, $0x1;
	s16 =	sshll.u32 s31, $0x1;
	[dreg:$0x16] =	wrdreg s0  }
0x3a: {  	s31 =	sshllo.u32 s31, $0x1;
	s22 =	sshll.u32 s20, $0x1;
	[dreg:$0x1e] =	wrdreg s12  }
0x3b: {  	s0 =	sadd.s32 $0x40, s0;
	s12 =	sadd.s32 s15, s2;
	s15 =	sld [smem:$0x7E3]  }
0x3c: {  	s20 =	sshllo.u32 s20, $0x1;
	s28 =	sshll.u32 s24, $0x1;
	[smem:$0x7FD] =	sst s0  }
0x3d: {  	s24 =	sshllo.u32 s24, $0x1;
	s13 =	simm.s32 $0x80000;
	[dreg:$0x1f] =	wrdreg s12  }
0x3e: {  	s12 =	sadd.s32 s2, s15;
	s15 =	sadd.s32 s19, s2;
	s19 =	sld [smem:$0x7E6]  }
0x3f: {  	s17 =	sshll.u32 s30, $0x1;
	s30 =	sshllo.u32 s30, $0x1;
	[smem:$0x7E4] =	sst s12  }
0x40: {  	s18 =	simm.s32 $0xA000;
	[smem:$0x7E5] =	sst s15;
	s15 =	sadd.s32 s21, s2  }
0x41: {  	s9 =	sshllo.u32 s9, $0x1;
	s21 =	sadd.s32 s2, s20;
	[smem:$0x7E8] =	sst s15  }
0x42: {  	s10 =	simm.s32 $0x1;
	s20 =	sadd.s32 s2, s30;
	[smem:$0x7EB] =	sst s21  }
0x43: {  	s26 =	sor.u32 $0x600, s8;
	s30 =	sadd.s32 $0x4000, s7;
	[smem:$0x7F3] =	sst s20  }
0x44: {  	s4 =	sor.u32 $0x400, s8;
	s15 =	sadd.s32 s29, s2;
	[smem:$0x7FC] =	sst s30  }
0x45: {  	s0 =	simm.s32 $0x10;
	s21 =	sadd.s32 s16, s2;
	[smem:$0x7F0] =	sst s15  }
0x46: {  	v0 =	vimm.f32 $7.874015710e-03;
	s29 =	simm.s32 $0x3;
	s12 =	sadd.s32 s2, s19;
	[smem:$0x7F4] =	sst s21  }
0x47: {  	(erf) = vrcp.f32 v0;
	s16 =	simm.s32 $0x2000;
	s19 =	sadd.s32 s22, s2;
	[smem:$0x7E7] =	sst s12  }
0x48: {  	s20 =	simm.s32 $0x12200;
	s22 =	sadd.s32 s25, s2;
	[smem:$0x7EA] =	sst s19  }
0x49: {  	s25 =	sadd.s32 s28, s2;
	s28 =	sadd.s32 s2, s24;
	[smem:$0x7EC] =	sst s22  }
0x4a: {  	s24 =	sadd.s32 s2, s14;
	s14 =	simm.s32 $0x800;
	[smem:$0x7EE] =	sst s25  }
0x4b: {  	s15 =	simm.s32 $0x1000;
	[smem:$0x7EF] =	sst s28;
	s19 =	sadd.s32 s17, s2  }
.Ltmp0:
0x4c: {  	s22 =	sadd.s32 s2, s31;
	[smem:$0x7F7] =	sst s24;
	(pc) =	sbr.rel .LBB2_1-.Ltmp0, $4  }
0x4d: {  	v0 =	vlaneseq.u32;
	s25 =	sadd.s32 s2, s11;
	s28 =	sadd.s32 s2, s9;
	[smem:$0x7F2] =	sst s19  }
0x4e: {  	v0 =	vmul.u32 $0x10, v0;
	s31 =	simm.s32 $0x8;
	s11 =	simm.s32 $0x2;
	[smem:$0x7F5] =	sst s22  }
0x4f: {  	s12 =	simm.s32 $0x200;
	s17 =	simm.s32 $0x1800;
	[smem:$0x7F9] =	sst s25  }
0x50: {  	v2 =	vor.u32 $0x6000, v0;
	v3 =	vor.u32 $0x4000, v0;
	v4 =	vor.u32 $0x2000, v0;
	v1 =	vpop (erf);
	s9 =	simm.s32 $0x0;
	[smem:$0x7FB] =	sst s28;
	s19 =	simm.s32 $0x12000  }
.LBB2_18:
0x51: {  	s9 =	sld [smem:$0x7DA];
	_ =	sdelay $0x2  }
0x52: {  	s7 =	rddreg [dreg:$0x17];
	s9 =	sadd.s32 $0x1, s9  }
0x53: {  	p1 =	sne.s32 s9, s7  }
.Ltmp1:
0x54: {  	_ = 	snop;
	(pc) =	sbr.rel @!p1 .LBB2_19-.Ltmp1, $1  }
0x55: {  	_ =	sdelay $0x3  }
.LBB2_1:
0x56: {  	[smem:$0x7DA] =	sst s9  }
0x57: {  	s7 =	rddreg [dreg:$0x13];
	s21 =	simm.s32 $0x12800  }
0x58: {  	[tilespmem:s21], [sflag:$0x3] =	stream.linear.gather [hbm4b:s7+s3], $0x2000, $0x38;
	[tilespmem:$0x16810] =	vst v63  }
0x59: {  	_ =	swait.ge [sflag:s29], $0x2000  }
0x5a: {  	[sflag:s29] =	ssyncset.done $0x0  }
0x5b: {  	s22 =	simm.s32 $0x14800;
	s30 =	rddreg [dreg:$0x6];
	[sflag:s29] =	ssyncadd.s32 $0xFFFFE000  }
0x5c: {  	[tilespmem:s22], [sflag:$0x3] =	stream.linear.gather [hbm4b:s30+s3], $0x8, $0x38;
	[tilespmem:$0x16810] =	vst v63  }
0x5d: {  	_ =	swait.ge [sflag:s29], $0x8  }
0x5e: {  	[sflag:s29] =	ssyncset.done $0x0;
	s24 =	rddreg [dreg:$0x5]  }
0x5f: {  	[sflag:s29] =	ssyncadd.s32 $0xFFFFFFF8;
	s7 =	sadd.s32 s24, s2  }
0x60: {  	[hbm4b:s7+s31] =	stream.strided.scatter [tilespmem:s21], [sflag:$0x1], $0x2000, s0, s31, $0x38;
	[tilespmem:$0x16810] =	vst v63  }
0x61: {  	s23 =	simm.s32 $0x12808;
	s25 =	rddreg [dreg:$0x18]  }
0x62: {  	[hbm4b:s25+s31] =	stream.strided.scatter [tilespmem:s23], [sflag:$0x1], $0x2000, s0, s31, $0x38;
	[tilespmem:$0x16810] =	vst v63  }
0x63: {  	s24 =	simm.s32 $0x14808  }
0x64: {  	[tilespmem:s24], [sflag:$0x3] =	stream.linear.gather [hbm4b:s30+s3], $0x2000, $0x38;
	[tilespmem:$0x16810] =	vst v63  }
0x65: {  	_ =	swait.ge [sflag:s29], $0x2000  }
0x66: {  	[sflag:s29] =	ssyncset.done $0x0  }
0x67: {  	s25 =	simm.s32 $0x16808;
	s7 =	rddreg [dreg:$0x7];
	[sflag:s29] =	ssyncadd.s32 $0xFFFFE000  }
0x68: {  	[tilespmem:s25], [sflag:$0x3] =	stream.linear.gather [hbm4b:s7+s3], $0x8, $0x38;
	[tilespmem:$0x16810] =	vst v63  }
0x69: {  	_ =	swait.ge [sflag:s29], $0x8  }
0x6a: {  	[sflag:s29] =	ssyncset.done $0x0  }
0x6b: {  	s28 =	rddreg [dreg:$0x19];
	[sflag:s29] =	ssyncadd.s32 $0xFFFFFFF8  }
0x6c: {  	[hbm4b:s28+s31] =	stream.strided.scatter [tilespmem:s24], [sflag:$0x2], $0x2000, s0, s31, $0x38;
	[tilespmem:$0x16810] =	vst v63  }
0x6d: {  	s30 =	rddreg [dreg:$0x1a];
	s28 =	simm.s32 $0x14810  }
0x6e: {  	[hbm4b:s30+s31] =	stream.strided.scatter [tilespmem:s28], [sflag:$0x2], $0x2000, s0, s31, $0x38;
	[tilespmem:$0x16810] =	vst v63  }
0x6f: {  	_ =	swait.ge [sflag:s10], $0x2000  }
0x70: {  	[sflag:s10] =	ssyncset.done $0x0  }
0x71: {  	[sflag:s10] =	ssyncadd.s32 $0xFFFFE000  }
0x72: {  	_ =	swait.ge [sflag:s10], $0x2000  }
0x73: {  	[sflag:s10] =	ssyncset.done $0x0  }
0x74: {  	[sflag:s10] =	ssyncadd.s32 $0xFFFFE000  }
0x75: {  	[tilespmem:s21], [sflag:$0x3] =	stream.linear.gather [hbm4b:s7+s3], $0x2000, $0x38;
	[tilespmem:$0x16810] =	vst v63  }
0x76: {  	_ =	swait.ge [sflag:s29], $0x2000  }
0x77: {  	[sflag:s29] =	ssyncset.done $0x0  }
0x78: {  	s7 =	rddreg [dreg:$0x8];
	[sflag:s29] =	ssyncadd.s32 $0xFFFFE000  }
0x79: {  	[tilespmem:s22], [sflag:$0x3] =	stream.linear.gather [hbm4b:s7+s3], $0x8, $0x38;
	[tilespmem:$0x16810] =	vst v63  }
0x7a: {  	_ =	swait.ge [sflag:s29], $0x8  }
0x7b: {  	[sflag:s29] =	ssyncset.done $0x0  }
0x7c: {  	s30 =	rddreg [dreg:$0x1b];
	[sflag:s29] =	ssyncadd.s32 $0xFFFFFFF8  }
0x7d: {  	[hbm4b:s30+s31] =	stream.strided.scatter [tilespmem:s21], [sflag:$0x1], $0x2000, s0, s31, $0x38;
	[tilespmem:$0x16810] =	vst v63  }
0x7e: {  	s30 =	rddreg [dreg:$0x1c]  }
0x7f: {  	[hbm4b:s30+s31] =	stream.strided.scatter [tilespmem:s23], [sflag:$0x1], $0x2000, s0, s31, $0x38;
	[tilespmem:$0x16810] =	vst v63  }
0x80: {  	_ =	swait.ge [sflag:s11], $0x2000  }
0x81: {  	[sflag:s11] =	ssyncset.done $0x0  }
0x82: {  	[sflag:s11] =	ssyncadd.s32 $0xFFFFE000  }
0x83: {  	_ =	swait.ge [sflag:s11], $0x2000  }
0x84: {  	[sflag:s11] =	ssyncset.done $0x0  }
0x85: {  	[sflag:s11] =	ssyncadd.s32 $0xFFFFE000  }
0x86: {  	[tilespmem:s24], [sflag:$0x3] =	stream.linear.gather [hbm4b:s7+s3], $0x2000, $0x38;
	[tilespmem:$0x16810] =	vst v63  }
0x87: {  	_ =	swait.ge [sflag:s29], $0x2000  }
0x88: {  	[sflag:s29] =	ssyncset.done $0x0  }
0x89: {  	s7 =	rddreg [dreg:$0x9];
	[sflag:s29] =	ssyncadd.s32 $0xFFFFE000  }
0x8a: {  	[tilespmem:s25], [sflag:$0x3] =	stream.linear.gather [hbm4b:s7+s3], $0x8, $0x38;
	[tilespmem:$0x16810] =	vst v63  }
0x8b: {  	_ =	swait.ge [sflag:s29], $0x8  }
0x8c: {  	[sflag:s29] =	ssyncset.done $0x0  }
0x8d: {  	s30 =	rddreg [dreg:$0x1d];
	[sflag:s29] =	ssyncadd.s32 $0xFFFFFFF8  }
0x8e: {  	[hbm4b:s30+s31] =	stream.strided.scatter [tilespmem:s24], [sflag:$0x2], $0x2000, s0, s31, $0x38;
	[tilespmem:$0x16810] =	vst v63  }
0x8f: {  	s30 =	rddreg [dreg:$0x1e]  }
0x90: {  	[hbm4b:s30+s31] =	stream.strided.scatter [tilespmem:s28], [sflag:$0x2], $0x2000, s0, s31, $0x38;
	[tilespmem:$0x16810] =	vst v63  }
0x91: {  	_ =	swait.ge [sflag:s10], $0x2000  }
0x92: {  	[sflag:s10] =	ssyncset.done $0x0  }
0x93: {  	[sflag:s10] =	ssyncadd.s32 $0xFFFFE000  }
0x94: {  	_ =	swait.ge [sflag:s10], $0x2000  }
0x95: {  	[sflag:s10] =	ssyncset.done $0x0  }
0x96: {  	[sflag:s10] =	ssyncadd.s32 $0xFFFFE000  }
0x97: {  	[tilespmem:s21], [sflag:$0x3] =	stream.linear.gather [hbm4b:s7+s3], $0x2000, $0x38;
	[tilespmem:$0x16810] =	vst v63  }
0x98: {  	_ =	swait.ge [sflag:s29], $0x2000  }
0x99: {  	[sflag:s29] =	ssyncset.done $0x0  }
0x9a: {  	s7 =	rddreg [dreg:$0xa];
	[sflag:s29] =	ssyncadd.s32 $0xFFFFE000  }
0x9b: {  	[tilespmem:s22], [sflag:$0x3] =	stream.linear.gather [hbm4b:s7+s3], $0x8, $0x38;
	[tilespmem:$0x16810] =	vst v63  }
0x9c: {  	_ =	swait.ge [sflag:s29], $0x8  }
0x9d: {  	[sflag:s29] =	ssyncset.done $0x0  }
0x9e: {  	s30 =	rddreg [dreg:$0x1f];
	[sflag:s29] =	ssyncadd.s32 $0xFFFFFFF8  }
0x9f: {  	[hbm4b:s30+s31] =	stream.strided.scatter [tilespmem:s21], [sflag:$0x1], $0x2000, s0, s31, $0x38;
	[tilespmem:$0x16810] =	vst v63  }
0xa0: {  	s30 =	sld [smem:$0x7E4];
	_ =	sdelay $0x2  }
0xa1: {  	[hbm4b:s30+s31] =	stream.strided.scatter [tilespmem:s23], [sflag:$0x1], $0x2000, s0, s31, $0x38;
	[tilespmem:$0x16810] =	vst v63  }
0xa2: {  	_ =	swait.ge [sflag:s11], $0x2000  }
0xa3: {  	[sflag:s11] =	ssyncset.done $0x0  }
0xa4: {  	[sflag:s11] =	ssyncadd.s32 $0xFFFFE000  }
0xa5: {  	_ =	swait.ge [sflag:s11], $0x2000  }
0xa6: {  	[sflag:s11] =	ssyncset.done $0x0  }
0xa7: {  	[sflag:s11] =	ssyncadd.s32 $0xFFFFE000  }
0xa8: {  	[tilespmem:s24], [sflag:$0x3] =	stream.linear.gather [hbm4b:s7+s3], $0x2000, $0x38;
	[tilespmem:$0x16810] =	vst v63  }
0xa9: {  	_ =	swait.ge [sflag:s29], $0x2000  }
0xaa: {  	[sflag:s29] =	ssyncset.done $0x0  }
0xab: {  	s7 =	rddreg [dreg:$0xb];
	[sflag:s29] =	ssyncadd.s32 $0xFFFFE000  }
0xac: {  	[tilespmem:s25], [sflag:$0x3] =	stream.linear.gather [hbm4b:s7+s3], $0x8, $0x38;
	[tilespmem:$0x16810] =	vst v63  }
0xad: {  	_ =	swait.ge [sflag:s29], $0x8  }
0xae: {  	s30 =	sld [smem:$0x7E5]  }
0xaf: {  	[sflag:s29] =	ssyncset.done $0x0  }
0xb0: {  	[sflag:s29] =	ssyncadd.s32 $0xFFFFFFF8  }
0xb1: {  	[hbm4b:s30+s31] =	stream.strided.scatter [tilespmem:s24], [sflag:$0x2], $0x2000, s0, s31, $0x38;
	[tilespmem:$0x16810] =	vst v63  }
0xb2: {  	s30 =	sld [smem:$0x7E7];
	_ =	sdelay $0x2  }
0xb3: {  	[hbm4b:s30+s31] =	stream.strided.scatter [tilespmem:s28], [sflag:$0x2], $0x2000, s0, s31, $0x38;
	[tilespmem:$0x16810] =	vst v63  }
0xb4: {  	_ =	swait.ge [sflag:s10], $0x2000  }
0xb5: {  	[sflag:s10] =	ssyncset.done $0x0  }
0xb6: {  	[sflag:s10] =	ssyncadd.s32 $0xFFFFE000  }
0xb7: {  	_ =	swait.ge [sflag:s10], $0x2000  }
0xb8: {  	[sflag:s10] =	ssyncset.done $0x0  }
0xb9: {  	[sflag:s10] =	ssyncadd.s32 $0xFFFFE000  }
0xba: {  	[tilespmem:s21], [sflag:$0x3] =	stream.linear.gather [hbm4b:s7+s3], $0x2000, $0x38;
	[tilespmem:$0x16810] =	vst v63  }
0xbb: {  	_ =	swait.ge [sflag:s29], $0x2000  }
0xbc: {  	[sflag:s29] =	ssyncset.done $0x0  }
0xbd: {  	s7 =	rddreg [dreg:$0xc];
	[sflag:s29] =	ssyncadd.s32 $0xFFFFE000  }
0xbe: {  	[tilespmem:s22], [sflag:$0x3] =	stream.linear.gather [hbm4b:s7+s3], $0x8, $0x38;
	[tilespmem:$0x16810] =	vst v63  }
0xbf: {  	_ =	swait.ge [sflag:s29], $0x8  }
0xc0: {  	s30 =	sld [smem:$0x7E8]  }
0xc1: {  	[sflag:s29] =	ssyncset.done $0x0  }
0xc2: {  	[sflag:s29] =	ssyncadd.s32 $0xFFFFFFF8  }
0xc3: {  	[hbm4b:s30+s31] =	stream.strided.scatter [tilespmem:s21], [sflag:$0x1], $0x2000, s0, s31, $0x38;
	[tilespmem:$0x16810] =	vst v63  }
0xc4: {  	s30 =	sld [smem:$0x7E9];
	_ =	sdelay $0x2  }
0xc5: {  	[hbm4b:s30+s31] =	stream.strided.scatter [tilespmem:s23], [sflag:$0x1], $0x2000, s0, s31, $0x38;
	[tilespmem:$0x16810] =	vst v63  }
0xc6: {  	_ =	swait.ge [sflag:s11], $0x2000  }
0xc7: {  	[sflag:s11] =	ssyncset.done $0x0  }
0xc8: {  	[sflag:s11] =	ssyncadd.s32 $0xFFFFE000  }
0xc9: {  	_ =	swait.ge [sflag:s11], $0x2000  }
0xca: {  	[sflag:s11] =	ssyncset.done $0x0  }
0xcb: {  	[sflag:s11] =	ssyncadd.s32 $0xFFFFE000  }
0xcc: {  	[tilespmem:s24], [sflag:$0x3] =	stream.linear.gather [hbm4b:s7+s3], $0x2000, $0x38;
	[tilespmem:$0x16810] =	vst v63  }
0xcd: {  	_ =	swait.ge [sflag:s29], $0x2000  }
0xce: {  	[sflag:s29] =	ssyncset.done $0x0  }
0xcf: {  	s7 =	rddreg [dreg:$0xd];
	[sflag:s29] =	ssyncadd.s32 $0xFFFFE000  }
0xd0: {  	[tilespmem:s25], [sflag:$0x3] =	stream.linear.gather [hbm4b:s7+s3], $0x8, $0x38;
	[tilespmem:$0x16810] =	vst v63  }
0xd1: {  	_ =	swait.ge [sflag:s29], $0x8  }
0xd2: {  	s30 =	sld [smem:$0x7EA]  }
0xd3: {  	[sflag:s29] =	ssyncset.done $0x0  }
0xd4: {  	[sflag:s29] =	ssyncadd.s32 $0xFFFFFFF8  }
0xd5: {  	[hbm4b:s30+s31] =	stream.strided.scatter [tilespmem:s24], [sflag:$0x2], $0x2000, s0, s31, $0x38;
	[tilespmem:$0x16810] =	vst v63  }
0xd6: {  	s30 =	sld [smem:$0x7EB];
	_ =	sdelay $0x2  }
0xd7: {  	[hbm4b:s30+s31] =	stream.strided.scatter [tilespmem:s28], [sflag:$0x2], $0x2000, s0, s31, $0x38;
	[tilespmem:$0x16810] =	vst v63  }
0xd8: {  	_ =	swait.ge [sflag:s10], $0x2000  }
0xd9: {  	[sflag:s10] =	ssyncset.done $0x0  }
0xda: {  	[sflag:s10] =	ssyncadd.s32 $0xFFFFE000  }
0xdb: {  	_ =	swait.ge [sflag:s10], $0x2000  }
0xdc: {  	[sflag:s10] =	ssyncset.done $0x0  }
0xdd: {  	[sflag:s10] =	ssyncadd.s32 $0xFFFFE000  }
0xde: {  	[tilespmem:s21], [sflag:$0x3] =	stream.linear.gather [hbm4b:s7+s3], $0x2000, $0x38;
	[tilespmem:$0x16810] =	vst v63  }
0xdf: {  	_ =	swait.ge [sflag:s29], $0x2000  }
0xe0: {  	[sflag:s29] =	ssyncset.done $0x0  }
0xe1: {  	s7 =	rddreg [dreg:$0xe];
	[sflag:s29] =	ssyncadd.s32 $0xFFFFE000  }
0xe2: {  	[tilespmem:s22], [sflag:$0x3] =	stream.linear.gather [hbm4b:s7+s3], $0x8, $0x38;
	[tilespmem:$0x16810] =	vst v63  }
0xe3: {  	_ =	swait.ge [sflag:s29], $0x8  }
0xe4: {  	s30 =	sld [smem:$0x7EC]  }
0xe5: {  	[sflag:s29] =	ssyncset.done $0x0  }
0xe6: {  	[sflag:s29] =	ssyncadd.s32 $0xFFFFFFF8  }
0xe7: {  	[hbm4b:s30+s31] =	stream.strided.scatter [tilespmem:s21], [sflag:$0x1], $0x2000, s0, s31, $0x38;
	[tilespmem:$0x16810] =	vst v63  }
0xe8: {  	s30 =	sld [smem:$0x7ED];
	_ =	sdelay $0x2  }
0xe9: {  	[hbm4b:s30+s31] =	stream.strided.scatter [tilespmem:s23], [sflag:$0x1], $0x2000, s0, s31, $0x38;
	[tilespmem:$0x16810] =	vst v63  }
0xea: {  	_ =	swait.ge [sflag:s11], $0x2000  }
0xeb: {  	[sflag:s11] =	ssyncset.done $0x0  }
0xec: {  	[sflag:s11] =	ssyncadd.s32 $0xFFFFE000  }
0xed: {  	_ =	swait.ge [sflag:s11], $0x2000  }
0xee: {  	[sflag:s11] =	ssyncset.done $0x0  }
0xef: {  	[sflag:s11] =	ssyncadd.s32 $0xFFFFE000  }
0xf0: {  	[tilespmem:s24], [sflag:$0x3] =	stream.linear.gather [hbm4b:s7+s3], $0x2000, $0x38;
	[tilespmem:$0x16810] =	vst v63  }
0xf1: {  	_ =	swait.ge [sflag:s29], $0x2000  }
0xf2: {  	[sflag:s29] =	ssyncset.done $0x0  }
0xf3: {  	s7 =	rddreg [dreg:$0xf];
	[sflag:s29] =	ssyncadd.s32 $0xFFFFE000  }
0xf4: {  	[tilespmem:s25], [sflag:$0x3] =	stream.linear.gather [hbm4b:s7+s3], $0x8, $0x38;
	[tilespmem:$0x16810] =	vst v63  }
0xf5: {  	_ =	swait.ge [sflag:s29], $0x8  }
0xf6: {  	s30 =	sld [smem:$0x7EE]  }
0xf7: {  	[sflag:s29] =	ssyncset.done $0x0  }
0xf8: {  	[sflag:s29] =	ssyncadd.s32 $0xFFFFFFF8  }
0xf9: {  	[hbm4b:s30+s31] =	stream.strided.scatter [tilespmem:s24], [sflag:$0x2], $0x2000, s0, s31, $0x38;
	[tilespmem:$0x16810] =	vst v63  }
0xfa: {  	s30 =	sld [smem:$0x7EF];
	_ =	sdelay $0x2  }
0xfb: {  	[hbm4b:s30+s31] =	stream.strided.scatter [tilespmem:s28], [sflag:$0x2], $0x2000, s0, s31, $0x38;
	[tilespmem:$0x16810] =	vst v63  }
0xfc: {  	_ =	swait.ge [sflag:s10], $0x2000  }
0xfd: {  	[sflag:s10] =	ssyncset.done $0x0  }
0xfe: {  	[sflag:s10] =	ssyncadd.s32 $0xFFFFE000  }
0xff: {  	_ =	swait.ge [sflag:s10], $0x2000  }
0x100: {  	[sflag:s10] =	ssyncset.done $0x0  }
0x101: {  	[sflag:s10] =	ssyncadd.s32 $0xFFFFE000  }
0x102: {  	[tilespmem:s21], [sflag:$0x3] =	stream.linear.gather [hbm4b:s7+s3], $0x2000, $0x38;
	[tilespmem:$0x16810] =	vst v63  }
0x103: {  	_ =	swait.ge [sflag:s29], $0x2000  }
0x104: {  	[sflag:s29] =	ssyncset.done $0x0  }
0x105: {  	s7 =	rddreg [dreg:$0x10];
	[sflag:s29] =	ssyncadd.s32 $0xFFFFE000  }
0x106: {  	[tilespmem:s22], [sflag:$0x3] =	stream.linear.gather [hbm4b:s7+s3], $0x8, $0x38;
	[tilespmem:$0x16810] =	vst v63  }
0x107: {  	_ =	swait.ge [sflag:s29], $0x8  }
0x108: {  	s30 =	sld [smem:$0x7F0]  }
0x109: {  	[sflag:s29] =	ssyncset.done $0x0  }
0x10a: {  	[sflag:s29] =	ssyncadd.s32 $0xFFFFFFF8  }
0x10b: {  	[hbm4b:s30+s31] =	stream.strided.scatter [tilespmem:s21], [sflag:$0x1], $0x2000, s0, s31, $0x38;
	[tilespmem:$0x16810] =	vst v63  }
0x10c: {  	s30 =	sld [smem:$0x7F1];
	_ =	sdelay $0x2  }
0x10d: {  	[hbm4b:s30+s31] =	stream.strided.scatter [tilespmem:s23], [sflag:$0x1], $0x2000, s0, s31, $0x38;
	[tilespmem:$0x16810] =	vst v63  }
0x10e: {  	_ =	swait.ge [sflag:s11], $0x2000  }
0x10f: {  	[sflag:s11] =	ssyncset.done $0x0  }
0x110: {  	[sflag:s11] =	ssyncadd.s32 $0xFFFFE000  }
0x111: {  	_ =	swait.ge [sflag:s11], $0x2000  }
0x112: {  	[sflag:s11] =	ssyncset.done $0x0  }
0x113: {  	[sflag:s11] =	ssyncadd.s32 $0xFFFFE000  }
0x114: {  	[tilespmem:s24], [sflag:$0x3] =	stream.linear.gather [hbm4b:s7+s3], $0x2000, $0x38;
	[tilespmem:$0x16810] =	vst v63  }
0x115: {  	_ =	swait.ge [sflag:s29], $0x2000  }
0x116: {  	[sflag:s29] =	ssyncset.done $0x0  }
0x117: {  	s7 =	rddreg [dreg:$0x11];
	[sflag:s29] =	ssyncadd.s32 $0xFFFFE000  }
0x118: {  	[tilespmem:s25], [sflag:$0x3] =	stream.linear.gather [hbm4b:s7+s3], $0x8, $0x38;
	[tilespmem:$0x16810] =	vst v63  }
0x119: {  	_ =	swait.ge [sflag:s29], $0x8  }
0x11a: {  	s30 =	sld [smem:$0x7F2]  }
0x11b: {  	[sflag:s29] =	ssyncset.done $0x0  }
0x11c: {  	[sflag:s29] =	ssyncadd.s32 $0xFFFFFFF8  }
0x11d: {  	[hbm4b:s30+s31] =	stream.strided.scatter [tilespmem:s24], [sflag:$0x2], $0x2000, s0, s31, $0x38;
	[tilespmem:$0x16810] =	vst v63  }
0x11e: {  	s30 =	sld [smem:$0x7F3];
	_ =	sdelay $0x2  }
0x11f: {  	[hbm4b:s30+s31] =	stream.strided.scatter [tilespmem:s28], [sflag:$0x2], $0x2000, s0, s31, $0x38;
	[tilespmem:$0x16810] =	vst v63  }
0x120: {  	_ =	swait.ge [sflag:s10], $0x2000  }
0x121: {  	[sflag:s10] =	ssyncset.done $0x0  }
0x122: {  	[sflag:s10] =	ssyncadd.s32 $0xFFFFE000  }
0x123: {  	_ =	swait.ge [sflag:s10], $0x2000  }
0x124: {  	[sflag:s10] =	ssyncset.done $0x0  }
0x125: {  	[sflag:s10] =	ssyncadd.s32 $0xFFFFE000  }
0x126: {  	[tilespmem:s21], [sflag:$0x3] =	stream.linear.gather [hbm4b:s7+s3], $0x2000, $0x38;
	[tilespmem:$0x16810] =	vst v63  }
0x127: {  	_ =	swait.ge [sflag:s29], $0x2000  }
0x128: {  	[sflag:s29] =	ssyncset.done $0x0  }
0x129: {  	s7 =	rddreg [dreg:$0x12];
	[sflag:s29] =	ssyncadd.s32 $0xFFFFE000  }
0x12a: {  	[tilespmem:s22], [sflag:$0x3] =	stream.linear.gather [hbm4b:s7+s3], $0x8, $0x38;
	[tilespmem:$0x16810] =	vst v63  }
0x12b: {  	_ =	swait.ge [sflag:s29], $0x8  }
0x12c: {  	s30 =	sld [smem:$0x7F4]  }
0x12d: {  	[sflag:s29] =	ssyncset.done $0x0  }
0x12e: {  	[sflag:s29] =	ssyncadd.s32 $0xFFFFFFF8  }
0x12f: {  	[hbm4b:s30+s31] =	stream.strided.scatter [tilespmem:s21], [sflag:$0x1], $0x2000, s0, s31, $0x38;
	[tilespmem:$0x16810] =	vst v63  }
0x130: {  	s30 =	sld [smem:$0x7F5];
	_ =	sdelay $0x2  }
0x131: {  	[hbm4b:s30+s31] =	stream.strided.scatter [tilespmem:s23], [sflag:$0x1], $0x2000, s0, s31, $0x38;
	[tilespmem:$0x16810] =	vst v63  }
0x132: {  	_ =	swait.ge [sflag:s11], $0x2000  }
0x133: {  	[sflag:s11] =	ssyncset.done $0x0  }
0x134: {  	[sflag:s11] =	ssyncadd.s32 $0xFFFFE000  }
0x135: {  	_ =	swait.ge [sflag:s11], $0x2000  }
0x136: {  	[sflag:s11] =	ssyncset.done $0x0  }
0x137: {  	[sflag:s11] =	ssyncadd.s32 $0xFFFFE000  }
0x138: {  	[tilespmem:s24], [sflag:$0x3] =	stream.linear.gather [hbm4b:s7+s3], $0x2000, $0x38;
	[tilespmem:$0x16810] =	vst v63  }
0x139: {  	_ =	swait.ge [sflag:s29], $0x2000  }
0x13a: {  	[sflag:s29] =	ssyncset.done $0x0  }
0x13b: {  	s7 =	rddreg [dreg:$0x14];
	[sflag:s29] =	ssyncadd.s32 $0xFFFFE000  }
0x13c: {  	[tilespmem:s25], [sflag:$0x3] =	stream.linear.gather [hbm4b:s7+s3], $0x8, $0x38;
	[tilespmem:$0x16810] =	vst v63  }
0x13d: {  	_ =	swait.ge [sflag:s29], $0x8  }
0x13e: {  	s25 =	sld [smem:$0x7F6]  }
0x13f: {  	[sflag:s29] =	ssyncset.done $0x0  }
0x140: {  	s30 =	sld [smem:$0x7F7];
	[sflag:s29] =	ssyncadd.s32 $0xFFFFFFF8  }
0x141: {  	[hbm4b:s25+s31] =	stream.strided.scatter [tilespmem:s24], [sflag:$0x2], $0x2000, s0, s31, $0x38;
	[tilespmem:$0x16810] =	vst v63  }
0x142: {  	_ = 	snop  }
0x143: {  	[hbm4b:s30+s31] =	stream.strided.scatter [tilespmem:s28], [sflag:$0x2], $0x2000, s0, s31, $0x38;
	[tilespmem:$0x16810] =	vst v63  }
0x144: {  	_ =	swait.ge [sflag:s10], $0x2000  }
0x145: {  	[sflag:s10] =	ssyncset.done $0x0  }
0x146: {  	[sflag:s10] =	ssyncadd.s32 $0xFFFFE000  }
0x147: {  	_ =	swait.ge [sflag:s10], $0x2000  }
0x148: {  	[sflag:s10] =	ssyncset.done $0x0  }
0x149: {  	[sflag:s10] =	ssyncadd.s32 $0xFFFFE000  }
0x14a: {  	[tilespmem:s21], [sflag:$0x3] =	stream.linear.gather [hbm4b:s7+s3], $0x2000, $0x38;
	[tilespmem:$0x16810] =	vst v63  }
0x14b: {  	_ =	swait.ge [sflag:s29], $0x2000  }
0x14c: {  	[sflag:s29] =	ssyncset.done $0x0  }
0x14d: {  	s25 =	rddreg [dreg:$0x15];
	[sflag:s29] =	ssyncadd.s32 $0xFFFFE000  }
0x14e: {  	[tilespmem:s22], [sflag:$0x3] =	stream.linear.gather [hbm4b:s25+s3], $0x8, $0x38;
	[tilespmem:$0x16810] =	vst v63  }
0x14f: {  	_ =	swait.ge [sflag:s29], $0x8  }
0x150: {  	s30 =	sld [smem:$0x7F8]  }
0x151: {  	[sflag:s29] =	ssyncset.done $0x0  }
0x152: {  	s22 =	sld [smem:$0x7F9];
	[sflag:s29] =	ssyncadd.s32 $0xFFFFFFF8  }
0x153: {  	[hbm4b:s30+s31] =	stream.strided.scatter [tilespmem:s21], [sflag:$0x1], $0x2000, s0, s31, $0x38;
	[tilespmem:$0x16810] =	vst v63  }
0x154: {  	_ = 	snop  }
0x155: {  	[hbm4b:s22+s31] =	stream.strided.scatter [tilespmem:s23], [sflag:$0x1], $0x2000, s0, s31, $0x38;
	[tilespmem:$0x16810] =	vst v63  }
0x156: {  	_ =	swait.ge [sflag:s11], $0x2000  }
0x157: {  	[sflag:s11] =	ssyncset.done $0x0  }
0x158: {  	[sflag:s11] =	ssyncadd.s32 $0xFFFFE000  }
0x159: {  	_ =	swait.ge [sflag:s11], $0x2000  }
0x15a: {  	[sflag:s11] =	ssyncset.done $0x0  }
0x15b: {  	[sflag:s11] =	ssyncadd.s32 $0xFFFFE000  }
0x15c: {  	[tilespmem:s24], [sflag:$0x3] =	stream.linear.gather [hbm4b:s25+s3], $0x2000, $0x38;
	[tilespmem:$0x16810] =	vst v63  }
0x15d: {  	_ =	swait.ge [sflag:s29], $0x2000  }
0x15e: {  	s21 =	sld [smem:$0x7FC]  }
0x15f: {  	[sflag:s29] =	ssyncset.done $0x0  }
0x160: {  	s9 =	simm.s32 @!p0 $0x16808;
	s7 =	simm.s32 @!p0 $0x0;
	[sflag:s29] =	ssyncadd.s32 $0xFFFFE000  }
0x161: {  	[tilespmem:s9], [sflag:$0x3] =	stream.linear.gather @!p0 [hbm4b:s21+s7], $0x8, $0x38;
	[tilespmem:$0x16810] =	vst v63  }
0x162: {  	s7 =	simm.s32 @!p0 $0x3  }
0x163: {  	_ =	swait.ge @!p0 [sflag:s7], $0x8  }
0x164: {  	s23 =	sld [smem:$0x7FA]  }
0x165: {  	[sflag:s7] =	ssyncset.done @!p0 $0x0  }
0x166: {  	s25 =	sld [smem:$0x7FB];
	[sflag:s7] =	ssyncadd.s32 @!p0 $0xFFFFFFF8  }
0x167: {  	[hbm4b:s23+s31] =	stream.strided.scatter [tilespmem:s24], [sflag:$0x2], $0x2000, s0, s31, $0x38;
	[tilespmem:$0x16810] =	vst v63  }
0x168: {  	_ = 	snop  }
0x169: {  	[hbm4b:s25+s31] =	stream.strided.scatter [tilespmem:s28], [sflag:$0x2], $0x2000, s0, s31, $0x38;
	[tilespmem:$0x16810] =	vst v63  }
0x16a: {  	_ =	swait.ge [sflag:s10], $0x2000  }
0x16b: {  	[sflag:s10] =	ssyncset.done $0x0  }
0x16c: {  	[sflag:s10] =	ssyncadd.s32 $0xFFFFE000  }
0x16d: {  	_ =	swait.ge [sflag:s10], $0x2000  }
0x16e: {  	[sflag:s10] =	ssyncset.done $0x0  }
0x16f: {  	[sflag:s10] =	ssyncadd.s32 $0xFFFFE000  }
0x170: {  	_ =	swait.ge [sflag:s11], $0x2000  }
0x171: {  	[sflag:s11] =	ssyncset.done $0x0  }
0x172: {  	[sflag:s11] =	ssyncadd.s32 $0xFFFFE000  }
0x173: {  	_ =	swait.ge [sflag:s11], $0x2000  }
0x174: {  	[sflag:s11] =	ssyncset.done $0x0  }
0x175: {  	[sflag:s11] =	ssyncadd.s32 $0xFFFFE000  }
0x176: {  	[bflag:$0x0] =	sbarrier.arrive $0xFFFF  }
0x177: {  	s30 =	rddreg [dreg:$0x16]  }
0x178: {  	[tilespmem:s3], [sflag:$0x3] =	stream.strided.gather [hbm4b:s30+s12], $0x600, s13, s12, $0x38;
	[tilespmem:$0x16810] =	vst v63  }
0x179: {  	_ =	swait.ge [sflag:s29], $0x600  }
0x17a: {  	[sflag:s29] =	ssyncset.done $0x0  }
0x17b: {  	s9 =	simm.s32 $0x400;
	[sflag:s29] =	ssyncadd.s32 $0xFFFFFA00  }
0x17c: {  	v5 =	vld [tilespmem:s9+$0xFFFFFC00]  }
0x17d: {  	v6 =	vld [tilespmem:s9+$0xFFFFFE00]  }
0x17e: {  	v7 =	vld [tilespmem:s9+$0x0];
	_ =	sdelay $0x3  }
0x17f: {  	v5 =	vmax.f32 v5, $0.0e+00;
	v6 =	vmax.f32 v6, $0.0e+00  }
0x180: {  	v7 =	vmax.f32 v7, $0.0e+00;
	v5 =	vmin.f32 v5, $1.000000000e+00;
	v6 =	vmin.f32 v6, $1.000000000e+00  }
0x181: {  	v7 =	vmin.f32 v7, $1.000000000e+00;
	v11 =	vmul.f32 v5, v1;
	v6 =	vmul.f32 v6, v1  }
0x182: {  	v5 =	vmul.f32 v7, v1  }
0x183: {  	s7 =	simm.s32 $0x410;
	v7 =	vtrunc.f32 v11;
	v8 =	vtrunc.f32 v6  }
0x184: {  	v9 =	vld [tilespmem:s7+$0x0];
	v7 =	vcvt.f32.s32 v7;
	v8 =	vcvt.f32.s32 v8  }
0x185: {  	v10 =	vld [tilespmem:s7+$0xFFFFFC00];
	v12 =	vtrunc.f32 v5  }
0x186: {  	v13 =	vld [tilespmem:s7+$0xFFFFFE00];
	v12 =	vcvt.f32.s32 v12;
	vm0 =	vlt.s32 v7, $0x7E;
	vm1 =	vlt.s32 v8, $0x7E  }
0x187: {  	v7 =	vnsel vm0, $0x7E, v7;
	v14 =	vnsel vm1, $0x7E, v8  }
0x188: {  	vm15 =	vlt.s32 v12, $0x7E;
	v15 =	vshll.u32 v7, $0xE;
	v16 =	vshll.u32 v14, $0x7  }
0x189: {  	v8 =	vnsel vm15, $0x7E, v12;
	v17 =	vcvt.s32.f32 v7;
	v7 =	vadd.s32 v15, v16  }
0x18a: {  	v10 =	vmax.f32 v10, $0.0e+00;
	v9 =	vmax.f32 v9, $0.0e+00;
	v7 =	vadd.s32 v8, v7  }
0x18b: {  	s21 =	simm.s32 $0x1400;
	v12 =	vmax.f32 v13, $0.0e+00;
	v15 =	vand.u32 $0x7, v8;
	v13 =	vshra.s32 v7, $0x3  }
0x18c: {  	v7 =	vmin.f32 v10, $1.000000000e+00;
	v10 =	vmin.f32 v12, $1.000000000e+00;
	[tilespmem:s21+$0xFFFFFC00] =	vst v13;
	v12 =	vadd.s32 $0x10, v13  }
0x18d: {  	v9 =	vmin.f32 v9, $1.000000000e+00;
	v15 =	vcvt.s32.f32 v15;
	[tilespmem:s21+$0xFFFFFE00] =	vst v12;
	v12 =	vadd.s32 $0x800, v13  }
0x18e: {  	v7 =	vmul.f32 v7, v1;
	v10 =	vmul.f32 v10, v1;
	v13 =	vadd.s32 $0x810, v13;
	[tilespmem:s21+$0x0] =	vst v12  }
0x18f: {  	v9 =	vmul.f32 v9, v1;
	v11 =	vsub.f32 v11, v17;
	v12 =	vcvt.s32.f32 v14;
	[tilespmem:s21+$0x200] =	vst v13  }
0x190: {  	s22 =	simm.s32 $0x10;
	s23 =	simm.s32 $0x420;
	v13 =	vtrunc.f32 v7;
	v14 =	vtrunc.f32 v10;
	[tilespmem:s9+$0x200] =	vst v15  }
.LBB2_2:
0x191: {  	v15 =	vld [tilespmem:s23+$0x0];
	v13 =	vcvt.f32.s32 v13;
	v14 =	vcvt.f32.s32 v14;
	v12 =	vsub.f32 v6, v12;
	[tilespmem:s9+$0xFFFFFC00] =	vst v11;
	v6 =	vmovc v10  }
0x192: {  	v11 =	vtrunc.f32 v9;
	v8 =	vcvt.s32.f32 v8;
	v10 =	vld [tilespmem:s23+$0xFFFFFC00]  }
0x193: {  	v11 =	vcvt.f32.s32 v11;
	v16 =	vld [tilespmem:s23+$0xFFFFFE00];
	vm0 =	vlt.s32 v13, $0x7E;
	vm1 =	vlt.s32 v14, $0x7E;
	[tilespmem:s9+$0xFFFFFE00] =	vst v12  }
0x194: {  	v12 =	vnsel vm0, $0x7E, v13;
	v13 =	vnsel vm1, $0x7E, v14;
	v14 =	vsub.f32 v5, v8;
	v5 =	vmovc v9  }
0x195: {  	vm0 =	vlt.s32 v11, $0x7E;
	v9 =	vshll.u32 v12, $0xE;
	v17 =	vshll.u32 v13, $0x7  }
0x196: {  	v12 =	vcvt.s32.f32 v12;
	v8 =	vnsel vm0, $0x7E, v11;
	v9 =	vadd.s32 v9, v17;
	[tilespmem:s9+$0x0] =	vst v14;
	s9 =	smov.u32 s7;
	s7 =	smov.u32 s23  }
0x197: {  	s22 =	sadd.s32 $0x10, s22;
	v11 =	vmax.f32 v15, $0.0e+00;
	v10 =	vmax.f32 v10, $0.0e+00;
	v9 =	vadd.s32 v8, v9  }
0x198: {  	s21 =	sadd.s32 $0x10, s21;
	p1 =	slt.u32 s22, $0x1F0;
	v11 =	vmin.f32 v11, $1.000000000e+00;
	v14 =	vmax.f32 v16, $0.0e+00;
	v9 =	vshra.s32 v9, $0x3  }
.Ltmp2:
0x199: {  	v10 =	vmin.f32 v10, $1.000000000e+00;
	v14 =	vmin.f32 v14, $1.000000000e+00;
	[tilespmem:s21+$0xFFFFFC00] =	vst v9;
	v15 =	vadd.s32 $0x10, v9;
	(pc) =	sbr.rel @p1 .LBB2_2-.Ltmp2, $4  }
0x19a: {  	v17 =	vand.u32 $0x7, v8;
	v16 =	vmul.f32 v10, v1;
	[tilespmem:s21+$0xFFFFFE00] =	vst v15;
	v15 =	vadd.s32 $0x800, v9  }
0x19b: {  	v10 =	vmul.f32 v14, v1;
	v14 =	vadd.s32 $0x810, v9;
	[tilespmem:s21+$0x0] =	vst v15;
	v15 =	vcvt.s32.f32 v17  }
0x19c: {  	v9 =	vmul.f32 v11, v1;
	v11 =	vsub.f32 v7, v12;
	v12 =	vcvt.s32.f32 v13;
	v7 =	vmovc v16;
	[tilespmem:s21+$0x200] =	vst v14  }
0x19d: {  	s23 =	sadd.s32 $0x10, s23;
	v13 =	vtrunc.f32 v7;
	v14 =	vtrunc.f32 v10;
	[tilespmem:s9+$0x200] =	vst v15  }
0x19e: {  	v13 =	vcvt.f32.s32 v13;
	v14 =	vcvt.f32.s32 v14  }
0x19f: {  	v6 =	vsub.f32 v6, v12;
	v12 =	vtrunc.f32 v9  }
0x1a0: {  	v12 =	vcvt.f32.s32 v12;
	vm0 =	vlt.s32 v13, $0x7E;
	vm1 =	vlt.s32 v14, $0x7E  }
0x1a1: {  	v8 =	vcvt.s32.f32 v8;
	v13 =	vnsel vm0, $0x7E, v13;
	v14 =	vnsel vm1, $0x7E, v14  }
0x1a2: {  	vm12 =	vlt.s32 v12, $0x7E;
	v15 =	vshll.u32 v13, $0xE;
	v16 =	vshll.u32 v14, $0x7  }
0x1a3: {  	[tilespmem:s9+$0xFFFFFC00] =	vst v11;
	v5 =	vsub.f32 v5, v8;
	v8 =	vnsel vm12, $0x7E, v12;
	v11 =	vadd.s32 v15, v16  }
0x1a4: {  	[tilespmem:s9+$0xFFFFFE00] =	vst v6;
	v6 =	vadd.s32 v8, v11  }
0x1a5: {  	s30 =	sadd.s32 $0x10, s21;
	[tilespmem:s9+$0x0] =	vst v5;
	v5 =	vshra.s32 v6, $0x3  }
0x1a6: {  	[tilespmem:s30+$0xFFFFFC00] =	vst v5;
	v6 =	vadd.s32 $0x10, v5  }
0x1a7: {  	v12 =	vand.u32 $0x7, v8;
	v11 =	vcvt.s32.f32 v13;
	[tilespmem:s30+$0xFFFFFE00] =	vst v6;
	v6 =	vadd.s32 $0x800, v5  }
0x1a8: {  	v5 =	vadd.s32 $0x810, v5;
	[tilespmem:s30+$0x0] =	vst v6;
	v6 =	vcvt.s32.f32 v12;
	v12 =	vcvt.s32.f32 v14  }
0x1a9: {  	v7 =	vsub.f32 v7, v11;
	[tilespmem:s30+$0x200] =	vst v5;
	v5 =	vcvt.s32.f32 v8  }
0x1aa: {  	[tilespmem:s7+$0x200] =	vst v6;
	v6 =	vsub.f32 v10, v12  }
0x1ab: {  	[tilespmem:s7+$0xFFFFFC00] =	vst v7;
	v5 =	vsub.f32 v9, v5  }
0x1ac: {  	[tilespmem:s7+$0xFFFFFE00] =	vst v6  }
0x1ad: {  	[tilespmem:s7+$0x0] =	vst v5  }
0x1ae: {  	s7 =	sld [smem:$0x7FD]  }
0x1af: {  	[tilespmem:s16], [sflag:$0x1] =	stream.indirect.gather [hbm4b:s2+s14], $0x10, s15, s14, $0xb8;
	[tilespmem:$0x16810] =	vst v63  }
0x1b0: {  	_ = 	snop  }
0x1b1: {  	[tilespmem:s14], [sflag:$0x3] =	stream.strided.gather [hbm4b:s7+s12], $0x600, s13, s12, $0x38;
	[tilespmem:$0x16810] =	vst v63  }
0x1b2: {  	_ =	swait.ge [sflag:s29], $0x600  }
0x1b3: {  	[sflag:s29] =	ssyncset.done $0x0  }
0x1b4: {  	s9 =	simm.s32 $0xC00;
	[sflag:s29] =	ssyncadd.s32 $0xFFFFFA00  }
0x1b5: {  	v5 =	vld [tilespmem:s9+$0xFFFFFC00]  }
0x1b6: {  	v6 =	vld [tilespmem:s9+$0xFFFFFE00]  }
0x1b7: {  	v7 =	vld [tilespmem:s9+$0x0];
	_ =	sdelay $0x3  }
0x1b8: {  	v5 =	vmax.f32 v5, $0.0e+00;
	v6 =	vmax.f32 v6, $0.0e+00  }
0x1b9: {  	v7 =	vmax.f32 v7, $0.0e+00;
	v5 =	vmin.f32 v5, $1.000000000e+00;
	v6 =	vmin.f32 v6, $1.000000000e+00  }
0x1ba: {  	v7 =	vmin.f32 v7, $1.000000000e+00;
	v11 =	vmul.f32 v5, v1;
	v6 =	vmul.f32 v6, v1  }
0x1bb: {  	v5 =	vmul.f32 v7, v1  }
0x1bc: {  	s7 =	simm.s32 $0xC10;
	v7 =	vtrunc.f32 v11;
	v8 =	vtrunc.f32 v6  }
0x1bd: {  	v9 =	vld [tilespmem:s7+$0x0];
	v7 =	vcvt.f32.s32 v7;
	v8 =	vcvt.f32.s32 v8  }
0x1be: {  	v10 =	vld [tilespmem:s7+$0xFFFFFC00];
	v12 =	vtrunc.f32 v5  }
0x1bf: {  	v13 =	vld [tilespmem:s7+$0xFFFFFE00];
	v12 =	vcvt.f32.s32 v12;
	vm13 =	vlt.s32 v7, $0x7E;
	vm14 =	vlt.s32 v8, $0x7E  }
0x1c0: {  	v7 =	vnsel vm13, $0x7E, v7;
	v14 =	vnsel vm14, $0x7E, v8  }
0x1c1: {  	vm15 =	vlt.s32 v12, $0x7E;
	v15 =	vshll.u32 v7, $0xE;
	v63 =	vshll.u32 v14, $0x7  }
0x1c2: {  	v8 =	vnsel vm15, $0x7E, v12;
	v17 =	vcvt.s32.f32 v7;
	v7 =	vadd.s32 v15, v63  }
0x1c3: {  	v10 =	vmax.f32 v10, $0.0e+00;
	v9 =	vmax.f32 v9, $0.0e+00;
	v7 =	vadd.s32 v8, v7  }
0x1c4: {  	s21 =	simm.s32 $0x1C00;
	v12 =	vmax.f32 v13, $0.0e+00;
	v15 =	vand.u32 $0x7, v8;
	v13 =	vshra.s32 v7, $0x3  }
0x1c5: {  	v7 =	vmin.f32 v10, $1.000000000e+00;
	v10 =	vmin.f32 v12, $1.000000000e+00;
	[tilespmem:s21+$0xFFFFFC00] =	vst v13;
	v12 =	vadd.s32 $0x10, v13  }
0x1c6: {  	v9 =	vmin.f32 v9, $1.000000000e+00;
	v15 =	vcvt.s32.f32 v15;
	[tilespmem:s21+$0xFFFFFE00] =	vst v12;
	v12 =	vadd.s32 $0x800, v13  }
0x1c7: {  	v7 =	vmul.f32 v7, v1;
	v10 =	vmul.f32 v10, v1;
	v13 =	vadd.s32 $0x810, v13;
	[tilespmem:s21+$0x0] =	vst v12  }
0x1c8: {  	v9 =	vmul.f32 v9, v1;
	v11 =	vsub.f32 v11, v17;
	v12 =	vcvt.s32.f32 v14;
	[tilespmem:s21+$0x200] =	vst v13  }
0x1c9: {  	s22 =	simm.s32 $0x10;
	s23 =	simm.s32 $0xC20;
	v13 =	vtrunc.f32 v7;
	v14 =	vtrunc.f32 v10;
	[tilespmem:s9+$0x200] =	vst v15  }
.LBB2_4:
0x1ca: {  	v15 =	vld [tilespmem:s23+$0x0];
	v13 =	vcvt.f32.s32 v13;
	v14 =	vcvt.f32.s32 v14;
	v12 =	vsub.f32 v6, v12;
	[tilespmem:s9+$0xFFFFFC00] =	vst v11;
	v6 =	vmovc v10  }
0x1cb: {  	v11 =	vtrunc.f32 v9;
	v8 =	vcvt.s32.f32 v8;
	v10 =	vld [tilespmem:s23+$0xFFFFFC00]  }
0x1cc: {  	v11 =	vcvt.f32.s32 v11;
	v16 =	vld [tilespmem:s23+$0xFFFFFE00];
	vm0 =	vlt.s32 v13, $0x7E;
	vm1 =	vlt.s32 v14, $0x7E;
	[tilespmem:s9+$0xFFFFFE00] =	vst v12  }
0x1cd: {  	v12 =	vnsel vm0, $0x7E, v13;
	v13 =	vnsel vm1, $0x7E, v14;
	v14 =	vsub.f32 v5, v8;
	v5 =	vmovc v9  }
0x1ce: {  	vm0 =	vlt.s32 v11, $0x7E;
	v9 =	vshll.u32 v12, $0xE;
	v17 =	vshll.u32 v13, $0x7  }
0x1cf: {  	v12 =	vcvt.s32.f32 v12;
	v8 =	vnsel vm0, $0x7E, v11;
	v9 =	vadd.s32 v9, v17;
	[tilespmem:s9+$0x0] =	vst v14;
	s9 =	smov.u32 s7;
	s7 =	smov.u32 s23  }
0x1d0: {  	s22 =	sadd.s32 $0x10, s22;
	v11 =	vmax.f32 v15, $0.0e+00;
	v10 =	vmax.f32 v10, $0.0e+00;
	v9 =	vadd.s32 v8, v9  }
0x1d1: {  	s21 =	sadd.s32 $0x10, s21;
	p1 =	slt.u32 s22, $0x1F0;
	v11 =	vmin.f32 v11, $1.000000000e+00;
	v14 =	vmax.f32 v16, $0.0e+00;
	v9 =	vshra.s32 v9, $0x3  }
.Ltmp3:
0x1d2: {  	v10 =	vmin.f32 v10, $1.000000000e+00;
	v14 =	vmin.f32 v14, $1.000000000e+00;
	[tilespmem:s21+$0xFFFFFC00] =	vst v9;
	v15 =	vadd.s32 $0x10, v9;
	(pc) =	sbr.rel @p1 .LBB2_4-.Ltmp3, $4  }
0x1d3: {  	v17 =	vand.u32 $0x7, v8;
	v16 =	vmul.f32 v10, v1;
	[tilespmem:s21+$0xFFFFFE00] =	vst v15;
	v15 =	vadd.s32 $0x800, v9  }
0x1d4: {  	v10 =	vmul.f32 v14, v1;
	v14 =	vadd.s32 $0x810, v9;
	[tilespmem:s21+$0x0] =	vst v15;
	v15 =	vcvt.s32.f32 v17  }
0x1d5: {  	v9 =	vmul.f32 v11, v1;
	v11 =	vsub.f32 v7, v12;
	v12 =	vcvt.s32.f32 v13;
	v7 =	vmovc v16;
	[tilespmem:s21+$0x200] =	vst v14  }
0x1d6: {  	s23 =	sadd.s32 $0x10, s23;
	v13 =	vtrunc.f32 v7;
	v14 =	vtrunc.f32 v10;
	[tilespmem:s9+$0x200] =	vst v15  }
0x1d7: {  	v13 =	vcvt.f32.s32 v13;
	v14 =	vcvt.f32.s32 v14  }
0x1d8: {  	v6 =	vsub.f32 v6, v12;
	v59 =	vtrunc.f32 v9  }
0x1d9: {  	v12 =	vcvt.f32.s32 v59;
	vm0 =	vlt.s32 v13, $0x7E;
	vm1 =	vlt.s32 v14, $0x7E  }
0x1da: {  	v8 =	vcvt.s32.f32 v8;
	v13 =	vnsel vm0, $0x7E, v13;
	v14 =	vnsel vm1, $0x7E, v14  }
0x1db: {  	vm15 =	vlt.s32 v12, $0x7E;
	v15 =	vshll.u32 v13, $0xE;
	v16 =	vshll.u32 v14, $0x7  }
0x1dc: {  	[tilespmem:s9+$0xFFFFFC00] =	vst v11;
	v5 =	vsub.f32 v5, v8;
	v60 =	vnsel vm15, $0x7E, v12;
	v61 =	vadd.s32 v15, v16  }
0x1dd: {  	[tilespmem:s9+$0xFFFFFE00] =	vst v6;
	v6 =	vadd.s32 v60, v61  }
0x1de: {  	s30 =	sadd.s32 $0x10, s21;
	[tilespmem:s9+$0x0] =	vst v5;
	v5 =	vshra.s32 v6, $0x3  }
0x1df: {  	[tilespmem:s30+$0xFFFFFC00] =	vst v5;
	v6 =	vadd.s32 $0x10, v5  }
0x1e0: {  	v62 =	vcvt.s32.f32 v13;
	v12 =	vand.u32 $0x7, v60;
	[tilespmem:s30+$0xFFFFFE00] =	vst v6;
	v6 =	vadd.s32 $0x800, v5  }
0x1e1: {  	v63 =	vcvt.s32.f32 v14;
	v5 =	vadd.s32 $0x810, v5;
	[tilespmem:s30+$0x0] =	vst v6;
	v6 =	vcvt.s32.f32 v12  }
0x1e2: {  	v7 =	vsub.f32 v7, v62;
	[tilespmem:s30+$0x200] =	vst v5;
	v5 =	vcvt.s32.f32 v60  }
0x1e3: {  	[tilespmem:s7+$0x200] =	vst v6;
	v6 =	vsub.f32 v10, v63  }
0x1e4: {  	[tilespmem:s7+$0xFFFFFC00] =	vst v7;
	v5 =	vsub.f32 v9, v5  }
0x1e5: {  	[tilespmem:s7+$0xFFFFFE00] =	vst v6  }
0x1e6: {  	s23 =	simm.s32 $0x0;
	[tilespmem:s7+$0x0] =	vst v5  }
0x1e7: {  	[tilespmem:s18], [sflag:$0x2] =	stream.indirect.gather [hbm4b:s2+s14], $0x10, s17, s14, $0xb8;
	[tilespmem:$0x16810] =	vst v63  }
.LBB2_6:
0x1e8: {  	_ =	swait.ge [sflag:s10], $0x8000  }
0x1e9: {  	[sflag:s10] =	ssyncset.done $0x0  }
0x1ea: {  	s7 =	simm.s32 $0x400;
	[sflag:s10] =	ssyncadd.s32 $0xFFFF8000  }
0x1eb: {  	v5 =	vld [tilespmem:s7+$0x200];
	_ =	sdelay $0x3  }
0x1ec: {  	s9 =	simm.s32 $0x0  }
0x1ed: {  	v6 =	vmov s9;
	v5 =	vtrunc.f32 v5  }
0x1ee: {  	v6 =	vshll.u32 v6, $0x4;
	v5 =	vcvt.f32.s32 v5  }
0x1ef: {  	v7 =	vor.u32 v0, v6  }
0x1f0: {  	v8 =	vor.u32 v4, v6;
	v10 =	vor.u32 v3, v6;
	v9 =	vand.u32 $0xFFFFFFF8, v5  }
0x1f1: {  	v6 =	vor.u32 v2, v6;
	v11 =	vand.u32 $0x7, v5;
	v12 =	vadd.s32 v7, v9  }
0x1f2: {  	v5 =	vadd.s32 $0x1, v5;
	v13 =	vadd.s32 v8, v9;
	v12 =	vor.u32 v11, v12  }
0x1f3: {  	s21 =	simm.s32 $0x410;
	v14 =	vadd.s32 v10, v9;
	v9 =	vadd.s32 v6, v9;
	v13 =	vor.u32 v11, v13  }
0x1f4: {  	v15 =	vand.u32 $0xFFFFFFF8, v5;
	v14 =	vor.u32 v11, v14;
	v9 =	vor.u32 v11, v9;
	v11 =	vld [tilespmem:s21+$0x200]  }
0x1f5: {  	v5 =	vand.u32 $0x7, v5;
	v7 =	vadd.s32 v7, v15  }
0x1f6: {  	v20 =	vld [tilespmem:s7+$0x0];
	v8 =	vadd.s32 v8, v15;
	v7 =	vor.u32 v5, v7  }
0x1f7: {  	v10 =	vadd.s32 v10, v15;
	v8 =	vor.u32 v5, v8;
	v12 =	vld.idx.msk [tilespmem:v12+s16+$0x0], $0xffff  }
0x1f8: {  	s30 =	simm.s32 $0x10;
	v6 =	vadd.s32 v6, v15;
	v10 =	vor.u32 v5, v10;
	v13 =	vld.idx.msk [tilespmem:v13+s16+$0x0], $0xffff  }
0x1f9: {  	v5 =	vor.u32 v5, v6;
	v6 =	vld.idx.msk [tilespmem:v9+s16+$0x0], $0xffff;
	v9 =	vmov s30;
	v11 =	vtrunc.f32 v11  }
0x1fa: {  	v14 =	vld.idx.msk [tilespmem:v14+s16+$0x0], $0xffff;
	v9 =	vshll.u32 v9, $0x4;
	v11 =	vcvt.f32.s32 v11  }
0x1fb: {  	v7 =	vld.idx.msk [tilespmem:v7+s16+$0x0], $0xffff;
	v15 =	vor.u32 v0, v9;
	v16 =	vor.u32 v4, v9  }
0x1fc: {  	v8 =	vld.idx.msk [tilespmem:v8+s16+$0x0], $0xffff;
	v17 =	vor.u32 v3, v9;
	v9 =	vor.u32 v2, v9;
	v18 =	vadd.s32 $0x1, v11  }
0x1fd: {  	v10 =	vld.idx.msk [tilespmem:v10+s16+$0x0], $0xffff;
	v19 =	vand.u32 $0xFFFFFFF8, v11;
	v11 =	vand.u32 $0x7, v11;
	v21 =	vand.u32 $0x7, v18  }
0x1fe: {  	v5 =	vld.idx.msk [tilespmem:v5+s16+$0x0], $0xffff;
	v22 =	vadd.s32 v15, v19;
	v23 =	vadd.s32 v16, v19;
	v24 =	vadd.s32 v17, v19  }
0x1ff: {  	v19 =	vadd.s32 v9, v19;
	v18 =	vand.u32 $0xFFFFFFF8, v18;
	v22 =	vor.u32 v11, v22  }
0x200: {  	v23 =	vor.u32 v11, v23;
	v24 =	vor.u32 v11, v24;
	v11 =	vor.u32 v11, v19  }
0x201: {  	v15 =	vadd.s32 v15, v18;
	v16 =	vadd.s32 v16, v18;
	v7 =	vsub.f32 v7, v12  }
0x202: {  	v27 =	vld [tilespmem:s7+$0xFFFFFE00];
	v17 =	vadd.s32 v17, v18;
	v8 =	vsub.f32 v8, v13;
	v10 =	vsub.f32 v10, v14  }
0x203: {  	v9 =	vadd.s32 v9, v18;
	v5 =	vsub.f32 v5, v6;
	v25 =	vmul.f32 v20, v7  }
0x204: {  	v16 =	vor.u32 v21, v16;
	v26 =	vmul.f32 v20, v8;
	v28 =	vmul.f32 v20, v10  }
0x205: {  	v20 =	vmul.f32 v20, v5;
	v8 =	vsub.f32 v8, v7;
	v19 =	vsub.f32 v5, v10  }
0x206: {  	s24 =	simm.s32 $0x420;
	v9 =	vor.u32 v21, v9;
	v12 =	vadd.f32 v25, v12;
	v13 =	vadd.f32 v26, v13  }
0x207: {  	v14 =	vadd.f32 v28, v14;
	v6 =	vadd.f32 v20, v6;
	v18 =	vmul.f32 v27, v19;
	v19 =	vld [tilespmem:s24+$0x200]  }
0x208: {  	v23 =	vld.idx.msk [tilespmem:v23+s16+$0x0], $0xffff;
	v5 =	vsub.f32 v13, v12  }
0x209: {  	v15 =	vor.u32 v21, v15;
	v8 =	vmul.f32 v27, v8;
	v16 =	vld.idx.msk [tilespmem:v16+s16+$0x0], $0xffff;
	v6 =	vsub.f32 v6, v14  }
0x20a: {  	v13 =	vld [tilespmem:s7+$0xFFFFFC00];
	v20 =	vmul.f32 v5, v27  }
0x20b: {  	v9 =	vld.idx.msk [tilespmem:v9+s16+$0x0], $0xffff;
	v8 =	vadd.f32 v8, v7;
	v7 =	vadd.f32 v18, v10;
	v25 =	vmul.f32 v6, v27  }
0x20c: {  	v10 =	vor.u32 v21, v17;
	v12 =	vadd.f32 v20, v12;
	v20 =	vld.idx.msk [tilespmem:v24+s16+$0x0], $0xffff  }
0x20d: {  	s9 =	simm.s32 $0x20;
	v7 =	vsub.f32 v7, v8;
	v14 =	vadd.f32 v25, v14;
	v24 =	vld.idx.msk [tilespmem:v11+s16+$0x0], $0xffff  }
0x20e: {  	v17 =	vsub.f32 v6, v5;
	v11 =	vld.idx.msk [tilespmem:v15+s16+$0x0], $0xffff;
	v15 =	vmov s9;
	v31 =	vsub.f32 v16, v23  }
0x20f: {  	v15 =	vshll.u32 v15, $0x4;
	v6 =	vsub.f32 v14, v12;
	v14 =	vmul.f32 v7, v13  }
0x210: {  	v22 =	vld.idx.msk [tilespmem:v22+s16+$0x0], $0xffff;
	v7 =	vmul.f32 v17, v13;
	v17 =	vtrunc.f32 v19;
	v19 =	vor.u32 v0, v15  }
0x211: {  	v18 =	vld.idx.msk [tilespmem:v10+s16+$0x0], $0xffff;
	v26 =	vor.u32 v4, v15;
	v10 =	vcvt.f32.s32 v17;
	v8 =	vadd.f32 v14, v8  }
0x212: {  	v27 =	vor.u32 v3, v15;
	v29 =	vor.u32 v2, v15;
	v13 =	vmul.f32 v6, v13  }
0x213: {  	v21 =	vadd.s32 $0x1, v10;
	v9 =	vsub.f32 v9, v24;
	v61 =	vmul.f32 $1.270000000e+02, v8;
	v8 =	vld [tilespmem:s21+$0x0]  }
0x214: {  	v25 =	vadd.f32 v13, v12;
	v12 =	vand.u32 $0xFFFFFFF8, v10;
	v13 =	vand.u32 $0x7, v10  }
0x215: {  	v10 =	vsub.f32 v11, v22;
	v33 =	vand.u32 $0xFFFFFFF8, v21;
	v14 =	vadd.s32 v19, v12  }
0x216: {  	v15 =	vadd.s32 v26, v12;
	v17 =	vadd.s32 v27, v12;
	v30 =	vadd.s32 v29, v12  }
0x217: {  	v12 =	vsub.f32 v18, v20;
	v14 =	vor.u32 v13, v14;
	v15 =	vor.u32 v13, v15  }
0x218: {  	v16 =	vor.u32 v13, v17;
	v11 =	vmul.f32 v8, v10;
	v32 =	vmul.f32 v8, v31  }
0x219: {  	v18 =	vld [tilespmem:s21+$0xFFFFFE00];
	v13 =	vor.u32 v13, v30;
	v62 =	vmul.f32 v8, v12;
	v8 =	vmul.f32 v8, v9  }
0x21a: {  	v17 =	vadd.f32 v11, v22;
	v11 =	vand.u32 $0x7, v21;
	v32 =	vadd.f32 v32, v23  }
0x21b: {  	v21 =	vadd.s32 v19, v33;
	v19 =	vadd.f32 v62, v20;
	v20 =	vadd.f32 v8, v24  }
0x21c: {  	s7 =	simm.s32 $0x12000;
	v63 =	vsub.f32 v9, v12;
	v22 =	vadd.s32 v26, v33;
	v26 =	vsub.f32 v31, v10  }
0x21d: {  	s25 =	simm.s32 $0x12400;
	[tilespmem:s7+$0x0] =	vst v25;
	v23 =	vadd.s32 v27, v33;
	v8 =	vsub.f32 v32, v17;
	v20 =	vsub.f32 v20, v19  }
0x21e: {  	s28 =	simm.s32 $0x430;
	[tilespmem:s25+$0x200] =	vst v61;
	v9 =	vld [tilespmem:s21+$0xFFFFFC00];
	v24 =	vadd.s32 v29, v33;
	v25 =	vmul.f32 v18, v26;
	v26 =	vmul.f32 v18, v63  }
.LBB2_7:
0x21f: {  	v27 =	vld [tilespmem:s28+$0x200];
	v21 =	vor.u32 v11, v21;
	v28 =	vmul.f32 v8, v18;
	v18 =	vmul.f32 v20, v18  }
0x220: {  	v29 =	vld.idx.msk [tilespmem:v14+s16+$0x0], $0xffff;
	v14 =	vor.u32 v11, v22;
	v10 =	vadd.f32 v25, v10;
	v12 =	vadd.f32 v26, v12  }
0x221: {  	v22 =	vld.idx.msk [tilespmem:v15+s16+$0x0], $0xffff;
	v15 =	vor.u32 v11, v23;
	v17 =	vadd.f32 v28, v17;
	v18 =	vadd.f32 v18, v19  }
0x222: {  	v11 =	vor.u32 v11, v24;
	v19 =	vld.idx.msk [tilespmem:v16+s16+$0x0], $0xffff;
	v12 =	vsub.f32 v12, v10;
	v16 =	vsub.f32 v20, v8  }
0x223: {  	v23 =	vmul.f32 $1.270000000e+02, v6;
	v20 =	vld.idx.msk [tilespmem:v13+s16+$0x0], $0xffff;
	v13 =	vadd.f32 v7, v5;
	v6 =	vsub.f32 v18, v17;
	v5 =	vmovc v8  }
0x224: {  	s9 =	sadd.s32 $0x10, s9;
	v8 =	vld.idx.msk [tilespmem:v21+s16+$0x0], $0xffff;
	v12 =	vmul.f32 v12, v9;
	v7 =	vmul.f32 v16, v9  }
0x225: {  	p1 =	slt.u32 s9, $0x1F0;
	v16 =	vmov s9;
	v14 =	vld.idx.msk [tilespmem:v14+s16+$0x0], $0xffff;
	v9 =	vmul.f32 v6, v9;
	v13 =	vmul.f32 $1.270000000e+02, v13;
	[tilespmem:s25+$0xFFFFFE00] =	vst v23  }
0x226: {  	v18 =	vtrunc.f32 v27;
	v16 =	vshll.u32 v16, $0x4;
	v15 =	vld.idx.msk [tilespmem:v15+s16+$0x0], $0xffff;
	v10 =	vadd.f32 v12, v10  }
0x227: {  	v12 =	vcvt.f32.s32 v18;
	v21 =	vor.u32 v0, v16;
	v18 =	vld.idx.msk [tilespmem:v11+s16+$0x0], $0xffff;
	v9 =	vadd.f32 v9, v17;
	[tilespmem:s25+$0x0] =	vst v13  }
0x228: {  	s7 =	sadd.s32 $0x10, s7;
	v23 =	vor.u32 v4, v16;
	v24 =	vor.u32 v3, v16;
	v10 =	vmul.f32 $1.270000000e+02, v10  }
0x229: {  	v25 =	vor.u32 v2, v16;
	s25 =	sadd.s32 $0x10, s25;
	v13 =	vadd.s32 $0x1, v12;
	v17 =	vand.u32 $0xFFFFFFF8, v12;
	v26 =	vld [tilespmem:s24+$0x0];
	[tilespmem:s7+$0x0] =	vst v9  }
0x22a: {  	v11 =	vand.u32 $0x7, v13;
	v9 =	vand.u32 $0x7, v12;
	v12 =	vadd.s32 v21, v17;
	[tilespmem:s25+$0x200] =	vst v10  }
0x22b: {  	v16 =	vadd.s32 v23, v17;
	v27 =	vadd.s32 v24, v17;
	v17 =	vadd.s32 v25, v17  }
0x22c: {  	v28 =	vand.u32 $0xFFFFFFF8, v13;
	v10 =	vsub.f32 v8, v29;
	v8 =	vsub.f32 v14, v22  }
0x22d: {  	v14 =	vor.u32 v9, v12;
	v12 =	vsub.f32 v15, v19;
	v30 =	vsub.f32 v18, v20  }
0x22e: {  	v15 =	vor.u32 v9, v16;
	v31 =	vmul.f32 v26, v10;
	v32 =	vmul.f32 v26, v8  }
0x22f: {  	v16 =	vor.u32 v9, v27;
	v27 =	vmul.f32 v26, v12;
	v26 =	vmul.f32 v26, v30;
	v18 =	vld [tilespmem:s24+$0xFFFFFE00]  }
.Ltmp4:
0x230: {  	v13 =	vor.u32 v9, v17;
	v17 =	vadd.f32 v31, v29;
	v9 =	vadd.f32 v32, v22;
	(pc) =	sbr.rel @p1 .LBB2_7-.Ltmp4, $4  }
0x231: {  	v21 =	vadd.s32 v21, v28;
	v19 =	vadd.f32 v27, v19;
	v20 =	vadd.f32 v26, v20  }
0x232: {  	v22 =	vadd.s32 v23, v28;
	v26 =	vsub.f32 v8, v10;
	v27 =	vsub.f32 v30, v12  }
0x233: {  	v23 =	vadd.s32 v24, v28;
	v8 =	vsub.f32 v9, v17;
	v20 =	vsub.f32 v20, v19  }
0x234: {  	v24 =	vadd.s32 v25, v28;
	v9 =	vld [tilespmem:s24+$0xFFFFFC00];
	v25 =	vmul.f32 v18, v26;
	v26 =	vmul.f32 v18, v27;
	s24 =	smov.u32 s28;
	s28 =	sadd.s32 $0x10, s28  }
0x235: {  	_ =	sdelay $0x2  }
0x236: {  	v21 =	vor.u32 v11, v21  }
0x237: {  	v14 =	vld.idx.msk [tilespmem:v14+s16+$0x0], $0xffff;
	v22 =	vor.u32 v11, v22  }
0x238: {  	v15 =	vld.idx.msk [tilespmem:v15+s16+$0x0], $0xffff;
	v23 =	vor.u32 v11, v23  }
0x239: {  	v16 =	vld.idx.msk [tilespmem:v16+s16+$0x0], $0xffff;
	v45 =	vor.u32 v11, v24  }
0x23a: {  	v13 =	vld.idx.msk [tilespmem:v13+s16+$0x0], $0xffff  }
0x23b: {  	v21 =	vld.idx.msk [tilespmem:v21+s16+$0x0], $0xffff  }
0x23c: {  	v22 =	vld.idx.msk [tilespmem:v22+s16+$0x0], $0xffff  }
0x23d: {  	v23 =	vld.idx.msk [tilespmem:v23+s16+$0x0], $0xffff  }
0x23e: {  	v11 =	vld.idx.msk [tilespmem:v45+s16+$0x0], $0xffff  }
0x23f: {  	v46 =	vmul.f32 v8, v18;
	v48 =	vld [tilespmem:s24+$0x0];
	v52 =	vsub.f32 v20, v8  }
0x240: {  	v5 =	vadd.f32 v7, v5;
	v10 =	vadd.f32 v25, v10  }
0x241: {  	v12 =	vadd.f32 v26, v12;
	v17 =	vadd.f32 v46, v17  }
0x242: {  	v47 =	vmul.f32 v20, v18;
	v49 =	vsub.f32 v21, v14;
	v50 =	vsub.f32 v22, v15  }
0x243: {  	v51 =	vsub.f32 v23, v16;
	v11 =	vsub.f32 v11, v13  }
0x244: {  	v18 =	vadd.f32 v47, v19;
	v53 =	vmul.f32 v48, v49;
	v54 =	vmul.f32 v48, v50  }
0x245: {  	v55 =	vld [tilespmem:s24+$0xFFFFFE00];
	v12 =	vsub.f32 v12, v10;
	v27 =	vmul.f32 v48, v51;
	v25 =	vmul.f32 v48, v11  }
0x246: {  	v14 =	vadd.f32 v53, v14;
	v15 =	vadd.f32 v54, v15  }
0x247: {  	v16 =	vadd.f32 v27, v16;
	v13 =	vadd.f32 v25, v13  }
0x248: {  	v6 =	vmul.f32 $1.270000000e+02, v6;
	v21 =	vsub.f32 v50, v49;
	v11 =	vsub.f32 v11, v51  }
0x249: {  	v12 =	vmul.f32 v12, v9;
	v15 =	vsub.f32 v15, v14;
	v13 =	vsub.f32 v13, v16  }
0x24a: {  	v18 =	vsub.f32 v18, v17;
	v7 =	vmul.f32 v55, v21;
	v11 =	vmul.f32 v55, v11  }
0x24b: {  	v56 =	vld [tilespmem:s24+$0xFFFFFC00];
	v10 =	vadd.f32 v12, v10;
	v57 =	vmul.f32 v15, v55;
	v58 =	vmul.f32 v13, v55  }
0x24c: {  	v59 =	vmul.f32 v18, v9;
	v7 =	vadd.f32 v7, v49;
	v11 =	vadd.f32 v11, v51  }
0x24d: {  	v5 =	vmul.f32 $1.270000000e+02, v5;
	v14 =	vadd.f32 v57, v14;
	v16 =	vadd.f32 v58, v16  }
0x24e: {  	[tilespmem:s25+$0xFFFFFE00] =	vst v6;
	v60 =	vmul.f32 v52, v9;
	v6 =	vadd.f32 v59, v17;
	v11 =	vsub.f32 v11, v7  }
0x24f: {  	s7 =	sadd.s32 $0x10, s7;
	[tilespmem:s25+$0x0] =	vst v5;
	v10 =	vmul.f32 $1.270000000e+02, v10;
	v5 =	vsub.f32 v13, v15;
	v16 =	vsub.f32 v16, v14  }
0x250: {  	v61 =	vadd.f32 v60, v8;
	[tilespmem:s7+$0x0] =	vst v6;
	v6 =	vmul.f32 $1.270000000e+02, v18;
	v62 =	vmul.f32 v11, v56  }
0x251: {  	s9 =	sadd.s32 $0x10, s25;
	v5 =	vmul.f32 v5, v56;
	v63 =	vmul.f32 v16, v56  }
0x252: {  	v8 =	vmul.f32 $1.270000000e+02, v61;
	[tilespmem:s9+$0x200] =	vst v10;
	v7 =	vadd.f32 v62, v7  }
0x253: {  	[tilespmem:s9+$0xFFFFFE00] =	vst v6;
	v5 =	vadd.f32 v5, v15;
	v6 =	vadd.f32 v63, v14  }
0x254: {  	s7 =	sadd.s32 $0x10, s7;
	[tilespmem:s9+$0x0] =	vst v8;
	v7 =	vmul.f32 $1.270000000e+02, v7  }
0x255: {  	s24 =	sshll.u32 s23, $0xA;
	s22 =	sadd.s32 $0x10, s9;
	v5 =	vmul.f32 $1.270000000e+02, v5;
	[tilespmem:s7+$0x0] =	vst v6  }
0x256: {  	s25 =	sor.u32 s8, s24;
	v6 =	vmul.f32 $1.270000000e+02, v16;
	[tilespmem:s22+$0x200] =	vst v7  }
0x257: {  	s25 =	sshrl.u32 s25, $0x3;
	[tilespmem:s22+$0x0] =	vst v5  }
0x258: {  	s28 =	sadd.s32 s1, s25;
	[tilespmem:s22+$0xFFFFFE00] =	vst v6  }
0x259: {  	[hbm4b:s28+s3] =	stream.linear.scatter [tilespmem:s19], [sflag:$0x3], $0x200, $0x38;
	[tilespmem:$0x16810] =	vst v63  }
0x25a: {  	_ =	swait.ge [sflag:s29], $0x200  }
0x25b: {  	p1 =	seq.s32 s23, $0xF;
	[sflag:s29] =	ssyncset.done $0x0  }
.Ltmp5:
0x25c: {  	s30 =	sadd.s32 s6, s25;
	[sflag:s29] =	ssyncadd.s32 $0xFFFFFE00;
	(pc) =	sbr.rel @p1 .LBB2_12-.Ltmp5, $4  }
0x25d: {  	[hbm4b:s30+s12] =	stream.strided.scatter [tilespmem:s20], [sflag:$0x3], $0x600, s13, s12, $0x38;
	[tilespmem:$0x16810] =	vst v63  }
0x25e: {  	_ =	swait.ge [sflag:s29], $0x600  }
0x25f: {  	[sflag:s29] =	ssyncset.done $0x0  }
0x260: {  	[sflag:s29] =	ssyncadd.s32 $0xFFFFFA00  }
0x261: {  	s7 =	sadd.s32 s24, s4  }
0x262: {  	s7 =	sshrl.u32 s7, $0x3  }
0x263: {  	s7 =	sadd.s32 s5, s7  }
0x264: {  	[tilespmem:s3], [sflag:$0x3] =	stream.strided.gather [hbm4b:s7+s12], $0x600, s13, s12, $0x38;
	[tilespmem:$0x16810] =	vst v63  }
0x265: {  	_ =	swait.ge [sflag:s29], $0x600  }
0x266: {  	[sflag:s29] =	ssyncset.done $0x0  }
0x267: {  	s9 =	simm.s32 $0x400;
	[sflag:s29] =	ssyncadd.s32 $0xFFFFFA00  }
0x268: {  	v5 =	vld [tilespmem:s9+$0xFFFFFC00]  }
0x269: {  	v6 =	vld [tilespmem:s9+$0xFFFFFE00]  }
0x26a: {  	v7 =	vld [tilespmem:s9+$0x0];
	_ =	sdelay $0x3  }
0x26b: {  	v5 =	vmax.f32 v5, $0.0e+00;
	v6 =	vmax.f32 v6, $0.0e+00  }
0x26c: {  	v7 =	vmax.f32 v7, $0.0e+00;
	v5 =	vmin.f32 v5, $1.000000000e+00;
	v6 =	vmin.f32 v6, $1.000000000e+00  }
0x26d: {  	v7 =	vmin.f32 v7, $1.000000000e+00;
	v11 =	vmul.f32 v5, v1;
	v6 =	vmul.f32 v6, v1  }
0x26e: {  	v5 =	vmul.f32 v7, v1  }
0x26f: {  	s7 =	simm.s32 $0x410;
	v7 =	vtrunc.f32 v11;
	v8 =	vtrunc.f32 v6  }
0x270: {  	v9 =	vld [tilespmem:s7+$0x0];
	v7 =	vcvt.f32.s32 v7;
	v8 =	vcvt.f32.s32 v8  }
0x271: {  	v10 =	vld [tilespmem:s7+$0xFFFFFC00];
	v12 =	vtrunc.f32 v5  }
0x272: {  	v13 =	vld [tilespmem:s7+$0xFFFFFE00];
	v12 =	vcvt.f32.s32 v12;
	vm0 =	vlt.s32 v7, $0x7E;
	vm1 =	vlt.s32 v8, $0x7E  }
0x273: {  	v7 =	vnsel vm0, $0x7E, v7;
	v14 =	vnsel vm1, $0x7E, v8  }
0x274: {  	vm15 =	vlt.s32 v12, $0x7E;
	v15 =	vshll.u32 v7, $0xE;
	v16 =	vshll.u32 v14, $0x7  }
0x275: {  	v8 =	vnsel vm15, $0x7E, v12;
	v17 =	vcvt.s32.f32 v7;
	v7 =	vadd.s32 v15, v16  }
0x276: {  	v10 =	vmax.f32 v10, $0.0e+00;
	v9 =	vmax.f32 v9, $0.0e+00;
	v7 =	vadd.s32 v8, v7  }
0x277: {  	s21 =	simm.s32 $0x1400;
	v12 =	vmax.f32 v13, $0.0e+00;
	v15 =	vand.u32 $0x7, v8;
	v13 =	vshra.s32 v7, $0x3  }
0x278: {  	v7 =	vmin.f32 v10, $1.000000000e+00;
	v10 =	vmin.f32 v12, $1.000000000e+00;
	[tilespmem:s21+$0xFFFFFC00] =	vst v13;
	v12 =	vadd.s32 $0x10, v13  }
0x279: {  	v9 =	vmin.f32 v9, $1.000000000e+00;
	v15 =	vcvt.s32.f32 v15;
	[tilespmem:s21+$0xFFFFFE00] =	vst v12;
	v12 =	vadd.s32 $0x800, v13  }
0x27a: {  	v7 =	vmul.f32 v7, v1;
	v10 =	vmul.f32 v10, v1;
	v13 =	vadd.s32 $0x810, v13;
	[tilespmem:s21+$0x0] =	vst v12  }
0x27b: {  	v9 =	vmul.f32 v9, v1;
	v11 =	vsub.f32 v11, v17;
	v12 =	vcvt.s32.f32 v14;
	[tilespmem:s21+$0x200] =	vst v13  }
0x27c: {  	s22 =	simm.s32 $0x10;
	s28 =	simm.s32 $0x420;
	v13 =	vtrunc.f32 v7;
	v14 =	vtrunc.f32 v10;
	[tilespmem:s9+$0x200] =	vst v15  }
.LBB2_10:
0x27d: {  	v15 =	vld [tilespmem:s28+$0x0];
	v13 =	vcvt.f32.s32 v13;
	v14 =	vcvt.f32.s32 v14;
	v12 =	vsub.f32 v6, v12;
	[tilespmem:s9+$0xFFFFFC00] =	vst v11;
	v6 =	vmovc v10  }
0x27e: {  	v11 =	vtrunc.f32 v9;
	v8 =	vcvt.s32.f32 v8;
	v10 =	vld [tilespmem:s28+$0xFFFFFC00]  }
0x27f: {  	v11 =	vcvt.f32.s32 v11;
	v16 =	vld [tilespmem:s28+$0xFFFFFE00];
	vm0 =	vlt.s32 v13, $0x7E;
	vm1 =	vlt.s32 v14, $0x7E;
	[tilespmem:s9+$0xFFFFFE00] =	vst v12  }
0x280: {  	v12 =	vnsel vm0, $0x7E, v13;
	v13 =	vnsel vm1, $0x7E, v14;
	v14 =	vsub.f32 v5, v8;
	v5 =	vmovc v9  }
0x281: {  	vm0 =	vlt.s32 v11, $0x7E;
	v9 =	vshll.u32 v12, $0xE;
	v17 =	vshll.u32 v13, $0x7  }
0x282: {  	v12 =	vcvt.s32.f32 v12;
	v8 =	vnsel vm0, $0x7E, v11;
	v9 =	vadd.s32 v9, v17;
	[tilespmem:s9+$0x0] =	vst v14;
	s9 =	smov.u32 s7;
	s7 =	smov.u32 s28  }
0x283: {  	s22 =	sadd.s32 $0x10, s22;
	v11 =	vmax.f32 v15, $0.0e+00;
	v10 =	vmax.f32 v10, $0.0e+00;
	v9 =	vadd.s32 v8, v9  }
0x284: {  	s21 =	sadd.s32 $0x10, s21;
	p2 =	slt.u32 s22, $0x1F0;
	v11 =	vmin.f32 v11, $1.000000000e+00;
	v14 =	vmax.f32 v16, $0.0e+00;
	v9 =	vshra.s32 v9, $0x3  }
.Ltmp6:
0x285: {  	v10 =	vmin.f32 v10, $1.000000000e+00;
	v14 =	vmin.f32 v14, $1.000000000e+00;
	[tilespmem:s21+$0xFFFFFC00] =	vst v9;
	v15 =	vadd.s32 $0x10, v9;
	(pc) =	sbr.rel @p2 .LBB2_10-.Ltmp6, $4  }
0x286: {  	v17 =	vand.u32 $0x7, v8;
	v16 =	vmul.f32 v10, v1;
	[tilespmem:s21+$0xFFFFFE00] =	vst v15;
	v15 =	vadd.s32 $0x800, v9  }
0x287: {  	v10 =	vmul.f32 v14, v1;
	v14 =	vadd.s32 $0x810, v9;
	[tilespmem:s21+$0x0] =	vst v15;
	v15 =	vcvt.s32.f32 v17  }
0x288: {  	v9 =	vmul.f32 v11, v1;
	v11 =	vsub.f32 v7, v12;
	v12 =	vcvt.s32.f32 v13;
	v7 =	vmovc v16;
	[tilespmem:s21+$0x200] =	vst v14  }
0x289: {  	s28 =	sadd.s32 $0x10, s28;
	v13 =	vtrunc.f32 v7;
	v14 =	vtrunc.f32 v10;
	[tilespmem:s9+$0x200] =	vst v15  }
0x28a: {  	v13 =	vcvt.f32.s32 v13;
	v14 =	vcvt.f32.s32 v14  }
0x28b: {  	v6 =	vsub.f32 v6, v12;
	v59 =	vtrunc.f32 v9  }
0x28c: {  	v12 =	vcvt.f32.s32 v59;
	vm0 =	vlt.s32 v13, $0x7E;
	vm1 =	vlt.s32 v14, $0x7E  }
0x28d: {  	v8 =	vcvt.s32.f32 v8;
	v13 =	vnsel vm0, $0x7E, v13;
	v14 =	vnsel vm1, $0x7E, v14  }
0x28e: {  	vm15 =	vlt.s32 v12, $0x7E;
	v15 =	vshll.u32 v13, $0xE;
	v16 =	vshll.u32 v14, $0x7  }
0x28f: {  	[tilespmem:s9+$0xFFFFFC00] =	vst v11;
	v5 =	vsub.f32 v5, v8;
	v60 =	vnsel vm15, $0x7E, v12;
	v61 =	vadd.s32 v15, v16  }
0x290: {  	[tilespmem:s9+$0xFFFFFE00] =	vst v6;
	v6 =	vadd.s32 v60, v61  }
0x291: {  	s30 =	sadd.s32 $0x10, s21;
	[tilespmem:s9+$0x0] =	vst v5;
	v5 =	vshra.s32 v6, $0x3  }
0x292: {  	[tilespmem:s30+$0xFFFFFC00] =	vst v5;
	v6 =	vadd.s32 $0x10, v5  }
0x293: {  	v62 =	vcvt.s32.f32 v13;
	v12 =	vand.u32 $0x7, v60;
	[tilespmem:s30+$0xFFFFFE00] =	vst v6;
	v6 =	vadd.s32 $0x800, v5  }
0x294: {  	v63 =	vcvt.s32.f32 v14;
	v5 =	vadd.s32 $0x810, v5;
	[tilespmem:s30+$0x0] =	vst v6;
	v6 =	vcvt.s32.f32 v12  }
0x295: {  	v7 =	vsub.f32 v7, v62;
	[tilespmem:s30+$0x200] =	vst v5;
	v5 =	vcvt.s32.f32 v60  }
0x296: {  	[tilespmem:s7+$0x200] =	vst v6;
	v6 =	vsub.f32 v10, v63  }
0x297: {  	[tilespmem:s7+$0xFFFFFC00] =	vst v7;
	v5 =	vsub.f32 v9, v5  }
0x298: {  	[tilespmem:s7+$0xFFFFFE00] =	vst v6  }
0x299: {  	[tilespmem:s7+$0x0] =	vst v5  }
0x29a: {  	[tilespmem:s16], [sflag:$0x1] =	stream.indirect.gather [hbm4b:s2+s14], $0x10, s15, s14, $0xb8;
	[tilespmem:$0x16810] =	vst v63  }
.LBB2_12:
0x29b: {  	_ =	swait.ge [sflag:s11], $0x8000  }
0x29c: {  	[sflag:s11] =	ssyncset.done $0x0  }
0x29d: {  	s7 =	simm.s32 $0xC00;
	[sflag:s11] =	ssyncadd.s32 $0xFFFF8000  }
0x29e: {  	v5 =	vld [tilespmem:s7+$0x200];
	_ =	sdelay $0x3  }
0x29f: {  	s9 =	simm.s32 $0x0  }
0x2a0: {  	v6 =	vmov s9;
	v5 =	vtrunc.f32 v5  }
0x2a1: {  	v6 =	vshll.u32 v6, $0x4;
	v5 =	vcvt.f32.s32 v5  }
0x2a2: {  	v7 =	vor.u32 v0, v6  }
0x2a3: {  	v8 =	vor.u32 v4, v6;
	v10 =	vor.u32 v3, v6;
	v9 =	vand.u32 $0xFFFFFFF8, v5  }
0x2a4: {  	v6 =	vor.u32 v2, v6;
	v11 =	vand.u32 $0x7, v5;
	v12 =	vadd.s32 v7, v9  }
0x2a5: {  	v5 =	vadd.s32 $0x1, v5;
	v13 =	vadd.s32 v8, v9;
	v12 =	vor.u32 v11, v12  }
0x2a6: {  	s28 =	simm.s32 $0xC10;
	v14 =	vadd.s32 v10, v9;
	v9 =	vadd.s32 v6, v9;
	v13 =	vor.u32 v11, v13  }
0x2a7: {  	v15 =	vand.u32 $0xFFFFFFF8, v5;
	v14 =	vor.u32 v11, v14;
	v9 =	vor.u32 v11, v9;
	v11 =	vld [tilespmem:s28+$0x200]  }
0x2a8: {  	v5 =	vand.u32 $0x7, v5;
	v7 =	vadd.s32 v7, v15  }
0x2a9: {  	v20 =	vld [tilespmem:s7+$0x0];
	v8 =	vadd.s32 v8, v15;
	v7 =	vor.u32 v5, v7  }
0x2aa: {  	v10 =	vadd.s32 v10, v15;
	v8 =	vor.u32 v5, v8;
	v12 =	vld.idx.msk [tilespmem:v12+s18+$0x0], $0xffff  }
0x2ab: {  	s22 =	simm.s32 $0x10;
	v6 =	vadd.s32 v6, v15;
	v10 =	vor.u32 v5, v10;
	v13 =	vld.idx.msk [tilespmem:v13+s18+$0x0], $0xffff  }
0x2ac: {  	v5 =	vor.u32 v5, v6;
	v6 =	vld.idx.msk [tilespmem:v9+s18+$0x0], $0xffff;
	v9 =	vmov s22;
	v11 =	vtrunc.f32 v11  }
0x2ad: {  	v14 =	vld.idx.msk [tilespmem:v14+s18+$0x0], $0xffff;
	v9 =	vshll.u32 v9, $0x4;
	v11 =	vcvt.f32.s32 v11  }
0x2ae: {  	v7 =	vld.idx.msk [tilespmem:v7+s18+$0x0], $0xffff;
	v15 =	vor.u32 v0, v9;
	v16 =	vor.u32 v4, v9  }
0x2af: {  	v8 =	vld.idx.msk [tilespmem:v8+s18+$0x0], $0xffff;
	v17 =	vor.u32 v3, v9;
	v9 =	vor.u32 v2, v9;
	v18 =	vadd.s32 $0x1, v11  }
0x2b0: {  	v10 =	vld.idx.msk [tilespmem:v10+s18+$0x0], $0xffff;
	v19 =	vand.u32 $0xFFFFFFF8, v11;
	v11 =	vand.u32 $0x7, v11;
	v21 =	vand.u32 $0x7, v18  }
0x2b1: {  	v5 =	vld.idx.msk [tilespmem:v5+s18+$0x0], $0xffff;
	v22 =	vadd.s32 v15, v19;
	v23 =	vadd.s32 v16, v19;
	v24 =	vadd.s32 v17, v19  }
0x2b2: {  	v19 =	vadd.s32 v9, v19;
	v18 =	vand.u32 $0xFFFFFFF8, v18;
	v22 =	vor.u32 v11, v22  }
0x2b3: {  	v23 =	vor.u32 v11, v23;
	v24 =	vor.u32 v11, v24;
	v11 =	vor.u32 v11, v19  }
0x2b4: {  	v15 =	vadd.s32 v15, v18;
	v16 =	vadd.s32 v16, v18;
	v7 =	vsub.f32 v7, v12  }
0x2b5: {  	v27 =	vld [tilespmem:s7+$0xFFFFFE00];
	v17 =	vadd.s32 v17, v18;
	v8 =	vsub.f32 v8, v13;
	v10 =	vsub.f32 v10, v14  }
0x2b6: {  	v9 =	vadd.s32 v9, v18;
	v5 =	vsub.f32 v5, v6;
	v25 =	vmul.f32 v20, v7  }
0x2b7: {  	v16 =	vor.u32 v21, v16;
	v26 =	vmul.f32 v20, v8;
	v28 =	vmul.f32 v20, v10  }
0x2b8: {  	v20 =	vmul.f32 v20, v5;
	v8 =	vsub.f32 v8, v7;
	v19 =	vsub.f32 v5, v10  }
0x2b9: {  	s30 =	simm.s32 $0xC20;
	v9 =	vor.u32 v21, v9;
	v12 =	vadd.f32 v25, v12;
	v13 =	vadd.f32 v26, v13  }
0x2ba: {  	v14 =	vadd.f32 v28, v14;
	v6 =	vadd.f32 v20, v6;
	v18 =	vmul.f32 v27, v19;
	v19 =	vld [tilespmem:s30+$0x200]  }
0x2bb: {  	v23 =	vld.idx.msk [tilespmem:v23+s18+$0x0], $0xffff;
	v5 =	vsub.f32 v13, v12  }
0x2bc: {  	v15 =	vor.u32 v21, v15;
	v8 =	vmul.f32 v27, v8;
	v16 =	vld.idx.msk [tilespmem:v16+s18+$0x0], $0xffff;
	v6 =	vsub.f32 v6, v14  }
0x2bd: {  	v13 =	vld [tilespmem:s7+$0xFFFFFC00];
	v20 =	vmul.f32 v5, v27  }
0x2be: {  	v9 =	vld.idx.msk [tilespmem:v9+s18+$0x0], $0xffff;
	v8 =	vadd.f32 v8, v7;
	v7 =	vadd.f32 v18, v10;
	v25 =	vmul.f32 v6, v27  }
0x2bf: {  	v10 =	vor.u32 v21, v17;
	v12 =	vadd.f32 v20, v12;
	v20 =	vld.idx.msk [tilespmem:v24+s18+$0x0], $0xffff  }
0x2c0: {  	s21 =	simm.s32 $0x20;
	v7 =	vsub.f32 v7, v8;
	v14 =	vadd.f32 v25, v14;
	v24 =	vld.idx.msk [tilespmem:v11+s18+$0x0], $0xffff  }
0x2c1: {  	v17 =	vsub.f32 v6, v5;
	v11 =	vld.idx.msk [tilespmem:v15+s18+$0x0], $0xffff;
	v15 =	vmov s21;
	v31 =	vsub.f32 v16, v23  }
0x2c2: {  	v15 =	vshll.u32 v15, $0x4;
	v6 =	vsub.f32 v14, v12;
	v14 =	vmul.f32 v7, v13  }
0x2c3: {  	v22 =	vld.idx.msk [tilespmem:v22+s18+$0x0], $0xffff;
	v7 =	vmul.f32 v17, v13;
	v17 =	vtrunc.f32 v19;
	v19 =	vor.u32 v0, v15  }
0x2c4: {  	v18 =	vld.idx.msk [tilespmem:v10+s18+$0x0], $0xffff;
	v26 =	vor.u32 v4, v15;
	v10 =	vcvt.f32.s32 v17;
	v8 =	vadd.f32 v14, v8  }
0x2c5: {  	v27 =	vor.u32 v3, v15;
	v29 =	vor.u32 v2, v15;
	v13 =	vmul.f32 v6, v13  }
0x2c6: {  	v21 =	vadd.s32 $0x1, v10;
	v9 =	vsub.f32 v9, v24;
	v61 =	vmul.f32 $1.270000000e+02, v8;
	v8 =	vld [tilespmem:s28+$0x0]  }
0x2c7: {  	v25 =	vadd.f32 v13, v12;
	v12 =	vand.u32 $0xFFFFFFF8, v10;
	v13 =	vand.u32 $0x7, v10  }
0x2c8: {  	v10 =	vsub.f32 v11, v22;
	v33 =	vand.u32 $0xFFFFFFF8, v21;
	v14 =	vadd.s32 v19, v12  }
0x2c9: {  	v15 =	vadd.s32 v26, v12;
	v17 =	vadd.s32 v27, v12;
	v30 =	vadd.s32 v29, v12  }
0x2ca: {  	v12 =	vsub.f32 v18, v20;
	v14 =	vor.u32 v13, v14;
	v15 =	vor.u32 v13, v15  }
0x2cb: {  	v16 =	vor.u32 v13, v17;
	v11 =	vmul.f32 v8, v10;
	v32 =	vmul.f32 v8, v31  }
0x2cc: {  	v18 =	vld [tilespmem:s28+$0xFFFFFE00];
	v13 =	vor.u32 v13, v30;
	v62 =	vmul.f32 v8, v12;
	v8 =	vmul.f32 v8, v9  }
0x2cd: {  	v17 =	vadd.f32 v11, v22;
	v11 =	vand.u32 $0x7, v21;
	v32 =	vadd.f32 v32, v23  }
0x2ce: {  	v21 =	vadd.s32 v19, v33;
	v19 =	vadd.f32 v62, v20;
	v20 =	vadd.f32 v8, v24  }
0x2cf: {  	s9 =	simm.s32 $0x12000;
	v63 =	vsub.f32 v9, v12;
	v22 =	vadd.s32 v26, v33;
	v26 =	vsub.f32 v31, v10  }
0x2d0: {  	s7 =	simm.s32 $0x12400;
	[tilespmem:s9+$0x0] =	vst v25;
	v23 =	vadd.s32 v27, v33;
	v8 =	vsub.f32 v32, v17;
	v20 =	vsub.f32 v20, v19  }
0x2d1: {  	s22 =	simm.s32 $0xC30;
	[tilespmem:s7+$0x200] =	vst v61;
	v9 =	vld [tilespmem:s28+$0xFFFFFC00];
	v24 =	vadd.s32 v29, v33;
	v25 =	vmul.f32 v18, v26;
	v26 =	vmul.f32 v18, v63  }
.LBB2_13:
0x2d2: {  	v27 =	vld [tilespmem:s22+$0x200];
	v21 =	vor.u32 v11, v21;
	v28 =	vmul.f32 v8, v18;
	v18 =	vmul.f32 v20, v18  }
0x2d3: {  	v29 =	vld.idx.msk [tilespmem:v14+s18+$0x0], $0xffff;
	v14 =	vor.u32 v11, v22;
	v10 =	vadd.f32 v25, v10;
	v12 =	vadd.f32 v26, v12  }
0x2d4: {  	v22 =	vld.idx.msk [tilespmem:v15+s18+$0x0], $0xffff;
	v15 =	vor.u32 v11, v23;
	v17 =	vadd.f32 v28, v17;
	v18 =	vadd.f32 v18, v19  }
0x2d5: {  	v11 =	vor.u32 v11, v24;
	v19 =	vld.idx.msk [tilespmem:v16+s18+$0x0], $0xffff;
	v12 =	vsub.f32 v12, v10;
	v16 =	vsub.f32 v20, v8  }
0x2d6: {  	v23 =	vmul.f32 $1.270000000e+02, v6;
	v20 =	vld.idx.msk [tilespmem:v13+s18+$0x0], $0xffff;
	v13 =	vadd.f32 v7, v5;
	v6 =	vsub.f32 v18, v17;
	v5 =	vmovc v8  }
0x2d7: {  	s21 =	sadd.s32 $0x10, s21;
	v8 =	vld.idx.msk [tilespmem:v21+s18+$0x0], $0xffff;
	v12 =	vmul.f32 v12, v9;
	v7 =	vmul.f32 v16, v9  }
0x2d8: {  	p2 =	slt.u32 s21, $0x1F0;
	v16 =	vmov s21;
	v14 =	vld.idx.msk [tilespmem:v14+s18+$0x0], $0xffff;
	v9 =	vmul.f32 v6, v9;
	v13 =	vmul.f32 $1.270000000e+02, v13;
	[tilespmem:s7+$0xFFFFFE00] =	vst v23  }
0x2d9: {  	v18 =	vtrunc.f32 v27;
	v16 =	vshll.u32 v16, $0x4;
	v15 =	vld.idx.msk [tilespmem:v15+s18+$0x0], $0xffff;
	v10 =	vadd.f32 v12, v10  }
0x2da: {  	v12 =	vcvt.f32.s32 v18;
	v21 =	vor.u32 v0, v16;
	v18 =	vld.idx.msk [tilespmem:v11+s18+$0x0], $0xffff;
	v9 =	vadd.f32 v9, v17;
	[tilespmem:s7+$0x0] =	vst v13  }
0x2db: {  	s9 =	sadd.s32 $0x10, s9;
	v23 =	vor.u32 v4, v16;
	v24 =	vor.u32 v3, v16;
	v10 =	vmul.f32 $1.270000000e+02, v10  }
0x2dc: {  	v25 =	vor.u32 v2, v16;
	s7 =	sadd.s32 $0x10, s7;
	v13 =	vadd.s32 $0x1, v12;
	v17 =	vand.u32 $0xFFFFFFF8, v12;
	v26 =	vld [tilespmem:s30+$0x0];
	[tilespmem:s9+$0x0] =	vst v9  }
0x2dd: {  	v11 =	vand.u32 $0x7, v13;
	v9 =	vand.u32 $0x7, v12;
	v12 =	vadd.s32 v21, v17;
	[tilespmem:s7+$0x200] =	vst v10  }
0x2de: {  	v16 =	vadd.s32 v23, v17;
	v27 =	vadd.s32 v24, v17;
	v17 =	vadd.s32 v25, v17  }
0x2df: {  	v28 =	vand.u32 $0xFFFFFFF8, v13;
	v10 =	vsub.f32 v8, v29;
	v8 =	vsub.f32 v14, v22  }
0x2e0: {  	v14 =	vor.u32 v9, v12;
	v12 =	vsub.f32 v15, v19;
	v30 =	vsub.f32 v18, v20  }
0x2e1: {  	v15 =	vor.u32 v9, v16;
	v31 =	vmul.f32 v26, v10;
	v32 =	vmul.f32 v26, v8  }
0x2e2: {  	v16 =	vor.u32 v9, v27;
	v27 =	vmul.f32 v26, v12;
	v26 =	vmul.f32 v26, v30;
	v18 =	vld [tilespmem:s30+$0xFFFFFE00]  }
.Ltmp7:
0x2e3: {  	v13 =	vor.u32 v9, v17;
	v17 =	vadd.f32 v31, v29;
	v9 =	vadd.f32 v32, v22;
	(pc) =	sbr.rel @p2 .LBB2_13-.Ltmp7, $4  }
0x2e4: {  	v21 =	vadd.s32 v21, v28;
	v19 =	vadd.f32 v27, v19;
	v20 =	vadd.f32 v26, v20  }
0x2e5: {  	v22 =	vadd.s32 v23, v28;
	v26 =	vsub.f32 v8, v10;
	v27 =	vsub.f32 v30, v12  }
0x2e6: {  	v23 =	vadd.s32 v24, v28;
	v8 =	vsub.f32 v9, v17;
	v20 =	vsub.f32 v20, v19  }
0x2e7: {  	v24 =	vadd.s32 v25, v28;
	v9 =	vld [tilespmem:s30+$0xFFFFFC00];
	v25 =	vmul.f32 v18, v26;
	v26 =	vmul.f32 v18, v27;
	s30 =	smov.u32 s22;
	s22 =	sadd.s32 $0x10, s22  }
0x2e8: {  	_ =	sdelay $0x2  }
0x2e9: {  	v21 =	vor.u32 v11, v21  }
0x2ea: {  	v14 =	vld.idx.msk [tilespmem:v14+s18+$0x0], $0xffff;
	v22 =	vor.u32 v11, v22  }
0x2eb: {  	v15 =	vld.idx.msk [tilespmem:v15+s18+$0x0], $0xffff;
	v23 =	vor.u32 v11, v23  }
0x2ec: {  	v16 =	vld.idx.msk [tilespmem:v16+s18+$0x0], $0xffff;
	v45 =	vor.u32 v11, v24  }
0x2ed: {  	v13 =	vld.idx.msk [tilespmem:v13+s18+$0x0], $0xffff  }
0x2ee: {  	v21 =	vld.idx.msk [tilespmem:v21+s18+$0x0], $0xffff  }
0x2ef: {  	v22 =	vld.idx.msk [tilespmem:v22+s18+$0x0], $0xffff  }
0x2f0: {  	v23 =	vld.idx.msk [tilespmem:v23+s18+$0x0], $0xffff  }
0x2f1: {  	v11 =	vld.idx.msk [tilespmem:v45+s18+$0x0], $0xffff  }
0x2f2: {  	v46 =	vmul.f32 v8, v18;
	v48 =	vld [tilespmem:s30+$0x0];
	v52 =	vsub.f32 v20, v8  }
0x2f3: {  	v5 =	vadd.f32 v7, v5;
	v10 =	vadd.f32 v25, v10  }
0x2f4: {  	v12 =	vadd.f32 v26, v12;
	v17 =	vadd.f32 v46, v17  }
0x2f5: {  	v47 =	vmul.f32 v20, v18;
	v49 =	vsub.f32 v21, v14;
	v50 =	vsub.f32 v22, v15  }
0x2f6: {  	v51 =	vsub.f32 v23, v16;
	v11 =	vsub.f32 v11, v13  }
0x2f7: {  	v18 =	vadd.f32 v47, v19;
	v53 =	vmul.f32 v48, v49;
	v54 =	vmul.f32 v48, v50  }
0x2f8: {  	v55 =	vld [tilespmem:s30+$0xFFFFFE00];
	v12 =	vsub.f32 v12, v10;
	v27 =	vmul.f32 v48, v51;
	v25 =	vmul.f32 v48, v11  }
0x2f9: {  	v14 =	vadd.f32 v53, v14;
	v15 =	vadd.f32 v54, v15  }
0x2fa: {  	v16 =	vadd.f32 v27, v16;
	v13 =	vadd.f32 v25, v13  }
0x2fb: {  	v6 =	vmul.f32 $1.270000000e+02, v6;
	v21 =	vsub.f32 v50, v49;
	v11 =	vsub.f32 v11, v51  }
0x2fc: {  	v12 =	vmul.f32 v12, v9;
	v15 =	vsub.f32 v15, v14;
	v13 =	vsub.f32 v13, v16  }
0x2fd: {  	v18 =	vsub.f32 v18, v17;
	v7 =	vmul.f32 v55, v21;
	v11 =	vmul.f32 v55, v11  }
0x2fe: {  	v56 =	vld [tilespmem:s30+$0xFFFFFC00];
	v10 =	vadd.f32 v12, v10;
	v57 =	vmul.f32 v15, v55;
	v58 =	vmul.f32 v13, v55  }
0x2ff: {  	v59 =	vmul.f32 v18, v9;
	v7 =	vadd.f32 v7, v49;
	v11 =	vadd.f32 v11, v51  }
0x300: {  	v5 =	vmul.f32 $1.270000000e+02, v5;
	v14 =	vadd.f32 v57, v14;
	v16 =	vadd.f32 v58, v16  }
0x301: {  	[tilespmem:s7+$0xFFFFFE00] =	vst v6;
	v60 =	vmul.f32 v52, v9;
	v6 =	vadd.f32 v59, v17;
	v11 =	vsub.f32 v11, v7  }
0x302: {  	s9 =	sadd.s32 $0x10, s9;
	[tilespmem:s7+$0x0] =	vst v5;
	v10 =	vmul.f32 $1.270000000e+02, v10;
	v5 =	vsub.f32 v13, v15;
	v16 =	vsub.f32 v16, v14  }
0x303: {  	v61 =	vadd.f32 v60, v8;
	[tilespmem:s9+$0x0] =	vst v6;
	v6 =	vmul.f32 $1.270000000e+02, v18;
	v62 =	vmul.f32 v11, v56  }
0x304: {  	s22 =	sadd.s32 $0x10, s7;
	v5 =	vmul.f32 v5, v56;
	v63 =	vmul.f32 v16, v56  }
0x305: {  	v8 =	vmul.f32 $1.270000000e+02, v61;
	[tilespmem:s22+$0x200] =	vst v10;
	v7 =	vadd.f32 v62, v7  }
0x306: {  	[tilespmem:s22+$0xFFFFFE00] =	vst v6;
	v5 =	vadd.f32 v5, v15;
	v6 =	vadd.f32 v63, v14  }
0x307: {  	s9 =	sadd.s32 $0x10, s9;
	[tilespmem:s22+$0x0] =	vst v8;
	v7 =	vmul.f32 $1.270000000e+02, v7  }
0x308: {  	s7 =	sadd.s32 $0x10, s22;
	v5 =	vmul.f32 $1.270000000e+02, v5;
	[tilespmem:s9+$0x0] =	vst v6  }
0x309: {  	v6 =	vmul.f32 $1.270000000e+02, v16;
	[tilespmem:s7+$0x200] =	vst v7  }
0x30a: {  	s25 =	sor.u32 $0x40, s25;
	[tilespmem:s7+$0x0] =	vst v5  }
0x30b: {  	s28 =	sadd.s32 s1, s25;
	[tilespmem:s7+$0xFFFFFE00] =	vst v6  }
0x30c: {  	[hbm4b:s28+s3] =	stream.linear.scatter [tilespmem:s19], [sflag:$0x3], $0x200, $0x38;
	[tilespmem:$0x16810] =	vst v63  }
0x30d: {  	_ =	swait.ge [sflag:s29], $0x200  }
0x30e: {  	[sflag:s29] =	ssyncset.done $0x0  }
.Ltmp8:
0x30f: {  	s30 =	sadd.s32 s6, s25;
	[sflag:s29] =	ssyncadd.s32 $0xFFFFFE00;
	(pc) =	sbr.rel @p1 .LBB2_18-.Ltmp8, $4  }
0x310: {  	[hbm4b:s30+s12] =	stream.strided.scatter [tilespmem:s20], [sflag:$0x3], $0x600, s13, s12, $0x38;
	[tilespmem:$0x16810] =	vst v63  }
0x311: {  	_ =	swait.ge [sflag:s29], $0x600  }
0x312: {  	[sflag:s29] =	ssyncset.done $0x0  }
0x313: {  	[sflag:s29] =	ssyncadd.s32 $0xFFFFFA00  }
0x314: {  	s7 =	sadd.s32 s24, s26  }
0x315: {  	s7 =	sshrl.u32 s7, $0x3  }
0x316: {  	s7 =	sadd.s32 s5, s7  }
0x317: {  	[tilespmem:s14], [sflag:$0x3] =	stream.strided.gather [hbm4b:s7+s12], $0x600, s13, s12, $0x38;
	[tilespmem:$0x16810] =	vst v63  }
0x318: {  	_ =	swait.ge [sflag:s29], $0x600  }
0x319: {  	[sflag:s29] =	ssyncset.done $0x0  }
0x31a: {  	s9 =	simm.s32 $0xC00;
	[sflag:s29] =	ssyncadd.s32 $0xFFFFFA00  }
0x31b: {  	v5 =	vld [tilespmem:s9+$0xFFFFFC00]  }
0x31c: {  	v6 =	vld [tilespmem:s9+$0xFFFFFE00]  }
0x31d: {  	v7 =	vld [tilespmem:s9+$0x0];
	_ =	sdelay $0x3  }
0x31e: {  	v5 =	vmax.f32 v5, $0.0e+00;
	v6 =	vmax.f32 v6, $0.0e+00  }
0x31f: {  	v7 =	vmax.f32 v7, $0.0e+00;
	v5 =	vmin.f32 v5, $1.000000000e+00;
	v6 =	vmin.f32 v6, $1.000000000e+00  }
0x320: {  	v7 =	vmin.f32 v7, $1.000000000e+00;
	v11 =	vmul.f32 v5, v1;
	v6 =	vmul.f32 v6, v1  }
0x321: {  	v5 =	vmul.f32 v7, v1  }
0x322: {  	s7 =	simm.s32 $0xC10;
	v7 =	vtrunc.f32 v11;
	v8 =	vtrunc.f32 v6  }
0x323: {  	v9 =	vld [tilespmem:s7+$0x0];
	v7 =	vcvt.f32.s32 v7;
	v8 =	vcvt.f32.s32 v8  }
0x324: {  	v10 =	vld [tilespmem:s7+$0xFFFFFC00];
	v12 =	vtrunc.f32 v5  }
0x325: {  	v13 =	vld [tilespmem:s7+$0xFFFFFE00];
	v12 =	vcvt.f32.s32 v12;
	vm0 =	vlt.s32 v7, $0x7E;
	vm1 =	vlt.s32 v8, $0x7E  }
0x326: {  	v7 =	vnsel vm0, $0x7E, v7;
	v14 =	vnsel vm1, $0x7E, v8  }
0x327: {  	vm15 =	vlt.s32 v12, $0x7E;
	v15 =	vshll.u32 v7, $0xE;
	v16 =	vshll.u32 v14, $0x7  }
0x328: {  	v8 =	vnsel vm15, $0x7E, v12;
	v17 =	vcvt.s32.f32 v7;
	v7 =	vadd.s32 v15, v16  }
0x329: {  	v10 =	vmax.f32 v10, $0.0e+00;
	v9 =	vmax.f32 v9, $0.0e+00;
	v7 =	vadd.s32 v8, v7  }
0x32a: {  	s21 =	simm.s32 $0x1C00;
	v12 =	vmax.f32 v13, $0.0e+00;
	v15 =	vand.u32 $0x7, v8;
	v13 =	vshra.s32 v7, $0x3  }
0x32b: {  	v7 =	vmin.f32 v10, $1.000000000e+00;
	v10 =	vmin.f32 v12, $1.000000000e+00;
	[tilespmem:s21+$0xFFFFFC00] =	vst v13;
	v12 =	vadd.s32 $0x10, v13  }
0x32c: {  	v9 =	vmin.f32 v9, $1.000000000e+00;
	v15 =	vcvt.s32.f32 v15;
	[tilespmem:s21+$0xFFFFFE00] =	vst v12;
	v12 =	vadd.s32 $0x800, v13  }
0x32d: {  	v7 =	vmul.f32 v7, v1;
	v10 =	vmul.f32 v10, v1;
	v13 =	vadd.s32 $0x810, v13;
	[tilespmem:s21+$0x0] =	vst v12  }
0x32e: {  	v9 =	vmul.f32 v9, v1;
	v11 =	vsub.f32 v11, v17;
	v12 =	vcvt.s32.f32 v14;
	[tilespmem:s21+$0x200] =	vst v13  }
0x32f: {  	s22 =	simm.s32 $0x10;
	s24 =	simm.s32 $0xC20;
	v13 =	vtrunc.f32 v7;
	v14 =	vtrunc.f32 v10;
	[tilespmem:s9+$0x200] =	vst v15  }
.LBB2_16:
0x330: {  	v15 =	vld [tilespmem:s24+$0x0];
	v13 =	vcvt.f32.s32 v13;
	v14 =	vcvt.f32.s32 v14;
	v12 =	vsub.f32 v6, v12;
	[tilespmem:s9+$0xFFFFFC00] =	vst v11;
	v6 =	vmovc v10  }
0x331: {  	v11 =	vtrunc.f32 v9;
	v8 =	vcvt.s32.f32 v8;
	v10 =	vld [tilespmem:s24+$0xFFFFFC00]  }
0x332: {  	v11 =	vcvt.f32.s32 v11;
	v16 =	vld [tilespmem:s24+$0xFFFFFE00];
	vm0 =	vlt.s32 v13, $0x7E;
	vm1 =	vlt.s32 v14, $0x7E;
	[tilespmem:s9+$0xFFFFFE00] =	vst v12  }
0x333: {  	v12 =	vnsel vm0, $0x7E, v13;
	v13 =	vnsel vm1, $0x7E, v14;
	v14 =	vsub.f32 v5, v8;
	v5 =	vmovc v9  }
0x334: {  	vm0 =	vlt.s32 v11, $0x7E;
	v9 =	vshll.u32 v12, $0xE;
	v17 =	vshll.u32 v13, $0x7  }
0x335: {  	v12 =	vcvt.s32.f32 v12;
	v8 =	vnsel vm0, $0x7E, v11;
	v9 =	vadd.s32 v9, v17;
	[tilespmem:s9+$0x0] =	vst v14;
	s9 =	smov.u32 s7;
	s7 =	smov.u32 s24  }
0x336: {  	s22 =	sadd.s32 $0x10, s22;
	v11 =	vmax.f32 v15, $0.0e+00;
	v10 =	vmax.f32 v10, $0.0e+00;
	v9 =	vadd.s32 v8, v9  }
0x337: {  	s21 =	sadd.s32 $0x10, s21;
	p1 =	slt.u32 s22, $0x1F0;
	v11 =	vmin.f32 v11, $1.000000000e+00;
	v14 =	vmax.f32 v16, $0.0e+00;
	v9 =	vshra.s32 v9, $0x3  }
.Ltmp9:
0x338: {  	v10 =	vmin.f32 v10, $1.000000000e+00;
	v14 =	vmin.f32 v14, $1.000000000e+00;
	[tilespmem:s21+$0xFFFFFC00] =	vst v9;
	v15 =	vadd.s32 $0x10, v9;
	(pc) =	sbr.rel @p1 .LBB2_16-.Ltmp9, $4  }
0x339: {  	v17 =	vand.u32 $0x7, v8;
	v16 =	vmul.f32 v10, v1;
	[tilespmem:s21+$0xFFFFFE00] =	vst v15;
	v15 =	vadd.s32 $0x800, v9  }
0x33a: {  	v10 =	vmul.f32 v14, v1;
	v14 =	vadd.s32 $0x810, v9;
	[tilespmem:s21+$0x0] =	vst v15;
	v15 =	vcvt.s32.f32 v17  }
0x33b: {  	v9 =	vmul.f32 v11, v1;
	v11 =	vsub.f32 v7, v12;
	v12 =	vcvt.s32.f32 v13;
	v7 =	vmovc v16;
	[tilespmem:s21+$0x200] =	vst v14  }
0x33c: {  	s24 =	sadd.s32 $0x10, s24;
	v13 =	vtrunc.f32 v7;
	v14 =	vtrunc.f32 v10;
	[tilespmem:s9+$0x200] =	vst v15  }
0x33d: {  	v13 =	vcvt.f32.s32 v13;
	v14 =	vcvt.f32.s32 v14  }
0x33e: {  	v6 =	vsub.f32 v6, v12;
	v59 =	vtrunc.f32 v9  }
0x33f: {  	v12 =	vcvt.f32.s32 v59;
	vm0 =	vlt.s32 v13, $0x7E;
	vm1 =	vlt.s32 v14, $0x7E  }
0x340: {  	v8 =	vcvt.s32.f32 v8;
	v13 =	vnsel vm0, $0x7E, v13;
	v14 =	vnsel vm1, $0x7E, v14  }
0x341: {  	vm15 =	vlt.s32 v12, $0x7E;
	v15 =	vshll.u32 v13, $0xE;
	v16 =	vshll.u32 v14, $0x7  }
0x342: {  	[tilespmem:s9+$0xFFFFFC00] =	vst v11;
	v5 =	vsub.f32 v5, v8;
	v60 =	vnsel vm15, $0x7E, v12;
	v61 =	vadd.s32 v15, v16  }
0x343: {  	[tilespmem:s9+$0xFFFFFE00] =	vst v6;
	v6 =	vadd.s32 v60, v61  }
0x344: {  	s30 =	sadd.s32 $0x10, s21;
	[tilespmem:s9+$0x0] =	vst v5;
	v5 =	vshra.s32 v6, $0x3  }
0x345: {  	[tilespmem:s30+$0xFFFFFC00] =	vst v5;
	v6 =	vadd.s32 $0x10, v5  }
0x346: {  	v62 =	vcvt.s32.f32 v13;
	v12 =	vand.u32 $0x7, v60;
	[tilespmem:s30+$0xFFFFFE00] =	vst v6;
	v6 =	vadd.s32 $0x800, v5  }
0x347: {  	v63 =	vcvt.s32.f32 v14;
	v5 =	vadd.s32 $0x810, v5;
	[tilespmem:s30+$0x0] =	vst v6;
	v6 =	vcvt.s32.f32 v12  }
0x348: {  	v7 =	vsub.f32 v7, v62;
	[tilespmem:s30+$0x200] =	vst v5;
	v5 =	vcvt.s32.f32 v60  }
.Ltmp10:
0x349: {  	[tilespmem:s7+$0x200] =	vst v6;
	v6 =	vsub.f32 v10, v63;
	(pc) =	sbr.rel .LBB2_6-.Ltmp10, $4  }
0x34a: {  	[tilespmem:s7+$0xFFFFFC00] =	vst v7;
	v5 =	vsub.f32 v9, v5  }
0x34b: {  	[tilespmem:s7+$0xFFFFFE00] =	vst v6  }
0x34c: {  	s23 =	sadd.s32 $0x1, s23;
	[tilespmem:s7+$0x0] =	vst v5  }
0x34d: {  	[tilespmem:s18], [sflag:$0x2] =	stream.indirect.gather [hbm4b:s2+s14], $0x10, s17, s14, $0xb8;
	[tilespmem:$0x16810] =	vst v63  }
.LBB2_19:
0x34e: {  	_ =	sfence.sel $0x180000  }
0x34f: {  	[bflag:$0x0] =	sbarrier.arrive $0xFFFF  }
0x350: {  	_ =	strace $0x90000047  }
0x351: {  	s0 =	stileid.u32;
	[bflag:$0x2] =	sbarrier.arrive $0xFFFF  }
0x352: {  	p0 =	sne.s32 s0, $0x0;
	s0 =	rddreg [dreg:$0x4]  }
0x353: {  	s0 =	sadd.s32 @!p0 $0x100000, s0  }
0x354: {  	[sflag:s0] =	ssyncadd.tile.s32 @!p0 $0x1;
	_ =	shalt  }
.Lfunc_end2:
_tile_overlayer_lowered:
.L_overlay_start_2:
0x355: {  	(tag) =	ssettag $0x2  }
0x356: {  	s0 =	rddreg [dreg:$0x0];
	s2 =	stileid.u32  }
0x357: {  	s1 =	rddreg [dreg:$0x1];
	p0 =	sne.s32 s2, $0x0  }
0x358: {  	s3 =	rddreg [dreg:$0x2];
	[bflag:$0x3] =	sbarrier.arrive $0xFFFF;
	s2 =	simm.s32 @!p0 $0x1C03  }
0x359: {  	[timem:s3], [sflag:s2] =	dma.local @!p0 [hbm:s0], s1  }
0x35a: {  	s0 =	simm.s32 @!p0 $0x3  }
0x35b: {  	_ =	swait.ge @!p0 [sflag:s0], s1  }
0x35c: {  	s1 =	ssub.s32 @!p0 $0x0, s1;
	[sflag:s0] =	ssyncset.done @!p0 $0x0  }
0x35d: {  	[sflag:s0] =	ssyncadd.s32 @!p0 s1  }
0x35e: {  	[bflag:$0x3] =	sbarrier.arrive $0xFFFF  }
0x35f: {  	_ =	shalt  }

</sc_bundles>
